<compile_context>
chip_gen: v7x
topology: tpu7x:2x2x1
jax: 0.10.2.dev20260603
libtpu: 0.0.44.dev20260713+nightly
codegen_flags: <defaults>
</compile_context>

<pallas_src>
import jax
import jax.numpy as jnp
from jax import lax
from jax.experimental import pallas as pl
from jax.experimental.pallas import tpu as pltpu
from jax.experimental.pallas import tpu_sc as plsc

N = 10000
E = 320000
D = 128
NC = 2
NS = 16
NW = NC * NS
CHUNK = 128
EPW = 10240
EP = NW * EPW
NCHUNK = EPW // CHUNK
NP = 10112
RPS = NP // NS
K1CH = 1024

_mesh = plsc.VectorSubcoreMesh(core_axis_name="c", subcore_axis_name="s")


def _k1_body(ep_hbm, col_hbm, ew_hbm, degp_hbm, p_v, col_v, ew_v, deg_v):
    c = lax.axis_index("c")
    s = lax.axis_index("s")
    wid = c * NS + s

    def zero_body(i, _):
        deg_v[pl.ds(i * 16, 16)] = jnp.zeros((16,), jnp.float32)
        return 0

    lax.fori_loop(0, NP // 16, zero_body, 0)

    def chunk_body(t, _):
        base = wid * EPW + t * K1CH
        pltpu.sync_copy(ep_hbm.at[pl.ds(base, K1CH)], p_v)
        pltpu.sync_copy(col_hbm.at[pl.ds(base, K1CH)], col_v)

        def inner(i, _):
            p16 = p_v[pl.ds(i * 16, 16)]
            ew16 = 1.0 / (1.0 + jnp.exp(-p16))
            ew_v[pl.ds(i * 16, 16)] = ew16
            col16 = col_v[pl.ds(i * 16, 16)]
            plsc.addupdate_scatter(deg_v, [col16], ew16)
            return 0

        lax.fori_loop(0, K1CH // 16, inner, 0)
        pltpu.sync_copy(ew_v, ew_hbm.at[pl.ds(base, K1CH)])
        return 0

    lax.fori_loop(0, EPW // K1CH, chunk_body, 0)
    pltpu.sync_copy(deg_v, degp_hbm.at[wid])


def _run_k1(ep_pad, col_pad):
    return pl.kernel(
        _k1_body,
        out_type=[
            jax.ShapeDtypeStruct((EP,), jnp.float32),
            jax.ShapeDtypeStruct((NW, NP), jnp.float32),
        ],
        mesh=_mesh,
        scratch_types=[
            pltpu.VMEM((K1CH,), jnp.float32),
            pltpu.VMEM((K1CH,), jnp.int32),
            pltpu.VMEM((K1CH,), jnp.float32),
            pltpu.VMEM((NP,), jnp.float32),
        ],
        compiler_params=pltpu.CompilerParams(needs_layout_passes=False),
    )(ep_pad, col_pad)


def _k2_body(h_hbm, row2_hbm, col2_hbm, ew2_hbm, parts_hbm,
             rows_v, ridx_v, ew0, ew1, cidx0, cidx1, accum,
             gsem0, gsem1, ssem0, ssem1):
    c = lax.axis_index("c")
    s = lax.axis_index("s")
    wid = c * NS + s

    pltpu.sync_copy(row2_hbm.at[pl.ds(wid * NCHUNK, NCHUNK)], ridx_v)

    def zrow(r, _):
        for d in range(D // 16):
            rows_v[0, r, pl.ds(d * 16, 16)] = jnp.zeros((16,), jnp.float32)
        return 0

    lax.fori_loop(0, CHUNK, zrow, 0)
    for k in range(RPS // CHUNK):
        pltpu.sync_copy(rows_v.at[0], accum.at[pl.ds(s * RPS + k * CHUNK, CHUNK)])
    rem = RPS % CHUNK
    if rem:
        pltpu.sync_copy(rows_v.at[0, pl.ds(0, rem)],
                        accum.at[pl.ds(s * RPS + (RPS // CHUNK) * CHUNK, rem)])
    plsc.subcore_barrier()

    bufs = (rows_v.at[0], rows_v.at[1])
    ews = (ew0, ew1)
    cidxs = (cidx0, cidx1)
    gsems = (gsem0, gsem1)
    ssems = (ssem0, ssem1)

    def issue(g, b):
        pltpu.async_copy(h_hbm.at[ridx_v.at[g]], bufs[b], gsems[b])
        pltpu.async_copy(ew2_hbm.at[wid * NCHUNK + g], ews[b], gsems[b])
        pltpu.async_copy(col2_hbm.at[wid * NCHUNK + g], cidxs[b].at[0],
                         gsems[b])

    def drain(g, b):
        pltpu.make_async_copy(h_hbm.at[ridx_v.at[g]], bufs[b], gsems[b]).wait()
        pltpu.make_async_copy(ew2_hbm.at[0], ews[b], gsems[b]).wait()
        pltpu.make_async_copy(col2_hbm.at[0], cidxs[b].at[0], gsems[b]).wait()

    issue(0, 0)

    def phase(g, b):
        nb = 1 - b
        drain(g, b)

        @pl.when(g >= 1)
        def _():
            pltpu.make_async_copy(bufs[nb], accum.at[cidxs[nb].at[0]],
                                  ssems[nb]).wait()

        @pl.when(g + 1 < NCHUNK)
        def _():
            issue(g + 1, nb)

        @plsc.parallel_loop(0, CHUNK, unroll=4)
        def _(e):
            bc = plsc.load_gather(ews[b], [jnp.full((16,), e, jnp.int32)])
            for d in range(D // 16):
                bufs[b][e, pl.ds(d * 16, 16)] = (
                    bufs[b][e, pl.ds(d * 16, 16)] * bc)

        pltpu.async_copy(bufs[b], accum.at[cidxs[b].at[0]], ssems[b], add=True)

    def outer(gi, _):
        phase(2 * gi, 0)
        phase(2 * gi + 1, 1)
        return 0

    lax.fori_loop(0, NCHUNK // 2, outer, 0)
    pltpu.make_async_copy(bufs[1], accum.at[cidxs[1].at[0]], ssems[1]).wait()
    plsc.subcore_barrier()
    pltpu.sync_copy(accum.at[pl.ds(s * RPS, RPS)],
                    parts_hbm.at[c, pl.ds(s * RPS, RPS)])


def _run_k2(h, row2, col2, ew2):
    return pl.kernel(
        _k2_body,
        out_type=jax.ShapeDtypeStruct((NC, NP, D), jnp.float32),
        mesh=_mesh,
        scratch_types=[
            pltpu.VMEM((2, CHUNK, D), jnp.float32),
            pltpu.VMEM((NCHUNK, CHUNK), jnp.int32),
            pltpu.VMEM((CHUNK,), jnp.float32),
            pltpu.VMEM((CHUNK,), jnp.float32),
            pltpu.VMEM((1, CHUNK), jnp.int32),
            pltpu.VMEM((1, CHUNK), jnp.int32),
            pltpu.VMEM_SHARED((NP, D), jnp.float32),
            pltpu.SemaphoreType.DMA,
            pltpu.SemaphoreType.DMA,
            pltpu.SemaphoreType.DMA,
            pltpu.SemaphoreType.DMA,
        ],
        compiler_params=pltpu.CompilerParams(needs_layout_passes=False),
    )(h, row2, col2, ew2)


BLK = 2048
GRID = (N + BLK - 1) // BLK


def _dinv_of(degp):
    deg = 1.0 + jnp.sum(degp, axis=0)
    return lax.rsqrt(deg)[:, None]


def _t_first_body(x_ref, w_ref, degp_ref, out_ref):
    dinv = _dinv_of(degp_ref[...])
    out_ref[...] = jnp.dot(x_ref[...], w_ref[...],
                           preferred_element_type=jnp.float32) * dinv


def _t_mid_body(p_ref, h_ref, degp_ref, b_ref, w_ref, out_ref):
    dinv = _dinv_of(degp_ref[...])
    sacc = p_ref[0] + p_ref[1] + h_ref[...]
    act = jnp.maximum(dinv * sacc + b_ref[...], 0.0)
    out_ref[...] = jnp.dot(act, w_ref[...],
                           preferred_element_type=jnp.float32) * dinv


def _t_last_body(p_ref, h_ref, degp_ref, b_ref, out_ref):
    dinv = _dinv_of(degp_ref[...])
    sacc = p_ref[0] + p_ref[1] + h_ref[...]
    out_ref[...] = dinv * sacc + b_ref[...]


_row_spec = pl.BlockSpec((BLK, D), lambda i: (i, 0))
_w_spec = pl.BlockSpec((D, D), lambda i: (0, 0))
_degp_spec = pl.BlockSpec((NW, BLK), lambda i: (0, i))
_p_spec = pl.BlockSpec((NC, BLK, D), lambda i: (0, i, 0))
_b_spec = pl.BlockSpec((1, D), lambda i: (0, 0))


def _t_first(x, w, degp):
    return pl.pallas_call(
        _t_first_body, grid=(GRID,),
        in_specs=[_row_spec, _w_spec, _degp_spec],
        out_specs=_row_spec,
        out_shape=jax.ShapeDtypeStruct((N, D), jnp.float32),
    )(x, w, degp)


def _t_mid(parts, h, degp, b, w):
    return pl.pallas_call(
        _t_mid_body, grid=(GRID,),
        in_specs=[_p_spec, _row_spec, _degp_spec, _b_spec, _w_spec],
        out_specs=_row_spec,
        out_shape=jax.ShapeDtypeStruct((N, D), jnp.float32),
    )(parts, h, degp, b, w)


def _t_last(parts, h, degp, b):
    return pl.pallas_call(
        _t_last_body, grid=(GRID,),
        in_specs=[_p_spec, _row_spec, _degp_spec, _b_spec],
        out_specs=_row_spec,
        out_shape=jax.ShapeDtypeStruct((N, D), jnp.float32),
    )(parts, h, degp, b)


def kernel(x, edge_index, edge_params, W1, b1, W2, b2, W3, b3):
    row = edge_index[0]
    col = edge_index[1]
    pad = EP - E
    ppw = pad // NW
    rpw = E // NW

    def _spread(real, padv):
        return jnp.concatenate(
            [real.reshape(NW, rpw), padv.reshape(NW, ppw)], axis=1).reshape(EP)

    row_pad = _spread(row, jnp.arange(pad, dtype=jnp.int32) % N)
    col_pad = _spread(col, N + (jnp.arange(pad, dtype=jnp.int32) % (NP - N)))
    ep_pad = _spread(edge_params, jnp.zeros((pad,), jnp.float32))
    col2 = col_pad.reshape(EP // CHUNK, CHUNK)
    row2 = row_pad.reshape(EP // CHUNK, CHUNK)

    ew, degp = _run_k1(ep_pad, col_pad)
    ew2 = ew.reshape(EP // CHUNK, CHUNK)

    b1r = b1.reshape(1, D)
    b2r = b2.reshape(1, D)
    b3r = b3.reshape(1, D)

    h1 = _t_first(x, W1, degp)
    p1 = _run_k2(h1, row2, col2, ew2)
    h2 = _t_mid(p1, h1, degp, b1r, W2)
    p2 = _run_k2(h2, row2, col2, ew2)
    h3 = _t_mid(p2, h2, degp, b2r, W3)
    p3 = _run_k2(h3, row2, col2, ew2)
    out = _t_last(p3, h3, degp, b3r)
    return out

# --- scband reference (transcript-rebuilt; emitter-appended) ---
"""Pipeline reference for scband-differentiable-mask-36361193128271 (READ-ONLY COPY).

The authoritative reference and input builder live on the scoring server;
editing this copy changes nothing except your own understanding.
"""

import jax, jax.numpy as jnp
import numpy as np

N_NODES = 10000
N_EDGES = 320000
D = 128


def gcn_conv(x, row, col, edge_weight, W, b, num_nodes):
    # add self loops with weight 1 (PyG GCNConv default)
    loop = jnp.arange(num_nodes, dtype=row.dtype)
    row_f = jnp.concatenate([row, loop])
    col_f = jnp.concatenate([col, loop])
    ew = jnp.concatenate([edge_weight, jnp.ones((num_nodes,), dtype=x.dtype)])
    # symmetric normalization deg^{-1/2} A deg^{-1/2}
    deg = jax.ops.segment_sum(ew, col_f, num_segments=num_nodes)
    dinv = jnp.where(deg > 0, jax.lax.rsqrt(jnp.maximum(deg, 1e-12)), 0.0)
    norm = dinv[row_f] * ew * dinv[col_f]
    h = x @ W
    msg = h[row_f] * norm[:, None]
    out = jax.ops.segment_sum(msg, col_f, num_segments=num_nodes)
    return out + b


def setup_inputs(seed: int = 0) -> dict:
    key = jax.random.key(seed)
    ks = jax.random.split(key, 10)
    x = jax.random.normal(ks[0], (N_NODES, D), dtype=jnp.float32)
    edge_index = jax.random.randint(ks[1], (2, N_EDGES), 0, N_NODES, dtype=jnp.int64 if jax.config.jax_enable_x64 else jnp.int32).astype(jnp.int32)
    # learned edge mask parameters, initialized at mask_threshold=0.5
    edge_params = jnp.full((N_EDGES,), 0.5, dtype=jnp.float32)
    # GCN layer weights (in->hidden, hidden->hidden, hidden->out), all 128
    W1 = jax.random.normal(ks[2], (D, D), dtype=jnp.float32) * 0.05
    b1 = jnp.zeros((D,), dtype=jnp.float32)
    W2 = jax.random.normal(ks[3], (D, D), dtype=jnp.float32) * 0.05
    b2 = jnp.zeros((D,), dtype=jnp.float32)
    W3 = jax.random.normal(ks[4], (D, D), dtype=jnp.float32) * 0.05
    b3 = jnp.zeros((D,), dtype=jnp.float32)
    return {"x": x, "edge_index": edge_index, "edge_params": edge_params,
            "W1": W1, "b1": b1, "W2": W2, "b2": b2, "W3": W3, "b3": b3}


def reference(x, edge_index, edge_params, W1, b1, W2, b2, W3, b3):
    num_nodes = x.shape[0]
    row = edge_index[0]
    col = edge_index[1]
    edge_weight = jax.nn.sigmoid(edge_params)  # differentiable mask
    h = jax.nn.relu(gcn_conv(x, row, col, edge_weight, W1, b1, num_nodes))
    h = jax.nn.relu(gcn_conv(h, row, col, edge_weight, W2, b2, num_nodes))
    out = gcn_conv(h, row, col, edge_weight, W3, b3, num_nodes)
    return out

if __name__ == "__main__":
    import jax
    _d = setup_inputs()
    print(jax.jit(kernel)(*tuple(_d.values())))

</pallas_src>

<mosaic_0001>
#map = affine_map<(d0, d1) -> (0)>
#map1 = affine_map<(d0, d1) -> (0, 0)>
module attributes {stable_mosaic.version = 14 : i64} {
  func.func @_k1_body(%arg0: i32, %arg1: i32, %arg2: memref<327680xf32, #tpu.memory_space<hbm>>, %arg3: memref<327680xi32, #tpu.memory_space<hbm>>, %arg4: memref<327680xf32, #tpu.memory_space<hbm>>, %arg5: memref<32x10112xf32, #tpu.memory_space<hbm>>, %arg6: memref<1024xf32, #tpu.memory_space<vmem>>, %arg7: memref<1024xi32, #tpu.memory_space<vmem>>, %arg8: memref<1024xf32, #tpu.memory_space<vmem>>, %arg9: memref<10112xf32, #tpu.memory_space<vmem>>) attributes {dimension_semantics = [#tpu.dimension_semantics<core_parallel>, #tpu.dimension_semantics<subcore_parallel>], iteration_bounds = array<i64: 2, 16>, scalar_prefetch = 0 : i64, scratch_operands = 4 : i64, tpu.core_type = #tpu.core_type<sc_vector_subcore>, window_params = [{transform_indices = #map}, {transform_indices = #map}, {transform_indices = #map}, {transform_indices = #map1}]} {
    %mul3A = arith.constant 16 : i32
    %mul3A_0 = arith.muli %arg0, %mul3A : i32
    %add3A = arith.addi %mul3A_0, %arg1 : i32
    %scan3A = arith.constant 0 : i32
    %scan3A_1 = arith.constant 0 : i32
    %scan3A_2 = arith.constant 632 : i32
    %scan3A_3 = arith.addi %scan3A_1, %scan3A_2 : i32
    %scan3A_4 = arith.constant 1 : i32
    %scan3A_5 = scf.for %scan3A_14 = %scan3A_1 to %scan3A_3 step %scan3A_4 iter_args(%scan3A_15 = %scan3A) -> (i32)  : i32 {
      %broadcast_in_dim3A = arith.constant 0.000000e+00 : f32
      %broadcast_in_dim3A_16 = vector.broadcast %broadcast_in_dim3A : f32 to vector<16xf32>
      %mul3A_17 = arith.constant 16 : i32
      %mul3A_18 = arith.muli %scan3A_14, %mul3A_17 : i32
      %swap3A = arith.index_cast %mul3A_18 : i32 to index
      %swap3A_19 = tpu.vector_load %arg9[%swap3A] {strides = array<i32>} : memref<10112xf32, #tpu.memory_space<vmem>>, vector<16xf32>,
      tpu.vector_store %arg9[%swap3A], %broadcast_in_dim3A_16 {strides = array<i32>} : memref<10112xf32, #tpu.memory_space<vmem>>, vector<16xf32>,
      %scan3A_20 = arith.constant 0 : i32
      scf.yield %scan3A_20 : i32
    }
    %scan3A_6 = arith.constant 632 : i32
    %scan3A_7 = arith.constant 0 : i32
    %scan3A_8 = arith.constant 0 : i32
    %scan3A_9 = arith.constant 10 : i32
    %scan3A_10 = arith.addi %scan3A_8, %scan3A_9 : i32
    %scan3A_11 = arith.constant 1 : i32
    %scan3A_12 = scf.for %scan3A_14 = %scan3A_8 to %scan3A_10 step %scan3A_11 iter_args(%scan3A_15 = %scan3A_7) -> (i32)  : i32 {
      %mul3A_16 = arith.constant 10240 : i32
      %mul3A_17 = arith.muli %add3A, %mul3A_16 : i32
      %mul3A_18 = arith.constant 1024 : i32
      %mul3A_19 = arith.muli %scan3A_14, %mul3A_18 : i32
      %add3A_20 = arith.addi %mul3A_17, %mul3A_19 : i32
      "tpu.region"() ({
        %run_scoped3A = tpu.sem_alloc : memref<!tpu.dma_semaphore, #tpu.memory_space<semaphore_mem>>
        %dma_start3A = tpu.memref_slice %arg2[%add3A_20] : memref<327680xf32, #tpu.memory_space<hbm>> -> memref<1024xf32, #tpu.memory_space<hbm>>
        %dma_start3A_29 = tpu.memref_slice %arg2[%add3A_20] : memref<327680xf32, #tpu.memory_space<hbm>> -> memref<1024xf32, #tpu.memory_space<hbm>>
        tpu.enqueue_dma source(%dma_start3A_29 : memref<1024xf32, #tpu.memory_space<hbm>>) target(%arg6 : memref<1024xf32, #tpu.memory_space<vmem>>) target_semaphore(%run_scoped3A : memref<!tpu.dma_semaphore, #tpu.memory_space<semaphore_mem>>)
        %dma_wait3A = tpu.memref_slice %arg2[%add3A_20] : memref<327680xf32, #tpu.memory_space<hbm>> -> memref<1024xf32, #tpu.memory_space<hbm>>
        %dma_wait3A_30 = tpu.memref_slice %arg2[%add3A_20] : memref<327680xf32, #tpu.memory_space<hbm>> -> memref<1024xf32, #tpu.memory_space<hbm>>
        tpu.wait_dma2 semaphore(%run_scoped3A : memref<!tpu.dma_semaphore, #tpu.memory_space<semaphore_mem>>) src(%dma_wait3A_30 : memref<1024xf32, #tpu.memory_space<hbm>>) dst(%arg6 : memref<1024xf32, #tpu.memory_space<vmem>>)
        tpu.yield
      }) : () -> ()
      "tpu.region"() ({
        %run_scoped3A = tpu.sem_alloc : memref<!tpu.dma_semaphore, #tpu.memory_space<semaphore_mem>>
        %dma_start3A = tpu.memref_slice %arg3[%add3A_20] : memref<327680xi32, #tpu.memory_space<hbm>> -> memref<1024xi32, #tpu.memory_space<hbm>>
        %dma_start3A_29 = tpu.memref_slice %arg3[%add3A_20] : memref<327680xi32, #tpu.memory_space<hbm>> -> memref<1024xi32, #tpu.memory_space<hbm>>
        tpu.enqueue_dma source(%dma_start3A_29 : memref<1024xi32, #tpu.memory_space<hbm>>) target(%arg7 : memref<1024xi32, #tpu.memory_space<vmem>>) target_semaphore(%run_scoped3A : memref<!tpu.dma_semaphore, #tpu.memory_space<semaphore_mem>>)
        %dma_wait3A = tpu.memref_slice %arg3[%add3A_20] : memref<327680xi32, #tpu.memory_space<hbm>> -> memref<1024xi32, #tpu.memory_space<hbm>>
        %dma_wait3A_30 = tpu.memref_slice %arg3[%add3A_20] : memref<327680xi32, #tpu.memory_space<hbm>> -> memref<1024xi32, #tpu.memory_space<hbm>>
        tpu.wait_dma2 semaphore(%run_scoped3A : memref<!tpu.dma_semaphore, #tpu.memory_space<semaphore_mem>>) src(%dma_wait3A_30 : memref<1024xi32, #tpu.memory_space<hbm>>) dst(%arg7 : memref<1024xi32, #tpu.memory_space<vmem>>)
        tpu.yield
      }) : () -> ()
      %scan3A_21 = arith.constant 0 : i32
      %scan3A_22 = arith.constant 0 : i32
      %scan3A_23 = arith.constant 64 : i32
      %scan3A_24 = arith.addi %scan3A_22, %scan3A_23 : i32
      %scan3A_25 = arith.constant 1 : i32
      %scan3A_26 = scf.for %scan3A_29 = %scan3A_22 to %scan3A_24 step %scan3A_25 iter_args(%scan3A_30 = %scan3A_21) -> (i32)  : i32 {
        %mul3A_31 = arith.constant 16 : i32
        %mul3A_32 = arith.muli %scan3A_29, %mul3A_31 : i32
        %get3A = arith.index_cast %mul3A_32 : i32 to index
        %get3A_33 = tpu.vector_load %arg6[%get3A] {strides = array<i32>} : memref<1024xf32, #tpu.memory_space<vmem>>, vector<16xf32>,
        %neg3A = arith.constant 0.000000e+00 : f32
        %neg3A_34 = vector.broadcast %neg3A : f32 to vector<16xf32>
        %neg3A_35 = arith.subf %neg3A_34, %get3A_33 : vector<16xf32>
        %exp3A = math.exp %neg3A_35 : vector<16xf32>
        %add3A_36 = arith.constant 1.000000e+00 : f32
        %add3A_37 = vector.broadcast %add3A_36 : f32 to vector<16xf32>
        %add3A_38 = arith.addf %add3A_37, %exp3A : vector<16xf32>
        %div3A = arith.constant 1.000000e+00 : f32
        %div3A_39 = vector.broadcast %div3A : f32 to vector<16xf32>
        %div3A_40 = arith.divf %div3A_39, %add3A_38 : vector<16xf32>
        %mul3A_41 = arith.constant 16 : i32
        %mul3A_42 = arith.muli %scan3A_29, %mul3A_41 : i32
        %swap3A = arith.index_cast %mul3A_42 : i32 to index
        %swap3A_43 = tpu.vector_load %arg8[%swap3A] {strides = array<i32>} : memref<1024xf32, #tpu.memory_space<vmem>>, vector<16xf32>,
        tpu.vector_store %arg8[%swap3A], %div3A_40 {strides = array<i32>} : memref<1024xf32, #tpu.memory_space<vmem>>, vector<16xf32>,
        %mul3A_44 = arith.constant 16 : i32
        %mul3A_45 = arith.muli %scan3A_29, %mul3A_44 : i32
        %get3A_46 = arith.index_cast %mul3A_45 : i32 to index
        %get3A_47 = tpu.vector_load %arg7[%get3A_46] {strides = array<i32>} : memref<1024xi32, #tpu.memory_space<vmem>>, vector<16xi32>,
        tpu.vector_store_idx %arg9[%get3A_47], %div3A_40 {add = true} : memref<10112xf32, #tpu.memory_space<vmem>>[vector<16xi32>], vector<16xf32>,
        %scan3A_48 = arith.constant 0 : i32
        scf.yield %scan3A_48 : i32
      }
      %scan3A_27 = arith.constant 64 : i32
      "tpu.region"() ({
        %run_scoped3A = tpu.sem_alloc : memref<!tpu.dma_semaphore, #tpu.memory_space<semaphore_mem>>
        %dma_start3A = tpu.memref_slice %arg4[%add3A_20] : memref<327680xf32, #tpu.memory_space<hbm>> -> memref<1024xf32, #tpu.memory_space<hbm>>
        %dma_start3A_29 = tpu.memref_slice %arg4[%add3A_20] : memref<327680xf32, #tpu.memory_space<hbm>> -> memref<1024xf32, #tpu.memory_space<hbm>>
        tpu.enqueue_dma source(%arg8 : memref<1024xf32, #tpu.memory_space<vmem>>) target(%dma_start3A_29 : memref<1024xf32, #tpu.memory_space<hbm>>) target_semaphore(%run_scoped3A : memref<!tpu.dma_semaphore, #tpu.memory_space<semaphore_mem>>)
        %dma_wait3A = tpu.memref_slice %arg4[%add3A_20] : memref<327680xf32, #tpu.memory_space<hbm>> -> memref<1024xf32, #tpu.memory_space<hbm>>
        %dma_wait3A_30 = tpu.memref_slice %arg4[%add3A_20] : memref<327680xf32, #tpu.memory_space<hbm>> -> memref<1024xf32, #tpu.memory_space<hbm>>
        tpu.wait_dma2 semaphore(%run_scoped3A : memref<!tpu.dma_semaphore, #tpu.memory_space<semaphore_mem>>) src(%arg8 : memref<1024xf32, #tpu.memory_space<vmem>>) dst(%dma_wait3A_30 : memref<1024xf32, #tpu.memory_space<hbm>>)
        tpu.yield
      }) : () -> ()
      %scan3A_28 = arith.constant 0 : i32
      scf.yield %scan3A_28 : i32
    }
    %scan3A_13 = arith.constant 10 : i32
    "tpu.region"() ({
      %run_scoped3A = tpu.sem_alloc : memref<!tpu.dma_semaphore, #tpu.memory_space<semaphore_mem>>
      %dma_start3A = arith.constant 0 : i32
      %dma_start3A_14 = tpu.memref_slice %arg5[%add3A, %dma_start3A] : memref<32x10112xf32, #tpu.memory_space<hbm>> -> memref<1x10112xf32, #tpu.memory_space<hbm>>
      %dma_start3A_15 = tpu.memref_squeeze %dma_start3A_14 : memref<1x10112xf32, #tpu.memory_space<hbm>> -> memref<10112xf32, #tpu.memory_space<hbm>>
      %dma_start3A_16 = arith.constant 0 : i32
      %dma_start3A_17 = tpu.memref_slice %arg5[%add3A, %dma_start3A_16] : memref<32x10112xf32, #tpu.memory_space<hbm>> -> memref<1x10112xf32, #tpu.memory_space<hbm>>
      %dma_start3A_18 = tpu.memref_squeeze %dma_start3A_17 : memref<1x10112xf32, #tpu.memory_space<hbm>> -> memref<10112xf32, #tpu.memory_space<hbm>>
      tpu.enqueue_dma source(%arg9 : memref<10112xf32, #tpu.memory_space<vmem>>) target(%dma_start3A_18 : memref<10112xf32, #tpu.memory_space<hbm>>) target_semaphore(%run_scoped3A : memref<!tpu.dma_semaphore, #tpu.memory_space<semaphore_mem>>)
      %dma_wait3A = arith.constant 0 : i32
      %dma_wait3A_19 = tpu.memref_slice %arg5[%add3A, %dma_wait3A] : memref<32x10112xf32, #tpu.memory_space<hbm>> -> memref<1x10112xf32, #tpu.memory_space<hbm>>
      %dma_wait3A_20 = tpu.memref_squeeze %dma_wait3A_19 : memref<1x10112xf32, #tpu.memory_space<hbm>> -> memref<10112xf32, #tpu.memory_space<hbm>>
      %dma_wait3A_21 = arith.constant 0 : i32
      %dma_wait3A_22 = tpu.memref_slice %arg5[%add3A, %dma_wait3A_21] : memref<32x10112xf32, #tpu.memory_space<hbm>> -> memref<1x10112xf32, #tpu.memory_space<hbm>>
      %dma_wait3A_23 = tpu.memref_squeeze %dma_wait3A_22 : memref<1x10112xf32, #tpu.memory_space<hbm>> -> memref<10112xf32, #tpu.memory_space<hbm>>
      tpu.wait_dma2 semaphore(%run_scoped3A : memref<!tpu.dma_semaphore, #tpu.memory_space<semaphore_mem>>) src(%arg9 : memref<10112xf32, #tpu.memory_space<vmem>>) dst(%dma_wait3A_23 : memref<10112xf32, #tpu.memory_space<hbm>>)
      tpu.yield
    }) : () -> ()
    return
  }
}

#map = affine_map<(d0, d1) -> (0, 0)>
#map1 = affine_map<(d0, d1) -> (0, 0, 0)>
module attributes {stable_mosaic.version = 14 : i64} {
  func.func @_k2_body(%arg0: i32, %arg1: i32, %arg2: memref<10000x128xf32, #tpu.memory_space<hbm>>, %arg3: memref<2560x128xi32, #tpu.memory_space<hbm>>, %arg4: memref<2560x128xi32, #tpu.memory_space<hbm>>, %arg5: memref<2560x128xf32, #tpu.memory_space<hbm>>, %arg6: memref<2x10112x128xf32, #tpu.memory_space<hbm>>, %arg7: memref<2x128x128xf32, #tpu.memory_space<vmem>>, %arg8: memref<80x128xi32, #tpu.memory_space<vmem>>, %arg9: memref<128xf32, #tpu.memory_space<vmem>>, %arg10: memref<128xf32, #tpu.memory_space<vmem>>, %arg11: memref<1x128xi32, #tpu.memory_space<vmem>>, %arg12: memref<1x128xi32, #tpu.memory_space<vmem>>, %arg13: memref<10112x128xf32, #tpu.memory_space<vmem_shared>>, %arg14: memref<!tpu.dma_semaphore, #tpu.memory_space<semaphore_mem>>, %arg15: memref<!tpu.dma_semaphore, #tpu.memory_space<semaphore_mem>>, %arg16: memref<!tpu.dma_semaphore, #tpu.memory_space<semaphore_mem>>, %arg17: memref<!tpu.dma_semaphore, #tpu.memory_space<semaphore_mem>>) attributes {dimension_semantics = [#tpu.dimension_semantics<core_parallel>, #tpu.dimension_semantics<subcore_parallel>], iteration_bounds = array<i64: 2, 16>, scalar_prefetch = 0 : i64, scratch_operands = 11 : i64, tpu.core_type = #tpu.core_type<sc_vector_subcore>, window_params = [{transform_indices = #map}, {transform_indices = #map}, {transform_indices = #map}, {transform_indices = #map}, {transform_indices = #map1}]} {
    %mul3A = arith.constant 16 : i32
    %mul3A_0 = arith.muli %arg0, %mul3A : i32
    %add3A = arith.addi %mul3A_0, %arg1 : i32
    %mul3A_1 = arith.constant 80 : i32
    %mul3A_2 = arith.muli %add3A, %mul3A_1 : i32
    "tpu.region"() ({
      %run_scoped3A_96 = tpu.sem_alloc : memref<!tpu.dma_semaphore, #tpu.memory_space<semaphore_mem>>
      %dma_start3A_97 = arith.constant 0 : i32
      %dma_start3A_98 = tpu.memref_slice %arg3[%mul3A_2, %dma_start3A_97] : memref<2560x128xi32, #tpu.memory_space<hbm>> -> memref<80x128xi32, #tpu.memory_space<hbm>>
      %dma_start3A_99 = arith.constant 0 : i32
      %dma_start3A_100 = tpu.memref_slice %arg3[%mul3A_2, %dma_start3A_99] : memref<2560x128xi32, #tpu.memory_space<hbm>> -> memref<80x128xi32, #tpu.memory_space<hbm>>
      tpu.enqueue_dma source(%dma_start3A_100 : memref<80x128xi32, #tpu.memory_space<hbm>>) target(%arg8 : memref<80x128xi32, #tpu.memory_space<vmem>>) target_semaphore(%run_scoped3A_96 : memref<!tpu.dma_semaphore, #tpu.memory_space<semaphore_mem>>)
      %dma_wait3A_101 = arith.constant 0 : i32
      %dma_wait3A_102 = tpu.memref_slice %arg3[%mul3A_2, %dma_wait3A_101] : memref<2560x128xi32, #tpu.memory_space<hbm>> -> memref<80x128xi32, #tpu.memory_space<hbm>>
      %dma_wait3A_103 = arith.constant 0 : i32
      %dma_wait3A_104 = tpu.memref_slice %arg3[%mul3A_2, %dma_wait3A_103] : memref<2560x128xi32, #tpu.memory_space<hbm>> -> memref<80x128xi32, #tpu.memory_space<hbm>>
      tpu.wait_dma2 semaphore(%run_scoped3A_96 : memref<!tpu.dma_semaphore, #tpu.memory_space<semaphore_mem>>) src(%dma_wait3A_104 : memref<80x128xi32, #tpu.memory_space<hbm>>) dst(%arg8 : memref<80x128xi32, #tpu.memory_space<vmem>>)
      tpu.yield
    }) : () -> ()
    %scan3A = arith.constant 0 : i32
    %scan3A_3 = arith.constant 0 : i32
    %scan3A_4 = arith.constant 128 : i32
    %scan3A_5 = arith.addi %scan3A_3, %scan3A_4 : i32
    %scan3A_6 = arith.constant 1 : i32
    %scan3A_7 = scf.for %scan3A_96 = %scan3A_3 to %scan3A_5 step %scan3A_6 iter_args(%scan3A_97 = %scan3A) -> (i32)  : i32 {
      %broadcast_in_dim3A = arith.constant 0.000000e+00 : f32
      %broadcast_in_dim3A_98 = vector.broadcast %broadcast_in_dim3A : f32 to vector<16xf32>
      %swap3A = arith.constant 0 : i32
      %swap3A_99 = arith.index_cast %swap3A : i32 to index
      %swap3A_100 = arith.index_cast %scan3A_96 : i32 to index
      %swap3A_101 = arith.constant 0 : index
      %swap3A_102 = tpu.vector_load %arg7[%swap3A_99, %swap3A_100, %swap3A_101] {strides = array<i32>} : memref<2x128x128xf32, #tpu.memory_space<vmem>>, vector<16xf32>,
      tpu.vector_store %arg7[%swap3A_99, %swap3A_100, %swap3A_101], %broadcast_in_dim3A_98 {strides = array<i32>} : memref<2x128x128xf32, #tpu.memory_space<vmem>>, vector<16xf32>,
      %broadcast_in_dim3A_103 = arith.constant 0.000000e+00 : f32
      %broadcast_in_dim3A_104 = vector.broadcast %broadcast_in_dim3A_103 : f32 to vector<16xf32>
      %swap3A_105 = arith.constant 0 : i32
      %swap3A_106 = arith.index_cast %swap3A_105 : i32 to index
      %swap3A_107 = arith.index_cast %scan3A_96 : i32 to index
      %swap3A_108 = arith.constant 16 : index
      %swap3A_109 = tpu.vector_load %arg7[%swap3A_106, %swap3A_107, %swap3A_108] {strides = array<i32>} : memref<2x128x128xf32, #tpu.memory_space<vmem>>, vector<16xf32>,
      tpu.vector_store %arg7[%swap3A_106, %swap3A_107, %swap3A_108], %broadcast_in_dim3A_104 {strides = array<i32>} : memref<2x128x128xf32, #tpu.memory_space<vmem>>, vector<16xf32>,
      %broadcast_in_dim3A_110 = arith.constant 0.000000e+00 : f32
      %broadcast_in_dim3A_111 = vector.broadcast %broadcast_in_dim3A_110 : f32 to vector<16xf32>
      %swap3A_112 = arith.constant 0 : i32
      %swap3A_113 = arith.index_cast %swap3A_112 : i32 to index
      %swap3A_114 = arith.index_cast %scan3A_96 : i32 to index
      %swap3A_115 = arith.constant 32 : index
      %swap3A_116 = tpu.vector_load %arg7[%swap3A_113, %swap3A_114, %swap3A_115] {strides = array<i32>} : memref<2x128x128xf32, #tpu.memory_space<vmem>>, vector<16xf32>,
      tpu.vector_store %arg7[%swap3A_113, %swap3A_114, %swap3A_115], %broadcast_in_dim3A_111 {strides = array<i32>} : memref<2x128x128xf32, #tpu.memory_space<vmem>>, vector<16xf32>,
      %broadcast_in_dim3A_117 = arith.constant 0.000000e+00 : f32
      %broadcast_in_dim3A_118 = vector.broadcast %broadcast_in_dim3A_117 : f32 to vector<16xf32>
      %swap3A_119 = arith.constant 0 : i32
      %swap3A_120 = arith.index_cast %swap3A_119 : i32 to index
      %swap3A_121 = arith.index_cast %scan3A_96 : i32 to index
      %swap3A_122 = arith.constant 48 : index
      %swap3A_123 = tpu.vector_load %arg7[%swap3A_120, %swap3A_121, %swap3A_122] {strides = array<i32>} : memref<2x128x128xf32, #tpu.memory_space<vmem>>, vector<16xf32>,
      tpu.vector_store %arg7[%swap3A_120, %swap3A_121, %swap3A_122], %broadcast_in_dim3A_118 {strides = array<i32>} : memref<2x128x128xf32, #tpu.memory_space<vmem>>, vector<16xf32>,
      %broadcast_in_dim3A_124 = arith.constant 0.000000e+00 : f32
      %broadcast_in_dim3A_125 = vector.broadcast %broadcast_in_dim3A_124 : f32 to vector<16xf32>
      %swap3A_126 = arith.constant 0 : i32
      %swap3A_127 = arith.index_cast %swap3A_126 : i32 to index
      %swap3A_128 = arith.index_cast %scan3A_96 : i32 to index
      %swap3A_129 = arith.constant 64 : index
      %swap3A_130 = tpu.vector_load %arg7[%swap3A_127, %swap3A_128, %swap3A_129] {strides = array<i32>} : memref<2x128x128xf32, #tpu.memory_space<vmem>>, vector<16xf32>,
      tpu.vector_store %arg7[%swap3A_127, %swap3A_128, %swap3A_129], %broadcast_in_dim3A_125 {strides = array<i32>} : memref<2x128x128xf32, #tpu.memory_space<vmem>>, vector<16xf32>,
      %broadcast_in_dim3A_131 = arith.constant 0.000000e+00 : f32
      %broadcast_in_dim3A_132 = vector.broadcast %broadcast_in_dim3A_131 : f32 to vector<16xf32>
      %swap3A_133 = arith.constant 0 : i32
      %swap3A_134 = arith.index_cast %swap3A_133 : i32 to index
      %swap3A_135 = arith.index_cast %scan3A_96 : i32 to index
      %swap3A_136 = arith.constant 80 : index
      %swap3A_137 = tpu.vector_load %arg7[%swap3A_134, %swap3A_135, %swap3A_136] {strides = array<i32>} : memref<2x128x128xf32, #tpu.memory_space<vmem>>, vector<16xf32>,
      tpu.vector_store %arg7[%swap3A_134, %swap3A_135, %swap3A_136], %broadcast_in_dim3A_132 {strides = array<i32>} : memref<2x128x128xf32, #tpu.memory_space<vmem>>, vector<16xf32>,
      %broadcast_in_dim3A_138 = arith.constant 0.000000e+00 : f32
      %broadcast_in_dim3A_139 = vector.broadcast %broadcast_in_dim3A_138 : f32 to vector<16xf32>
      %swap3A_140 = arith.constant 0 : i32
      %swap3A_141 = arith.index_cast %swap3A_140 : i32 to index
      %swap3A_142 = arith.index_cast %scan3A_96 : i32 to index
      %swap3A_143 = arith.constant 96 : index
      %swap3A_144 = tpu.vector_load %arg7[%swap3A_141, %swap3A_142, %swap3A_143] {strides = array<i32>} : memref<2x128x128xf32, #tpu.memory_space<vmem>>, vector<16xf32>,
      tpu.vector_store %arg7[%swap3A_141, %swap3A_142, %swap3A_143], %broadcast_in_dim3A_139 {strides = array<i32>} : memref<2x128x128xf32, #tpu.memory_space<vmem>>, vector<16xf32>,
      %broadcast_in_dim3A_145 = arith.constant 0.000000e+00 : f32
      %broadcast_in_dim3A_146 = vector.broadcast %broadcast_in_dim3A_145 : f32 to vector<16xf32>
      %swap3A_147 = arith.constant 0 : i32
      %swap3A_148 = arith.index_cast %swap3A_147 : i32 to index
      %swap3A_149 = arith.index_cast %scan3A_96 : i32 to index
      %swap3A_150 = arith.constant 112 : index
      %swap3A_151 = tpu.vector_load %arg7[%swap3A_148, %swap3A_149, %swap3A_150] {strides = array<i32>} : memref<2x128x128xf32, #tpu.memory_space<vmem>>, vector<16xf32>,
      tpu.vector_store %arg7[%swap3A_148, %swap3A_149, %swap3A_150], %broadcast_in_dim3A_146 {strides = array<i32>} : memref<2x128x128xf32, #tpu.memory_space<vmem>>, vector<16xf32>,
      %scan3A_152 = arith.constant 0 : i32
      scf.yield %scan3A_152 : i32
    }
    %scan3A_8 = arith.constant 128 : i32
    %mul3A_9 = arith.constant 632 : i32
    %mul3A_10 = arith.muli %arg1, %mul3A_9 : i32
    %add3A_11 = arith.constant 0 : i32
    %add3A_12 = arith.addi %mul3A_10, %add3A_11 : i32
    %run_scoped3A = arith.constant 0 : i32
    "tpu.region"() ({
      %run_scoped3A_96 = tpu.sem_alloc : memref<!tpu.dma_semaphore, #tpu.memory_space<semaphore_mem>>
      %dma_start3A_97 = arith.constant 0 : i32
      %dma_start3A_98 = arith.constant 0 : i32
      %dma_start3A_99 = tpu.memref_slice %arg7[%run_scoped3A, %dma_start3A_97, %dma_start3A_98] : memref<2x128x128xf32, #tpu.memory_space<vmem>> -> memref<1x128x128xf32, #tpu.memory_space<vmem>>
      %dma_start3A_100 = tpu.memref_squeeze %dma_start3A_99 : memref<1x128x128xf32, #tpu.memory_space<vmem>> -> memref<128x128xf32, #tpu.memory_space<vmem>>
      %dma_start3A_101 = arith.constant 0 : i32
      %dma_start3A_102 = tpu.memref_slice %arg13[%add3A_12, %dma_start3A_101] : memref<10112x128xf32, #tpu.memory_space<vmem_shared>> -> memref<128x128xf32, #tpu.memory_space<vmem_shared>>
      %dma_start3A_103 = arith.constant 0 : i32
      %dma_start3A_104 = tpu.memref_slice %arg13[%add3A_12, %dma_start3A_103] : memref<10112x128xf32, #tpu.memory_space<vmem_shared>> -> memref<128x128xf32, #tpu.memory_space<vmem_shared>>
      %dma_start3A_105 = arith.constant 0 : i32
      %dma_start3A_106 = arith.constant 0 : i32
      %dma_start3A_107 = tpu.memref_slice %arg7[%run_scoped3A, %dma_start3A_105, %dma_start3A_106] : memref<2x128x128xf32, #tpu.memory_space<vmem>> -> memref<1x128x128xf32, #tpu.memory_space<vmem>>
      %dma_start3A_108 = tpu.memref_squeeze %dma_start3A_107 : memref<1x128x128xf32, #tpu.memory_space<vmem>> -> memref<128x128xf32, #tpu.memory_space<vmem>>
      tpu.enqueue_dma source(%dma_start3A_108 : memref<128x128xf32, #tpu.memory_space<vmem>>) target(%dma_start3A_104 : memref<128x128xf32, #tpu.memory_space<vmem_shared>>) target_semaphore(%run_scoped3A_96 : memref<!tpu.dma_semaphore, #tpu.memory_space<semaphore_mem>>)
      %dma_wait3A_109 = arith.constant 0 : i32
      %dma_wait3A_110 = arith.constant 0 : i32
      %dma_wait3A_111 = tpu.memref_slice %arg7[%run_scoped3A, %dma_wait3A_109, %dma_wait3A_110] : memref<2x128x128xf32, #tpu.memory_space<vmem>> -> memref<1x128x128xf32, #tpu.memory_space<vmem>>
      %dma_wait3A_112 = tpu.memref_squeeze %dma_wait3A_111 : memref<1x128x128xf32, #tpu.memory_space<vmem>> -> memref<128x128xf32, #tpu.memory_space<vmem>>
      %dma_wait3A_113 = arith.constant 0 : i32
      %dma_wait3A_114 = tpu.memref_slice %arg13[%add3A_12, %dma_wait3A_113] : memref<10112x128xf32, #tpu.memory_space<vmem_shared>> -> memref<128x128xf32, #tpu.memory_space<vmem_shared>>
      %dma_wait3A_115 = arith.constant 0 : i32
      %dma_wait3A_116 = tpu.memref_slice %arg13[%add3A_12, %dma_wait3A_115] : memref<10112x128xf32, #tpu.memory_space<vmem_shared>> -> memref<128x128xf32, #tpu.memory_space<vmem_shared>>
      %dma_wait3A_117 = arith.constant 0 : i32
      %dma_wait3A_118 = arith.constant 0 : i32
      %dma_wait3A_119 = tpu.memref_slice %arg7[%run_scoped3A, %dma_wait3A_117, %dma_wait3A_118] : memref<2x128x128xf32, #tpu.memory_space<vmem>> -> memref<1x128x128xf32, #tpu.memory_space<vmem>>
      %dma_wait3A_120 = tpu.memref_squeeze %dma_wait3A_119 : memref<1x128x128xf32, #tpu.memory_space<vmem>> -> memref<128x128xf32, #tpu.memory_space<vmem>>
      tpu.wait_dma2 semaphore(%run_scoped3A_96 : memref<!tpu.dma_semaphore, #tpu.memory_space<semaphore_mem>>) src(%dma_wait3A_120 : memref<128x128xf32, #tpu.memory_space<vmem>>) dst(%dma_wait3A_116 : memref<128x128xf32, #tpu.memory_space<vmem_shared>>)
      tpu.yield
    }) : () -> ()
    %mul3A_13 = arith.constant 632 : i32
    %mul3A_14 = arith.muli %arg1, %mul3A_13 : i32
    %add3A_15 = arith.constant 128 : i32
    %add3A_16 = arith.addi %mul3A_14, %add3A_15 : i32
    %run_scoped3A_17 = arith.constant 0 : i32
    "tpu.region"() ({
      %run_scoped3A_96 = tpu.sem_alloc : memref<!tpu.dma_semaphore, #tpu.memory_space<semaphore_mem>>
      %dma_start3A_97 = arith.constant 0 : i32
      %dma_start3A_98 = arith.constant 0 : i32
      %dma_start3A_99 = tpu.memref_slice %arg7[%run_scoped3A_17, %dma_start3A_97, %dma_start3A_98] : memref<2x128x128xf32, #tpu.memory_space<vmem>> -> memref<1x128x128xf32, #tpu.memory_space<vmem>>
      %dma_start3A_100 = tpu.memref_squeeze %dma_start3A_99 : memref<1x128x128xf32, #tpu.memory_space<vmem>> -> memref<128x128xf32, #tpu.memory_space<vmem>>
      %dma_start3A_101 = arith.constant 0 : i32
      %dma_start3A_102 = tpu.memref_slice %arg13[%add3A_16, %dma_start3A_101] : memref<10112x128xf32, #tpu.memory_space<vmem_shared>> -> memref<128x128xf32, #tpu.memory_space<vmem_shared>>
      %dma_start3A_103 = arith.constant 0 : i32
      %dma_start3A_104 = tpu.memref_slice %arg13[%add3A_16, %dma_start3A_103] : memref<10112x128xf32, #tpu.memory_space<vmem_shared>> -> memref<128x128xf32, #tpu.memory_space<vmem_shared>>
      %dma_start3A_105 = arith.constant 0 : i32
      %dma_start3A_106 = arith.constant 0 : i32
      %dma_start3A_107 = tpu.memref_slice %arg7[%run_scoped3A_17, %dma_start3A_105, %dma_start3A_106] : memref<2x128x128xf32, #tpu.memory_space<vmem>> -> memref<1x128x128xf32, #tpu.memory_space<vmem>>
      %dma_start3A_108 = tpu.memref_squeeze %dma_start3A_107 : memref<1x128x128xf32, #tpu.memory_space<vmem>> -> memref<128x128xf32, #tpu.memory_space<vmem>>
      tpu.enqueue_dma source(%dma_start3A_108 : memref<128x128xf32, #tpu.memory_space<vmem>>) target(%dma_start3A_104 : memref<128x128xf32, #tpu.memory_space<vmem_shared>>) target_semaphore(%run_scoped3A_96 : memref<!tpu.dma_semaphore, #tpu.memory_space<semaphore_mem>>)
      %dma_wait3A_109 = arith.constant 0 : i32
      %dma_wait3A_110 = arith.constant 0 : i32
      %dma_wait3A_111 = tpu.memref_slice %arg7[%run_scoped3A_17, %dma_wait3A_109, %dma_wait3A_110] : memref<2x128x128xf32, #tpu.memory_space<vmem>> -> memref<1x128x128xf32, #tpu.memory_space<vmem>>
      %dma_wait3A_112 = tpu.memref_squeeze %dma_wait3A_111 : memref<1x128x128xf32, #tpu.memory_space<vmem>> -> memref<128x128xf32, #tpu.memory_space<vmem>>
      %dma_wait3A_113 = arith.constant 0 : i32
      %dma_wait3A_114 = tpu.memref_slice %arg13[%add3A_16, %dma_wait3A_113] : memref<10112x128xf32, #tpu.memory_space<vmem_shared>> -> memref<128x128xf32, #tpu.memory_space<vmem_shared>>
      %dma_wait3A_115 = arith.constant 0 : i32
      %dma_wait3A_116 = tpu.memref_slice %arg13[%add3A_16, %dma_wait3A_115] : memref<10112x128xf32, #tpu.memory_space<vmem_shared>> -> memref<128x128xf32, #tpu.memory_space<vmem_shared>>
      %dma_wait3A_117 = arith.constant 0 : i32
      %dma_wait3A_118 = arith.constant 0 : i32
      %dma_wait3A_119 = tpu.memref_slice %arg7[%run_scoped3A_17, %dma_wait3A_117, %dma_wait3A_118] : memref<2x128x128xf32, #tpu.memory_space<vmem>> -> memref<1x128x128xf32, #tpu.memory_space<vmem>>
      %dma_wait3A_120 = tpu.memref_squeeze %dma_wait3A_119 : memref<1x128x128xf32, #tpu.memory_space<vmem>> -> memref<128x128xf32, #tpu.memory_space<vmem>>
      tpu.wait_dma2 semaphore(%run_scoped3A_96 : memref<!tpu.dma_semaphore, #tpu.memory_space<semaphore_mem>>) src(%dma_wait3A_120 : memref<128x128xf32, #tpu.memory_space<vmem>>) dst(%dma_wait3A_116 : memref<128x128xf32, #tpu.memory_space<vmem_shared>>)
      tpu.yield
    }) : () -> ()
    %mul3A_18 = arith.constant 632 : i32
    %mul3A_19 = arith.muli %arg1, %mul3A_18 : i32
    %add3A_20 = arith.constant 256 : i32
    %add3A_21 = arith.addi %mul3A_19, %add3A_20 : i32
    %run_scoped3A_22 = arith.constant 0 : i32
    "tpu.region"() ({
      %run_scoped3A_96 = tpu.sem_alloc : memref<!tpu.dma_semaphore, #tpu.memory_space<semaphore_mem>>
      %dma_start3A_97 = arith.constant 0 : i32
      %dma_start3A_98 = arith.constant 0 : i32
      %dma_start3A_99 = tpu.memref_slice %arg7[%run_scoped3A_22, %dma_start3A_97, %dma_start3A_98] : memref<2x128x128xf32, #tpu.memory_space<vmem>> -> memref<1x128x128xf32, #tpu.memory_space<vmem>>
      %dma_start3A_100 = tpu.memref_squeeze %dma_start3A_99 : memref<1x128x128xf32, #tpu.memory_space<vmem>> -> memref<128x128xf32, #tpu.memory_space<vmem>>
      %dma_start3A_101 = arith.constant 0 : i32
      %dma_start3A_102 = tpu.memref_slice %arg13[%add3A_21, %dma_start3A_101] : memref<10112x128xf32, #tpu.memory_space<vmem_shared>> -> memref<128x128xf32, #tpu.memory_space<vmem_shared>>
      %dma_start3A_103 = arith.constant 0 : i32
      %dma_start3A_104 = tpu.memref_slice %arg13[%add3A_21, %dma_start3A_103] : memref<10112x128xf32, #tpu.memory_space<vmem_shared>> -> memref<128x128xf32, #tpu.memory_space<vmem_shared>>
      %dma_start3A_105 = arith.constant 0 : i32
      %dma_start3A_106 = arith.constant 0 : i32
      %dma_start3A_107 = tpu.memref_slice %arg7[%run_scoped3A_22, %dma_start3A_105, %dma_start3A_106] : memref<2x128x128xf32, #tpu.memory_space<vmem>> -> memref<1x128x128xf32, #tpu.memory_space<vmem>>
      %dma_start3A_108 = tpu.memref_squeeze %dma_start3A_107 : memref<1x128x128xf32, #tpu.memory_space<vmem>> -> memref<128x128xf32, #tpu.memory_space<vmem>>
      tpu.enqueue_dma source(%dma_start3A_108 : memref<128x128xf32, #tpu.memory_space<vmem>>) target(%dma_start3A_104 : memref<128x128xf32, #tpu.memory_space<vmem_shared>>) target_semaphore(%run_scoped3A_96 : memref<!tpu.dma_semaphore, #tpu.memory_space<semaphore_mem>>)
      %dma_wait3A_109 = arith.constant 0 : i32
      %dma_wait3A_110 = arith.constant 0 : i32
      %dma_wait3A_111 = tpu.memref_slice %arg7[%run_scoped3A_22, %dma_wait3A_109, %dma_wait3A_110] : memref<2x128x128xf32, #tpu.memory_space<vmem>> -> memref<1x128x128xf32, #tpu.memory_space<vmem>>
      %dma_wait3A_112 = tpu.memref_squeeze %dma_wait3A_111 : memref<1x128x128xf32, #tpu.memory_space<vmem>> -> memref<128x128xf32, #tpu.memory_space<vmem>>
      %dma_wait3A_113 = arith.constant 0 : i32
      %dma_wait3A_114 = tpu.memref_slice %arg13[%add3A_21, %dma_wait3A_113] : memref<10112x128xf32, #tpu.memory_space<vmem_shared>> -> memref<128x128xf32, #tpu.memory_space<vmem_shared>>
      %dma_wait3A_115 = arith.constant 0 : i32
      %dma_wait3A_116 = tpu.memref_slice %arg13[%add3A_21, %dma_wait3A_115] : memref<10112x128xf32, #tpu.memory_space<vmem_shared>> -> memref<128x128xf32, #tpu.memory_space<vmem_shared>>
      %dma_wait3A_117 = arith.constant 0 : i32
      %dma_wait3A_118 = arith.constant 0 : i32
      %dma_wait3A_119 = tpu.memref_slice %arg7[%run_scoped3A_22, %dma_wait3A_117, %dma_wait3A_118] : memref<2x128x128xf32, #tpu.memory_space<vmem>> -> memref<1x128x128xf32, #tpu.memory_space<vmem>>
      %dma_wait3A_120 = tpu.memref_squeeze %dma_wait3A_119 : memref<1x128x128xf32, #tpu.memory_space<vmem>> -> memref<128x128xf32, #tpu.memory_space<vmem>>
      tpu.wait_dma2 semaphore(%run_scoped3A_96 : memref<!tpu.dma_semaphore, #tpu.memory_space<semaphore_mem>>) src(%dma_wait3A_120 : memref<128x128xf32, #tpu.memory_space<vmem>>) dst(%dma_wait3A_116 : memref<128x128xf32, #tpu.memory_space<vmem_shared>>)
      tpu.yield
    }) : () -> ()
    %mul3A_23 = arith.constant 632 : i32
    %mul3A_24 = arith.muli %arg1, %mul3A_23 : i32
    %add3A_25 = arith.constant 384 : i32
    %add3A_26 = arith.addi %mul3A_24, %add3A_25 : i32
    %run_scoped3A_27 = arith.constant 0 : i32
    "tpu.region"() ({
      %run_scoped3A_96 = tpu.sem_alloc : memref<!tpu.dma_semaphore, #tpu.memory_space<semaphore_mem>>
      %dma_start3A_97 = arith.constant 0 : i32
      %dma_start3A_98 = arith.constant 0 : i32
      %dma_start3A_99 = tpu.memref_slice %arg7[%run_scoped3A_27, %dma_start3A_97, %dma_start3A_98] : memref<2x128x128xf32, #tpu.memory_space<vmem>> -> memref<1x128x128xf32, #tpu.memory_space<vmem>>
      %dma_start3A_100 = tpu.memref_squeeze %dma_start3A_99 : memref<1x128x128xf32, #tpu.memory_space<vmem>> -> memref<128x128xf32, #tpu.memory_space<vmem>>
      %dma_start3A_101 = arith.constant 0 : i32
      %dma_start3A_102 = tpu.memref_slice %arg13[%add3A_26, %dma_start3A_101] : memref<10112x128xf32, #tpu.memory_space<vmem_shared>> -> memref<128x128xf32, #tpu.memory_space<vmem_shared>>
      %dma_start3A_103 = arith.constant 0 : i32
      %dma_start3A_104 = tpu.memref_slice %arg13[%add3A_26, %dma_start3A_103] : memref<10112x128xf32, #tpu.memory_space<vmem_shared>> -> memref<128x128xf32, #tpu.memory_space<vmem_shared>>
      %dma_start3A_105 = arith.constant 0 : i32
      %dma_start3A_106 = arith.constant 0 : i32
      %dma_start3A_107 = tpu.memref_slice %arg7[%run_scoped3A_27, %dma_start3A_105, %dma_start3A_106] : memref<2x128x128xf32, #tpu.memory_space<vmem>> -> memref<1x128x128xf32, #tpu.memory_space<vmem>>
      %dma_start3A_108 = tpu.memref_squeeze %dma_start3A_107 : memref<1x128x128xf32, #tpu.memory_space<vmem>> -> memref<128x128xf32, #tpu.memory_space<vmem>>
      tpu.enqueue_dma source(%dma_start3A_108 : memref<128x128xf32, #tpu.memory_space<vmem>>) target(%dma_start3A_104 : memref<128x128xf32, #tpu.memory_space<vmem_shared>>) target_semaphore(%run_scoped3A_96 : memref<!tpu.dma_semaphore, #tpu.memory_space<semaphore_mem>>)
      %dma_wait3A_109 = arith.constant 0 : i32
      %dma_wait3A_110 = arith.constant 0 : i32
      %dma_wait3A_111 = tpu.memref_slice %arg7[%run_scoped3A_27, %dma_wait3A_109, %dma_wait3A_110] : memref<2x128x128xf32, #tpu.memory_space<vmem>> -> memref<1x128x128xf32, #tpu.memory_space<vmem>>
      %dma_wait3A_112 = tpu.memref_squeeze %dma_wait3A_111 : memref<1x128x128xf32, #tpu.memory_space<vmem>> -> memref<128x128xf32, #tpu.memory_space<vmem>>
      %dma_wait3A_113 = arith.constant 0 : i32
      %dma_wait3A_114 = tpu.memref_slice %arg13[%add3A_26, %dma_wait3A_113] : memref<10112x128xf32, #tpu.memory_space<vmem_shared>> -> memref<128x128xf32, #tpu.memory_space<vmem_shared>>
      %dma_wait3A_115 = arith.constant 0 : i32
      %dma_wait3A_116 = tpu.memref_slice %arg13[%add3A_26, %dma_wait3A_115] : memref<10112x128xf32, #tpu.memory_space<vmem_shared>> -> memref<128x128xf32, #tpu.memory_space<vmem_shared>>
      %dma_wait3A_117 = arith.constant 0 : i32
      %dma_wait3A_118 = arith.constant 0 : i32
      %dma_wait3A_119 = tpu.memref_slice %arg7[%run_scoped3A_27, %dma_wait3A_117, %dma_wait3A_118] : memref<2x128x128xf32, #tpu.memory_space<vmem>> -> memref<1x128x128xf32, #tpu.memory_space<vmem>>
      %dma_wait3A_120 = tpu.memref_squeeze %dma_wait3A_119 : memref<1x128x128xf32, #tpu.memory_space<vmem>> -> memref<128x128xf32, #tpu.memory_space<vmem>>
      tpu.wait_dma2 semaphore(%run_scoped3A_96 : memref<!tpu.dma_semaphore, #tpu.memory_space<semaphore_mem>>) src(%dma_wait3A_120 : memref<128x128xf32, #tpu.memory_space<vmem>>) dst(%dma_wait3A_116 : memref<128x128xf32, #tpu.memory_space<vmem_shared>>)
      tpu.yield
    }) : () -> ()
    %mul3A_28 = arith.constant 632 : i32
    %mul3A_29 = arith.muli %arg1, %mul3A_28 : i32
    %add3A_30 = arith.constant 512 : i32
    %add3A_31 = arith.addi %mul3A_29, %add3A_30 : i32
    %run_scoped3A_32 = arith.constant 0 : i32
    "tpu.region"() ({
      %run_scoped3A_96 = tpu.sem_alloc : memref<!tpu.dma_semaphore, #tpu.memory_space<semaphore_mem>>
      %dma_start3A_97 = arith.constant 0 : i32
      %dma_start3A_98 = arith.constant 0 : i32
      %dma_start3A_99 = tpu.memref_slice %arg7[%run_scoped3A_32, %dma_start3A_97, %dma_start3A_98] : memref<2x128x128xf32, #tpu.memory_space<vmem>> -> memref<1x120x128xf32, #tpu.memory_space<vmem>>
      %dma_start3A_100 = tpu.memref_squeeze %dma_start3A_99 : memref<1x120x128xf32, #tpu.memory_space<vmem>> -> memref<120x128xf32, #tpu.memory_space<vmem>>
      %dma_start3A_101 = arith.constant 0 : i32
      %dma_start3A_102 = tpu.memref_slice %arg13[%add3A_31, %dma_start3A_101] : memref<10112x128xf32, #tpu.memory_space<vmem_shared>> -> memref<120x128xf32, #tpu.memory_space<vmem_shared>>
      %dma_start3A_103 = arith.constant 0 : i32
      %dma_start3A_104 = tpu.memref_slice %arg13[%add3A_31, %dma_start3A_103] : memref<10112x128xf32, #tpu.memory_space<vmem_shared>> -> memref<120x128xf32, #tpu.memory_space<vmem_shared>>
      %dma_start3A_105 = arith.constant 0 : i32
      %dma_start3A_106 = arith.constant 0 : i32
      %dma_start3A_107 = tpu.memref_slice %arg7[%run_scoped3A_32, %dma_start3A_105, %dma_start3A_106] : memref<2x128x128xf32, #tpu.memory_space<vmem>> -> memref<1x120x128xf32, #tpu.memory_space<vmem>>
      %dma_start3A_108 = tpu.memref_squeeze %dma_start3A_107 : memref<1x120x128xf32, #tpu.memory_space<vmem>> -> memref<120x128xf32, #tpu.memory_space<vmem>>
      tpu.enqueue_dma source(%dma_start3A_108 : memref<120x128xf32, #tpu.memory_space<vmem>>) target(%dma_start3A_104 : memref<120x128xf32, #tpu.memory_space<vmem_shared>>) target_semaphore(%run_scoped3A_96 : memref<!tpu.dma_semaphore, #tpu.memory_space<semaphore_mem>>)
      %dma_wait3A_109 = arith.constant 0 : i32
      %dma_wait3A_110 = arith.constant 0 : i32
      %dma_wait3A_111 = tpu.memref_slice %arg7[%run_scoped3A_32, %dma_wait3A_109, %dma_wait3A_110] : memref<2x128x128xf32, #tpu.memory_space<vmem>> -> memref<1x120x128xf32, #tpu.memory_space<vmem>>
      %dma_wait3A_112 = tpu.memref_squeeze %dma_wait3A_111 : memref<1x120x128xf32, #tpu.memory_space<vmem>> -> memref<120x128xf32, #tpu.memory_space<vmem>>
      %dma_wait3A_113 = arith.constant 0 : i32
      %dma_wait3A_114 = tpu.memref_slice %arg13[%add3A_31, %dma_wait3A_113] : memref<10112x128xf32, #tpu.memory_space<vmem_shared>> -> memref<120x128xf32, #tpu.memory_space<vmem_shared>>
      %dma_wait3A_115 = arith.constant 0 : i32
      %dma_wait3A_116 = tpu.memref_slice %arg13[%add3A_31, %dma_wait3A_115] : memref<10112x128xf32, #tpu.memory_space<vmem_shared>> -> memref<120x128xf32, #tpu.memory_space<vmem_shared>>
      %dma_wait3A_117 = arith.constant 0 : i32
      %dma_wait3A_118 = arith.constant 0 : i32
      %dma_wait3A_119 = tpu.memref_slice %arg7[%run_scoped3A_32, %dma_wait3A_117, %dma_wait3A_118] : memref<2x128x128xf32, #tpu.memory_space<vmem>> -> memref<1x120x128xf32, #tpu.memory_space<vmem>>
      %dma_wait3A_120 = tpu.memref_squeeze %dma_wait3A_119 : memref<1x120x128xf32, #tpu.memory_space<vmem>> -> memref<120x128xf32, #tpu.memory_space<vmem>>
      tpu.wait_dma2 semaphore(%run_scoped3A_96 : memref<!tpu.dma_semaphore, #tpu.memory_space<semaphore_mem>>) src(%dma_wait3A_120 : memref<120x128xf32, #tpu.memory_space<vmem>>) dst(%dma_wait3A_116 : memref<120x128xf32, #tpu.memory_space<vmem_shared>>)
      tpu.yield
    }) : () -> ()
    %barrier3A = arith.constant 0 : index
    tpu.barrier barrier_id(%barrier3A)
    %dma_start3A = arith.constant 0 : i32
    %dma_start3A_33 = arith.constant 0 : i32
    %dma_start3A_34 = arith.constant 0 : i32
    %dma_start3A_35 = arith.constant 0 : i32
    %dma_start3A_36 = tpu.memref_slice %arg7[%dma_start3A_33, %dma_start3A_34, %dma_start3A_35] : memref<2x128x128xf32, #tpu.memory_space<vmem>> -> memref<1x128x128xf32, #tpu.memory_space<vmem>>
    %dma_start3A_37 = tpu.memref_squeeze %dma_start3A_36 : memref<1x128x128xf32, #tpu.memory_space<vmem>> -> memref<128x128xf32, #tpu.memory_space<vmem>>
    %dma_start3A_38 = arith.constant 0 : i32
    %dma_start3A_39 = tpu.memref_slice %arg8[%dma_start3A, %dma_start3A_38] : memref<80x128xi32, #tpu.memory_space<vmem>> -> memref<1x128xi32, #tpu.memory_space<vmem>>
    %dma_start3A_40 = tpu.memref_squeeze %dma_start3A_39 : memref<1x128xi32, #tpu.memory_space<vmem>> -> memref<128xi32, #tpu.memory_space<vmem>>
    %dma_start3A_41 = arith.constant 0 : i32
    %dma_start3A_42 = arith.constant 0 : i32
    %dma_start3A_43 = tpu.memref_slice %arg2[%dma_start3A_41, %dma_start3A_42] : memref<10000x128xf32, #tpu.memory_space<hbm>> -> memref<10000x128xf32, #tpu.memory_space<hbm>>
    tpu.enqueue_indirect_dma source(%dma_start3A_43 : memref<10000x128xf32, #tpu.memory_space<hbm>>) target(%dma_start3A_37 : memref<128x128xf32, #tpu.memory_space<vmem>>) offsets(%dma_start3A_40 : memref<128xi32, #tpu.memory_space<vmem>>) semaphore(%arg14 : memref<!tpu.dma_semaphore, #tpu.memory_space<semaphore_mem>>)
    %mul3A_44 = arith.constant 80 : i32
    %mul3A_45 = arith.muli %add3A, %mul3A_44 : i32
    %add3A_46 = arith.constant 0 : i32
    %add3A_47 = arith.addi %mul3A_45, %add3A_46 : i32
    %dma_start3A_48 = arith.constant 0 : i32
    %dma_start3A_49 = tpu.memref_slice %arg5[%add3A_47, %dma_start3A_48] : memref<2560x128xf32, #tpu.memory_space<hbm>> -> memref<1x128xf32, #tpu.memory_space<hbm>>
    %dma_start3A_50 = tpu.memref_squeeze %dma_start3A_49 : memref<1x128xf32, #tpu.memory_space<hbm>> -> memref<128xf32, #tpu.memory_space<hbm>>
    %dma_start3A_51 = arith.constant 0 : i32
    %dma_start3A_52 = tpu.memref_slice %arg5[%add3A_47, %dma_start3A_51] : memref<2560x128xf32, #tpu.memory_space<hbm>> -> memref<1x128xf32, #tpu.memory_space<hbm>>
    %dma_start3A_53 = tpu.memref_squeeze %dma_start3A_52 : memref<1x128xf32, #tpu.memory_space<hbm>> -> memref<128xf32, #tpu.memory_space<hbm>>
    tpu.enqueue_dma source(%dma_start3A_53 : memref<128xf32, #tpu.memory_space<hbm>>) target(%arg9 : memref<128xf32, #tpu.memory_space<vmem>>) target_semaphore(%arg14 : memref<!tpu.dma_semaphore, #tpu.memory_space<semaphore_mem>>)
    %mul3A_54 = arith.constant 80 : i32
    %mul3A_55 = arith.muli %add3A, %mul3A_54 : i32
    %add3A_56 = arith.constant 0 : i32
    %add3A_57 = arith.addi %mul3A_55, %add3A_56 : i32
    %dma_start3A_58 = arith.constant 0 : i32
    %dma_start3A_59 = arith.constant 0 : i32
    %dma_start3A_60 = tpu.memref_slice %arg11[%dma_start3A_58, %dma_start3A_59] : memref<1x128xi32, #tpu.memory_space<vmem>> -> memref<1x128xi32, #tpu.memory_space<vmem>>
    %dma_start3A_61 = tpu.memref_squeeze %dma_start3A_60 : memref<1x128xi32, #tpu.memory_space<vmem>> -> memref<128xi32, #tpu.memory_space<vmem>>
    %dma_start3A_62 = arith.constant 0 : i32
    %dma_start3A_63 = tpu.memref_slice %arg4[%add3A_57, %dma_start3A_62] : memref<2560x128xi32, #tpu.memory_space<hbm>> -> memref<1x128xi32, #tpu.memory_space<hbm>>
    %dma_start3A_64 = tpu.memref_squeeze %dma_start3A_63 : memref<1x128xi32, #tpu.memory_space<hbm>> -> memref<128xi32, #tpu.memory_space<hbm>>
    %dma_start3A_65 = arith.constant 0 : i32
    %dma_start3A_66 = tpu.memref_slice %arg11[%dma_start3A_58, %dma_start3A_65] : memref<1x128xi32, #tpu.memory_space<vmem>> -> memref<1x128xi32, #tpu.memory_space<vmem>>
    %dma_start3A_67 = tpu.memref_squeeze %dma_start3A_66 : memref<1x128xi32, #tpu.memory_space<vmem>> -> memref<128xi32, #tpu.memory_space<vmem>>
    %dma_start3A_68 = arith.constant 0 : i32
    %dma_start3A_69 = tpu.memref_slice %arg4[%add3A_57, %dma_start3A_68] : memref<2560x128xi32, #tpu.memory_space<hbm>> -> memref<1x128xi32, #tpu.memory_space<hbm>>
    %dma_start3A_70 = tpu.memref_squeeze %dma_start3A_69 : memref<1x128xi32, #tpu.memory_space<hbm>> -> memref<128xi32, #tpu.memory_space<hbm>>
    tpu.enqueue_dma source(%dma_start3A_70 : memref<128xi32, #tpu.memory_space<hbm>>) target(%dma_start3A_67 : memref<128xi32, #tpu.memory_space<vmem>>) target_semaphore(%arg14 : memref<!tpu.dma_semaphore, #tpu.memory_space<semaphore_mem>>)
    %scan3A_71 = arith.constant 0 : i32
    %scan3A_72 = arith.constant 1 : i32
    %scan3A_73 = arith.constant 0 : i32
    %scan3A_74 = arith.constant 0 : i32
    %scan3A_75 = arith.constant 40 : i32
    %scan3A_76 = arith.addi %scan3A_74, %scan3A_75 : i32
    %scan3A_77 = arith.constant 1 : i32
    %scan3A_78 = scf.for %scan3A_96 = %scan3A_74 to %scan3A_76 step %scan3A_77 iter_args(%scan3A_97 = %scan3A_73) -> (i32)  : i32 {
      %mul3A_98 = arith.constant 2 : i32
      %mul3A_99 = arith.muli %mul3A_98, %scan3A_96 : i32
      %dma_wait3A_100 = arith.constant 0 : i32
      %dma_wait3A_101 = arith.constant 0 : i32
      %dma_wait3A_102 = tpu.memref_slice %arg7[%scan3A_71, %dma_wait3A_100, %dma_wait3A_101] : memref<2x128x128xf32, #tpu.memory_space<vmem>> -> memref<1x128x128xf32, #tpu.memory_space<vmem>>
      %dma_wait3A_103 = tpu.memref_squeeze %dma_wait3A_102 : memref<1x128x128xf32, #tpu.memory_space<vmem>> -> memref<128x128xf32, #tpu.memory_space<vmem>>
      %dma_wait3A_104 = arith.constant 0 : i32
      %dma_wait3A_105 = tpu.memref_slice %arg8[%mul3A_99, %dma_wait3A_104] : memref<80x128xi32, #tpu.memory_space<vmem>> -> memref<1x128xi32, #tpu.memory_space<vmem>>
      %dma_wait3A_106 = tpu.memref_squeeze %dma_wait3A_105 : memref<1x128xi32, #tpu.memory_space<vmem>> -> memref<128xi32, #tpu.memory_space<vmem>>
      %dma_wait3A_107 = arith.constant 0 : i32
      %dma_wait3A_108 = arith.constant 0 : i32
      %dma_wait3A_109 = tpu.memref_slice %arg2[%dma_wait3A_107, %dma_wait3A_108] : memref<10000x128xf32, #tpu.memory_space<hbm>> -> memref<10000x128xf32, #tpu.memory_space<hbm>>
      tpu.wait_indirect_dma semaphore(%arg14 : memref<!tpu.dma_semaphore, #tpu.memory_space<semaphore_mem>>) src(%dma_wait3A_109 : memref<10000x128xf32, #tpu.memory_space<hbm>>) dst(%dma_wait3A_103 : memref<128x128xf32, #tpu.memory_space<vmem>>)
      %dma_wait3A_110 = arith.constant 0 : i32
      %dma_wait3A_111 = arith.constant 0 : i32
      %dma_wait3A_112 = tpu.memref_slice %arg5[%dma_wait3A_110, %dma_wait3A_111] : memref<2560x128xf32, #tpu.memory_space<hbm>> -> memref<1x128xf32, #tpu.memory_space<hbm>>
      %dma_wait3A_113 = tpu.memref_squeeze %dma_wait3A_112 : memref<1x128xf32, #tpu.memory_space<hbm>> -> memref<128xf32, #tpu.memory_space<hbm>>
      %dma_wait3A_114 = arith.constant 0 : i32
      %dma_wait3A_115 = tpu.memref_slice %arg5[%dma_wait3A_110, %dma_wait3A_114] : memref<2560x128xf32, #tpu.memory_space<hbm>> -> memref<1x128xf32, #tpu.memory_space<hbm>>
      %dma_wait3A_116 = tpu.memref_squeeze %dma_wait3A_115 : memref<1x128xf32, #tpu.memory_space<hbm>> -> memref<128xf32, #tpu.memory_space<hbm>>
      tpu.wait_dma2 semaphore(%arg14 : memref<!tpu.dma_semaphore, #tpu.memory_space<semaphore_mem>>) src(%dma_wait3A_116 : memref<128xf32, #tpu.memory_space<hbm>>) dst(%arg9 : memref<128xf32, #tpu.memory_space<vmem>>)
      %dma_wait3A_117 = arith.constant 0 : i32
      %dma_wait3A_118 = arith.constant 0 : i32
      %dma_wait3A_119 = arith.constant 0 : i32
      %dma_wait3A_120 = tpu.memref_slice %arg11[%dma_wait3A_118, %dma_wait3A_119] : memref<1x128xi32, #tpu.memory_space<vmem>> -> memref<1x128xi32, #tpu.memory_space<vmem>>
      %dma_wait3A_121 = tpu.memref_squeeze %dma_wait3A_120 : memref<1x128xi32, #tpu.memory_space<vmem>> -> memref<128xi32, #tpu.memory_space<vmem>>
      %dma_wait3A_122 = arith.constant 0 : i32
      %dma_wait3A_123 = tpu.memref_slice %arg4[%dma_wait3A_117, %dma_wait3A_122] : memref<2560x128xi32, #tpu.memory_space<hbm>> -> memref<1x128xi32, #tpu.memory_space<hbm>>
      %dma_wait3A_124 = tpu.memref_squeeze %dma_wait3A_123 : memref<1x128xi32, #tpu.memory_space<hbm>> -> memref<128xi32, #tpu.memory_space<hbm>>
      %dma_wait3A_125 = arith.constant 0 : i32
      %dma_wait3A_126 = tpu.memref_slice %arg11[%dma_wait3A_118, %dma_wait3A_125] : memref<1x128xi32, #tpu.memory_space<vmem>> -> memref<1x128xi32, #tpu.memory_space<vmem>>
      %dma_wait3A_127 = tpu.memref_squeeze %dma_wait3A_126 : memref<1x128xi32, #tpu.memory_space<vmem>> -> memref<128xi32, #tpu.memory_space<vmem>>
      %dma_wait3A_128 = arith.constant 0 : i32
      %dma_wait3A_129 = tpu.memref_slice %arg4[%dma_wait3A_117, %dma_wait3A_128] : memref<2560x128xi32, #tpu.memory_space<hbm>> -> memref<1x128xi32, #tpu.memory_space<hbm>>
      %dma_wait3A_130 = tpu.memref_squeeze %dma_wait3A_129 : memref<1x128xi32, #tpu.memory_space<hbm>> -> memref<128xi32, #tpu.memory_space<hbm>>
      tpu.wait_dma2 semaphore(%arg14 : memref<!tpu.dma_semaphore, #tpu.memory_space<semaphore_mem>>) src(%dma_wait3A_130 : memref<128xi32, #tpu.memory_space<hbm>>) dst(%dma_wait3A_127 : memref<128xi32, #tpu.memory_space<vmem>>)
      %ge3A = arith.constant 1 : i32
      %ge3A_131 = arith.cmpi sge, %mul3A_99, %ge3A : i32
      %convert_element_type3A = arith.extui %ge3A_131 : i1 to i32
      %cond3A = arith.constant 0 : i32
      %cond3A_132 = arith.cmpi ne, %convert_element_type3A, %cond3A : i32
      scf.if %cond3A_132 {
        %dma_wait3A_214 = arith.constant 0 : i32
        %dma_wait3A_215 = arith.constant 0 : i32
        %dma_wait3A_216 = arith.constant 0 : i32
        %dma_wait3A_217 = tpu.memref_slice %arg7[%scan3A_72, %dma_wait3A_215, %dma_wait3A_216] : memref<2x128x128xf32, #tpu.memory_space<vmem>> -> memref<1x128x128xf32, #tpu.memory_space<vmem>>
        %dma_wait3A_218 = tpu.memref_squeeze %dma_wait3A_217 : memref<1x128x128xf32, #tpu.memory_space<vmem>> -> memref<128x128xf32, #tpu.memory_space<vmem>>
        %dma_wait3A_219 = arith.constant 0 : i32
        %dma_wait3A_220 = tpu.memref_slice %arg12[%dma_wait3A_214, %dma_wait3A_219] : memref<1x128xi32, #tpu.memory_space<vmem>> -> memref<1x128xi32, #tpu.memory_space<vmem>>
        %dma_wait3A_221 = tpu.memref_squeeze %dma_wait3A_220 : memref<1x128xi32, #tpu.memory_space<vmem>> -> memref<128xi32, #tpu.memory_space<vmem>>
        %dma_wait3A_222 = arith.constant 0 : i32
        %dma_wait3A_223 = arith.constant 0 : i32
        %dma_wait3A_224 = tpu.memref_slice %arg13[%dma_wait3A_222, %dma_wait3A_223] : memref<10112x128xf32, #tpu.memory_space<vmem_shared>> -> memref<10112x128xf32, #tpu.memory_space<vmem_shared>>
        tpu.wait_indirect_dma semaphore(%arg17 : memref<!tpu.dma_semaphore, #tpu.memory_space<semaphore_mem>>) src(%dma_wait3A_218 : memref<128x128xf32, #tpu.memory_space<vmem>>) dst(%dma_wait3A_224 : memref<10112x128xf32, #tpu.memory_space<vmem_shared>>)
      } else {
      }
      %add3A_133 = arith.constant 1 : i32
      %add3A_134 = arith.addi %mul3A_99, %add3A_133 : i32
      %lt3A = arith.constant 80 : i32
      %lt3A_135 = arith.cmpi slt, %add3A_134, %lt3A : i32
      %convert_element_type3A_136 = arith.extui %lt3A_135 : i1 to i32
      %cond3A_137 = arith.constant 0 : i32
      %cond3A_138 = arith.cmpi ne, %convert_element_type3A_136, %cond3A_137 : i32
      scf.if %cond3A_138 {
        %add3A_214 = arith.constant 1 : i32
        %add3A_215 = arith.addi %mul3A_99, %add3A_214 : i32
        %dma_start3A_216 = arith.constant 0 : i32
        %dma_start3A_217 = arith.constant 0 : i32
        %dma_start3A_218 = tpu.memref_slice %arg7[%scan3A_72, %dma_start3A_216, %dma_start3A_217] : memref<2x128x128xf32, #tpu.memory_space<vmem>> -> memref<1x128x128xf32, #tpu.memory_space<vmem>>
        %dma_start3A_219 = tpu.memref_squeeze %dma_start3A_218 : memref<1x128x128xf32, #tpu.memory_space<vmem>> -> memref<128x128xf32, #tpu.memory_space<vmem>>
        %dma_start3A_220 = arith.constant 0 : i32
        %dma_start3A_221 = tpu.memref_slice %arg8[%add3A_215, %dma_start3A_220] : memref<80x128xi32, #tpu.memory_space<vmem>> -> memref<1x128xi32, #tpu.memory_space<vmem>>
        %dma_start3A_222 = tpu.memref_squeeze %dma_start3A_221 : memref<1x128xi32, #tpu.memory_space<vmem>> -> memref<128xi32, #tpu.memory_space<vmem>>
        %dma_start3A_223 = arith.constant 0 : i32
        %dma_start3A_224 = arith.constant 0 : i32
        %dma_start3A_225 = tpu.memref_slice %arg2[%dma_start3A_223, %dma_start3A_224] : memref<10000x128xf32, #tpu.memory_space<hbm>> -> memref<10000x128xf32, #tpu.memory_space<hbm>>
        tpu.enqueue_indirect_dma source(%dma_start3A_225 : memref<10000x128xf32, #tpu.memory_space<hbm>>) target(%dma_start3A_219 : memref<128x128xf32, #tpu.memory_space<vmem>>) offsets(%dma_start3A_222 : memref<128xi32, #tpu.memory_space<vmem>>) semaphore(%arg15 : memref<!tpu.dma_semaphore, #tpu.memory_space<semaphore_mem>>)
        %mul3A_226 = arith.constant 80 : i32
        %mul3A_227 = arith.muli %add3A, %mul3A_226 : i32
        %add3A_228 = arith.addi %mul3A_227, %add3A_215 : i32
        %dma_start3A_229 = arith.constant 0 : i32
        %dma_start3A_230 = tpu.memref_slice %arg5[%add3A_228, %dma_start3A_229] : memref<2560x128xf32, #tpu.memory_space<hbm>> -> memref<1x128xf32, #tpu.memory_space<hbm>>
        %dma_start3A_231 = tpu.memref_squeeze %dma_start3A_230 : memref<1x128xf32, #tpu.memory_space<hbm>> -> memref<128xf32, #tpu.memory_space<hbm>>
        %dma_start3A_232 = arith.constant 0 : i32
        %dma_start3A_233 = tpu.memref_slice %arg5[%add3A_228, %dma_start3A_232] : memref<2560x128xf32, #tpu.memory_space<hbm>> -> memref<1x128xf32, #tpu.memory_space<hbm>>
        %dma_start3A_234 = tpu.memref_squeeze %dma_start3A_233 : memref<1x128xf32, #tpu.memory_space<hbm>> -> memref<128xf32, #tpu.memory_space<hbm>>
        tpu.enqueue_dma source(%dma_start3A_234 : memref<128xf32, #tpu.memory_space<hbm>>) target(%arg10 : memref<128xf32, #tpu.memory_space<vmem>>) target_semaphore(%arg15 : memref<!tpu.dma_semaphore, #tpu.memory_space<semaphore_mem>>)
        %mul3A_235 = arith.constant 80 : i32
        %mul3A_236 = arith.muli %add3A, %mul3A_235 : i32
        %add3A_237 = arith.addi %mul3A_236, %add3A_215 : i32
        %dma_start3A_238 = arith.constant 0 : i32
        %dma_start3A_239 = arith.constant 0 : i32
        %dma_start3A_240 = tpu.memref_slice %arg12[%dma_start3A_238, %dma_start3A_239] : memref<1x128xi32, #tpu.memory_space<vmem>> -> memref<1x128xi32, #tpu.memory_space<vmem>>
        %dma_start3A_241 = tpu.memref_squeeze %dma_start3A_240 : memref<1x128xi32, #tpu.memory_space<vmem>> -> memref<128xi32, #tpu.memory_space<vmem>>
        %dma_start3A_242 = arith.constant 0 : i32
        %dma_start3A_243 = tpu.memref_slice %arg4[%add3A_237, %dma_start3A_242] : memref<2560x128xi32, #tpu.memory_space<hbm>> -> memref<1x128xi32, #tpu.memory_space<hbm>>
        %dma_start3A_244 = tpu.memref_squeeze %dma_start3A_243 : memref<1x128xi32, #tpu.memory_space<hbm>> -> memref<128xi32, #tpu.memory_space<hbm>>
        %dma_start3A_245 = arith.constant 0 : i32
        %dma_start3A_246 = tpu.memref_slice %arg12[%dma_start3A_238, %dma_start3A_245] : memref<1x128xi32, #tpu.memory_space<vmem>> -> memref<1x128xi32, #tpu.memory_space<vmem>>
        %dma_start3A_247 = tpu.memref_squeeze %dma_start3A_246 : memref<1x128xi32, #tpu.memory_space<vmem>> -> memref<128xi32, #tpu.memory_space<vmem>>
        %dma_start3A_248 = arith.constant 0 : i32
        %dma_start3A_249 = tpu.memref_slice %arg4[%add3A_237, %dma_start3A_248] : memref<2560x128xi32, #tpu.memory_space<hbm>> -> memref<1x128xi32, #tpu.memory_space<hbm>>
        %dma_start3A_250 = tpu.memref_squeeze %dma_start3A_249 : memref<1x128xi32, #tpu.memory_space<hbm>> -> memref<128xi32, #tpu.memory_space<hbm>>
        tpu.enqueue_dma source(%dma_start3A_250 : memref<128xi32, #tpu.memory_space<hbm>>) target(%dma_start3A_247 : memref<128xi32, #tpu.memory_space<vmem>>) target_semaphore(%arg15 : memref<!tpu.dma_semaphore, #tpu.memory_space<semaphore_mem>>)
      } else {
      }
      %parallel_loop3A = arith.constant 0 : i32
      %parallel_loop3A_139 = arith.constant 128 : i32
      %parallel_loop3A_140 = arith.constant 1 : i32
      scf.for %parallel_loop3A_214 = %parallel_loop3A to %parallel_loop3A_139 step %parallel_loop3A_140  : i32 {
        %parallel_loop3A_215 = vector.broadcast %parallel_loop3A_214 : i32 to vector<16xi32>
        %parallel_loop3A_216 = tpu.vector_load_idx %arg9[%parallel_loop3A_215] : memref<128xf32, #tpu.memory_space<vmem>>[vector<16xi32>], vector<16xf32>,
        %parallel_loop3A_217 = arith.constant 0 : i32
        %parallel_loop3A_218 = arith.constant 0 : i32
        %parallel_loop3A_219 = tpu.memref_slice %arg7[%scan3A_71, %parallel_loop3A_217, %parallel_loop3A_218] : memref<2x128x128xf32, #tpu.memory_space<vmem>> -> memref<1x128x128xf32, #tpu.memory_space<vmem>>
        %parallel_loop3A_220 = tpu.memref_squeeze %parallel_loop3A_219 : memref<1x128x128xf32, #tpu.memory_space<vmem>> -> memref<128x128xf32, #tpu.memory_space<vmem>>
        %parallel_loop3A_221 = arith.index_cast %parallel_loop3A_214 : i32 to index
        %parallel_loop3A_222 = arith.constant 0 : index
        %parallel_loop3A_223 = tpu.vector_load %parallel_loop3A_220[%parallel_loop3A_221, %parallel_loop3A_222] {strides = array<i32>} : memref<128x128xf32, #tpu.memory_space<vmem>>, vector<16xf32>,
        %parallel_loop3A_224 = arith.mulf %parallel_loop3A_223, %parallel_loop3A_216 : vector<16xf32>
        %parallel_loop3A_225 = arith.constant 0 : i32
        %parallel_loop3A_226 = arith.constant 0 : i32
        %parallel_loop3A_227 = tpu.memref_slice %arg7[%scan3A_71, %parallel_loop3A_225, %parallel_loop3A_226] : memref<2x128x128xf32, #tpu.memory_space<vmem>> -> memref<1x128x128xf32, #tpu.memory_space<vmem>>
        %parallel_loop3A_228 = tpu.memref_squeeze %parallel_loop3A_227 : memref<1x128x128xf32, #tpu.memory_space<vmem>> -> memref<128x128xf32, #tpu.memory_space<vmem>>
        %parallel_loop3A_229 = arith.index_cast %parallel_loop3A_214 : i32 to index
        %parallel_loop3A_230 = arith.constant 0 : index
        %parallel_loop3A_231 = tpu.vector_load %parallel_loop3A_228[%parallel_loop3A_229, %parallel_loop3A_230] {strides = array<i32>} : memref<128x128xf32, #tpu.memory_space<vmem>>, vector<16xf32>,
        tpu.vector_store %parallel_loop3A_228[%parallel_loop3A_229, %parallel_loop3A_230], %parallel_loop3A_224 {strides = array<i32>} : memref<128x128xf32, #tpu.memory_space<vmem>>, vector<16xf32>,
        %parallel_loop3A_232 = arith.constant 0 : i32
        %parallel_loop3A_233 = arith.constant 0 : i32
        %parallel_loop3A_234 = tpu.memref_slice %arg7[%scan3A_71, %parallel_loop3A_232, %parallel_loop3A_233] : memref<2x128x128xf32, #tpu.memory_space<vmem>> -> memref<1x128x128xf32, #tpu.memory_space<vmem>>
        %parallel_loop3A_235 = tpu.memref_squeeze %parallel_loop3A_234 : memref<1x128x128xf32, #tpu.memory_space<vmem>> -> memref<128x128xf32, #tpu.memory_space<vmem>>
        %parallel_loop3A_236 = arith.index_cast %parallel_loop3A_214 : i32 to index
        %parallel_loop3A_237 = arith.constant 16 : index
        %parallel_loop3A_238 = tpu.vector_load %parallel_loop3A_235[%parallel_loop3A_236, %parallel_loop3A_237] {strides = array<i32>} : memref<128x128xf32, #tpu.memory_space<vmem>>, vector<16xf32>,
        %parallel_loop3A_239 = arith.mulf %parallel_loop3A_238, %parallel_loop3A_216 : vector<16xf32>
        %parallel_loop3A_240 = arith.constant 0 : i32
        %parallel_loop3A_241 = arith.constant 0 : i32
        %parallel_loop3A_242 = tpu.memref_slice %arg7[%scan3A_71, %parallel_loop3A_240, %parallel_loop3A_241] : memref<2x128x128xf32, #tpu.memory_space<vmem>> -> memref<1x128x128xf32, #tpu.memory_space<vmem>>
        %parallel_loop3A_243 = tpu.memref_squeeze %parallel_loop3A_242 : memref<1x128x128xf32, #tpu.memory_space<vmem>> -> memref<128x128xf32, #tpu.memory_space<vmem>>
        %parallel_loop3A_244 = arith.index_cast %parallel_loop3A_214 : i32 to index
        %parallel_loop3A_245 = arith.constant 16 : index
        %parallel_loop3A_246 = tpu.vector_load %parallel_loop3A_243[%parallel_loop3A_244, %parallel_loop3A_245] {strides = array<i32>} : memref<128x128xf32, #tpu.memory_space<vmem>>, vector<16xf32>,
        tpu.vector_store %parallel_loop3A_243[%parallel_loop3A_244, %parallel_loop3A_245], %parallel_loop3A_239 {strides = array<i32>} : memref<128x128xf32, #tpu.memory_space<vmem>>, vector<16xf32>,
        %parallel_loop3A_247 = arith.constant 0 : i32
        %parallel_loop3A_248 = arith.constant 0 : i32
        %parallel_loop3A_249 = tpu.memref_slice %arg7[%scan3A_71, %parallel_loop3A_247, %parallel_loop3A_248] : memref<2x128x128xf32, #tpu.memory_space<vmem>> -> memref<1x128x128xf32, #tpu.memory_space<vmem>>
        %parallel_loop3A_250 = tpu.memref_squeeze %parallel_loop3A_249 : memref<1x128x128xf32, #tpu.memory_space<vmem>> -> memref<128x128xf32, #tpu.memory_space<vmem>>
        %parallel_loop3A_251 = arith.index_cast %parallel_loop3A_214 : i32 to index
        %parallel_loop3A_252 = arith.constant 32 : index
        %parallel_loop3A_253 = tpu.vector_load %parallel_loop3A_250[%parallel_loop3A_251, %parallel_loop3A_252] {strides = array<i32>} : memref<128x128xf32, #tpu.memory_space<vmem>>, vector<16xf32>,
        %parallel_loop3A_254 = arith.mulf %parallel_loop3A_253, %parallel_loop3A_216 : vector<16xf32>
        %parallel_loop3A_255 = arith.constant 0 : i32
        %parallel_loop3A_256 = arith.constant 0 : i32
        %parallel_loop3A_257 = tpu.memref_slice %arg7[%scan3A_71, %parallel_loop3A_255, %parallel_loop3A_256] : memref<2x128x128xf32, #tpu.memory_space<vmem>> -> memref<1x128x128xf32, #tpu.memory_space<vmem>>
        %parallel_loop3A_258 = tpu.memref_squeeze %parallel_loop3A_257 : memref<1x128x128xf32, #tpu.memory_space<vmem>> -> memref<128x128xf32, #tpu.memory_space<vmem>>
        %parallel_loop3A_259 = arith.index_cast %parallel_loop3A_214 : i32 to index
        %parallel_loop3A_260 = arith.constant 32 : index
        %parallel_loop3A_261 = tpu.vector_load %parallel_loop3A_258[%parallel_loop3A_259, %parallel_loop3A_260] {strides = array<i32>} : memref<128x128xf32, #tpu.memory_space<vmem>>, vector<16xf32>,
        tpu.vector_store %parallel_loop3A_258[%parallel_loop3A_259, %parallel_loop3A_260], %parallel_loop3A_254 {strides = array<i32>} : memref<128x128xf32, #tpu.memory_space<vmem>>, vector<16xf32>,
        %parallel_loop3A_262 = arith.constant 0 : i32
        %parallel_loop3A_263 = arith.constant 0 : i32
        %parallel_loop3A_264 = tpu.memref_slice %arg7[%scan3A_71, %parallel_loop3A_262, %parallel_loop3A_263] : memref<2x128x128xf32, #tpu.memory_space<vmem>> -> memref<1x128x128xf32, #tpu.memory_space<vmem>>
        %parallel_loop3A_265 = tpu.memref_squeeze %parallel_loop3A_264 : memref<1x128x128xf32, #tpu.memory_space<vmem>> -> memref<128x128xf32, #tpu.memory_space<vmem>>
        %parallel_loop3A_266 = arith.index_cast %parallel_loop3A_214 : i32 to index
        %parallel_loop3A_267 = arith.constant 48 : index
        %parallel_loop3A_268 = tpu.vector_load %parallel_loop3A_265[%parallel_loop3A_266, %parallel_loop3A_267] {strides = array<i32>} : memref<128x128xf32, #tpu.memory_space<vmem>>, vector<16xf32>,
        %parallel_loop3A_269 = arith.mulf %parallel_loop3A_268, %parallel_loop3A_216 : vector<16xf32>
        %parallel_loop3A_270 = arith.constant 0 : i32
        %parallel_loop3A_271 = arith.constant 0 : i32
        %parallel_loop3A_272 = tpu.memref_slice %arg7[%scan3A_71, %parallel_loop3A_270, %parallel_loop3A_271] : memref<2x128x128xf32, #tpu.memory_space<vmem>> -> memref<1x128x128xf32, #tpu.memory_space<vmem>>
        %parallel_loop3A_273 = tpu.memref_squeeze %parallel_loop3A_272 : memref<1x128x128xf32, #tpu.memory_space<vmem>> -> memref<128x128xf32, #tpu.memory_space<vmem>>
        %parallel_loop3A_274 = arith.index_cast %parallel_loop3A_214 : i32 to index
        %parallel_loop3A_275 = arith.constant 48 : index
        %parallel_loop3A_276 = tpu.vector_load %parallel_loop3A_273[%parallel_loop3A_274, %parallel_loop3A_275] {strides = array<i32>} : memref<128x128xf32, #tpu.memory_space<vmem>>, vector<16xf32>,
        tpu.vector_store %parallel_loop3A_273[%parallel_loop3A_274, %parallel_loop3A_275], %parallel_loop3A_269 {strides = array<i32>} : memref<128x128xf32, #tpu.memory_space<vmem>>, vector<16xf32>,
        %parallel_loop3A_277 = arith.constant 0 : i32
        %parallel_loop3A_278 = arith.constant 0 : i32
        %parallel_loop3A_279 = tpu.memref_slice %arg7[%scan3A_71, %parallel_loop3A_277, %parallel_loop3A_278] : memref<2x128x128xf32, #tpu.memory_space<vmem>> -> memref<1x128x128xf32, #tpu.memory_space<vmem>>
        %parallel_loop3A_280 = tpu.memref_squeeze %parallel_loop3A_279 : memref<1x128x128xf32, #tpu.memory_space<vmem>> -> memref<128x128xf32, #tpu.memory_space<vmem>>
        %parallel_loop3A_281 = arith.index_cast %parallel_loop3A_214 : i32 to index
        %parallel_loop3A_282 = arith.constant 64 : index
        %parallel_loop3A_283 = tpu.vector_load %parallel_loop3A_280[%parallel_loop3A_281, %parallel_loop3A_282] {strides = array<i32>} : memref<128x128xf32, #tpu.memory_space<vmem>>, vector<16xf32>,
        %parallel_loop3A_284 = arith.mulf %parallel_loop3A_283, %parallel_loop3A_216 : vector<16xf32>
        %parallel_loop3A_285 = arith.constant 0 : i32
        %parallel_loop3A_286 = arith.constant 0 : i32
        %parallel_loop3A_287 = tpu.memref_slice %arg7[%scan3A_71, %parallel_loop3A_285, %parallel_loop3A_286] : memref<2x128x128xf32, #tpu.memory_space<vmem>> -> memref<1x128x128xf32, #tpu.memory_space<vmem>>
        %parallel_loop3A_288 = tpu.memref_squeeze %parallel_loop3A_287 : memref<1x128x128xf32, #tpu.memory_space<vmem>> -> memref<128x128xf32, #tpu.memory_space<vmem>>
        %parallel_loop3A_289 = arith.index_cast %parallel_loop3A_214 : i32 to index
        %parallel_loop3A_290 = arith.constant 64 : index
        %parallel_loop3A_291 = tpu.vector_load %parallel_loop3A_288[%parallel_loop3A_289, %parallel_loop3A_290] {strides = array<i32>} : memref<128x128xf32, #tpu.memory_space<vmem>>, vector<16xf32>,
        tpu.vector_store %parallel_loop3A_288[%parallel_loop3A_289, %parallel_loop3A_290], %parallel_loop3A_284 {strides = array<i32>} : memref<128x128xf32, #tpu.memory_space<vmem>>, vector<16xf32>,
        %parallel_loop3A_292 = arith.constant 0 : i32
        %parallel_loop3A_293 = arith.constant 0 : i32
        %parallel_loop3A_294 = tpu.memref_slice %arg7[%scan3A_71, %parallel_loop3A_292, %parallel_loop3A_293] : memref<2x128x128xf32, #tpu.memory_space<vmem>> -> memref<1x128x128xf32, #tpu.memory_space<vmem>>
        %parallel_loop3A_295 = tpu.memref_squeeze %parallel_loop3A_294 : memref<1x128x128xf32, #tpu.memory_space<vmem>> -> memref<128x128xf32, #tpu.memory_space<vmem>>
        %parallel_loop3A_296 = arith.index_cast %parallel_loop3A_214 : i32 to index
        %parallel_loop3A_297 = arith.constant 80 : index
        %parallel_loop3A_298 = tpu.vector_load %parallel_loop3A_295[%parallel_loop3A_296, %parallel_loop3A_297] {strides = array<i32>} : memref<128x128xf32, #tpu.memory_space<vmem>>, vector<16xf32>,
        %parallel_loop3A_299 = arith.mulf %parallel_loop3A_298, %parallel_loop3A_216 : vector<16xf32>
        %parallel_loop3A_300 = arith.constant 0 : i32
        %parallel_loop3A_301 = arith.constant 0 : i32
        %parallel_loop3A_302 = tpu.memref_slice %arg7[%scan3A_71, %parallel_loop3A_300, %parallel_loop3A_301] : memref<2x128x128xf32, #tpu.memory_space<vmem>> -> memref<1x128x128xf32, #tpu.memory_space<vmem>>
        %parallel_loop3A_303 = tpu.memref_squeeze %parallel_loop3A_302 : memref<1x128x128xf32, #tpu.memory_space<vmem>> -> memref<128x128xf32, #tpu.memory_space<vmem>>
        %parallel_loop3A_304 = arith.index_cast %parallel_loop3A_214 : i32 to index
        %parallel_loop3A_305 = arith.constant 80 : index
        %parallel_loop3A_306 = tpu.vector_load %parallel_loop3A_303[%parallel_loop3A_304, %parallel_loop3A_305] {strides = array<i32>} : memref<128x128xf32, #tpu.memory_space<vmem>>, vector<16xf32>,
        tpu.vector_store %parallel_loop3A_303[%parallel_loop3A_304, %parallel_loop3A_305], %parallel_loop3A_299 {strides = array<i32>} : memref<128x128xf32, #tpu.memory_space<vmem>>, vector<16xf32>,
        %parallel_loop3A_307 = arith.constant 0 : i32
        %parallel_loop3A_308 = arith.constant 0 : i32
        %parallel_loop3A_309 = tpu.memref_slice %arg7[%scan3A_71, %parallel_loop3A_307, %parallel_loop3A_308] : memref<2x128x128xf32, #tpu.memory_space<vmem>> -> memref<1x128x128xf32, #tpu.memory_space<vmem>>
        %parallel_loop3A_310 = tpu.memref_squeeze %parallel_loop3A_309 : memref<1x128x128xf32, #tpu.memory_space<vmem>> -> memref<128x128xf32, #tpu.memory_space<vmem>>
        %parallel_loop3A_311 = arith.index_cast %parallel_loop3A_214 : i32 to index
        %parallel_loop3A_312 = arith.constant 96 : index
        %parallel_loop3A_313 = tpu.vector_load %parallel_loop3A_310[%parallel_loop3A_311, %parallel_loop3A_312] {strides = array<i32>} : memref<128x128xf32, #tpu.memory_space<vmem>>, vector<16xf32>,
        %parallel_loop3A_314 = arith.mulf %parallel_loop3A_313, %parallel_loop3A_216 : vector<16xf32>
        %parallel_loop3A_315 = arith.constant 0 : i32
        %parallel_loop3A_316 = arith.constant 0 : i32
        %parallel_loop3A_317 = tpu.memref_slice %arg7[%scan3A_71, %parallel_loop3A_315, %parallel_loop3A_316] : memref<2x128x128xf32, #tpu.memory_space<vmem>> -> memref<1x128x128xf32, #tpu.memory_space<vmem>>
        %parallel_loop3A_318 = tpu.memref_squeeze %parallel_loop3A_317 : memref<1x128x128xf32, #tpu.memory_space<vmem>> -> memref<128x128xf32, #tpu.memory_space<vmem>>
        %parallel_loop3A_319 = arith.index_cast %parallel_loop3A_214 : i32 to index
        %parallel_loop3A_320 = arith.constant 96 : index
        %parallel_loop3A_321 = tpu.vector_load %parallel_loop3A_318[%parallel_loop3A_319, %parallel_loop3A_320] {strides = array<i32>} : memref<128x128xf32, #tpu.memory_space<vmem>>, vector<16xf32>,
        tpu.vector_store %parallel_loop3A_318[%parallel_loop3A_319, %parallel_loop3A_320], %parallel_loop3A_314 {strides = array<i32>} : memref<128x128xf32, #tpu.memory_space<vmem>>, vector<16xf32>,
        %parallel_loop3A_322 = arith.constant 0 : i32
        %parallel_loop3A_323 = arith.constant 0 : i32
        %parallel_loop3A_324 = tpu.memref_slice %arg7[%scan3A_71, %parallel_loop3A_322, %parallel_loop3A_323] : memref<2x128x128xf32, #tpu.memory_space<vmem>> -> memref<1x128x128xf32, #tpu.memory_space<vmem>>
        %parallel_loop3A_325 = tpu.memref_squeeze %parallel_loop3A_324 : memref<1x128x128xf32, #tpu.memory_space<vmem>> -> memref<128x128xf32, #tpu.memory_space<vmem>>
        %parallel_loop3A_326 = arith.index_cast %parallel_loop3A_214 : i32 to index
        %parallel_loop3A_327 = arith.constant 112 : index
        %parallel_loop3A_328 = tpu.vector_load %parallel_loop3A_325[%parallel_loop3A_326, %parallel_loop3A_327] {strides = array<i32>} : memref<128x128xf32, #tpu.memory_space<vmem>>, vector<16xf32>,
        %parallel_loop3A_329 = arith.mulf %parallel_loop3A_328, %parallel_loop3A_216 : vector<16xf32>
        %parallel_loop3A_330 = arith.constant 0 : i32
        %parallel_loop3A_331 = arith.constant 0 : i32
        %parallel_loop3A_332 = tpu.memref_slice %arg7[%scan3A_71, %parallel_loop3A_330, %parallel_loop3A_331] : memref<2x128x128xf32, #tpu.memory_space<vmem>> -> memref<1x128x128xf32, #tpu.memory_space<vmem>>
        %parallel_loop3A_333 = tpu.memref_squeeze %parallel_loop3A_332 : memref<1x128x128xf32, #tpu.memory_space<vmem>> -> memref<128x128xf32, #tpu.memory_space<vmem>>
        %parallel_loop3A_334 = arith.index_cast %parallel_loop3A_214 : i32 to index
        %parallel_loop3A_335 = arith.constant 112 : index
        %parallel_loop3A_336 = tpu.vector_load %parallel_loop3A_333[%parallel_loop3A_334, %parallel_loop3A_335] {strides = array<i32>} : memref<128x128xf32, #tpu.memory_space<vmem>>, vector<16xf32>,
        tpu.vector_store %parallel_loop3A_333[%parallel_loop3A_334, %parallel_loop3A_335], %parallel_loop3A_329 {strides = array<i32>} : memref<128x128xf32, #tpu.memory_space<vmem>>, vector<16xf32>,
      } {sc.loop_unroll_factor = 4 : i64, sc.parallel_access}
      %dma_start3A_141 = arith.constant 0 : i32
      %dma_start3A_142 = arith.constant 0 : i32
      %dma_start3A_143 = arith.constant 0 : i32
      %dma_start3A_144 = tpu.memref_slice %arg7[%scan3A_71, %dma_start3A_142, %dma_start3A_143] : memref<2x128x128xf32, #tpu.memory_space<vmem>> -> memref<1x128x128xf32, #tpu.memory_space<vmem>>
      %dma_start3A_145 = tpu.memref_squeeze %dma_start3A_144 : memref<1x128x128xf32, #tpu.memory_space<vmem>> -> memref<128x128xf32, #tpu.memory_space<vmem>>
      %dma_start3A_146 = arith.constant 0 : i32
      %dma_start3A_147 = tpu.memref_slice %arg11[%dma_start3A_141, %dma_start3A_146] : memref<1x128xi32, #tpu.memory_space<vmem>> -> memref<1x128xi32, #tpu.memory_space<vmem>>
      %dma_start3A_148 = tpu.memref_squeeze %dma_start3A_147 : memref<1x128xi32, #tpu.memory_space<vmem>> -> memref<128xi32, #tpu.memory_space<vmem>>
      %dma_start3A_149 = arith.constant 0 : i32
      %dma_start3A_150 = arith.constant 0 : i32
      %dma_start3A_151 = tpu.memref_slice %arg13[%dma_start3A_149, %dma_start3A_150] : memref<10112x128xf32, #tpu.memory_space<vmem_shared>> -> memref<10112x128xf32, #tpu.memory_space<vmem_shared>>
      tpu.enqueue_indirect_dma source(%dma_start3A_145 : memref<128x128xf32, #tpu.memory_space<vmem>>) target(%dma_start3A_151 : memref<10112x128xf32, #tpu.memory_space<vmem_shared>>) offsets(%dma_start3A_148 : memref<128xi32, #tpu.memory_space<vmem>>) semaphore(%arg16 : memref<!tpu.dma_semaphore, #tpu.memory_space<semaphore_mem>>) {add = true}
      %mul3A_152 = arith.constant 2 : i32
      %mul3A_153 = arith.muli %mul3A_152, %scan3A_96 : i32
      %add3A_154 = arith.constant 1 : i32
      %add3A_155 = arith.addi %mul3A_153, %add3A_154 : i32
      %dma_wait3A_156 = arith.constant 0 : i32
      %dma_wait3A_157 = arith.constant 0 : i32
      %dma_wait3A_158 = tpu.memref_slice %arg7[%scan3A_72, %dma_wait3A_156, %dma_wait3A_157] : memref<2x128x128xf32, #tpu.memory_space<vmem>> -> memref<1x128x128xf32, #tpu.memory_space<vmem>>
      %dma_wait3A_159 = tpu.memref_squeeze %dma_wait3A_158 : memref<1x128x128xf32, #tpu.memory_space<vmem>> -> memref<128x128xf32, #tpu.memory_space<vmem>>
      %dma_wait3A_160 = arith.constant 0 : i32
      %dma_wait3A_161 = tpu.memref_slice %arg8[%add3A_155, %dma_wait3A_160] : memref<80x128xi32, #tpu.memory_space<vmem>> -> memref<1x128xi32, #tpu.memory_space<vmem>>
      %dma_wait3A_162 = tpu.memref_squeeze %dma_wait3A_161 : memref<1x128xi32, #tpu.memory_space<vmem>> -> memref<128xi32, #tpu.memory_space<vmem>>
      %dma_wait3A_163 = arith.constant 0 : i32
      %dma_wait3A_164 = arith.constant 0 : i32
      %dma_wait3A_165 = tpu.memref_slice %arg2[%dma_wait3A_163, %dma_wait3A_164] : memref<10000x128xf32, #tpu.memory_space<hbm>> -> memref<10000x128xf32, #tpu.memory_space<hbm>>
      tpu.wait_indirect_dma semaphore(%arg15 : memref<!tpu.dma_semaphore, #tpu.memory_space<semaphore_mem>>) src(%dma_wait3A_165 : memref<10000x128xf32, #tpu.memory_space<hbm>>) dst(%dma_wait3A_159 : memref<128x128xf32, #tpu.memory_space<vmem>>)
      %dma_wait3A_166 = arith.constant 0 : i32
      %dma_wait3A_167 = arith.constant 0 : i32
      %dma_wait3A_168 = tpu.memref_slice %arg5[%dma_wait3A_166, %dma_wait3A_167] : memref<2560x128xf32, #tpu.memory_space<hbm>> -> memref<1x128xf32, #tpu.memory_space<hbm>>
      %dma_wait3A_169 = tpu.memref_squeeze %dma_wait3A_168 : memref<1x128xf32, #tpu.memory_space<hbm>> -> memref<128xf32, #tpu.memory_space<hbm>>
      %dma_wait3A_170 = arith.constant 0 : i32
      %dma_wait3A_171 = tpu.memref_slice %arg5[%dma_wait3A_166, %dma_wait3A_170] : memref<2560x128xf32, #tpu.memory_space<hbm>> -> memref<1x128xf32, #tpu.memory_space<hbm>>
      %dma_wait3A_172 = tpu.memref_squeeze %dma_wait3A_171 : memref<1x128xf32, #tpu.memory_space<hbm>> -> memref<128xf32, #tpu.memory_space<hbm>>
      tpu.wait_dma2 semaphore(%arg15 : memref<!tpu.dma_semaphore, #tpu.memory_space<semaphore_mem>>) src(%dma_wait3A_172 : memref<128xf32, #tpu.memory_space<hbm>>) dst(%arg10 : memref<128xf32, #tpu.memory_space<vmem>>)
      %dma_wait3A_173 = arith.constant 0 : i32
      %dma_wait3A_174 = arith.constant 0 : i32
      %dma_wait3A_175 = arith.constant 0 : i32
      %dma_wait3A_176 = tpu.memref_slice %arg12[%dma_wait3A_174, %dma_wait3A_175] : memref<1x128xi32, #tpu.memory_space<vmem>> -> memref<1x128xi32, #tpu.memory_space<vmem>>
      %dma_wait3A_177 = tpu.memref_squeeze %dma_wait3A_176 : memref<1x128xi32, #tpu.memory_space<vmem>> -> memref<128xi32, #tpu.memory_space<vmem>>
      %dma_wait3A_178 = arith.constant 0 : i32
      %dma_wait3A_179 = tpu.memref_slice %arg4[%dma_wait3A_173, %dma_wait3A_178] : memref<2560x128xi32, #tpu.memory_space<hbm>> -> memref<1x128xi32, #tpu.memory_space<hbm>>
      %dma_wait3A_180 = tpu.memref_squeeze %dma_wait3A_179 : memref<1x128xi32, #tpu.memory_space<hbm>> -> memref<128xi32, #tpu.memory_space<hbm>>
      %dma_wait3A_181 = arith.constant 0 : i32
      %dma_wait3A_182 = tpu.memref_slice %arg12[%dma_wait3A_174, %dma_wait3A_181] : memref<1x128xi32, #tpu.memory_space<vmem>> -> memref<1x128xi32, #tpu.memory_space<vmem>>
      %dma_wait3A_183 = tpu.memref_squeeze %dma_wait3A_182 : memref<1x128xi32, #tpu.memory_space<vmem>> -> memref<128xi32, #tpu.memory_space<vmem>>
      %dma_wait3A_184 = arith.constant 0 : i32
      %dma_wait3A_185 = tpu.memref_slice %arg4[%dma_wait3A_173, %dma_wait3A_184] : memref<2560x128xi32, #tpu.memory_space<hbm>> -> memref<1x128xi32, #tpu.memory_space<hbm>>
      %dma_wait3A_186 = tpu.memref_squeeze %dma_wait3A_185 : memref<1x128xi32, #tpu.memory_space<hbm>> -> memref<128xi32, #tpu.memory_space<hbm>>
      tpu.wait_dma2 semaphore(%arg15 : memref<!tpu.dma_semaphore, #tpu.memory_space<semaphore_mem>>) src(%dma_wait3A_186 : memref<128xi32, #tpu.memory_space<hbm>>) dst(%dma_wait3A_183 : memref<128xi32, #tpu.memory_space<vmem>>)
      %ge3A_187 = arith.constant 1 : i32
      %ge3A_188 = arith.cmpi sge, %add3A_155, %ge3A_187 : i32
      %convert_element_type3A_189 = arith.extui %ge3A_188 : i1 to i32
      %cond3A_190 = arith.constant 0 : i32
      %cond3A_191 = arith.cmpi ne, %convert_element_type3A_189, %cond3A_190 : i32
      scf.if %cond3A_191 {
        %dma_wait3A_214 = arith.constant 0 : i32
        %dma_wait3A_215 = arith.constant 0 : i32
        %dma_wait3A_216 = arith.constant 0 : i32
        %dma_wait3A_217 = tpu.memref_slice %arg7[%scan3A_71, %dma_wait3A_215, %dma_wait3A_216] : memref<2x128x128xf32, #tpu.memory_space<vmem>> -> memref<1x128x128xf32, #tpu.memory_space<vmem>>
        %dma_wait3A_218 = tpu.memref_squeeze %dma_wait3A_217 : memref<1x128x128xf32, #tpu.memory_space<vmem>> -> memref<128x128xf32, #tpu.memory_space<vmem>>
        %dma_wait3A_219 = arith.constant 0 : i32
        %dma_wait3A_220 = tpu.memref_slice %arg11[%dma_wait3A_214, %dma_wait3A_219] : memref<1x128xi32, #tpu.memory_space<vmem>> -> memref<1x128xi32, #tpu.memory_space<vmem>>
        %dma_wait3A_221 = tpu.memref_squeeze %dma_wait3A_220 : memref<1x128xi32, #tpu.memory_space<vmem>> -> memref<128xi32, #tpu.memory_space<vmem>>
        %dma_wait3A_222 = arith.constant 0 : i32
        %dma_wait3A_223 = arith.constant 0 : i32
        %dma_wait3A_224 = tpu.memref_slice %arg13[%dma_wait3A_222, %dma_wait3A_223] : memref<10112x128xf32, #tpu.memory_space<vmem_shared>> -> memref<10112x128xf32, #tpu.memory_space<vmem_shared>>
        tpu.wait_indirect_dma semaphore(%arg16 : memref<!tpu.dma_semaphore, #tpu.memory_space<semaphore_mem>>) src(%dma_wait3A_218 : memref<128x128xf32, #tpu.memory_space<vmem>>) dst(%dma_wait3A_224 : memref<10112x128xf32, #tpu.memory_space<vmem_shared>>)
      } else {
      }
      %add3A_192 = arith.constant 1 : i32
      %add3A_193 = arith.addi %add3A_155, %add3A_192 : i32
      %lt3A_194 = arith.constant 80 : i32
      %lt3A_195 = arith.cmpi slt, %add3A_193, %lt3A_194 : i32
      %convert_element_type3A_196 = arith.extui %lt3A_195 : i1 to i32
      %cond3A_197 = arith.constant 0 : i32
      %cond3A_198 = arith.cmpi ne, %convert_element_type3A_196, %cond3A_197 : i32
      scf.if %cond3A_198 {
        %add3A_214 = arith.constant 1 : i32
        %add3A_215 = arith.addi %add3A_155, %add3A_214 : i32
        %dma_start3A_216 = arith.constant 0 : i32
        %dma_start3A_217 = arith.constant 0 : i32
        %dma_start3A_218 = tpu.memref_slice %arg7[%scan3A_71, %dma_start3A_216, %dma_start3A_217] : memref<2x128x128xf32, #tpu.memory_space<vmem>> -> memref<1x128x128xf32, #tpu.memory_space<vmem>>
        %dma_start3A_219 = tpu.memref_squeeze %dma_start3A_218 : memref<1x128x128xf32, #tpu.memory_space<vmem>> -> memref<128x128xf32, #tpu.memory_space<vmem>>
        %dma_start3A_220 = arith.constant 0 : i32
        %dma_start3A_221 = tpu.memref_slice %arg8[%add3A_215, %dma_start3A_220] : memref<80x128xi32, #tpu.memory_space<vmem>> -> memref<1x128xi32, #tpu.memory_space<vmem>>
        %dma_start3A_222 = tpu.memref_squeeze %dma_start3A_221 : memref<1x128xi32, #tpu.memory_space<vmem>> -> memref<128xi32, #tpu.memory_space<vmem>>
        %dma_start3A_223 = arith.constant 0 : i32
        %dma_start3A_224 = arith.constant 0 : i32
        %dma_start3A_225 = tpu.memref_slice %arg2[%dma_start3A_223, %dma_start3A_224] : memref<10000x128xf32, #tpu.memory_space<hbm>> -> memref<10000x128xf32, #tpu.memory_space<hbm>>
        tpu.enqueue_indirect_dma source(%dma_start3A_225 : memref<10000x128xf32, #tpu.memory_space<hbm>>) target(%dma_start3A_219 : memref<128x128xf32, #tpu.memory_space<vmem>>) offsets(%dma_start3A_222 : memref<128xi32, #tpu.memory_space<vmem>>) semaphore(%arg14 : memref<!tpu.dma_semaphore, #tpu.memory_space<semaphore_mem>>)
        %mul3A_226 = arith.constant 80 : i32
        %mul3A_227 = arith.muli %add3A, %mul3A_226 : i32
        %add3A_228 = arith.addi %mul3A_227, %add3A_215 : i32
        %dma_start3A_229 = arith.constant 0 : i32
        %dma_start3A_230 = tpu.memref_slice %arg5[%add3A_228, %dma_start3A_229] : memref<2560x128xf32, #tpu.memory_space<hbm>> -> memref<1x128xf32, #tpu.memory_space<hbm>>
        %dma_start3A_231 = tpu.memref_squeeze %dma_start3A_230 : memref<1x128xf32, #tpu.memory_space<hbm>> -> memref<128xf32, #tpu.memory_space<hbm>>
        %dma_start3A_232 = arith.constant 0 : i32
        %dma_start3A_233 = tpu.memref_slice %arg5[%add3A_228, %dma_start3A_232] : memref<2560x128xf32, #tpu.memory_space<hbm>> -> memref<1x128xf32, #tpu.memory_space<hbm>>
        %dma_start3A_234 = tpu.memref_squeeze %dma_start3A_233 : memref<1x128xf32, #tpu.memory_space<hbm>> -> memref<128xf32, #tpu.memory_space<hbm>>
        tpu.enqueue_dma source(%dma_start3A_234 : memref<128xf32, #tpu.memory_space<hbm>>) target(%arg9 : memref<128xf32, #tpu.memory_space<vmem>>) target_semaphore(%arg14 : memref<!tpu.dma_semaphore, #tpu.memory_space<semaphore_mem>>)
        %mul3A_235 = arith.constant 80 : i32
        %mul3A_236 = arith.muli %add3A, %mul3A_235 : i32
        %add3A_237 = arith.addi %mul3A_236, %add3A_215 : i32
        %dma_start3A_238 = arith.constant 0 : i32
        %dma_start3A_239 = arith.constant 0 : i32
        %dma_start3A_240 = tpu.memref_slice %arg11[%dma_start3A_238, %dma_start3A_239] : memref<1x128xi32, #tpu.memory_space<vmem>> -> memref<1x128xi32, #tpu.memory_space<vmem>>
        %dma_start3A_241 = tpu.memref_squeeze %dma_start3A_240 : memref<1x128xi32, #tpu.memory_space<vmem>> -> memref<128xi32, #tpu.memory_space<vmem>>
        %dma_start3A_242 = arith.constant 0 : i32
        %dma_start3A_243 = tpu.memref_slice %arg4[%add3A_237, %dma_start3A_242] : memref<2560x128xi32, #tpu.memory_space<hbm>> -> memref<1x128xi32, #tpu.memory_space<hbm>>
        %dma_start3A_244 = tpu.memref_squeeze %dma_start3A_243 : memref<1x128xi32, #tpu.memory_space<hbm>> -> memref<128xi32, #tpu.memory_space<hbm>>
        %dma_start3A_245 = arith.constant 0 : i32
        %dma_start3A_246 = tpu.memref_slice %arg11[%dma_start3A_238, %dma_start3A_245] : memref<1x128xi32, #tpu.memory_space<vmem>> -> memref<1x128xi32, #tpu.memory_space<vmem>>
        %dma_start3A_247 = tpu.memref_squeeze %dma_start3A_246 : memref<1x128xi32, #tpu.memory_space<vmem>> -> memref<128xi32, #tpu.memory_space<vmem>>
        %dma_start3A_248 = arith.constant 0 : i32
        %dma_start3A_249 = tpu.memref_slice %arg4[%add3A_237, %dma_start3A_248] : memref<2560x128xi32, #tpu.memory_space<hbm>> -> memref<1x128xi32, #tpu.memory_space<hbm>>
        %dma_start3A_250 = tpu.memref_squeeze %dma_start3A_249 : memref<1x128xi32, #tpu.memory_space<hbm>> -> memref<128xi32, #tpu.memory_space<hbm>>
        tpu.enqueue_dma source(%dma_start3A_250 : memref<128xi32, #tpu.memory_space<hbm>>) target(%dma_start3A_247 : memref<128xi32, #tpu.memory_space<vmem>>) target_semaphore(%arg14 : memref<!tpu.dma_semaphore, #tpu.memory_space<semaphore_mem>>)
      } else {
      }
      %parallel_loop3A_199 = arith.constant 0 : i32
      %parallel_loop3A_200 = arith.constant 128 : i32
      %parallel_loop3A_201 = arith.constant 1 : i32
      scf.for %parallel_loop3A_214 = %parallel_loop3A_199 to %parallel_loop3A_200 step %parallel_loop3A_201  : i32 {
        %parallel_loop3A_215 = vector.broadcast %parallel_loop3A_214 : i32 to vector<16xi32>
        %parallel_loop3A_216 = tpu.vector_load_idx %arg10[%parallel_loop3A_215] : memref<128xf32, #tpu.memory_space<vmem>>[vector<16xi32>], vector<16xf32>,
        %parallel_loop3A_217 = arith.constant 0 : i32
        %parallel_loop3A_218 = arith.constant 0 : i32
        %parallel_loop3A_219 = tpu.memref_slice %arg7[%scan3A_72, %parallel_loop3A_217, %parallel_loop3A_218] : memref<2x128x128xf32, #tpu.memory_space<vmem>> -> memref<1x128x128xf32, #tpu.memory_space<vmem>>
        %parallel_loop3A_220 = tpu.memref_squeeze %parallel_loop3A_219 : memref<1x128x128xf32, #tpu.memory_space<vmem>> -> memref<128x128xf32, #tpu.memory_space<vmem>>
        %parallel_loop3A_221 = arith.index_cast %parallel_loop3A_214 : i32 to index
        %parallel_loop3A_222 = arith.constant 0 : index
        %parallel_loop3A_223 = tpu.vector_load %parallel_loop3A_220[%parallel_loop3A_221, %parallel_loop3A_222] {strides = array<i32>} : memref<128x128xf32, #tpu.memory_space<vmem>>, vector<16xf32>,
        %parallel_loop3A_224 = arith.mulf %parallel_loop3A_223, %parallel_loop3A_216 : vector<16xf32>
        %parallel_loop3A_225 = arith.constant 0 : i32
        %parallel_loop3A_226 = arith.constant 0 : i32
        %parallel_loop3A_227 = tpu.memref_slice %arg7[%scan3A_72, %parallel_loop3A_225, %parallel_loop3A_226] : memref<2x128x128xf32, #tpu.memory_space<vmem>> -> memref<1x128x128xf32, #tpu.memory_space<vmem>>
        %parallel_loop3A_228 = tpu.memref_squeeze %parallel_loop3A_227 : memref<1x128x128xf32, #tpu.memory_space<vmem>> -> memref<128x128xf32, #tpu.memory_space<vmem>>
        %parallel_loop3A_229 = arith.index_cast %parallel_loop3A_214 : i32 to index
        %parallel_loop3A_230 = arith.constant 0 : index
        %parallel_loop3A_231 = tpu.vector_load %parallel_loop3A_228[%parallel_loop3A_229, %parallel_loop3A_230] {strides = array<i32>} : memref<128x128xf32, #tpu.memory_space<vmem>>, vector<16xf32>,
        tpu.vector_store %parallel_loop3A_228[%parallel_loop3A_229, %parallel_loop3A_230], %parallel_loop3A_224 {strides = array<i32>} : memref<128x128xf32, #tpu.memory_space<vmem>>, vector<16xf32>,
        %parallel_loop3A_232 = arith.constant 0 : i32
        %parallel_loop3A_233 = arith.constant 0 : i32
        %parallel_loop3A_234 = tpu.memref_slice %arg7[%scan3A_72, %parallel_loop3A_232, %parallel_loop3A_233] : memref<2x128x128xf32, #tpu.memory_space<vmem>> -> memref<1x128x128xf32, #tpu.memory_space<vmem>>
        %parallel_loop3A_235 = tpu.memref_squeeze %parallel_loop3A_234 : memref<1x128x128xf32, #tpu.memory_space<vmem>> -> memref<128x128xf32, #tpu.memory_space<vmem>>
        %parallel_loop3A_236 = arith.index_cast %parallel_loop3A_214 : i32 to index
        %parallel_loop3A_237 = arith.constant 16 : index
        %parallel_loop3A_238 = tpu.vector_load %parallel_loop3A_235[%parallel_loop3A_236, %parallel_loop3A_237] {strides = array<i32>} : memref<128x128xf32, #tpu.memory_space<vmem>>, vector<16xf32>,
        %parallel_loop3A_239 = arith.mulf %parallel_loop3A_238, %parallel_loop3A_216 : vector<16xf32>
        %parallel_loop3A_240 = arith.constant 0 : i32
        %parallel_loop3A_241 = arith.constant 0 : i32
        %parallel_loop3A_242 = tpu.memref_slice %arg7[%scan3A_72, %parallel_loop3A_240, %parallel_loop3A_241] : memref<2x128x128xf32, #tpu.memory_space<vmem>> -> memref<1x128x128xf32, #tpu.memory_space<vmem>>
        %parallel_loop3A_243 = tpu.memref_squeeze %parallel_loop3A_242 : memref<1x128x128xf32, #tpu.memory_space<vmem>> -> memref<128x128xf32, #tpu.memory_space<vmem>>
        %parallel_loop3A_244 = arith.index_cast %parallel_loop3A_214 : i32 to index
        %parallel_loop3A_245 = arith.constant 16 : index
        %parallel_loop3A_246 = tpu.vector_load %parallel_loop3A_243[%parallel_loop3A_244, %parallel_loop3A_245] {strides = array<i32>} : memref<128x128xf32, #tpu.memory_space<vmem>>, vector<16xf32>,
        tpu.vector_store %parallel_loop3A_243[%parallel_loop3A_244, %parallel_loop3A_245], %parallel_loop3A_239 {strides = array<i32>} : memref<128x128xf32, #tpu.memory_space<vmem>>, vector<16xf32>,
        %parallel_loop3A_247 = arith.constant 0 : i32
        %parallel_loop3A_248 = arith.constant 0 : i32
        %parallel_loop3A_249 = tpu.memref_slice %arg7[%scan3A_72, %parallel_loop3A_247, %parallel_loop3A_248] : memref<2x128x128xf32, #tpu.memory_space<vmem>> -> memref<1x128x128xf32, #tpu.memory_space<vmem>>
        %parallel_loop3A_250 = tpu.memref_squeeze %parallel_loop3A_249 : memref<1x128x128xf32, #tpu.memory_space<vmem>> -> memref<128x128xf32, #tpu.memory_space<vmem>>
        %parallel_loop3A_251 = arith.index_cast %parallel_loop3A_214 : i32 to index
        %parallel_loop3A_252 = arith.constant 32 : index
        %parallel_loop3A_253 = tpu.vector_load %parallel_loop3A_250[%parallel_loop3A_251, %parallel_loop3A_252] {strides = array<i32>} : memref<128x128xf32, #tpu.memory_space<vmem>>, vector<16xf32>,
        %parallel_loop3A_254 = arith.mulf %parallel_loop3A_253, %parallel_loop3A_216 : vector<16xf32>
        %parallel_loop3A_255 = arith.constant 0 : i32
        %parallel_loop3A_256 = arith.constant 0 : i32
        %parallel_loop3A_257 = tpu.memref_slice %arg7[%scan3A_72, %parallel_loop3A_255, %parallel_loop3A_256] : memref<2x128x128xf32, #tpu.memory_space<vmem>> -> memref<1x128x128xf32, #tpu.memory_space<vmem>>
        %parallel_loop3A_258 = tpu.memref_squeeze %parallel_loop3A_257 : memref<1x128x128xf32, #tpu.memory_space<vmem>> -> memref<128x128xf32, #tpu.memory_space<vmem>>
        %parallel_loop3A_259 = arith.index_cast %parallel_loop3A_214 : i32 to index
        %parallel_loop3A_260 = arith.constant 32 : index
        %parallel_loop3A_261 = tpu.vector_load %parallel_loop3A_258[%parallel_loop3A_259, %parallel_loop3A_260] {strides = array<i32>} : memref<128x128xf32, #tpu.memory_space<vmem>>, vector<16xf32>,
        tpu.vector_store %parallel_loop3A_258[%parallel_loop3A_259, %parallel_loop3A_260], %parallel_loop3A_254 {strides = array<i32>} : memref<128x128xf32, #tpu.memory_space<vmem>>, vector<16xf32>,
        %parallel_loop3A_262 = arith.constant 0 : i32
        %parallel_loop3A_263 = arith.constant 0 : i32
        %parallel_loop3A_264 = tpu.memref_slice %arg7[%scan3A_72, %parallel_loop3A_262, %parallel_loop3A_263] : memref<2x128x128xf32, #tpu.memory_space<vmem>> -> memref<1x128x128xf32, #tpu.memory_space<vmem>>
        %parallel_loop3A_265 = tpu.memref_squeeze %parallel_loop3A_264 : memref<1x128x128xf32, #tpu.memory_space<vmem>> -> memref<128x128xf32, #tpu.memory_space<vmem>>
        %parallel_loop3A_266 = arith.index_cast %parallel_loop3A_214 : i32 to index
        %parallel_loop3A_267 = arith.constant 48 : index
        %parallel_loop3A_268 = tpu.vector_load %parallel_loop3A_265[%parallel_loop3A_266, %parallel_loop3A_267] {strides = array<i32>} : memref<128x128xf32, #tpu.memory_space<vmem>>, vector<16xf32>,
        %parallel_loop3A_269 = arith.mulf %parallel_loop3A_268, %parallel_loop3A_216 : vector<16xf32>
        %parallel_loop3A_270 = arith.constant 0 : i32
        %parallel_loop3A_271 = arith.constant 0 : i32
        %parallel_loop3A_272 = tpu.memref_slice %arg7[%scan3A_72, %parallel_loop3A_270, %parallel_loop3A_271] : memref<2x128x128xf32, #tpu.memory_space<vmem>> -> memref<1x128x128xf32, #tpu.memory_space<vmem>>
        %parallel_loop3A_273 = tpu.memref_squeeze %parallel_loop3A_272 : memref<1x128x128xf32, #tpu.memory_space<vmem>> -> memref<128x128xf32, #tpu.memory_space<vmem>>
        %parallel_loop3A_274 = arith.index_cast %parallel_loop3A_214 : i32 to index
        %parallel_loop3A_275 = arith.constant 48 : index
        %parallel_loop3A_276 = tpu.vector_load %parallel_loop3A_273[%parallel_loop3A_274, %parallel_loop3A_275] {strides = array<i32>} : memref<128x128xf32, #tpu.memory_space<vmem>>, vector<16xf32>,
        tpu.vector_store %parallel_loop3A_273[%parallel_loop3A_274, %parallel_loop3A_275], %parallel_loop3A_269 {strides = array<i32>} : memref<128x128xf32, #tpu.memory_space<vmem>>, vector<16xf32>,
        %parallel_loop3A_277 = arith.constant 0 : i32
        %parallel_loop3A_278 = arith.constant 0 : i32
        %parallel_loop3A_279 = tpu.memref_slice %arg7[%scan3A_72, %parallel_loop3A_277, %parallel_loop3A_278] : memref<2x128x128xf32, #tpu.memory_space<vmem>> -> memref<1x128x128xf32, #tpu.memory_space<vmem>>
        %parallel_loop3A_280 = tpu.memref_squeeze %parallel_loop3A_279 : memref<1x128x128xf32, #tpu.memory_space<vmem>> -> memref<128x128xf32, #tpu.memory_space<vmem>>
        %parallel_loop3A_281 = arith.index_cast %parallel_loop3A_214 : i32 to index
        %parallel_loop3A_282 = arith.constant 64 : index
        %parallel_loop3A_283 = tpu.vector_load %parallel_loop3A_280[%parallel_loop3A_281, %parallel_loop3A_282] {strides = array<i32>} : memref<128x128xf32, #tpu.memory_space<vmem>>, vector<16xf32>,
        %parallel_loop3A_284 = arith.mulf %parallel_loop3A_283, %parallel_loop3A_216 : vector<16xf32>
        %parallel_loop3A_285 = arith.constant 0 : i32
        %parallel_loop3A_286 = arith.constant 0 : i32
        %parallel_loop3A_287 = tpu.memref_slice %arg7[%scan3A_72, %parallel_loop3A_285, %parallel_loop3A_286] : memref<2x128x128xf32, #tpu.memory_space<vmem>> -> memref<1x128x128xf32, #tpu.memory_space<vmem>>
        %parallel_loop3A_288 = tpu.memref_squeeze %parallel_loop3A_287 : memref<1x128x128xf32, #tpu.memory_space<vmem>> -> memref<128x128xf32, #tpu.memory_space<vmem>>
        %parallel_loop3A_289 = arith.index_cast %parallel_loop3A_214 : i32 to index
        %parallel_loop3A_290 = arith.constant 64 : index
        %parallel_loop3A_291 = tpu.vector_load %parallel_loop3A_288[%parallel_loop3A_289, %parallel_loop3A_290] {strides = array<i32>} : memref<128x128xf32, #tpu.memory_space<vmem>>, vector<16xf32>,
        tpu.vector_store %parallel_loop3A_288[%parallel_loop3A_289, %parallel_loop3A_290], %parallel_loop3A_284 {strides = array<i32>} : memref<128x128xf32, #tpu.memory_space<vmem>>, vector<16xf32>,
        %parallel_loop3A_292 = arith.constant 0 : i32
        %parallel_loop3A_293 = arith.constant 0 : i32
        %parallel_loop3A_294 = tpu.memref_slice %arg7[%scan3A_72, %parallel_loop3A_292, %parallel_loop3A_293] : memref<2x128x128xf32, #tpu.memory_space<vmem>> -> memref<1x128x128xf32, #tpu.memory_space<vmem>>
        %parallel_loop3A_295 = tpu.memref_squeeze %parallel_loop3A_294 : memref<1x128x128xf32, #tpu.memory_space<vmem>> -> memref<128x128xf32, #tpu.memory_space<vmem>>
        %parallel_loop3A_296 = arith.index_cast %parallel_loop3A_214 : i32 to index
        %parallel_loop3A_297 = arith.constant 80 : index
        %parallel_loop3A_298 = tpu.vector_load %parallel_loop3A_295[%parallel_loop3A_296, %parallel_loop3A_297] {strides = array<i32>} : memref<128x128xf32, #tpu.memory_space<vmem>>, vector<16xf32>,
        %parallel_loop3A_299 = arith.mulf %parallel_loop3A_298, %parallel_loop3A_216 : vector<16xf32>
        %parallel_loop3A_300 = arith.constant 0 : i32
        %parallel_loop3A_301 = arith.constant 0 : i32
        %parallel_loop3A_302 = tpu.memref_slice %arg7[%scan3A_72, %parallel_loop3A_300, %parallel_loop3A_301] : memref<2x128x128xf32, #tpu.memory_space<vmem>> -> memref<1x128x128xf32, #tpu.memory_space<vmem>>
        %parallel_loop3A_303 = tpu.memref_squeeze %parallel_loop3A_302 : memref<1x128x128xf32, #tpu.memory_space<vmem>> -> memref<128x128xf32, #tpu.memory_space<vmem>>
        %parallel_loop3A_304 = arith.index_cast %parallel_loop3A_214 : i32 to index
        %parallel_loop3A_305 = arith.constant 80 : index
        %parallel_loop3A_306 = tpu.vector_load %parallel_loop3A_303[%parallel_loop3A_304, %parallel_loop3A_305] {strides = array<i32>} : memref<128x128xf32, #tpu.memory_space<vmem>>, vector<16xf32>,
        tpu.vector_store %parallel_loop3A_303[%parallel_loop3A_304, %parallel_loop3A_305], %parallel_loop3A_299 {strides = array<i32>} : memref<128x128xf32, #tpu.memory_space<vmem>>, vector<16xf32>,
        %parallel_loop3A_307 = arith.constant 0 : i32
        %parallel_loop3A_308 = arith.constant 0 : i32
        %parallel_loop3A_309 = tpu.memref_slice %arg7[%scan3A_72, %parallel_loop3A_307, %parallel_loop3A_308] : memref<2x128x128xf32, #tpu.memory_space<vmem>> -> memref<1x128x128xf32, #tpu.memory_space<vmem>>
        %parallel_loop3A_310 = tpu.memref_squeeze %parallel_loop3A_309 : memref<1x128x128xf32, #tpu.memory_space<vmem>> -> memref<128x128xf32, #tpu.memory_space<vmem>>
        %parallel_loop3A_311 = arith.index_cast %parallel_loop3A_214 : i32 to index
        %parallel_loop3A_312 = arith.constant 96 : index
        %parallel_loop3A_313 = tpu.vector_load %parallel_loop3A_310[%parallel_loop3A_311, %parallel_loop3A_312] {strides = array<i32>} : memref<128x128xf32, #tpu.memory_space<vmem>>, vector<16xf32>,
        %parallel_loop3A_314 = arith.mulf %parallel_loop3A_313, %parallel_loop3A_216 : vector<16xf32>
        %parallel_loop3A_315 = arith.constant 0 : i32
        %parallel_loop3A_316 = arith.constant 0 : i32
        %parallel_loop3A_317 = tpu.memref_slice %arg7[%scan3A_72, %parallel_loop3A_315, %parallel_loop3A_316] : memref<2x128x128xf32, #tpu.memory_space<vmem>> -> memref<1x128x128xf32, #tpu.memory_space<vmem>>
        %parallel_loop3A_318 = tpu.memref_squeeze %parallel_loop3A_317 : memref<1x128x128xf32, #tpu.memory_space<vmem>> -> memref<128x128xf32, #tpu.memory_space<vmem>>
        %parallel_loop3A_319 = arith.index_cast %parallel_loop3A_214 : i32 to index
        %parallel_loop3A_320 = arith.constant 96 : index
        %parallel_loop3A_321 = tpu.vector_load %parallel_loop3A_318[%parallel_loop3A_319, %parallel_loop3A_320] {strides = array<i32>} : memref<128x128xf32, #tpu.memory_space<vmem>>, vector<16xf32>,
        tpu.vector_store %parallel_loop3A_318[%parallel_loop3A_319, %parallel_loop3A_320], %parallel_loop3A_314 {strides = array<i32>} : memref<128x128xf32, #tpu.memory_space<vmem>>, vector<16xf32>,
        %parallel_loop3A_322 = arith.constant 0 : i32
        %parallel_loop3A_323 = arith.constant 0 : i32
        %parallel_loop3A_324 = tpu.memref_slice %arg7[%scan3A_72, %parallel_loop3A_322, %parallel_loop3A_323] : memref<2x128x128xf32, #tpu.memory_space<vmem>> -> memref<1x128x128xf32, #tpu.memory_space<vmem>>
        %parallel_loop3A_325 = tpu.memref_squeeze %parallel_loop3A_324 : memref<1x128x128xf32, #tpu.memory_space<vmem>> -> memref<128x128xf32, #tpu.memory_space<vmem>>
        %parallel_loop3A_326 = arith.index_cast %parallel_loop3A_214 : i32 to index
        %parallel_loop3A_327 = arith.constant 112 : index
        %parallel_loop3A_328 = tpu.vector_load %parallel_loop3A_325[%parallel_loop3A_326, %parallel_loop3A_327] {strides = array<i32>} : memref<128x128xf32, #tpu.memory_space<vmem>>, vector<16xf32>,
        %parallel_loop3A_329 = arith.mulf %parallel_loop3A_328, %parallel_loop3A_216 : vector<16xf32>
        %parallel_loop3A_330 = arith.constant 0 : i32
        %parallel_loop3A_331 = arith.constant 0 : i32
        %parallel_loop3A_332 = tpu.memref_slice %arg7[%scan3A_72, %parallel_loop3A_330, %parallel_loop3A_331] : memref<2x128x128xf32, #tpu.memory_space<vmem>> -> memref<1x128x128xf32, #tpu.memory_space<vmem>>
        %parallel_loop3A_333 = tpu.memref_squeeze %parallel_loop3A_332 : memref<1x128x128xf32, #tpu.memory_space<vmem>> -> memref<128x128xf32, #tpu.memory_space<vmem>>
        %parallel_loop3A_334 = arith.index_cast %parallel_loop3A_214 : i32 to index
        %parallel_loop3A_335 = arith.constant 112 : index
        %parallel_loop3A_336 = tpu.vector_load %parallel_loop3A_333[%parallel_loop3A_334, %parallel_loop3A_335] {strides = array<i32>} : memref<128x128xf32, #tpu.memory_space<vmem>>, vector<16xf32>,
        tpu.vector_store %parallel_loop3A_333[%parallel_loop3A_334, %parallel_loop3A_335], %parallel_loop3A_329 {strides = array<i32>} : memref<128x128xf32, #tpu.memory_space<vmem>>, vector<16xf32>,
      } {sc.loop_unroll_factor = 4 : i64, sc.parallel_access}
      %dma_start3A_202 = arith.constant 0 : i32
      %dma_start3A_203 = arith.constant 0 : i32
      %dma_start3A_204 = arith.constant 0 : i32
      %dma_start3A_205 = tpu.memref_slice %arg7[%scan3A_72, %dma_start3A_203, %dma_start3A_204] : memref<2x128x128xf32, #tpu.memory_space<vmem>> -> memref<1x128x128xf32, #tpu.memory_space<vmem>>
      %dma_start3A_206 = tpu.memref_squeeze %dma_start3A_205 : memref<1x128x128xf32, #tpu.memory_space<vmem>> -> memref<128x128xf32, #tpu.memory_space<vmem>>
      %dma_start3A_207 = arith.constant 0 : i32
      %dma_start3A_208 = tpu.memref_slice %arg12[%dma_start3A_202, %dma_start3A_207] : memref<1x128xi32, #tpu.memory_space<vmem>> -> memref<1x128xi32, #tpu.memory_space<vmem>>
      %dma_start3A_209 = tpu.memref_squeeze %dma_start3A_208 : memref<1x128xi32, #tpu.memory_space<vmem>> -> memref<128xi32, #tpu.memory_space<vmem>>
      %dma_start3A_210 = arith.constant 0 : i32
      %dma_start3A_211 = arith.constant 0 : i32
      %dma_start3A_212 = tpu.memref_slice %arg13[%dma_start3A_210, %dma_start3A_211] : memref<10112x128xf32, #tpu.memory_space<vmem_shared>> -> memref<10112x128xf32, #tpu.memory_space<vmem_shared>>
      tpu.enqueue_indirect_dma source(%dma_start3A_206 : memref<128x128xf32, #tpu.memory_space<vmem>>) target(%dma_start3A_212 : memref<10112x128xf32, #tpu.memory_space<vmem_shared>>) offsets(%dma_start3A_209 : memref<128xi32, #tpu.memory_space<vmem>>) semaphore(%arg17 : memref<!tpu.dma_semaphore, #tpu.memory_space<semaphore_mem>>) {add = true}
      %scan3A_213 = arith.constant 0 : i32
      scf.yield %scan3A_213 : i32
    }
    %scan3A_79 = arith.constant 40 : i32
    %dma_wait3A = arith.constant 1 : i32
    %dma_wait3A_80 = arith.constant 0 : i32
    %dma_wait3A_81 = arith.constant 0 : i32
    %dma_wait3A_82 = arith.constant 0 : i32
    %dma_wait3A_83 = tpu.memref_slice %arg7[%dma_wait3A, %dma_wait3A_81, %dma_wait3A_82] : memref<2x128x128xf32, #tpu.memory_space<vmem>> -> memref<1x128x128xf32, #tpu.memory_space<vmem>>
    %dma_wait3A_84 = tpu.memref_squeeze %dma_wait3A_83 : memref<1x128x128xf32, #tpu.memory_space<vmem>> -> memref<128x128xf32, #tpu.memory_space<vmem>>
    %dma_wait3A_85 = arith.constant 0 : i32
    %dma_wait3A_86 = tpu.memref_slice %arg12[%dma_wait3A_80, %dma_wait3A_85] : memref<1x128xi32, #tpu.memory_space<vmem>> -> memref<1x128xi32, #tpu.memory_space<vmem>>
    %dma_wait3A_87 = tpu.memref_squeeze %dma_wait3A_86 : memref<1x128xi32, #tpu.memory_space<vmem>> -> memref<128xi32, #tpu.memory_space<vmem>>
    %dma_wait3A_88 = arith.constant 0 : i32
    %dma_wait3A_89 = arith.constant 0 : i32
    %dma_wait3A_90 = tpu.memref_slice %arg13[%dma_wait3A_88, %dma_wait3A_89] : memref<10112x128xf32, #tpu.memory_space<vmem_shared>> -> memref<10112x128xf32, #tpu.memory_space<vmem_shared>>
    tpu.wait_indirect_dma semaphore(%arg17 : memref<!tpu.dma_semaphore, #tpu.memory_space<semaphore_mem>>) src(%dma_wait3A_84 : memref<128x128xf32, #tpu.memory_space<vmem>>) dst(%dma_wait3A_90 : memref<10112x128xf32, #tpu.memory_space<vmem_shared>>)
    %barrier3A_91 = arith.constant 0 : index
    tpu.barrier barrier_id(%barrier3A_91)
    %mul3A_92 = arith.constant 632 : i32
    %mul3A_93 = arith.muli %arg1, %mul3A_92 : i32
    %mul3A_94 = arith.constant 632 : i32
    %mul3A_95 = arith.muli %arg1, %mul3A_94 : i32
    "tpu.region"() ({
      %run_scoped3A_96 = tpu.sem_alloc : memref<!tpu.dma_semaphore, #tpu.memory_space<semaphore_mem>>
      %dma_start3A_97 = arith.constant 0 : i32
      %dma_start3A_98 = tpu.memref_slice %arg6[%arg0, %mul3A_95, %dma_start3A_97] : memref<2x10112x128xf32, #tpu.memory_space<hbm>> -> memref<1x632x128xf32, #tpu.memory_space<hbm>>
      %dma_start3A_99 = tpu.memref_squeeze %dma_start3A_98 : memref<1x632x128xf32, #tpu.memory_space<hbm>> -> memref<632x128xf32, #tpu.memory_space<hbm>>
      %dma_start3A_100 = arith.constant 0 : i32
      %dma_start3A_101 = tpu.memref_slice %arg13[%mul3A_93, %dma_start3A_100] : memref<10112x128xf32, #tpu.memory_space<vmem_shared>> -> memref<632x128xf32, #tpu.memory_space<vmem_shared>>
      tpu.enqueue_dma source(%dma_start3A_101 : memref<632x128xf32, #tpu.memory_space<vmem_shared>>) target(%dma_start3A_99 : memref<632x128xf32, #tpu.memory_space<hbm>>) target_semaphore(%run_scoped3A_96 : memref<!tpu.dma_semaphore, #tpu.memory_space<semaphore_mem>>)
      %dma_wait3A_102 = arith.constant 0 : i32
      %dma_wait3A_103 = tpu.memref_slice %arg6[%arg0, %mul3A_95, %dma_wait3A_102] : memref<2x10112x128xf32, #tpu.memory_space<hbm>> -> memref<1x632x128xf32, #tpu.memory_space<hbm>>
      %dma_wait3A_104 = tpu.memref_squeeze %dma_wait3A_103 : memref<1x632x128xf32, #tpu.memory_space<hbm>> -> memref<632x128xf32, #tpu.memory_space<hbm>>
      %dma_wait3A_105 = arith.constant 0 : i32
      %dma_wait3A_106 = tpu.memref_slice %arg13[%mul3A_93, %dma_wait3A_105] : memref<10112x128xf32, #tpu.memory_space<vmem_shared>> -> memref<632x128xf32, #tpu.memory_space<vmem_shared>>
      tpu.wait_dma2 semaphore(%run_scoped3A_96 : memref<!tpu.dma_semaphore, #tpu.memory_space<semaphore_mem>>) src(%dma_wait3A_106 : memref<632x128xf32, #tpu.memory_space<vmem_shared>>) dst(%dma_wait3A_104 : memref<632x128xf32, #tpu.memory_space<hbm>>)
      tpu.yield
    }) : () -> ()
    return
  }
}

#map = affine_map<(d0, d1) -> (0, 0)>
#map1 = affine_map<(d0, d1) -> (0, 0, 0)>
module attributes {stable_mosaic.version = 14 : i64} {
  func.func @_k2_body(%arg0: i32, %arg1: i32, %arg2: memref<10000x128xf32, #tpu.memory_space<hbm>>, %arg3: memref<2560x128xi32, #tpu.memory_space<hbm>>, %arg4: memref<2560x128xi32, #tpu.memory_space<hbm>>, %arg5: memref<2560x128xf32, #tpu.memory_space<hbm>>, %arg6: memref<2x10112x128xf32, #tpu.memory_space<hbm>>, %arg7: memref<2x128x128xf32, #tpu.memory_space<vmem>>, %arg8: memref<80x128xi32, #tpu.memory_space<vmem>>, %arg9: memref<128xf32, #tpu.memory_space<vmem>>, %arg10: memref<128xf32, #tpu.memory_space<vmem>>, %arg11: memref<1x128xi32, #tpu.memory_space<vmem>>, %arg12: memref<1x128xi32, #tpu.memory_space<vmem>>, %arg13: memref<10112x128xf32, #tpu.memory_space<vmem_shared>>, %arg14: memref<!tpu.dma_semaphore, #tpu.memory_space<semaphore_mem>>, %arg15: memref<!tpu.dma_semaphore, #tpu.memory_space<semaphore_mem>>, %arg16: memref<!tpu.dma_semaphore, #tpu.memory_space<semaphore_mem>>, %arg17: memref<!tpu.dma_semaphore, #tpu.memory_space<semaphore_mem>>) attributes {dimension_semantics = [#tpu.dimension_semantics<core_parallel>, #tpu.dimension_semantics<subcore_parallel>], iteration_bounds = array<i64: 2, 16>, scalar_prefetch = 0 : i64, scratch_operands = 11 : i64, tpu.core_type = #tpu.core_type<sc_vector_subcore>, window_params = [{transform_indices = #map}, {transform_indices = #map}, {transform_indices = #map}, {transform_indices = #map}, {transform_indices = #map1}]} {
    %mul3A = arith.constant 16 : i32
    %mul3A_0 = arith.muli %arg0, %mul3A : i32
    %add3A = arith.addi %mul3A_0, %arg1 : i32
    %mul3A_1 = arith.constant 80 : i32
    %mul3A_2 = arith.muli %add3A, %mul3A_1 : i32
    "tpu.region"() ({
      %run_scoped3A_96 = tpu.sem_alloc : memref<!tpu.dma_semaphore, #tpu.memory_space<semaphore_mem>>
      %dma_start3A_97 = arith.constant 0 : i32
      %dma_start3A_98 = tpu.memref_slice %arg3[%mul3A_2, %dma_start3A_97] : memref<2560x128xi32, #tpu.memory_space<hbm>> -> memref<80x128xi32, #tpu.memory_space<hbm>>
      %dma_start3A_99 = arith.constant 0 : i32
      %dma_start3A_100 = tpu.memref_slice %arg3[%mul3A_2, %dma_start3A_99] : memref<2560x128xi32, #tpu.memory_space<hbm>> -> memref<80x128xi32, #tpu.memory_space<hbm>>
      tpu.enqueue_dma source(%dma_start3A_100 : memref<80x128xi32, #tpu.memory_space<hbm>>) target(%arg8 : memref<80x128xi32, #tpu.memory_space<vmem>>) target_semaphore(%run_scoped3A_96 : memref<!tpu.dma_semaphore, #tpu.memory_space<semaphore_mem>>)
      %dma_wait3A_101 = arith.constant 0 : i32
      %dma_wait3A_102 = tpu.memref_slice %arg3[%mul3A_2, %dma_wait3A_101] : memref<2560x128xi32, #tpu.memory_space<hbm>> -> memref<80x128xi32, #tpu.memory_space<hbm>>
      %dma_wait3A_103 = arith.constant 0 : i32
      %dma_wait3A_104 = tpu.memref_slice %arg3[%mul3A_2, %dma_wait3A_103] : memref<2560x128xi32, #tpu.memory_space<hbm>> -> memref<80x128xi32, #tpu.memory_space<hbm>>
      tpu.wait_dma2 semaphore(%run_scoped3A_96 : memref<!tpu.dma_semaphore, #tpu.memory_space<semaphore_mem>>) src(%dma_wait3A_104 : memref<80x128xi32, #tpu.memory_space<hbm>>) dst(%arg8 : memref<80x128xi32, #tpu.memory_space<vmem>>)
      tpu.yield
    }) : () -> ()
    %scan3A = arith.constant 0 : i32
    %scan3A_3 = arith.constant 0 : i32
    %scan3A_4 = arith.constant 128 : i32
    %scan3A_5 = arith.addi %scan3A_3, %scan3A_4 : i32
    %scan3A_6 = arith.constant 1 : i32
    %scan3A_7 = scf.for %scan3A_96 = %scan3A_3 to %scan3A_5 step %scan3A_6 iter_args(%scan3A_97 = %scan3A) -> (i32)  : i32 {
      %broadcast_in_dim3A = arith.constant 0.000000e+00 : f32
      %broadcast_in_dim3A_98 = vector.broadcast %broadcast_in_dim3A : f32 to vector<16xf32>
      %swap3A = arith.constant 0 : i32
      %swap3A_99 = arith.index_cast %swap3A : i32 to index
      %swap3A_100 = arith.index_cast %scan3A_96 : i32 to index
      %swap3A_101 = arith.constant 0 : index
      %swap3A_102 = tpu.vector_load %arg7[%swap3A_99, %swap3A_100, %swap3A_101] {strides = array<i32>} : memref<2x128x128xf32, #tpu.memory_space<vmem>>, vector<16xf32>,
      tpu.vector_store %arg7[%swap3A_99, %swap3A_100, %swap3A_101], %broadcast_in_dim3A_98 {strides = array<i32>} : memref<2x128x128xf32, #tpu.memory_space<vmem>>, vector<16xf32>,
      %broadcast_in_dim3A_103 = arith.constant 0.000000e+00 : f32
      %broadcast_in_dim3A_104 = vector.broadcast %broadcast_in_dim3A_103 : f32 to vector<16xf32>
      %swap3A_105 = arith.constant 0 : i32
      %swap3A_106 = arith.index_cast %swap3A_105 : i32 to index
      %swap3A_107 = arith.index_cast %scan3A_96 : i32 to index
      %swap3A_108 = arith.constant 16 : index
      %swap3A_109 = tpu.vector_load %arg7[%swap3A_106, %swap3A_107, %swap3A_108] {strides = array<i32>} : memref<2x128x128xf32, #tpu.memory_space<vmem>>, vector<16xf32>,
      tpu.vector_store %arg7[%swap3A_106, %swap3A_107, %swap3A_108], %broadcast_in_dim3A_104 {strides = array<i32>} : memref<2x128x128xf32, #tpu.memory_space<vmem>>, vector<16xf32>,
      %broadcast_in_dim3A_110 = arith.constant 0.000000e+00 : f32
      %broadcast_in_dim3A_111 = vector.broadcast %broadcast_in_dim3A_110 : f32 to vector<16xf32>
      %swap3A_112 = arith.constant 0 : i32
      %swap3A_113 = arith.index_cast %swap3A_112 : i32 to index
      %swap3A_114 = arith.index_cast %scan3A_96 : i32 to index
      %swap3A_115 = arith.constant 32 : index
      %swap3A_116 = tpu.vector_load %arg7[%swap3A_113, %swap3A_114, %swap3A_115] {strides = array<i32>} : memref<2x128x128xf32, #tpu.memory_space<vmem>>, vector<16xf32>,
      tpu.vector_store %arg7[%swap3A_113, %swap3A_114, %swap3A_115], %broadcast_in_dim3A_111 {strides = array<i32>} : memref<2x128x128xf32, #tpu.memory_space<vmem>>, vector<16xf32>,
      %broadcast_in_dim3A_117 = arith.constant 0.000000e+00 : f32
      %broadcast_in_dim3A_118 = vector.broadcast %broadcast_in_dim3A_117 : f32 to vector<16xf32>
      %swap3A_119 = arith.constant 0 : i32
      %swap3A_120 = arith.index_cast %swap3A_119 : i32 to index
      %swap3A_121 = arith.index_cast %scan3A_96 : i32 to index
      %swap3A_122 = arith.constant 48 : index
      %swap3A_123 = tpu.vector_load %arg7[%swap3A_120, %swap3A_121, %swap3A_122] {strides = array<i32>} : memref<2x128x128xf32, #tpu.memory_space<vmem>>, vector<16xf32>,
      tpu.vector_store %arg7[%swap3A_120, %swap3A_121, %swap3A_122], %broadcast_in_dim3A_118 {strides = array<i32>} : memref<2x128x128xf32, #tpu.memory_space<vmem>>, vector<16xf32>,
      %broadcast_in_dim3A_124 = arith.constant 0.000000e+00 : f32
      %broadcast_in_dim3A_125 = vector.broadcast %broadcast_in_dim3A_124 : f32 to vector<16xf32>
      %swap3A_126 = arith.constant 0 : i32
      %swap3A_127 = arith.index_cast %swap3A_126 : i32 to index
      %swap3A_128 = arith.index_cast %scan3A_96 : i32 to index
      %swap3A_129 = arith.constant 64 : index
      %swap3A_130 = tpu.vector_load %arg7[%swap3A_127, %swap3A_128, %swap3A_129] {strides = array<i32>} : memref<2x128x128xf32, #tpu.memory_space<vmem>>, vector<16xf32>,
      tpu.vector_store %arg7[%swap3A_127, %swap3A_128, %swap3A_129], %broadcast_in_dim3A_125 {strides = array<i32>} : memref<2x128x128xf32, #tpu.memory_space<vmem>>, vector<16xf32>,
      %broadcast_in_dim3A_131 = arith.constant 0.000000e+00 : f32
      %broadcast_in_dim3A_132 = vector.broadcast %broadcast_in_dim3A_131 : f32 to vector<16xf32>
      %swap3A_133 = arith.constant 0 : i32
      %swap3A_134 = arith.index_cast %swap3A_133 : i32 to index
      %swap3A_135 = arith.index_cast %scan3A_96 : i32 to index
      %swap3A_136 = arith.constant 80 : index
      %swap3A_137 = tpu.vector_load %arg7[%swap3A_134, %swap3A_135, %swap3A_136] {strides = array<i32>} : memref<2x128x128xf32, #tpu.memory_space<vmem>>, vector<16xf32>,
      tpu.vector_store %arg7[%swap3A_134, %swap3A_135, %swap3A_136], %broadcast_in_dim3A_132 {strides = array<i32>} : memref<2x128x128xf32, #tpu.memory_space<vmem>>, vector<16xf32>,
      %broadcast_in_dim3A_138 = arith.constant 0.000000e+00 : f32
      %broadcast_in_dim3A_139 = vector.broadcast %broadcast_in_dim3A_138 : f32 to vector<16xf32>
      %swap3A_140 = arith.constant 0 : i32
      %swap3A_141 = arith.index_cast %swap3A_140 : i32 to index
      %swap3A_142 = arith.index_cast %scan3A_96 : i32 to index
      %swap3A_143 = arith.constant 96 : index
      %swap3A_144 = tpu.vector_load %arg7[%swap3A_141, %swap3A_142, %swap3A_143] {strides = array<i32>} : memref<2x128x128xf32, #tpu.memory_space<vmem>>, vector<16xf32>,
      tpu.vector_store %arg7[%swap3A_141, %swap3A_142, %swap3A_143], %broadcast_in_dim3A_139 {strides = array<i32>} : memref<2x128x128xf32, #tpu.memory_space<vmem>>, vector<16xf32>,
      %broadcast_in_dim3A_145 = arith.constant 0.000000e+00 : f32
      %broadcast_in_dim3A_146 = vector.broadcast %broadcast_in_dim3A_145 : f32 to vector<16xf32>
      %swap3A_147 = arith.constant 0 : i32
      %swap3A_148 = arith.index_cast %swap3A_147 : i32 to index
      %swap3A_149 = arith.index_cast %scan3A_96 : i32 to index
      %swap3A_150 = arith.constant 112 : index
      %swap3A_151 = tpu.vector_load %arg7[%swap3A_148, %swap3A_149, %swap3A_150] {strides = array<i32>} : memref<2x128x128xf32, #tpu.memory_space<vmem>>, vector<16xf32>,
      tpu.vector_store %arg7[%swap3A_148, %swap3A_149, %swap3A_150], %broadcast_in_dim3A_146 {strides = array<i32>} : memref<2x128x128xf32, #tpu.memory_space<vmem>>, vector<16xf32>,
      %scan3A_152 = arith.constant 0 : i32
      scf.yield %scan3A_152 : i32
    }
    %scan3A_8 = arith.constant 128 : i32
    %mul3A_9 = arith.constant 632 : i32
    %mul3A_10 = arith.muli %arg1, %mul3A_9 : i32
    %add3A_11 = arith.constant 0 : i32
    %add3A_12 = arith.addi %mul3A_10, %add3A_11 : i32
    %run_scoped3A = arith.constant 0 : i32
    "tpu.region"() ({
      %run_scoped3A_96 = tpu.sem_alloc : memref<!tpu.dma_semaphore, #tpu.memory_space<semaphore_mem>>
      %dma_start3A_97 = arith.constant 0 : i32
      %dma_start3A_98 = arith.constant 0 : i32
      %dma_start3A_99 = tpu.memref_slice %arg7[%run_scoped3A, %dma_start3A_97, %dma_start3A_98] : memref<2x128x128xf32, #tpu.memory_space<vmem>> -> memref<1x128x128xf32, #tpu.memory_space<vmem>>
      %dma_start3A_100 = tpu.memref_squeeze %dma_start3A_99 : memref<1x128x128xf32, #tpu.memory_space<vmem>> -> memref<128x128xf32, #tpu.memory_space<vmem>>
      %dma_start3A_101 = arith.constant 0 : i32
      %dma_start3A_102 = tpu.memref_slice %arg13[%add3A_12, %dma_start3A_101] : memref<10112x128xf32, #tpu.memory_space<vmem_shared>> -> memref<128x128xf32, #tpu.memory_space<vmem_shared>>
      %dma_start3A_103 = arith.constant 0 : i32
      %dma_start3A_104 = tpu.memref_slice %arg13[%add3A_12, %dma_start3A_103] : memref<10112x128xf32, #tpu.memory_space<vmem_shared>> -> memref<128x128xf32, #tpu.memory_space<vmem_shared>>
      %dma_start3A_105 = arith.constant 0 : i32
      %dma_start3A_106 = arith.constant 0 : i32
      %dma_start3A_107 = tpu.memref_slice %arg7[%run_scoped3A, %dma_start3A_105, %dma_start3A_106] : memref<2x128x128xf32, #tpu.memory_space<vmem>> -> memref<1x128x128xf32, #tpu.memory_space<vmem>>
      %dma_start3A_108 = tpu.memref_squeeze %dma_start3A_107 : memref<1x128x128xf32, #tpu.memory_space<vmem>> -> memref<128x128xf32, #tpu.memory_space<vmem>>
      tpu.enqueue_dma source(%dma_start3A_108 : memref<128x128xf32, #tpu.memory_space<vmem>>) target(%dma_start3A_104 : memref<128x128xf32, #tpu.memory_space<vmem_shared>>) target_semaphore(%run_scoped3A_96 : memref<!tpu.dma_semaphore, #tpu.memory_space<semaphore_mem>>)
      %dma_wait3A_109 = arith.constant 0 : i32
      %dma_wait3A_110 = arith.constant 0 : i32
      %dma_wait3A_111 = tpu.memref_slice %arg7[%run_scoped3A, %dma_wait3A_109, %dma_wait3A_110] : memref<2x128x128xf32, #tpu.memory_space<vmem>> -> memref<1x128x128xf32, #tpu.memory_space<vmem>>
      %dma_wait3A_112 = tpu.memref_squeeze %dma_wait3A_111 : memref<1x128x128xf32, #tpu.memory_space<vmem>> -> memref<128x128xf32, #tpu.memory_space<vmem>>
      %dma_wait3A_113 = arith.constant 0 : i32
      %dma_wait3A_114 = tpu.memref_slice %arg13[%add3A_12, %dma_wait3A_113] : memref<10112x128xf32, #tpu.memory_space<vmem_shared>> -> memref<128x128xf32, #tpu.memory_space<vmem_shared>>
      %dma_wait3A_115 = arith.constant 0 : i32
      %dma_wait3A_116 = tpu.memref_slice %arg13[%add3A_12, %dma_wait3A_115] : memref<10112x128xf32, #tpu.memory_space<vmem_shared>> -> memref<128x128xf32, #tpu.memory_space<vmem_shared>>
      %dma_wait3A_117 = arith.constant 0 : i32
      %dma_wait3A_118 = arith.constant 0 : i32
      %dma_wait3A_119 = tpu.memref_slice %arg7[%run_scoped3A, %dma_wait3A_117, %dma_wait3A_118] : memref<2x128x128xf32, #tpu.memory_space<vmem>> -> memref<1x128x128xf32, #tpu.memory_space<vmem>>
      %dma_wait3A_120 = tpu.memref_squeeze %dma_wait3A_119 : memref<1x128x128xf32, #tpu.memory_space<vmem>> -> memref<128x128xf32, #tpu.memory_space<vmem>>
      tpu.wait_dma2 semaphore(%run_scoped3A_96 : memref<!tpu.dma_semaphore, #tpu.memory_space<semaphore_mem>>) src(%dma_wait3A_120 : memref<128x128xf32, #tpu.memory_space<vmem>>) dst(%dma_wait3A_116 : memref<128x128xf32, #tpu.memory_space<vmem_shared>>)
      tpu.yield
    }) : () -> ()
    %mul3A_13 = arith.constant 632 : i32
    %mul3A_14 = arith.muli %arg1, %mul3A_13 : i32
    %add3A_15 = arith.constant 128 : i32
    %add3A_16 = arith.addi %mul3A_14, %add3A_15 : i32
    %run_scoped3A_17 = arith.constant 0 : i32
    "tpu.region"() ({
      %run_scoped3A_96 = tpu.sem_alloc : memref<!tpu.dma_semaphore, #tpu.memory_space<semaphore_mem>>
      %dma_start3A_97 = arith.constant 0 : i32
      %dma_start3A_98 = arith.constant 0 : i32
      %dma_start3A_99 = tpu.memref_slice %arg7[%run_scoped3A_17, %dma_start3A_97, %dma_start3A_98] : memref<2x128x128xf32, #tpu.memory_space<vmem>> -> memref<1x128x128xf32, #tpu.memory_space<vmem>>
      %dma_start3A_100 = tpu.memref_squeeze %dma_start3A_99 : memref<1x128x128xf32, #tpu.memory_space<vmem>> -> memref<128x128xf32, #tpu.memory_space<vmem>>
      %dma_start3A_101 = arith.constant 0 : i32
      %dma_start3A_102 = tpu.memref_slice %arg13[%add3A_16, %dma_start3A_101] : memref<10112x128xf32, #tpu.memory_space<vmem_shared>> -> memref<128x128xf32, #tpu.memory_space<vmem_shared>>
      %dma_start3A_103 = arith.constant 0 : i32
      %dma_start3A_104 = tpu.memref_slice %arg13[%add3A_16, %dma_start3A_103] : memref<10112x128xf32, #tpu.memory_space<vmem_shared>> -> memref<128x128xf32, #tpu.memory_space<vmem_shared>>
      %dma_start3A_105 = arith.constant 0 : i32
      %dma_start3A_106 = arith.constant 0 : i32
      %dma_start3A_107 = tpu.memref_slice %arg7[%run_scoped3A_17, %dma_start3A_105, %dma_start3A_106] : memref<2x128x128xf32, #tpu.memory_space<vmem>> -> memref<1x128x128xf32, #tpu.memory_space<vmem>>
      %dma_start3A_108 = tpu.memref_squeeze %dma_start3A_107 : memref<1x128x128xf32, #tpu.memory_space<vmem>> -> memref<128x128xf32, #tpu.memory_space<vmem>>
      tpu.enqueue_dma source(%dma_start3A_108 : memref<128x128xf32, #tpu.memory_space<vmem>>) target(%dma_start3A_104 : memref<128x128xf32, #tpu.memory_space<vmem_shared>>) target_semaphore(%run_scoped3A_96 : memref<!tpu.dma_semaphore, #tpu.memory_space<semaphore_mem>>)
      %dma_wait3A_109 = arith.constant 0 : i32
      %dma_wait3A_110 = arith.constant 0 : i32
      %dma_wait3A_111 = tpu.memref_slice %arg7[%run_scoped3A_17, %dma_wait3A_109, %dma_wait3A_110] : memref<2x128x128xf32, #tpu.memory_space<vmem>> -> memref<1x128x128xf32, #tpu.memory_space<vmem>>
      %dma_wait3A_112 = tpu.memref_squeeze %dma_wait3A_111 : memref<1x128x128xf32, #tpu.memory_space<vmem>> -> memref<128x128xf32, #tpu.memory_space<vmem>>
      %dma_wait3A_113 = arith.constant 0 : i32
      %dma_wait3A_114 = tpu.memref_slice %arg13[%add3A_16, %dma_wait3A_113] : memref<10112x128xf32, #tpu.memory_space<vmem_shared>> -> memref<128x128xf32, #tpu.memory_space<vmem_shared>>
      %dma_wait3A_115 = arith.constant 0 : i32
      %dma_wait3A_116 = tpu.memref_slice %arg13[%add3A_16, %dma_wait3A_115] : memref<10112x128xf32, #tpu.memory_space<vmem_shared>> -> memref<128x128xf32, #tpu.memory_space<vmem_shared>>
      %dma_wait3A_117 = arith.constant 0 : i32
      %dma_wait3A_118 = arith.constant 0 : i32
      %dma_wait3A_119 = tpu.memref_slice %arg7[%run_scoped3A_17, %dma_wait3A_117, %dma_wait3A_118] : memref<2x128x128xf32, #tpu.memory_space<vmem>> -> memref<1x128x128xf32, #tpu.memory_space<vmem>>
      %dma_wait3A_120 = tpu.memref_squeeze %dma_wait3A_119 : memref<1x128x128xf32, #tpu.memory_space<vmem>> -> memref<128x128xf32, #tpu.memory_space<vmem>>
      tpu.wait_dma2 semaphore(%run_scoped3A_96 : memref<!tpu.dma_semaphore, #tpu.memory_space<semaphore_mem>>) src(%dma_wait3A_120 : memref<128x128xf32, #tpu.memory_space<vmem>>) dst(%dma_wait3A_116 : memref<128x128xf32, #tpu.memory_space<vmem_shared>>)
      tpu.yield
    }) : () -> ()
    %mul3A_18 = arith.constant 632 : i32
    %mul3A_19 = arith.muli %arg1, %mul3A_18 : i32
    %add3A_20 = arith.constant 256 : i32
    %add3A_21 = arith.addi %mul3A_19, %add3A_20 : i32
    %run_scoped3A_22 = arith.constant 0 : i32
    "tpu.region"() ({
      %run_scoped3A_96 = tpu.sem_alloc : memref<!tpu.dma_semaphore, #tpu.memory_space<semaphore_mem>>
      %dma_start3A_97 = arith.constant 0 : i32
      %dma_start3A_98 = arith.constant 0 : i32
      %dma_start3A_99 = tpu.memref_slice %arg7[%run_scoped3A_22, %dma_start3A_97, %dma_start3A_98] : memref<2x128x128xf32, #tpu.memory_space<vmem>> -> memref<1x128x128xf32, #tpu.memory_space<vmem>>
      %dma_start3A_100 = tpu.memref_squeeze %dma_start3A_99 : memref<1x128x128xf32, #tpu.memory_space<vmem>> -> memref<128x128xf32, #tpu.memory_space<vmem>>
      %dma_start3A_101 = arith.constant 0 : i32
      %dma_start3A_102 = tpu.memref_slice %arg13[%add3A_21, %dma_start3A_101] : memref<10112x128xf32, #tpu.memory_space<vmem_shared>> -> memref<128x128xf32, #tpu.memory_space<vmem_shared>>
      %dma_start3A_103 = arith.constant 0 : i32
      %dma_start3A_104 = tpu.memref_slice %arg13[%add3A_21, %dma_start3A_103] : memref<10112x128xf32, #tpu.memory_space<vmem_shared>> -> memref<128x128xf32, #tpu.memory_space<vmem_shared>>
      %dma_start3A_105 = arith.constant 0 : i32
      %dma_start3A_106 = arith.constant 0 : i32
      %dma_start3A_107 = tpu.memref_slice %arg7[%run_scoped3A_22, %dma_start3A_105, %dma_start3A_106] : memref<2x128x128xf32, #tpu.memory_space<vmem>> -> memref<1x128x128xf32, #tpu.memory_space<vmem>>
      %dma_start3A_108 = tpu.memref_squeeze %dma_start3A_107 : memref<1x128x128xf32, #tpu.memory_space<vmem>> -> memref<128x128xf32, #tpu.memory_space<vmem>>
      tpu.enqueue_dma source(%dma_start3A_108 : memref<128x128xf32, #tpu.memory_space<vmem>>) target(%dma_start3A_104 : memref<128x128xf32, #tpu.memory_space<vmem_shared>>) target_semaphore(%run_scoped3A_96 : memref<!tpu.dma_semaphore, #tpu.memory_space<semaphore_mem>>)
      %dma_wait3A_109 = arith.constant 0 : i32
      %dma_wait3A_110 = arith.constant 0 : i32
      %dma_wait3A_111 = tpu.memref_slice %arg7[%run_scoped3A_22, %dma_wait3A_109, %dma_wait3A_110] : memref<2x128x128xf32, #tpu.memory_space<vmem>> -> memref<1x128x128xf32, #tpu.memory_space<vmem>>
      %dma_wait3A_112 = tpu.memref_squeeze %dma_wait3A_111 : memref<1x128x128xf32, #tpu.memory_space<vmem>> -> memref<128x128xf32, #tpu.memory_space<vmem>>
      %dma_wait3A_113 = arith.constant 0 : i32
      %dma_wait3A_114 = tpu.memref_slice %arg13[%add3A_21, %dma_wait3A_113] : memref<10112x128xf32, #tpu.memory_space<vmem_shared>> -> memref<128x128xf32, #tpu.memory_space<vmem_shared>>
      %dma_wait3A_115 = arith.constant 0 : i32
      %dma_wait3A_116 = tpu.memref_slice %arg13[%add3A_21, %dma_wait3A_115] : memref<10112x128xf32, #tpu.memory_space<vmem_shared>> -> memref<128x128xf32, #tpu.memory_space<vmem_shared>>
      %dma_wait3A_117 = arith.constant 0 : i32
      %dma_wait3A_118 = arith.constant 0 : i32
      %dma_wait3A_119 = tpu.memref_slice %arg7[%run_scoped3A_22, %dma_wait3A_117, %dma_wait3A_118] : memref<2x128x128xf32, #tpu.memory_space<vmem>> -> memref<1x128x128xf32, #tpu.memory_space<vmem>>
      %dma_wait3A_120 = tpu.memref_squeeze %dma_wait3A_119 : memref<1x128x128xf32, #tpu.memory_space<vmem>> -> memref<128x128xf32, #tpu.memory_space<vmem>>
      tpu.wait_dma2 semaphore(%run_scoped3A_96 : memref<!tpu.dma_semaphore, #tpu.memory_space<semaphore_mem>>) src(%dma_wait3A_120 : memref<128x128xf32, #tpu.memory_space<vmem>>) dst(%dma_wait3A_116 : memref<128x128xf32, #tpu.memory_space<vmem_shared>>)
      tpu.yield
    }) : () -> ()
    %mul3A_23 = arith.constant 632 : i32
    %mul3A_24 = arith.muli %arg1, %mul3A_23 : i32
    %add3A_25 = arith.constant 384 : i32
    %add3A_26 = arith.addi %mul3A_24, %add3A_25 : i32
    %run_scoped3A_27 = arith.constant 0 : i32
    "tpu.region"() ({
      %run_scoped3A_96 = tpu.sem_alloc : memref<!tpu.dma_semaphore, #tpu.memory_space<semaphore_mem>>
      %dma_start3A_97 = arith.constant 0 : i32
      %dma_start3A_98 = arith.constant 0 : i32
      %dma_start3A_99 = tpu.memref_slice %arg7[%run_scoped3A_27, %dma_start3A_97, %dma_start3A_98] : memref<2x128x128xf32, #tpu.memory_space<vmem>> -> memref<1x128x128xf32, #tpu.memory_space<vmem>>
      %dma_start3A_100 = tpu.memref_squeeze %dma_start3A_99 : memref<1x128x128xf32, #tpu.memory_space<vmem>> -> memref<128x128xf32, #tpu.memory_space<vmem>>
      %dma_start3A_101 = arith.constant 0 : i32
      %dma_start3A_102 = tpu.memref_slice %arg13[%add3A_26, %dma_start3A_101] : memref<10112x128xf32, #tpu.memory_space<vmem_shared>> -> memref<128x128xf32, #tpu.memory_space<vmem_shared>>
      %dma_start3A_103 = arith.constant 0 : i32
      %dma_start3A_104 = tpu.memref_slice %arg13[%add3A_26, %dma_start3A_103] : memref<10112x128xf32, #tpu.memory_space<vmem_shared>> -> memref<128x128xf32, #tpu.memory_space<vmem_shared>>
      %dma_start3A_105 = arith.constant 0 : i32
      %dma_start3A_106 = arith.constant 0 : i32
      %dma_start3A_107 = tpu.memref_slice %arg7[%run_scoped3A_27, %dma_start3A_105, %dma_start3A_106] : memref<2x128x128xf32, #tpu.memory_space<vmem>> -> memref<1x128x128xf32, #tpu.memory_space<vmem>>
      %dma_start3A_108 = tpu.memref_squeeze %dma_start3A_107 : memref<1x128x128xf32, #tpu.memory_space<vmem>> -> memref<128x128xf32, #tpu.memory_space<vmem>>
      tpu.enqueue_dma source(%dma_start3A_108 : memref<128x128xf32, #tpu.memory_space<vmem>>) target(%dma_start3A_104 : memref<128x128xf32, #tpu.memory_space<vmem_shared>>) target_semaphore(%run_scoped3A_96 : memref<!tpu.dma_semaphore, #tpu.memory_space<semaphore_mem>>)
      %dma_wait3A_109 = arith.constant 0 : i32
      %dma_wait3A_110 = arith.constant 0 : i32
      %dma_wait3A_111 = tpu.memref_slice %arg7[%run_scoped3A_27, %dma_wait3A_109, %dma_wait3A_110] : memref<2x128x128xf32, #tpu.memory_space<vmem>> -> memref<1x128x128xf32, #tpu.memory_space<vmem>>
      %dma_wait3A_112 = tpu.memref_squeeze %dma_wait3A_111 : memref<1x128x128xf32, #tpu.memory_space<vmem>> -> memref<128x128xf32, #tpu.memory_space<vmem>>
      %dma_wait3A_113 = arith.constant 0 : i32
      %dma_wait3A_114 = tpu.memref_slice %arg13[%add3A_26, %dma_wait3A_113] : memref<10112x128xf32, #tpu.memory_space<vmem_shared>> -> memref<128x128xf32, #tpu.memory_space<vmem_shared>>
      %dma_wait3A_115 = arith.constant 0 : i32
      %dma_wait3A_116 = tpu.memref_slice %arg13[%add3A_26, %dma_wait3A_115] : memref<10112x128xf32, #tpu.memory_space<vmem_shared>> -> memref<128x128xf32, #tpu.memory_space<vmem_shared>>
      %dma_wait3A_117 = arith.constant 0 : i32
      %dma_wait3A_118 = arith.constant 0 : i32
      %dma_wait3A_119 = tpu.memref_slice %arg7[%run_scoped3A_27, %dma_wait3A_117, %dma_wait3A_118] : memref<2x128x128xf32, #tpu.memory_space<vmem>> -> memref<1x128x128xf32, #tpu.memory_space<vmem>>
      %dma_wait3A_120 = tpu.memref_squeeze %dma_wait3A_119 : memref<1x128x128xf32, #tpu.memory_space<vmem>> -> memref<128x128xf32, #tpu.memory_space<vmem>>
      tpu.wait_dma2 semaphore(%run_scoped3A_96 : memref<!tpu.dma_semaphore, #tpu.memory_space<semaphore_mem>>) src(%dma_wait3A_120 : memref<128x128xf32, #tpu.memory_space<vmem>>) dst(%dma_wait3A_116 : memref<128x128xf32, #tpu.memory_space<vmem_shared>>)
      tpu.yield
    }) : () -> ()
    %mul3A_28 = arith.constant 632 : i32
    %mul3A_29 = arith.muli %arg1, %mul3A_28 : i32
    %add3A_30 = arith.constant 512 : i32
    %add3A_31 = arith.addi %mul3A_29, %add3A_30 : i32
    %run_scoped3A_32 = arith.constant 0 : i32
    "tpu.region"() ({
      %run_scoped3A_96 = tpu.sem_alloc : memref<!tpu.dma_semaphore, #tpu.memory_space<semaphore_mem>>
      %dma_start3A_97 = arith.constant 0 : i32
      %dma_start3A_98 = arith.constant 0 : i32
      %dma_start3A_99 = tpu.memref_slice %arg7[%run_scoped3A_32, %dma_start3A_97, %dma_start3A_98] : memref<2x128x128xf32, #tpu.memory_space<vmem>> -> memref<1x120x128xf32, #tpu.memory_space<vmem>>
      %dma_start3A_100 = tpu.memref_squeeze %dma_start3A_99 : memref<1x120x128xf32, #tpu.memory_space<vmem>> -> memref<120x128xf32, #tpu.memory_space<vmem>>
      %dma_start3A_101 = arith.constant 0 : i32
      %dma_start3A_102 = tpu.memref_slice %arg13[%add3A_31, %dma_start3A_101] : memref<10112x128xf32, #tpu.memory_space<vmem_shared>> -> memref<120x128xf32, #tpu.memory_space<vmem_shared>>
      %dma_start3A_103 = arith.constant 0 : i32
      %dma_start3A_104 = tpu.memref_slice %arg13[%add3A_31, %dma_start3A_103] : memref<10112x128xf32, #tpu.memory_space<vmem_shared>> -> memref<120x128xf32, #tpu.memory_space<vmem_shared>>
      %dma_start3A_105 = arith.constant 0 : i32
      %dma_start3A_106 = arith.constant 0 : i32
      %dma_start3A_107 = tpu.memref_slice %arg7[%run_scoped3A_32, %dma_start3A_105, %dma_start3A_106] : memref<2x128x128xf32, #tpu.memory_space<vmem>> -> memref<1x120x128xf32, #tpu.memory_space<vmem>>
      %dma_start3A_108 = tpu.memref_squeeze %dma_start3A_107 : memref<1x120x128xf32, #tpu.memory_space<vmem>> -> memref<120x128xf32, #tpu.memory_space<vmem>>
      tpu.enqueue_dma source(%dma_start3A_108 : memref<120x128xf32, #tpu.memory_space<vmem>>) target(%dma_start3A_104 : memref<120x128xf32, #tpu.memory_space<vmem_shared>>) target_semaphore(%run_scoped3A_96 : memref<!tpu.dma_semaphore, #tpu.memory_space<semaphore_mem>>)
      %dma_wait3A_109 = arith.constant 0 : i32
      %dma_wait3A_110 = arith.constant 0 : i32
      %dma_wait3A_111 = tpu.memref_slice %arg7[%run_scoped3A_32, %dma_wait3A_109, %dma_wait3A_110] : memref<2x128x128xf32, #tpu.memory_space<vmem>> -> memref<1x120x128xf32, #tpu.memory_space<vmem>>
      %dma_wait3A_112 = tpu.memref_squeeze %dma_wait3A_111 : memref<1x120x128xf32, #tpu.memory_space<vmem>> -> memref<120x128xf32, #tpu.memory_space<vmem>>
      %dma_wait3A_113 = arith.constant 0 : i32
      %dma_wait3A_114 = tpu.memref_slice %arg13[%add3A_31, %dma_wait3A_113] : memref<10112x128xf32, #tpu.memory_space<vmem_shared>> -> memref<120x128xf32, #tpu.memory_space<vmem_shared>>
      %dma_wait3A_115 = arith.constant 0 : i32
      %dma_wait3A_116 = tpu.memref_slice %arg13[%add3A_31, %dma_wait3A_115] : memref<10112x128xf32, #tpu.memory_space<vmem_shared>> -> memref<120x128xf32, #tpu.memory_space<vmem_shared>>
      %dma_wait3A_117 = arith.constant 0 : i32
      %dma_wait3A_118 = arith.constant 0 : i32
      %dma_wait3A_119 = tpu.memref_slice %arg7[%run_scoped3A_32, %dma_wait3A_117, %dma_wait3A_118] : memref<2x128x128xf32, #tpu.memory_space<vmem>> -> memref<1x120x128xf32, #tpu.memory_space<vmem>>
      %dma_wait3A_120 = tpu.memref_squeeze %dma_wait3A_119 : memref<1x120x128xf32, #tpu.memory_space<vmem>> -> memref<120x128xf32, #tpu.memory_space<vmem>>
      tpu.wait_dma2 semaphore(%run_scoped3A_96 : memref<!tpu.dma_semaphore, #tpu.memory_space<semaphore_mem>>) src(%dma_wait3A_120 : memref<120x128xf32, #tpu.memory_space<vmem>>) dst(%dma_wait3A_116 : memref<120x128xf32, #tpu.memory_space<vmem_shared>>)
      tpu.yield
    }) : () -> ()
    %barrier3A = arith.constant 0 : index
    tpu.barrier barrier_id(%barrier3A)
    %dma_start3A = arith.constant 0 : i32
    %dma_start3A_33 = arith.constant 0 : i32
    %dma_start3A_34 = arith.constant 0 : i32
    %dma_start3A_35 = arith.constant 0 : i32
    %dma_start3A_36 = tpu.memref_slice %arg7[%dma_start3A_33, %dma_start3A_34, %dma_start3A_35] : memref<2x128x128xf32, #tpu.memory_space<vmem>> -> memref<1x128x128xf32, #tpu.memory_space<vmem>>
    %dma_start3A_37 = tpu.memref_squeeze %dma_start3A_36 : memref<1x128x128xf32, #tpu.memory_space<vmem>> -> memref<128x128xf32, #tpu.memory_space<vmem>>
    %dma_start3A_38 = arith.constant 0 : i32
    %dma_start3A_39 = tpu.memref_slice %arg8[%dma_start3A, %dma_start3A_38] : memref<80x128xi32, #tpu.memory_space<vmem>> -> memref<1x128xi32, #tpu.memory_space<vmem>>
    %dma_start3A_40 = tpu.memref_squeeze %dma_start3A_39 : memref<1x128xi32, #tpu.memory_space<vmem>> -> memref<128xi32, #tpu.memory_space<vmem>>
    %dma_start3A_41 = arith.constant 0 : i32
    %dma_start3A_42 = arith.constant 0 : i32
    %dma_start3A_43 = tpu.memref_slice %arg2[%dma_start3A_41, %dma_start3A_42] : memref<10000x128xf32, #tpu.memory_space<hbm>> -> memref<10000x128xf32, #tpu.memory_space<hbm>>
    tpu.enqueue_indirect_dma source(%dma_start3A_43 : memref<10000x128xf32, #tpu.memory_space<hbm>>) target(%dma_start3A_37 : memref<128x128xf32, #tpu.memory_space<vmem>>) offsets(%dma_start3A_40 : memref<128xi32, #tpu.memory_space<vmem>>) semaphore(%arg14 : memref<!tpu.dma_semaphore, #tpu.memory_space<semaphore_mem>>)
    %mul3A_44 = arith.constant 80 : i32
    %mul3A_45 = arith.muli %add3A, %mul3A_44 : i32
    %add3A_46 = arith.constant 0 : i32
    %add3A_47 = arith.addi %mul3A_45, %add3A_46 : i32
    %dma_start3A_48 = arith.constant 0 : i32
    %dma_start3A_49 = tpu.memref_slice %arg5[%add3A_47, %dma_start3A_48] : memref<2560x128xf32, #tpu.memory_space<hbm>> -> memref<1x128xf32, #tpu.memory_space<hbm>>
    %dma_start3A_50 = tpu.memref_squeeze %dma_start3A_49 : memref<1x128xf32, #tpu.memory_space<hbm>> -> memref<128xf32, #tpu.memory_space<hbm>>
    %dma_start3A_51 = arith.constant 0 : i32
    %dma_start3A_52 = tpu.memref_slice %arg5[%add3A_47, %dma_start3A_51] : memref<2560x128xf32, #tpu.memory_space<hbm>> -> memref<1x128xf32, #tpu.memory_space<hbm>>
    %dma_start3A_53 = tpu.memref_squeeze %dma_start3A_52 : memref<1x128xf32, #tpu.memory_space<hbm>> -> memref<128xf32, #tpu.memory_space<hbm>>
    tpu.enqueue_dma source(%dma_start3A_53 : memref<128xf32, #tpu.memory_space<hbm>>) target(%arg9 : memref<128xf32, #tpu.memory_space<vmem>>) target_semaphore(%arg14 : memref<!tpu.dma_semaphore, #tpu.memory_space<semaphore_mem>>)
    %mul3A_54 = arith.constant 80 : i32
    %mul3A_55 = arith.muli %add3A, %mul3A_54 : i32
    %add3A_56 = arith.constant 0 : i32
    %add3A_57 = arith.addi %mul3A_55, %add3A_56 : i32
    %dma_start3A_58 = arith.constant 0 : i32
    %dma_start3A_59 = arith.constant 0 : i32
    %dma_start3A_60 = tpu.memref_slice %arg11[%dma_start3A_58, %dma_start3A_59] : memref<1x128xi32, #tpu.memory_space<vmem>> -> memref<1x128xi32, #tpu.memory_space<vmem>>
    %dma_start3A_61 = tpu.memref_squeeze %dma_start3A_60 : memref<1x128xi32, #tpu.memory_space<vmem>> -> memref<128xi32, #tpu.memory_space<vmem>>
    %dma_start3A_62 = arith.constant 0 : i32
    %dma_start3A_63 = tpu.memref_slice %arg4[%add3A_57, %dma_start3A_62] : memref<2560x128xi32, #tpu.memory_space<hbm>> -> memref<1x128xi32, #tpu.memory_space<hbm>>
    %dma_start3A_64 = tpu.memref_squeeze %dma_start3A_63 : memref<1x128xi32, #tpu.memory_space<hbm>> -> memref<128xi32, #tpu.memory_space<hbm>>
    %dma_start3A_65 = arith.constant 0 : i32
    %dma_start3A_66 = tpu.memref_slice %arg11[%dma_start3A_58, %dma_start3A_65] : memref<1x128xi32, #tpu.memory_space<vmem>> -> memref<1x128xi32, #tpu.memory_space<vmem>>
    %dma_start3A_67 = tpu.memref_squeeze %dma_start3A_66 : memref<1x128xi32, #tpu.memory_space<vmem>> -> memref<128xi32, #tpu.memory_space<vmem>>
    %dma_start3A_68 = arith.constant 0 : i32
    %dma_start3A_69 = tpu.memref_slice %arg4[%add3A_57, %dma_start3A_68] : memref<2560x128xi32, #tpu.memory_space<hbm>> -> memref<1x128xi32, #tpu.memory_space<hbm>>
    %dma_start3A_70 = tpu.memref_squeeze %dma_start3A_69 : memref<1x128xi32, #tpu.memory_space<hbm>> -> memref<128xi32, #tpu.memory_space<hbm>>
    tpu.enqueue_dma source(%dma_start3A_70 : memref<128xi32, #tpu.memory_space<hbm>>) target(%dma_start3A_67 : memref<128xi32, #tpu.memory_space<vmem>>) target_semaphore(%arg14 : memref<!tpu.dma_semaphore, #tpu.memory_space<semaphore_mem>>)
    %scan3A_71 = arith.constant 0 : i32
    %scan3A_72 = arith.constant 1 : i32
    %scan3A_73 = arith.constant 0 : i32
    %scan3A_74 = arith.constant 0 : i32
    %scan3A_75 = arith.constant 40 : i32
    %scan3A_76 = arith.addi %scan3A_74, %scan3A_75 : i32
    %scan3A_77 = arith.constant 1 : i32
    %scan3A_78 = scf.for %scan3A_96 = %scan3A_74 to %scan3A_76 step %scan3A_77 iter_args(%scan3A_97 = %scan3A_73) -> (i32)  : i32 {
      %mul3A_98 = arith.constant 2 : i32
      %mul3A_99 = arith.muli %mul3A_98, %scan3A_96 : i32
      %dma_wait3A_100 = arith.constant 0 : i32
      %dma_wait3A_101 = arith.constant 0 : i32
      %dma_wait3A_102 = tpu.memref_slice %arg7[%scan3A_71, %dma_wait3A_100, %dma_wait3A_101] : memref<2x128x128xf32, #tpu.memory_space<vmem>> -> memref<1x128x128xf32, #tpu.memory_space<vmem>>
      %dma_wait3A_103 = tpu.memref_squeeze %dma_wait3A_102 : memref<1x128x128xf32, #tpu.memory_space<vmem>> -> memref<128x128xf32, #tpu.memory_space<vmem>>
      %dma_wait3A_104 = arith.constant 0 : i32
      %dma_wait3A_105 = tpu.memref_slice %arg8[%mul3A_99, %dma_wait3A_104] : memref<80x128xi32, #tpu.memory_space<vmem>> -> memref<1x128xi32, #tpu.memory_space<vmem>>
      %dma_wait3A_106 = tpu.memref_squeeze %dma_wait3A_105 : memref<1x128xi32, #tpu.memory_space<vmem>> -> memref<128xi32, #tpu.memory_space<vmem>>
      %dma_wait3A_107 = arith.constant 0 : i32
      %dma_wait3A_108 = arith.constant 0 : i32
      %dma_wait3A_109 = tpu.memref_slice %arg2[%dma_wait3A_107, %dma_wait3A_108] : memref<10000x128xf32, #tpu.memory_space<hbm>> -> memref<10000x128xf32, #tpu.memory_space<hbm>>
      tpu.wait_indirect_dma semaphore(%arg14 : memref<!tpu.dma_semaphore, #tpu.memory_space<semaphore_mem>>) src(%dma_wait3A_109 : memref<10000x128xf32, #tpu.memory_space<hbm>>) dst(%dma_wait3A_103 : memref<128x128xf32, #tpu.memory_space<vmem>>)
      %dma_wait3A_110 = arith.constant 0 : i32
      %dma_wait3A_111 = arith.constant 0 : i32
      %dma_wait3A_112 = tpu.memref_slice %arg5[%dma_wait3A_110, %dma_wait3A_111] : memref<2560x128xf32, #tpu.memory_space<hbm>> -> memref<1x128xf32, #tpu.memory_space<hbm>>
      %dma_wait3A_113 = tpu.memref_squeeze %dma_wait3A_112 : memref<1x128xf32, #tpu.memory_space<hbm>> -> memref<128xf32, #tpu.memory_space<hbm>>
      %dma_wait3A_114 = arith.constant 0 : i32
      %dma_wait3A_115 = tpu.memref_slice %arg5[%dma_wait3A_110, %dma_wait3A_114] : memref<2560x128xf32, #tpu.memory_space<hbm>> -> memref<1x128xf32, #tpu.memory_space<hbm>>
      %dma_wait3A_116 = tpu.memref_squeeze %dma_wait3A_115 : memref<1x128xf32, #tpu.memory_space<hbm>> -> memref<128xf32, #tpu.memory_space<hbm>>
      tpu.wait_dma2 semaphore(%arg14 : memref<!tpu.dma_semaphore, #tpu.memory_space<semaphore_mem>>) src(%dma_wait3A_116 : memref<128xf32, #tpu.memory_space<hbm>>) dst(%arg9 : memref<128xf32, #tpu.memory_space<vmem>>)
      %dma_wait3A_117 = arith.constant 0 : i32
      %dma_wait3A_118 = arith.constant 0 : i32
      %dma_wait3A_119 = arith.constant 0 : i32
      %dma_wait3A_120 = tpu.memref_slice %arg11[%dma_wait3A_118, %dma_wait3A_119] : memref<1x128xi32, #tpu.memory_space<vmem>> -> memref<1x128xi32, #tpu.memory_space<vmem>>
      %dma_wait3A_121 = tpu.memref_squeeze %dma_wait3A_120 : memref<1x128xi32, #tpu.memory_space<vmem>> -> memref<128xi32, #tpu.memory_space<vmem>>
      %dma_wait3A_122 = arith.constant 0 : i32
      %dma_wait3A_123 = tpu.memref_slice %arg4[%dma_wait3A_117, %dma_wait3A_122] : memref<2560x128xi32, #tpu.memory_space<hbm>> -> memref<1x128xi32, #tpu.memory_space<hbm>>
      %dma_wait3A_124 = tpu.memref_squeeze %dma_wait3A_123 : memref<1x128xi32, #tpu.memory_space<hbm>> -> memref<128xi32, #tpu.memory_space<hbm>>
      %dma_wait3A_125 = arith.constant 0 : i32
      %dma_wait3A_126 = tpu.memref_slice %arg11[%dma_wait3A_118, %dma_wait3A_125] : memref<1x128xi32, #tpu.memory_space<vmem>> -> memref<1x128xi32, #tpu.memory_space<vmem>>
      %dma_wait3A_127 = tpu.memref_squeeze %dma_wait3A_126 : memref<1x128xi32, #tpu.memory_space<vmem>> -> memref<128xi32, #tpu.memory_space<vmem>>
      %dma_wait3A_128 = arith.constant 0 : i32
      %dma_wait3A_129 = tpu.memref_slice %arg4[%dma_wait3A_117, %dma_wait3A_128] : memref<2560x128xi32, #tpu.memory_space<hbm>> -> memref<1x128xi32, #tpu.memory_space<hbm>>
      %dma_wait3A_130 = tpu.memref_squeeze %dma_wait3A_129 : memref<1x128xi32, #tpu.memory_space<hbm>> -> memref<128xi32, #tpu.memory_space<hbm>>
      tpu.wait_dma2 semaphore(%arg14 : memref<!tpu.dma_semaphore, #tpu.memory_space<semaphore_mem>>) src(%dma_wait3A_130 : memref<128xi32, #tpu.memory_space<hbm>>) dst(%dma_wait3A_127 : memref<128xi32, #tpu.memory_space<vmem>>)
      %ge3A = arith.constant 1 : i32
      %ge3A_131 = arith.cmpi sge, %mul3A_99, %ge3A : i32
      %convert_element_type3A = arith.extui %ge3A_131 : i1 to i32
      %cond3A = arith.constant 0 : i32
      %cond3A_132 = arith.cmpi ne, %convert_element_type3A, %cond3A : i32
      scf.if %cond3A_132 {
        %dma_wait3A_214 = arith.constant 0 : i32
        %dma_wait3A_215 = arith.constant 0 : i32
        %dma_wait3A_216 = arith.constant 0 : i32
        %dma_wait3A_217 = tpu.memref_slice %arg7[%scan3A_72, %dma_wait3A_215, %dma_wait3A_216] : memref<2x128x128xf32, #tpu.memory_space<vmem>> -> memref<1x128x128xf32, #tpu.memory_space<vmem>>
        %dma_wait3A_218 = tpu.memref_squeeze %dma_wait3A_217 : memref<1x128x128xf32, #tpu.memory_space<vmem>> -> memref<128x128xf32, #tpu.memory_space<vmem>>
        %dma_wait3A_219 = arith.constant 0 : i32
        %dma_wait3A_220 = tpu.memref_slice %arg12[%dma_wait3A_214, %dma_wait3A_219] : memref<1x128xi32, #tpu.memory_space<vmem>> -> memref<1x128xi32, #tpu.memory_space<vmem>>
        %dma_wait3A_221 = tpu.memref_squeeze %dma_wait3A_220 : memref<1x128xi32, #tpu.memory_space<vmem>> -> memref<128xi32, #tpu.memory_space<vmem>>
        %dma_wait3A_222 = arith.constant 0 : i32
        %dma_wait3A_223 = arith.constant 0 : i32
        %dma_wait3A_224 = tpu.memref_slice %arg13[%dma_wait3A_222, %dma_wait3A_223] : memref<10112x128xf32, #tpu.memory_space<vmem_shared>> -> memref<10112x128xf32, #tpu.memory_space<vmem_shared>>
        tpu.wait_indirect_dma semaphore(%arg17 : memref<!tpu.dma_semaphore, #tpu.memory_space<semaphore_mem>>) src(%dma_wait3A_218 : memref<128x128xf32, #tpu.memory_space<vmem>>) dst(%dma_wait3A_224 : memref<10112x128xf32, #tpu.memory_space<vmem_shared>>)
      } else {
      }
      %add3A_133 = arith.constant 1 : i32
      %add3A_134 = arith.addi %mul3A_99, %add3A_133 : i32
      %lt3A = arith.constant 80 : i32
      %lt3A_135 = arith.cmpi slt, %add3A_134, %lt3A : i32
      %convert_element_type3A_136 = arith.extui %lt3A_135 : i1 to i32
      %cond3A_137 = arith.constant 0 : i32
      %cond3A_138 = arith.cmpi ne, %convert_element_type3A_136, %cond3A_137 : i32
      scf.if %cond3A_138 {
        %add3A_214 = arith.constant 1 : i32
        %add3A_215 = arith.addi %mul3A_99, %add3A_214 : i32
        %dma_start3A_216 = arith.constant 0 : i32
        %dma_start3A_217 = arith.constant 0 : i32
        %dma_start3A_218 = tpu.memref_slice %arg7[%scan3A_72, %dma_start3A_216, %dma_start3A_217] : memref<2x128x128xf32, #tpu.memory_space<vmem>> -> memref<1x128x128xf32, #tpu.memory_space<vmem>>
        %dma_start3A_219 = tpu.memref_squeeze %dma_start3A_218 : memref<1x128x128xf32, #tpu.memory_space<vmem>> -> memref<128x128xf32, #tpu.memory_space<vmem>>
        %dma_start3A_220 = arith.constant 0 : i32
        %dma_start3A_221 = tpu.memref_slice %arg8[%add3A_215, %dma_start3A_220] : memref<80x128xi32, #tpu.memory_space<vmem>> -> memref<1x128xi32, #tpu.memory_space<vmem>>
        %dma_start3A_222 = tpu.memref_squeeze %dma_start3A_221 : memref<1x128xi32, #tpu.memory_space<vmem>> -> memref<128xi32, #tpu.memory_space<vmem>>
        %dma_start3A_223 = arith.constant 0 : i32
        %dma_start3A_224 = arith.constant 0 : i32
        %dma_start3A_225 = tpu.memref_slice %arg2[%dma_start3A_223, %dma_start3A_224] : memref<10000x128xf32, #tpu.memory_space<hbm>> -> memref<10000x128xf32, #tpu.memory_space<hbm>>
        tpu.enqueue_indirect_dma source(%dma_start3A_225 : memref<10000x128xf32, #tpu.memory_space<hbm>>) target(%dma_start3A_219 : memref<128x128xf32, #tpu.memory_space<vmem>>) offsets(%dma_start3A_222 : memref<128xi32, #tpu.memory_space<vmem>>) semaphore(%arg15 : memref<!tpu.dma_semaphore, #tpu.memory_space<semaphore_mem>>)
        %mul3A_226 = arith.constant 80 : i32
        %mul3A_227 = arith.muli %add3A, %mul3A_226 : i32
        %add3A_228 = arith.addi %mul3A_227, %add3A_215 : i32
        %dma_start3A_229 = arith.constant 0 : i32
        %dma_start3A_230 = tpu.memref_slice %arg5[%add3A_228, %dma_start3A_229] : memref<2560x128xf32, #tpu.memory_space<hbm>> -> memref<1x128xf32, #tpu.memory_space<hbm>>
        %dma_start3A_231 = tpu.memref_squeeze %dma_start3A_230 : memref<1x128xf32, #tpu.memory_space<hbm>> -> memref<128xf32, #tpu.memory_space<hbm>>
        %dma_start3A_232 = arith.constant 0 : i32
        %dma_start3A_233 = tpu.memref_slice %arg5[%add3A_228, %dma_start3A_232] : memref<2560x128xf32, #tpu.memory_space<hbm>> -> memref<1x128xf32, #tpu.memory_space<hbm>>
        %dma_start3A_234 = tpu.memref_squeeze %dma_start3A_233 : memref<1x128xf32, #tpu.memory_space<hbm>> -> memref<128xf32, #tpu.memory_space<hbm>>
        tpu.enqueue_dma source(%dma_start3A_234 : memref<128xf32, #tpu.memory_space<hbm>>) target(%arg10 : memref<128xf32, #tpu.memory_space<vmem>>) target_semaphore(%arg15 : memref<!tpu.dma_semaphore, #tpu.memory_space<semaphore_mem>>)
        %mul3A_235 = arith.constant 80 : i32
        %mul3A_236 = arith.muli %add3A, %mul3A_235 : i32
        %add3A_237 = arith.addi %mul3A_236, %add3A_215 : i32
        %dma_start3A_238 = arith.constant 0 : i32
        %dma_start3A_239 = arith.constant 0 : i32
        %dma_start3A_240 = tpu.memref_slice %arg12[%dma_start3A_238, %dma_start3A_239] : memref<1x128xi32, #tpu.memory_space<vmem>> -> memref<1x128xi32, #tpu.memory_space<vmem>>
        %dma_start3A_241 = tpu.memref_squeeze %dma_start3A_240 : memref<1x128xi32, #tpu.memory_space<vmem>> -> memref<128xi32, #tpu.memory_space<vmem>>
        %dma_start3A_242 = arith.constant 0 : i32
        %dma_start3A_243 = tpu.memref_slice %arg4[%add3A_237, %dma_start3A_242] : memref<2560x128xi32, #tpu.memory_space<hbm>> -> memref<1x128xi32, #tpu.memory_space<hbm>>
        %dma_start3A_244 = tpu.memref_squeeze %dma_start3A_243 : memref<1x128xi32, #tpu.memory_space<hbm>> -> memref<128xi32, #tpu.memory_space<hbm>>
        %dma_start3A_245 = arith.constant 0 : i32
        %dma_start3A_246 = tpu.memref_slice %arg12[%dma_start3A_238, %dma_start3A_245] : memref<1x128xi32, #tpu.memory_space<vmem>> -> memref<1x128xi32, #tpu.memory_space<vmem>>
        %dma_start3A_247 = tpu.memref_squeeze %dma_start3A_246 : memref<1x128xi32, #tpu.memory_space<vmem>> -> memref<128xi32, #tpu.memory_space<vmem>>
        %dma_start3A_248 = arith.constant 0 : i32
        %dma_start3A_249 = tpu.memref_slice %arg4[%add3A_237, %dma_start3A_248] : memref<2560x128xi32, #tpu.memory_space<hbm>> -> memref<1x128xi32, #tpu.memory_space<hbm>>
        %dma_start3A_250 = tpu.memref_squeeze %dma_start3A_249 : memref<1x128xi32, #tpu.memory_space<hbm>> -> memref<128xi32, #tpu.memory_space<hbm>>
        tpu.enqueue_dma source(%dma_start3A_250 : memref<128xi32, #tpu.memory_space<hbm>>) target(%dma_start3A_247 : memref<128xi32, #tpu.memory_space<vmem>>) target_semaphore(%arg15 : memref<!tpu.dma_semaphore, #tpu.memory_space<semaphore_mem>>)
      } else {
      }
      %parallel_loop3A = arith.constant 0 : i32
      %parallel_loop3A_139 = arith.constant 128 : i32
      %parallel_loop3A_140 = arith.constant 1 : i32
      scf.for %parallel_loop3A_214 = %parallel_loop3A to %parallel_loop3A_139 step %parallel_loop3A_140  : i32 {
        %parallel_loop3A_215 = vector.broadcast %parallel_loop3A_214 : i32 to vector<16xi32>
        %parallel_loop3A_216 = tpu.vector_load_idx %arg9[%parallel_loop3A_215] : memref<128xf32, #tpu.memory_space<vmem>>[vector<16xi32>], vector<16xf32>,
        %parallel_loop3A_217 = arith.constant 0 : i32
        %parallel_loop3A_218 = arith.constant 0 : i32
        %parallel_loop3A_219 = tpu.memref_slice %arg7[%scan3A_71, %parallel_loop3A_217, %parallel_loop3A_218] : memref<2x128x128xf32, #tpu.memory_space<vmem>> -> memref<1x128x128xf32, #tpu.memory_space<vmem>>
        %parallel_loop3A_220 = tpu.memref_squeeze %parallel_loop3A_219 : memref<1x128x128xf32, #tpu.memory_space<vmem>> -> memref<128x128xf32, #tpu.memory_space<vmem>>
        %parallel_loop3A_221 = arith.index_cast %parallel_loop3A_214 : i32 to index
        %parallel_loop3A_222 = arith.constant 0 : index
        %parallel_loop3A_223 = tpu.vector_load %parallel_loop3A_220[%parallel_loop3A_221, %parallel_loop3A_222] {strides = array<i32>} : memref<128x128xf32, #tpu.memory_space<vmem>>, vector<16xf32>,
        %parallel_loop3A_224 = arith.mulf %parallel_loop3A_223, %parallel_loop3A_216 : vector<16xf32>
        %parallel_loop3A_225 = arith.constant 0 : i32
        %parallel_loop3A_226 = arith.constant 0 : i32
        %parallel_loop3A_227 = tpu.memref_slice %arg7[%scan3A_71, %parallel_loop3A_225, %parallel_loop3A_226] : memref<2x128x128xf32, #tpu.memory_space<vmem>> -> memref<1x128x128xf32, #tpu.memory_space<vmem>>
        %parallel_loop3A_228 = tpu.memref_squeeze %parallel_loop3A_227 : memref<1x128x128xf32, #tpu.memory_space<vmem>> -> memref<128x128xf32, #tpu.memory_space<vmem>>
        %parallel_loop3A_229 = arith.index_cast %parallel_loop3A_214 : i32 to index
        %parallel_loop3A_230 = arith.constant 0 : index
        %parallel_loop3A_231 = tpu.vector_load %parallel_loop3A_228[%parallel_loop3A_229, %parallel_loop3A_230] {strides = array<i32>} : memref<128x128xf32, #tpu.memory_space<vmem>>, vector<16xf32>,
        tpu.vector_store %parallel_loop3A_228[%parallel_loop3A_229, %parallel_loop3A_230], %parallel_loop3A_224 {strides = array<i32>} : memref<128x128xf32, #tpu.memory_space<vmem>>, vector<16xf32>,
        %parallel_loop3A_232 = arith.constant 0 : i32
        %parallel_loop3A_233 = arith.constant 0 : i32
        %parallel_loop3A_234 = tpu.memref_slice %arg7[%scan3A_71, %parallel_loop3A_232, %parallel_loop3A_233] : memref<2x128x128xf32, #tpu.memory_space<vmem>> -> memref<1x128x128xf32, #tpu.memory_space<vmem>>
        %parallel_loop3A_235 = tpu.memref_squeeze %parallel_loop3A_234 : memref<1x128x128xf32, #tpu.memory_space<vmem>> -> memref<128x128xf32, #tpu.memory_space<vmem>>
        %parallel_loop3A_236 = arith.index_cast %parallel_loop3A_214 : i32 to index
        %parallel_loop3A_237 = arith.constant 16 : index
        %parallel_loop3A_238 = tpu.vector_load %parallel_loop3A_235[%parallel_loop3A_236, %parallel_loop3A_237] {strides = array<i32>} : memref<128x128xf32, #tpu.memory_space<vmem>>, vector<16xf32>,
        %parallel_loop3A_239 = arith.mulf %parallel_loop3A_238, %parallel_loop3A_216 : vector<16xf32>
        %parallel_loop3A_240 = arith.constant 0 : i32
        %parallel_loop3A_241 = arith.constant 0 : i32
        %parallel_loop3A_242 = tpu.memref_slice %arg7[%scan3A_71, %parallel_loop3A_240, %parallel_loop3A_241] : memref<2x128x128xf32, #tpu.memory_space<vmem>> -> memref<1x128x128xf32, #tpu.memory_space<vmem>>
        %parallel_loop3A_243 = tpu.memref_squeeze %parallel_loop3A_242 : memref<1x128x128xf32, #tpu.memory_space<vmem>> -> memref<128x128xf32, #tpu.memory_space<vmem>>
        %parallel_loop3A_244 = arith.index_cast %parallel_loop3A_214 : i32 to index
        %parallel_loop3A_245 = arith.constant 16 : index
        %parallel_loop3A_246 = tpu.vector_load %parallel_loop3A_243[%parallel_loop3A_244, %parallel_loop3A_245] {strides = array<i32>} : memref<128x128xf32, #tpu.memory_space<vmem>>, vector<16xf32>,
        tpu.vector_store %parallel_loop3A_243[%parallel_loop3A_244, %parallel_loop3A_245], %parallel_loop3A_239 {strides = array<i32>} : memref<128x128xf32, #tpu.memory_space<vmem>>, vector<16xf32>,
        %parallel_loop3A_247 = arith.constant 0 : i32
        %parallel_loop3A_248 = arith.constant 0 : i32
        %parallel_loop3A_249 = tpu.memref_slice %arg7[%scan3A_71, %parallel_loop3A_247, %parallel_loop3A_248] : memref<2x128x128xf32, #tpu.memory_space<vmem>> -> memref<1x128x128xf32, #tpu.memory_space<vmem>>
        %parallel_loop3A_250 = tpu.memref_squeeze %parallel_loop3A_249 : memref<1x128x128xf32, #tpu.memory_space<vmem>> -> memref<128x128xf32, #tpu.memory_space<vmem>>
        %parallel_loop3A_251 = arith.index_cast %parallel_loop3A_214 : i32 to index
        %parallel_loop3A_252 = arith.constant 32 : index
        %parallel_loop3A_253 = tpu.vector_load %parallel_loop3A_250[%parallel_loop3A_251, %parallel_loop3A_252] {strides = array<i32>} : memref<128x128xf32, #tpu.memory_space<vmem>>, vector<16xf32>,
        %parallel_loop3A_254 = arith.mulf %parallel_loop3A_253, %parallel_loop3A_216 : vector<16xf32>
        %parallel_loop3A_255 = arith.constant 0 : i32
        %parallel_loop3A_256 = arith.constant 0 : i32
        %parallel_loop3A_257 = tpu.memref_slice %arg7[%scan3A_71, %parallel_loop3A_255, %parallel_loop3A_256] : memref<2x128x128xf32, #tpu.memory_space<vmem>> -> memref<1x128x128xf32, #tpu.memory_space<vmem>>
        %parallel_loop3A_258 = tpu.memref_squeeze %parallel_loop3A_257 : memref<1x128x128xf32, #tpu.memory_space<vmem>> -> memref<128x128xf32, #tpu.memory_space<vmem>>
        %parallel_loop3A_259 = arith.index_cast %parallel_loop3A_214 : i32 to index
        %parallel_loop3A_260 = arith.constant 32 : index
        %parallel_loop3A_261 = tpu.vector_load %parallel_loop3A_258[%parallel_loop3A_259, %parallel_loop3A_260] {strides = array<i32>} : memref<128x128xf32, #tpu.memory_space<vmem>>, vector<16xf32>,
        tpu.vector_store %parallel_loop3A_258[%parallel_loop3A_259, %parallel_loop3A_260], %parallel_loop3A_254 {strides = array<i32>} : memref<128x128xf32, #tpu.memory_space<vmem>>, vector<16xf32>,
        %parallel_loop3A_262 = arith.constant 0 : i32
        %parallel_loop3A_263 = arith.constant 0 : i32
        %parallel_loop3A_264 = tpu.memref_slice %arg7[%scan3A_71, %parallel_loop3A_262, %parallel_loop3A_263] : memref<2x128x128xf32, #tpu.memory_space<vmem>> -> memref<1x128x128xf32, #tpu.memory_space<vmem>>
        %parallel_loop3A_265 = tpu.memref_squeeze %parallel_loop3A_264 : memref<1x128x128xf32, #tpu.memory_space<vmem>> -> memref<128x128xf32, #tpu.memory_space<vmem>>
        %parallel_loop3A_266 = arith.index_cast %parallel_loop3A_214 : i32 to index
        %parallel_loop3A_267 = arith.constant 48 : index
        %parallel_loop3A_268 = tpu.vector_load %parallel_loop3A_265[%parallel_loop3A_266, %parallel_loop3A_267] {strides = array<i32>} : memref<128x128xf32, #tpu.memory_space<vmem>>, vector<16xf32>,
        %parallel_loop3A_269 = arith.mulf %parallel_loop3A_268, %parallel_loop3A_216 : vector<16xf32>
        %parallel_loop3A_270 = arith.constant 0 : i32
        %parallel_loop3A_271 = arith.constant 0 : i32
        %parallel_loop3A_272 = tpu.memref_slice %arg7[%scan3A_71, %parallel_loop3A_270, %parallel_loop3A_271] : memref<2x128x128xf32, #tpu.memory_space<vmem>> -> memref<1x128x128xf32, #tpu.memory_space<vmem>>
        %parallel_loop3A_273 = tpu.memref_squeeze %parallel_loop3A_272 : memref<1x128x128xf32, #tpu.memory_space<vmem>> -> memref<128x128xf32, #tpu.memory_space<vmem>>
        %parallel_loop3A_274 = arith.index_cast %parallel_loop3A_214 : i32 to index
        %parallel_loop3A_275 = arith.constant 48 : index
        %parallel_loop3A_276 = tpu.vector_load %parallel_loop3A_273[%parallel_loop3A_274, %parallel_loop3A_275] {strides = array<i32>} : memref<128x128xf32, #tpu.memory_space<vmem>>, vector<16xf32>,
        tpu.vector_store %parallel_loop3A_273[%parallel_loop3A_274, %parallel_loop3A_275], %parallel_loop3A_269 {strides = array<i32>} : memref<128x128xf32, #tpu.memory_space<vmem>>, vector<16xf32>,
        %parallel_loop3A_277 = arith.constant 0 : i32
        %parallel_loop3A_278 = arith.constant 0 : i32
        %parallel_loop3A_279 = tpu.memref_slice %arg7[%scan3A_71, %parallel_loop3A_277, %parallel_loop3A_278] : memref<2x128x128xf32, #tpu.memory_space<vmem>> -> memref<1x128x128xf32, #tpu.memory_space<vmem>>
        %parallel_loop3A_280 = tpu.memref_squeeze %parallel_loop3A_279 : memref<1x128x128xf32, #tpu.memory_space<vmem>> -> memref<128x128xf32, #tpu.memory_space<vmem>>
        %parallel_loop3A_281 = arith.index_cast %parallel_loop3A_214 : i32 to index
        %parallel_loop3A_282 = arith.constant 64 : index
        %parallel_loop3A_283 = tpu.vector_load %parallel_loop3A_280[%parallel_loop3A_281, %parallel_loop3A_282] {strides = array<i32>} : memref<128x128xf32, #tpu.memory_space<vmem>>, vector<16xf32>,
        %parallel_loop3A_284 = arith.mulf %parallel_loop3A_283, %parallel_loop3A_216 : vector<16xf32>
        %parallel_loop3A_285 = arith.constant 0 : i32
        %parallel_loop3A_286 = arith.constant 0 : i32
        %parallel_loop3A_287 = tpu.memref_slice %arg7[%scan3A_71, %parallel_loop3A_285, %parallel_loop3A_286] : memref<2x128x128xf32, #tpu.memory_space<vmem>> -> memref<1x128x128xf32, #tpu.memory_space<vmem>>
        %parallel_loop3A_288 = tpu.memref_squeeze %parallel_loop3A_287 : memref<1x128x128xf32, #tpu.memory_space<vmem>> -> memref<128x128xf32, #tpu.memory_space<vmem>>
        %parallel_loop3A_289 = arith.index_cast %parallel_loop3A_214 : i32 to index
        %parallel_loop3A_290 = arith.constant 64 : index
        %parallel_loop3A_291 = tpu.vector_load %parallel_loop3A_288[%parallel_loop3A_289, %parallel_loop3A_290] {strides = array<i32>} : memref<128x128xf32, #tpu.memory_space<vmem>>, vector<16xf32>,
        tpu.vector_store %parallel_loop3A_288[%parallel_loop3A_289, %parallel_loop3A_290], %parallel_loop3A_284 {strides = array<i32>} : memref<128x128xf32, #tpu.memory_space<vmem>>, vector<16xf32>,
        %parallel_loop3A_292 = arith.constant 0 : i32
        %parallel_loop3A_293 = arith.constant 0 : i32
        %parallel_loop3A_294 = tpu.memref_slice %arg7[%scan3A_71, %parallel_loop3A_292, %parallel_loop3A_293] : memref<2x128x128xf32, #tpu.memory_space<vmem>> -> memref<1x128x128xf32, #tpu.memory_space<vmem>>
        %parallel_loop3A_295 = tpu.memref_squeeze %parallel_loop3A_294 : memref<1x128x128xf32, #tpu.memory_space<vmem>> -> memref<128x128xf32, #tpu.memory_space<vmem>>
        %parallel_loop3A_296 = arith.index_cast %parallel_loop3A_214 : i32 to index
        %parallel_loop3A_297 = arith.constant 80 : index
        %parallel_loop3A_298 = tpu.vector_load %parallel_loop3A_295[%parallel_loop3A_296, %parallel_loop3A_297] {strides = array<i32>} : memref<128x128xf32, #tpu.memory_space<vmem>>, vector<16xf32>,
        %parallel_loop3A_299 = arith.mulf %parallel_loop3A_298, %parallel_loop3A_216 : vector<16xf32>
        %parallel_loop3A_300 = arith.constant 0 : i32
        %parallel_loop3A_301 = arith.constant 0 : i32
        %parallel_loop3A_302 = tpu.memref_slice %arg7[%scan3A_71, %parallel_loop3A_300, %parallel_loop3A_301] : memref<2x128x128xf32, #tpu.memory_space<vmem>> -> memref<1x128x128xf32, #tpu.memory_space<vmem>>
        %parallel_loop3A_303 = tpu.memref_squeeze %parallel_loop3A_302 : memref<1x128x128xf32, #tpu.memory_space<vmem>> -> memref<128x128xf32, #tpu.memory_space<vmem>>
        %parallel_loop3A_304 = arith.index_cast %parallel_loop3A_214 : i32 to index
        %parallel_loop3A_305 = arith.constant 80 : index
        %parallel_loop3A_306 = tpu.vector_load %parallel_loop3A_303[%parallel_loop3A_304, %parallel_loop3A_305] {strides = array<i32>} : memref<128x128xf32, #tpu.memory_space<vmem>>, vector<16xf32>,
        tpu.vector_store %parallel_loop3A_303[%parallel_loop3A_304, %parallel_loop3A_305], %parallel_loop3A_299 {strides = array<i32>} : memref<128x128xf32, #tpu.memory_space<vmem>>, vector<16xf32>,
        %parallel_loop3A_307 = arith.constant 0 : i32
        %parallel_loop3A_308 = arith.constant 0 : i32
        %parallel_loop3A_309 = tpu.memref_slice %arg7[%scan3A_71, %parallel_loop3A_307, %parallel_loop3A_308] : memref<2x128x128xf32, #tpu.memory_space<vmem>> -> memref<1x128x128xf32, #tpu.memory_space<vmem>>
        %parallel_loop3A_310 = tpu.memref_squeeze %parallel_loop3A_309 : memref<1x128x128xf32, #tpu.memory_space<vmem>> -> memref<128x128xf32, #tpu.memory_space<vmem>>
        %parallel_loop3A_311 = arith.index_cast %parallel_loop3A_214 : i32 to index
        %parallel_loop3A_312 = arith.constant 96 : index
        %parallel_loop3A_313 = tpu.vector_load %parallel_loop3A_310[%parallel_loop3A_311, %parallel_loop3A_312] {strides = array<i32>} : memref<128x128xf32, #tpu.memory_space<vmem>>, vector<16xf32>,
        %parallel_loop3A_314 = arith.mulf %parallel_loop3A_313, %parallel_loop3A_216 : vector<16xf32>
        %parallel_loop3A_315 = arith.constant 0 : i32
        %parallel_loop3A_316 = arith.constant 0 : i32
        %parallel_loop3A_317 = tpu.memref_slice %arg7[%scan3A_71, %parallel_loop3A_315, %parallel_loop3A_316] : memref<2x128x128xf32, #tpu.memory_space<vmem>> -> memref<1x128x128xf32, #tpu.memory_space<vmem>>
        %parallel_loop3A_318 = tpu.memref_squeeze %parallel_loop3A_317 : memref<1x128x128xf32, #tpu.memory_space<vmem>> -> memref<128x128xf32, #tpu.memory_space<vmem>>
        %parallel_loop3A_319 = arith.index_cast %parallel_loop3A_214 : i32 to index
        %parallel_loop3A_320 = arith.constant 96 : index
        %parallel_loop3A_321 = tpu.vector_load %parallel_loop3A_318[%parallel_loop3A_319, %parallel_loop3A_320] {strides = array<i32>} : memref<128x128xf32, #tpu.memory_space<vmem>>, vector<16xf32>,
        tpu.vector_store %parallel_loop3A_318[%parallel_loop3A_319, %parallel_loop3A_320], %parallel_loop3A_314 {strides = array<i32>} : memref<128x128xf32, #tpu.memory_space<vmem>>, vector<16xf32>,
        %parallel_loop3A_322 = arith.constant 0 : i32
        %parallel_loop3A_323 = arith.constant 0 : i32
        %parallel_loop3A_324 = tpu.memref_slice %arg7[%scan3A_71, %parallel_loop3A_322, %parallel_loop3A_323] : memref<2x128x128xf32, #tpu.memory_space<vmem>> -> memref<1x128x128xf32, #tpu.memory_space<vmem>>
        %parallel_loop3A_325 = tpu.memref_squeeze %parallel_loop3A_324 : memref<1x128x128xf32, #tpu.memory_space<vmem>> -> memref<128x128xf32, #tpu.memory_space<vmem>>
        %parallel_loop3A_326 = arith.index_cast %parallel_loop3A_214 : i32 to index
        %parallel_loop3A_327 = arith.constant 112 : index
        %parallel_loop3A_328 = tpu.vector_load %parallel_loop3A_325[%parallel_loop3A_326, %parallel_loop3A_327] {strides = array<i32>} : memref<128x128xf32, #tpu.memory_space<vmem>>, vector<16xf32>,
        %parallel_loop3A_329 = arith.mulf %parallel_loop3A_328, %parallel_loop3A_216 : vector<16xf32>
        %parallel_loop3A_330 = arith.constant 0 : i32
        %parallel_loop3A_331 = arith.constant 0 : i32
        %parallel_loop3A_332 = tpu.memref_slice %arg7[%scan3A_71, %parallel_loop3A_330, %parallel_loop3A_331] : memref<2x128x128xf32, #tpu.memory_space<vmem>> -> memref<1x128x128xf32, #tpu.memory_space<vmem>>
        %parallel_loop3A_333 = tpu.memref_squeeze %parallel_loop3A_332 : memref<1x128x128xf32, #tpu.memory_space<vmem>> -> memref<128x128xf32, #tpu.memory_space<vmem>>
        %parallel_loop3A_334 = arith.index_cast %parallel_loop3A_214 : i32 to index
        %parallel_loop3A_335 = arith.constant 112 : index
        %parallel_loop3A_336 = tpu.vector_load %parallel_loop3A_333[%parallel_loop3A_334, %parallel_loop3A_335] {strides = array<i32>} : memref<128x128xf32, #tpu.memory_space<vmem>>, vector<16xf32>,
        tpu.vector_store %parallel_loop3A_333[%parallel_loop3A_334, %parallel_loop3A_335], %parallel_loop3A_329 {strides = array<i32>} : memref<128x128xf32, #tpu.memory_space<vmem>>, vector<16xf32>,
      } {sc.loop_unroll_factor = 4 : i64, sc.parallel_access}
      %dma_start3A_141 = arith.constant 0 : i32
      %dma_start3A_142 = arith.constant 0 : i32
      %dma_start3A_143 = arith.constant 0 : i32
      %dma_start3A_144 = tpu.memref_slice %arg7[%scan3A_71, %dma_start3A_142, %dma_start3A_143] : memref<2x128x128xf32, #tpu.memory_space<vmem>> -> memref<1x128x128xf32, #tpu.memory_space<vmem>>
      %dma_start3A_145 = tpu.memref_squeeze %dma_start3A_144 : memref<1x128x128xf32, #tpu.memory_space<vmem>> -> memref<128x128xf32, #tpu.memory_space<vmem>>
      %dma_start3A_146 = arith.constant 0 : i32
      %dma_start3A_147 = tpu.memref_slice %arg11[%dma_start3A_141, %dma_start3A_146] : memref<1x128xi32, #tpu.memory_space<vmem>> -> memref<1x128xi32, #tpu.memory_space<vmem>>
      %dma_start3A_148 = tpu.memref_squeeze %dma_start3A_147 : memref<1x128xi32, #tpu.memory_space<vmem>> -> memref<128xi32, #tpu.memory_space<vmem>>
      %dma_start3A_149 = arith.constant 0 : i32
      %dma_start3A_150 = arith.constant 0 : i32
      %dma_start3A_151 = tpu.memref_slice %arg13[%dma_start3A_149, %dma_start3A_150] : memref<10112x128xf32, #tpu.memory_space<vmem_shared>> -> memref<10112x128xf32, #tpu.memory_space<vmem_shared>>
      tpu.enqueue_indirect_dma source(%dma_start3A_145 : memref<128x128xf32, #tpu.memory_space<vmem>>) target(%dma_start3A_151 : memref<10112x128xf32, #tpu.memory_space<vmem_shared>>) offsets(%dma_start3A_148 : memref<128xi32, #tpu.memory_space<vmem>>) semaphore(%arg16 : memref<!tpu.dma_semaphore, #tpu.memory_space<semaphore_mem>>) {add = true}
      %mul3A_152 = arith.constant 2 : i32
      %mul3A_153 = arith.muli %mul3A_152, %scan3A_96 : i32
      %add3A_154 = arith.constant 1 : i32
      %add3A_155 = arith.addi %mul3A_153, %add3A_154 : i32
      %dma_wait3A_156 = arith.constant 0 : i32
      %dma_wait3A_157 = arith.constant 0 : i32
      %dma_wait3A_158 = tpu.memref_slice %arg7[%scan3A_72, %dma_wait3A_156, %dma_wait3A_157] : memref<2x128x128xf32, #tpu.memory_space<vmem>> -> memref<1x128x128xf32, #tpu.memory_space<vmem>>
      %dma_wait3A_159 = tpu.memref_squeeze %dma_wait3A_158 : memref<1x128x128xf32, #tpu.memory_space<vmem>> -> memref<128x128xf32, #tpu.memory_space<vmem>>
      %dma_wait3A_160 = arith.constant 0 : i32
      %dma_wait3A_161 = tpu.memref_slice %arg8[%add3A_155, %dma_wait3A_160] : memref<80x128xi32, #tpu.memory_space<vmem>> -> memref<1x128xi32, #tpu.memory_space<vmem>>
      %dma_wait3A_162 = tpu.memref_squeeze %dma_wait3A_161 : memref<1x128xi32, #tpu.memory_space<vmem>> -> memref<128xi32, #tpu.memory_space<vmem>>
      %dma_wait3A_163 = arith.constant 0 : i32
      %dma_wait3A_164 = arith.constant 0 : i32
      %dma_wait3A_165 = tpu.memref_slice %arg2[%dma_wait3A_163, %dma_wait3A_164] : memref<10000x128xf32, #tpu.memory_space<hbm>> -> memref<10000x128xf32, #tpu.memory_space<hbm>>
      tpu.wait_indirect_dma semaphore(%arg15 : memref<!tpu.dma_semaphore, #tpu.memory_space<semaphore_mem>>) src(%dma_wait3A_165 : memref<10000x128xf32, #tpu.memory_space<hbm>>) dst(%dma_wait3A_159 : memref<128x128xf32, #tpu.memory_space<vmem>>)
      %dma_wait3A_166 = arith.constant 0 : i32
      %dma_wait3A_167 = arith.constant 0 : i32
      %dma_wait3A_168 = tpu.memref_slice %arg5[%dma_wait3A_166, %dma_wait3A_167] : memref<2560x128xf32, #tpu.memory_space<hbm>> -> memref<1x128xf32, #tpu.memory_space<hbm>>
      %dma_wait3A_169 = tpu.memref_squeeze %dma_wait3A_168 : memref<1x128xf32, #tpu.memory_space<hbm>> -> memref<128xf32, #tpu.memory_space<hbm>>
      %dma_wait3A_170 = arith.constant 0 : i32
      %dma_wait3A_171 = tpu.memref_slice %arg5[%dma_wait3A_166, %dma_wait3A_170] : memref<2560x128xf32, #tpu.memory_space<hbm>> -> memref<1x128xf32, #tpu.memory_space<hbm>>
      %dma_wait3A_172 = tpu.memref_squeeze %dma_wait3A_171 : memref<1x128xf32, #tpu.memory_space<hbm>> -> memref<128xf32, #tpu.memory_space<hbm>>
      tpu.wait_dma2 semaphore(%arg15 : memref<!tpu.dma_semaphore, #tpu.memory_space<semaphore_mem>>) src(%dma_wait3A_172 : memref<128xf32, #tpu.memory_space<hbm>>) dst(%arg10 : memref<128xf32, #tpu.memory_space<vmem>>)
      %dma_wait3A_173 = arith.constant 0 : i32
      %dma_wait3A_174 = arith.constant 0 : i32
      %dma_wait3A_175 = arith.constant 0 : i32
      %dma_wait3A_176 = tpu.memref_slice %arg12[%dma_wait3A_174, %dma_wait3A_175] : memref<1x128xi32, #tpu.memory_space<vmem>> -> memref<1x128xi32, #tpu.memory_space<vmem>>
      %dma_wait3A_177 = tpu.memref_squeeze %dma_wait3A_176 : memref<1x128xi32, #tpu.memory_space<vmem>> -> memref<128xi32, #tpu.memory_space<vmem>>
      %dma_wait3A_178 = arith.constant 0 : i32
      %dma_wait3A_179 = tpu.memref_slice %arg4[%dma_wait3A_173, %dma_wait3A_178] : memref<2560x128xi32, #tpu.memory_space<hbm>> -> memref<1x128xi32, #tpu.memory_space<hbm>>
      %dma_wait3A_180 = tpu.memref_squeeze %dma_wait3A_179 : memref<1x128xi32, #tpu.memory_space<hbm>> -> memref<128xi32, #tpu.memory_space<hbm>>
      %dma_wait3A_181 = arith.constant 0 : i32
      %dma_wait3A_182 = tpu.memref_slice %arg12[%dma_wait3A_174, %dma_wait3A_181] : memref<1x128xi32, #tpu.memory_space<vmem>> -> memref<1x128xi32, #tpu.memory_space<vmem>>
      %dma_wait3A_183 = tpu.memref_squeeze %dma_wait3A_182 : memref<1x128xi32, #tpu.memory_space<vmem>> -> memref<128xi32, #tpu.memory_space<vmem>>
      %dma_wait3A_184 = arith.constant 0 : i32
      %dma_wait3A_185 = tpu.memref_slice %arg4[%dma_wait3A_173, %dma_wait3A_184] : memref<2560x128xi32, #tpu.memory_space<hbm>> -> memref<1x128xi32, #tpu.memory_space<hbm>>
      %dma_wait3A_186 = tpu.memref_squeeze %dma_wait3A_185 : memref<1x128xi32, #tpu.memory_space<hbm>> -> memref<128xi32, #tpu.memory_space<hbm>>
      tpu.wait_dma2 semaphore(%arg15 : memref<!tpu.dma_semaphore, #tpu.memory_space<semaphore_mem>>) src(%dma_wait3A_186 : memref<128xi32, #tpu.memory_space<hbm>>) dst(%dma_wait3A_183 : memref<128xi32, #tpu.memory_space<vmem>>)
      %ge3A_187 = arith.constant 1 : i32
      %ge3A_188 = arith.cmpi sge, %add3A_155, %ge3A_187 : i32
      %convert_element_type3A_189 = arith.extui %ge3A_188 : i1 to i32
      %cond3A_190 = arith.constant 0 : i32
      %cond3A_191 = arith.cmpi ne, %convert_element_type3A_189, %cond3A_190 : i32
      scf.if %cond3A_191 {
        %dma_wait3A_214 = arith.constant 0 : i32
        %dma_wait3A_215 = arith.constant 0 : i32
        %dma_wait3A_216 = arith.constant 0 : i32
        %dma_wait3A_217 = tpu.memref_slice %arg7[%scan3A_71, %dma_wait3A_215, %dma_wait3A_216] : memref<2x128x128xf32, #tpu.memory_space<vmem>> -> memref<1x128x128xf32, #tpu.memory_space<vmem>>
        %dma_wait3A_218 = tpu.memref_squeeze %dma_wait3A_217 : memref<1x128x128xf32, #tpu.memory_space<vmem>> -> memref<128x128xf32, #tpu.memory_space<vmem>>
        %dma_wait3A_219 = arith.constant 0 : i32
        %dma_wait3A_220 = tpu.memref_slice %arg11[%dma_wait3A_214, %dma_wait3A_219] : memref<1x128xi32, #tpu.memory_space<vmem>> -> memref<1x128xi32, #tpu.memory_space<vmem>>
        %dma_wait3A_221 = tpu.memref_squeeze %dma_wait3A_220 : memref<1x128xi32, #tpu.memory_space<vmem>> -> memref<128xi32, #tpu.memory_space<vmem>>
        %dma_wait3A_222 = arith.constant 0 : i32
        %dma_wait3A_223 = arith.constant 0 : i32
        %dma_wait3A_224 = tpu.memref_slice %arg13[%dma_wait3A_222, %dma_wait3A_223] : memref<10112x128xf32, #tpu.memory_space<vmem_shared>> -> memref<10112x128xf32, #tpu.memory_space<vmem_shared>>
        tpu.wait_indirect_dma semaphore(%arg16 : memref<!tpu.dma_semaphore, #tpu.memory_space<semaphore_mem>>) src(%dma_wait3A_218 : memref<128x128xf32, #tpu.memory_space<vmem>>) dst(%dma_wait3A_224 : memref<10112x128xf32, #tpu.memory_space<vmem_shared>>)
      } else {
      }
      %add3A_192 = arith.constant 1 : i32
      %add3A_193 = arith.addi %add3A_155, %add3A_192 : i32
      %lt3A_194 = arith.constant 80 : i32
      %lt3A_195 = arith.cmpi slt, %add3A_193, %lt3A_194 : i32
      %convert_element_type3A_196 = arith.extui %lt3A_195 : i1 to i32
      %cond3A_197 = arith.constant 0 : i32
      %cond3A_198 = arith.cmpi ne, %convert_element_type3A_196, %cond3A_197 : i32
      scf.if %cond3A_198 {
        %add3A_214 = arith.constant 1 : i32
        %add3A_215 = arith.addi %add3A_155, %add3A_214 : i32
        %dma_start3A_216 = arith.constant 0 : i32
        %dma_start3A_217 = arith.constant 0 : i32
        %dma_start3A_218 = tpu.memref_slice %arg7[%scan3A_71, %dma_start3A_216, %dma_start3A_217] : memref<2x128x128xf32, #tpu.memory_space<vmem>> -> memref<1x128x128xf32, #tpu.memory_space<vmem>>
        %dma_start3A_219 = tpu.memref_squeeze %dma_start3A_218 : memref<1x128x128xf32, #tpu.memory_space<vmem>> -> memref<128x128xf32, #tpu.memory_space<vmem>>
        %dma_start3A_220 = arith.constant 0 : i32
        %dma_start3A_221 = tpu.memref_slice %arg8[%add3A_215, %dma_start3A_220] : memref<80x128xi32, #tpu.memory_space<vmem>> -> memref<1x128xi32, #tpu.memory_space<vmem>>
        %dma_start3A_222 = tpu.memref_squeeze %dma_start3A_221 : memref<1x128xi32, #tpu.memory_space<vmem>> -> memref<128xi32, #tpu.memory_space<vmem>>
        %dma_start3A_223 = arith.constant 0 : i32
        %dma_start3A_224 = arith.constant 0 : i32
        %dma_start3A_225 = tpu.memref_slice %arg2[%dma_start3A_223, %dma_start3A_224] : memref<10000x128xf32, #tpu.memory_space<hbm>> -> memref<10000x128xf32, #tpu.memory_space<hbm>>
        tpu.enqueue_indirect_dma source(%dma_start3A_225 : memref<10000x128xf32, #tpu.memory_space<hbm>>) target(%dma_start3A_219 : memref<128x128xf32, #tpu.memory_space<vmem>>) offsets(%dma_start3A_222 : memref<128xi32, #tpu.memory_space<vmem>>) semaphore(%arg14 : memref<!tpu.dma_semaphore, #tpu.memory_space<semaphore_mem>>)
        %mul3A_226 = arith.constant 80 : i32
        %mul3A_227 = arith.muli %add3A, %mul3A_226 : i32
        %add3A_228 = arith.addi %mul3A_227, %add3A_215 : i32
        %dma_start3A_229 = arith.constant 0 : i32
        %dma_start3A_230 = tpu.memref_slice %arg5[%add3A_228, %dma_start3A_229] : memref<2560x128xf32, #tpu.memory_space<hbm>> -> memref<1x128xf32, #tpu.memory_space<hbm>>
        %dma_start3A_231 = tpu.memref_squeeze %dma_start3A_230 : memref<1x128xf32, #tpu.memory_space<hbm>> -> memref<128xf32, #tpu.memory_space<hbm>>
        %dma_start3A_232 = arith.constant 0 : i32
        %dma_start3A_233 = tpu.memref_slice %arg5[%add3A_228, %dma_start3A_232] : memref<2560x128xf32, #tpu.memory_space<hbm>> -> memref<1x128xf32, #tpu.memory_space<hbm>>
        %dma_start3A_234 = tpu.memref_squeeze %dma_start3A_233 : memref<1x128xf32, #tpu.memory_space<hbm>> -> memref<128xf32, #tpu.memory_space<hbm>>
        tpu.enqueue_dma source(%dma_start3A_234 : memref<128xf32, #tpu.memory_space<hbm>>) target(%arg9 : memref<128xf32, #tpu.memory_space<vmem>>) target_semaphore(%arg14 : memref<!tpu.dma_semaphore, #tpu.memory_space<semaphore_mem>>)
        %mul3A_235 = arith.constant 80 : i32
        %mul3A_236 = arith.muli %add3A, %mul3A_235 : i32
        %add3A_237 = arith.addi %mul3A_236, %add3A_215 : i32
        %dma_start3A_238 = arith.constant 0 : i32
        %dma_start3A_239 = arith.constant 0 : i32
        %dma_start3A_240 = tpu.memref_slice %arg11[%dma_start3A_238, %dma_start3A_239] : memref<1x128xi32, #tpu.memory_space<vmem>> -> memref<1x128xi32, #tpu.memory_space<vmem>>
        %dma_start3A_241 = tpu.memref_squeeze %dma_start3A_240 : memref<1x128xi32, #tpu.memory_space<vmem>> -> memref<128xi32, #tpu.memory_space<vmem>>
        %dma_start3A_242 = arith.constant 0 : i32
        %dma_start3A_243 = tpu.memref_slice %arg4[%add3A_237, %dma_start3A_242] : memref<2560x128xi32, #tpu.memory_space<hbm>> -> memref<1x128xi32, #tpu.memory_space<hbm>>
        %dma_start3A_244 = tpu.memref_squeeze %dma_start3A_243 : memref<1x128xi32, #tpu.memory_space<hbm>> -> memref<128xi32, #tpu.memory_space<hbm>>
        %dma_start3A_245 = arith.constant 0 : i32
        %dma_start3A_246 = tpu.memref_slice %arg11[%dma_start3A_238, %dma_start3A_245] : memref<1x128xi32, #tpu.memory_space<vmem>> -> memref<1x128xi32, #tpu.memory_space<vmem>>
        %dma_start3A_247 = tpu.memref_squeeze %dma_start3A_246 : memref<1x128xi32, #tpu.memory_space<vmem>> -> memref<128xi32, #tpu.memory_space<vmem>>
        %dma_start3A_248 = arith.constant 0 : i32
        %dma_start3A_249 = tpu.memref_slice %arg4[%add3A_237, %dma_start3A_248] : memref<2560x128xi32, #tpu.memory_space<hbm>> -> memref<1x128xi32, #tpu.memory_space<hbm>>
        %dma_start3A_250 = tpu.memref_squeeze %dma_start3A_249 : memref<1x128xi32, #tpu.memory_space<hbm>> -> memref<128xi32, #tpu.memory_space<hbm>>
        tpu.enqueue_dma source(%dma_start3A_250 : memref<128xi32, #tpu.memory_space<hbm>>) target(%dma_start3A_247 : memref<128xi32, #tpu.memory_space<vmem>>) target_semaphore(%arg14 : memref<!tpu.dma_semaphore, #tpu.memory_space<semaphore_mem>>)
      } else {
      }
      %parallel_loop3A_199 = arith.constant 0 : i32
      %parallel_loop3A_200 = arith.constant 128 : i32
      %parallel_loop3A_201 = arith.constant 1 : i32
      scf.for %parallel_loop3A_214 = %parallel_loop3A_199 to %parallel_loop3A_200 step %parallel_loop3A_201  : i32 {
        %parallel_loop3A_215 = vector.broadcast %parallel_loop3A_214 : i32 to vector<16xi32>
        %parallel_loop3A_216 = tpu.vector_load_idx %arg10[%parallel_loop3A_215] : memref<128xf32, #tpu.memory_space<vmem>>[vector<16xi32>], vector<16xf32>,
        %parallel_loop3A_217 = arith.constant 0 : i32
        %parallel_loop3A_218 = arith.constant 0 : i32
        %parallel_loop3A_219 = tpu.memref_slice %arg7[%scan3A_72, %parallel_loop3A_217, %parallel_loop3A_218] : memref<2x128x128xf32, #tpu.memory_space<vmem>> -> memref<1x128x128xf32, #tpu.memory_space<vmem>>
        %parallel_loop3A_220 = tpu.memref_squeeze %parallel_loop3A_219 : memref<1x128x128xf32, #tpu.memory_space<vmem>> -> memref<128x128xf32, #tpu.memory_space<vmem>>
        %parallel_loop3A_221 = arith.index_cast %parallel_loop3A_214 : i32 to index
        %parallel_loop3A_222 = arith.constant 0 : index
        %parallel_loop3A_223 = tpu.vector_load %parallel_loop3A_220[%parallel_loop3A_221, %parallel_loop3A_222] {strides = array<i32>} : memref<128x128xf32, #tpu.memory_space<vmem>>, vector<16xf32>,
        %parallel_loop3A_224 = arith.mulf %parallel_loop3A_223, %parallel_loop3A_216 : vector<16xf32>
        %parallel_loop3A_225 = arith.constant 0 : i32
        %parallel_loop3A_226 = arith.constant 0 : i32
        %parallel_loop3A_227 = tpu.memref_slice %arg7[%scan3A_72, %parallel_loop3A_225, %parallel_loop3A_226] : memref<2x128x128xf32, #tpu.memory_space<vmem>> -> memref<1x128x128xf32, #tpu.memory_space<vmem>>
        %parallel_loop3A_228 = tpu.memref_squeeze %parallel_loop3A_227 : memref<1x128x128xf32, #tpu.memory_space<vmem>> -> memref<128x128xf32, #tpu.memory_space<vmem>>
        %parallel_loop3A_229 = arith.index_cast %parallel_loop3A_214 : i32 to index
        %parallel_loop3A_230 = arith.constant 0 : index
        %parallel_loop3A_231 = tpu.vector_load %parallel_loop3A_228[%parallel_loop3A_229, %parallel_loop3A_230] {strides = array<i32>} : memref<128x128xf32, #tpu.memory_space<vmem>>, vector<16xf32>,
        tpu.vector_store %parallel_loop3A_228[%parallel_loop3A_229, %parallel_loop3A_230], %parallel_loop3A_224 {strides = array<i32>} : memref<128x128xf32, #tpu.memory_space<vmem>>, vector<16xf32>,
        %parallel_loop3A_232 = arith.constant 0 : i32
        %parallel_loop3A_233 = arith.constant 0 : i32
        %parallel_loop3A_234 = tpu.memref_slice %arg7[%scan3A_72, %parallel_loop3A_232, %parallel_loop3A_233] : memref<2x128x128xf32, #tpu.memory_space<vmem>> -> memref<1x128x128xf32, #tpu.memory_space<vmem>>
        %parallel_loop3A_235 = tpu.memref_squeeze %parallel_loop3A_234 : memref<1x128x128xf32, #tpu.memory_space<vmem>> -> memref<128x128xf32, #tpu.memory_space<vmem>>
        %parallel_loop3A_236 = arith.index_cast %parallel_loop3A_214 : i32 to index
        %parallel_loop3A_237 = arith.constant 16 : index
        %parallel_loop3A_238 = tpu.vector_load %parallel_loop3A_235[%parallel_loop3A_236, %parallel_loop3A_237] {strides = array<i32>} : memref<128x128xf32, #tpu.memory_space<vmem>>, vector<16xf32>,
        %parallel_loop3A_239 = arith.mulf %parallel_loop3A_238, %parallel_loop3A_216 : vector<16xf32>
        %parallel_loop3A_240 = arith.constant 0 : i32
        %parallel_loop3A_241 = arith.constant 0 : i32
        %parallel_loop3A_242 = tpu.memref_slice %arg7[%scan3A_72, %parallel_loop3A_240, %parallel_loop3A_241] : memref<2x128x128xf32, #tpu.memory_space<vmem>> -> memref<1x128x128xf32, #tpu.memory_space<vmem>>
        %parallel_loop3A_243 = tpu.memref_squeeze %parallel_loop3A_242 : memref<1x128x128xf32, #tpu.memory_space<vmem>> -> memref<128x128xf32, #tpu.memory_space<vmem>>
        %parallel_loop3A_244 = arith.index_cast %parallel_loop3A_214 : i32 to index
        %parallel_loop3A_245 = arith.constant 16 : index
        %parallel_loop3A_246 = tpu.vector_load %parallel_loop3A_243[%parallel_loop3A_244, %parallel_loop3A_245] {strides = array<i32>} : memref<128x128xf32, #tpu.memory_space<vmem>>, vector<16xf32>,
        tpu.vector_store %parallel_loop3A_243[%parallel_loop3A_244, %parallel_loop3A_245], %parallel_loop3A_239 {strides = array<i32>} : memref<128x128xf32, #tpu.memory_space<vmem>>, vector<16xf32>,
        %parallel_loop3A_247 = arith.constant 0 : i32
        %parallel_loop3A_248 = arith.constant 0 : i32
        %parallel_loop3A_249 = tpu.memref_slice %arg7[%scan3A_72, %parallel_loop3A_247, %parallel_loop3A_248] : memref<2x128x128xf32, #tpu.memory_space<vmem>> -> memref<1x128x128xf32, #tpu.memory_space<vmem>>
        %parallel_loop3A_250 = tpu.memref_squeeze %parallel_loop3A_249 : memref<1x128x128xf32, #tpu.memory_space<vmem>> -> memref<128x128xf32, #tpu.memory_space<vmem>>
        %parallel_loop3A_251 = arith.index_cast %parallel_loop3A_214 : i32 to index
        %parallel_loop3A_252 = arith.constant 32 : index
        %parallel_loop3A_253 = tpu.vector_load %parallel_loop3A_250[%parallel_loop3A_251, %parallel_loop3A_252] {strides = array<i32>} : memref<128x128xf32, #tpu.memory_space<vmem>>, vector<16xf32>,
        %parallel_loop3A_254 = arith.mulf %parallel_loop3A_253, %parallel_loop3A_216 : vector<16xf32>
        %parallel_loop3A_255 = arith.constant 0 : i32
        %parallel_loop3A_256 = arith.constant 0 : i32
        %parallel_loop3A_257 = tpu.memref_slice %arg7[%scan3A_72, %parallel_loop3A_255, %parallel_loop3A_256] : memref<2x128x128xf32, #tpu.memory_space<vmem>> -> memref<1x128x128xf32, #tpu.memory_space<vmem>>
        %parallel_loop3A_258 = tpu.memref_squeeze %parallel_loop3A_257 : memref<1x128x128xf32, #tpu.memory_space<vmem>> -> memref<128x128xf32, #tpu.memory_space<vmem>>
        %parallel_loop3A_259 = arith.index_cast %parallel_loop3A_214 : i32 to index
        %parallel_loop3A_260 = arith.constant 32 : index
        %parallel_loop3A_261 = tpu.vector_load %parallel_loop3A_258[%parallel_loop3A_259, %parallel_loop3A_260] {strides = array<i32>} : memref<128x128xf32, #tpu.memory_space<vmem>>, vector<16xf32>,
        tpu.vector_store %parallel_loop3A_258[%parallel_loop3A_259, %parallel_loop3A_260], %parallel_loop3A_254 {strides = array<i32>} : memref<128x128xf32, #tpu.memory_space<vmem>>, vector<16xf32>,
        %parallel_loop3A_262 = arith.constant 0 : i32
        %parallel_loop3A_263 = arith.constant 0 : i32
        %parallel_loop3A_264 = tpu.memref_slice %arg7[%scan3A_72, %parallel_loop3A_262, %parallel_loop3A_263] : memref<2x128x128xf32, #tpu.memory_space<vmem>> -> memref<1x128x128xf32, #tpu.memory_space<vmem>>
        %parallel_loop3A_265 = tpu.memref_squeeze %parallel_loop3A_264 : memref<1x128x128xf32, #tpu.memory_space<vmem>> -> memref<128x128xf32, #tpu.memory_space<vmem>>
        %parallel_loop3A_266 = arith.index_cast %parallel_loop3A_214 : i32 to index
        %parallel_loop3A_267 = arith.constant 48 : index
        %parallel_loop3A_268 = tpu.vector_load %parallel_loop3A_265[%parallel_loop3A_266, %parallel_loop3A_267] {strides = array<i32>} : memref<128x128xf32, #tpu.memory_space<vmem>>, vector<16xf32>,
        %parallel_loop3A_269 = arith.mulf %parallel_loop3A_268, %parallel_loop3A_216 : vector<16xf32>
        %parallel_loop3A_270 = arith.constant 0 : i32
        %parallel_loop3A_271 = arith.constant 0 : i32
        %parallel_loop3A_272 = tpu.memref_slice %arg7[%scan3A_72, %parallel_loop3A_270, %parallel_loop3A_271] : memref<2x128x128xf32, #tpu.memory_space<vmem>> -> memref<1x128x128xf32, #tpu.memory_space<vmem>>
        %parallel_loop3A_273 = tpu.memref_squeeze %parallel_loop3A_272 : memref<1x128x128xf32, #tpu.memory_space<vmem>> -> memref<128x128xf32, #tpu.memory_space<vmem>>
        %parallel_loop3A_274 = arith.index_cast %parallel_loop3A_214 : i32 to index
        %parallel_loop3A_275 = arith.constant 48 : index
        %parallel_loop3A_276 = tpu.vector_load %parallel_loop3A_273[%parallel_loop3A_274, %parallel_loop3A_275] {strides = array<i32>} : memref<128x128xf32, #tpu.memory_space<vmem>>, vector<16xf32>,
        tpu.vector_store %parallel_loop3A_273[%parallel_loop3A_274, %parallel_loop3A_275], %parallel_loop3A_269 {strides = array<i32>} : memref<128x128xf32, #tpu.memory_space<vmem>>, vector<16xf32>,
        %parallel_loop3A_277 = arith.constant 0 : i32
        %parallel_loop3A_278 = arith.constant 0 : i32
        %parallel_loop3A_279 = tpu.memref_slice %arg7[%scan3A_72, %parallel_loop3A_277, %parallel_loop3A_278] : memref<2x128x128xf32, #tpu.memory_space<vmem>> -> memref<1x128x128xf32, #tpu.memory_space<vmem>>
        %parallel_loop3A_280 = tpu.memref_squeeze %parallel_loop3A_279 : memref<1x128x128xf32, #tpu.memory_space<vmem>> -> memref<128x128xf32, #tpu.memory_space<vmem>>
        %parallel_loop3A_281 = arith.index_cast %parallel_loop3A_214 : i32 to index
        %parallel_loop3A_282 = arith.constant 64 : index
        %parallel_loop3A_283 = tpu.vector_load %parallel_loop3A_280[%parallel_loop3A_281, %parallel_loop3A_282] {strides = array<i32>} : memref<128x128xf32, #tpu.memory_space<vmem>>, vector<16xf32>,
        %parallel_loop3A_284 = arith.mulf %parallel_loop3A_283, %parallel_loop3A_216 : vector<16xf32>
        %parallel_loop3A_285 = arith.constant 0 : i32
        %parallel_loop3A_286 = arith.constant 0 : i32
        %parallel_loop3A_287 = tpu.memref_slice %arg7[%scan3A_72, %parallel_loop3A_285, %parallel_loop3A_286] : memref<2x128x128xf32, #tpu.memory_space<vmem>> -> memref<1x128x128xf32, #tpu.memory_space<vmem>>
        %parallel_loop3A_288 = tpu.memref_squeeze %parallel_loop3A_287 : memref<1x128x128xf32, #tpu.memory_space<vmem>> -> memref<128x128xf32, #tpu.memory_space<vmem>>
        %parallel_loop3A_289 = arith.index_cast %parallel_loop3A_214 : i32 to index
        %parallel_loop3A_290 = arith.constant 64 : index
        %parallel_loop3A_291 = tpu.vector_load %parallel_loop3A_288[%parallel_loop3A_289, %parallel_loop3A_290] {strides = array<i32>} : memref<128x128xf32, #tpu.memory_space<vmem>>, vector<16xf32>,
        tpu.vector_store %parallel_loop3A_288[%parallel_loop3A_289, %parallel_loop3A_290], %parallel_loop3A_284 {strides = array<i32>} : memref<128x128xf32, #tpu.memory_space<vmem>>, vector<16xf32>,
        %parallel_loop3A_292 = arith.constant 0 : i32
        %parallel_loop3A_293 = arith.constant 0 : i32
        %parallel_loop3A_294 = tpu.memref_slice %arg7[%scan3A_72, %parallel_loop3A_292, %parallel_loop3A_293] : memref<2x128x128xf32, #tpu.memory_space<vmem>> -> memref<1x128x128xf32, #tpu.memory_space<vmem>>
        %parallel_loop3A_295 = tpu.memref_squeeze %parallel_loop3A_294 : memref<1x128x128xf32, #tpu.memory_space<vmem>> -> memref<128x128xf32, #tpu.memory_space<vmem>>
        %parallel_loop3A_296 = arith.index_cast %parallel_loop3A_214 : i32 to index
        %parallel_loop3A_297 = arith.constant 80 : index
        %parallel_loop3A_298 = tpu.vector_load %parallel_loop3A_295[%parallel_loop3A_296, %parallel_loop3A_297] {strides = array<i32>} : memref<128x128xf32, #tpu.memory_space<vmem>>, vector<16xf32>,
        %parallel_loop3A_299 = arith.mulf %parallel_loop3A_298, %parallel_loop3A_216 : vector<16xf32>
        %parallel_loop3A_300 = arith.constant 0 : i32
        %parallel_loop3A_301 = arith.constant 0 : i32
        %parallel_loop3A_302 = tpu.memref_slice %arg7[%scan3A_72, %parallel_loop3A_300, %parallel_loop3A_301] : memref<2x128x128xf32, #tpu.memory_space<vmem>> -> memref<1x128x128xf32, #tpu.memory_space<vmem>>
        %parallel_loop3A_303 = tpu.memref_squeeze %parallel_loop3A_302 : memref<1x128x128xf32, #tpu.memory_space<vmem>> -> memref<128x128xf32, #tpu.memory_space<vmem>>
        %parallel_loop3A_304 = arith.index_cast %parallel_loop3A_214 : i32 to index
        %parallel_loop3A_305 = arith.constant 80 : index
        %parallel_loop3A_306 = tpu.vector_load %parallel_loop3A_303[%parallel_loop3A_304, %parallel_loop3A_305] {strides = array<i32>} : memref<128x128xf32, #tpu.memory_space<vmem>>, vector<16xf32>,
        tpu.vector_store %parallel_loop3A_303[%parallel_loop3A_304, %parallel_loop3A_305], %parallel_loop3A_299 {strides = array<i32>} : memref<128x128xf32, #tpu.memory_space<vmem>>, vector<16xf32>,
        %parallel_loop3A_307 = arith.constant 0 : i32
        %parallel_loop3A_308 = arith.constant 0 : i32
        %parallel_loop3A_309 = tpu.memref_slice %arg7[%scan3A_72, %parallel_loop3A_307, %parallel_loop3A_308] : memref<2x128x128xf32, #tpu.memory_space<vmem>> -> memref<1x128x128xf32, #tpu.memory_space<vmem>>
        %parallel_loop3A_310 = tpu.memref_squeeze %parallel_loop3A_309 : memref<1x128x128xf32, #tpu.memory_space<vmem>> -> memref<128x128xf32, #tpu.memory_space<vmem>>
        %parallel_loop3A_311 = arith.index_cast %parallel_loop3A_214 : i32 to index
        %parallel_loop3A_312 = arith.constant 96 : index
        %parallel_loop3A_313 = tpu.vector_load %parallel_loop3A_310[%parallel_loop3A_311, %parallel_loop3A_312] {strides = array<i32>} : memref<128x128xf32, #tpu.memory_space<vmem>>, vector<16xf32>,
        %parallel_loop3A_314 = arith.mulf %parallel_loop3A_313, %parallel_loop3A_216 : vector<16xf32>
        %parallel_loop3A_315 = arith.constant 0 : i32
        %parallel_loop3A_316 = arith.constant 0 : i32
        %parallel_loop3A_317 = tpu.memref_slice %arg7[%scan3A_72, %parallel_loop3A_315, %parallel_loop3A_316] : memref<2x128x128xf32, #tpu.memory_space<vmem>> -> memref<1x128x128xf32, #tpu.memory_space<vmem>>
        %parallel_loop3A_318 = tpu.memref_squeeze %parallel_loop3A_317 : memref<1x128x128xf32, #tpu.memory_space<vmem>> -> memref<128x128xf32, #tpu.memory_space<vmem>>
        %parallel_loop3A_319 = arith.index_cast %parallel_loop3A_214 : i32 to index
        %parallel_loop3A_320 = arith.constant 96 : index
        %parallel_loop3A_321 = tpu.vector_load %parallel_loop3A_318[%parallel_loop3A_319, %parallel_loop3A_320] {strides = array<i32>} : memref<128x128xf32, #tpu.memory_space<vmem>>, vector<16xf32>,
        tpu.vector_store %parallel_loop3A_318[%parallel_loop3A_319, %parallel_loop3A_320], %parallel_loop3A_314 {strides = array<i32>} : memref<128x128xf32, #tpu.memory_space<vmem>>, vector<16xf32>,
        %parallel_loop3A_322 = arith.constant 0 : i32
        %parallel_loop3A_323 = arith.constant 0 : i32
        %parallel_loop3A_324 = tpu.memref_slice %arg7[%scan3A_72, %parallel_loop3A_322, %parallel_loop3A_323] : memref<2x128x128xf32, #tpu.memory_space<vmem>> -> memref<1x128x128xf32, #tpu.memory_space<vmem>>
        %parallel_loop3A_325 = tpu.memref_squeeze %parallel_loop3A_324 : memref<1x128x128xf32, #tpu.memory_space<vmem>> -> memref<128x128xf32, #tpu.memory_space<vmem>>
        %parallel_loop3A_326 = arith.index_cast %parallel_loop3A_214 : i32 to index
        %parallel_loop3A_327 = arith.constant 112 : index
        %parallel_loop3A_328 = tpu.vector_load %parallel_loop3A_325[%parallel_loop3A_326, %parallel_loop3A_327] {strides = array<i32>} : memref<128x128xf32, #tpu.memory_space<vmem>>, vector<16xf32>,
        %parallel_loop3A_329 = arith.mulf %parallel_loop3A_328, %parallel_loop3A_216 : vector<16xf32>
        %parallel_loop3A_330 = arith.constant 0 : i32
        %parallel_loop3A_331 = arith.constant 0 : i32
        %parallel_loop3A_332 = tpu.memref_slice %arg7[%scan3A_72, %parallel_loop3A_330, %parallel_loop3A_331] : memref<2x128x128xf32, #tpu.memory_space<vmem>> -> memref<1x128x128xf32, #tpu.memory_space<vmem>>
        %parallel_loop3A_333 = tpu.memref_squeeze %parallel_loop3A_332 : memref<1x128x128xf32, #tpu.memory_space<vmem>> -> memref<128x128xf32, #tpu.memory_space<vmem>>
        %parallel_loop3A_334 = arith.index_cast %parallel_loop3A_214 : i32 to index
        %parallel_loop3A_335 = arith.constant 112 : index
        %parallel_loop3A_336 = tpu.vector_load %parallel_loop3A_333[%parallel_loop3A_334, %parallel_loop3A_335] {strides = array<i32>} : memref<128x128xf32, #tpu.memory_space<vmem>>, vector<16xf32>,
        tpu.vector_store %parallel_loop3A_333[%parallel_loop3A_334, %parallel_loop3A_335], %parallel_loop3A_329 {strides = array<i32>} : memref<128x128xf32, #tpu.memory_space<vmem>>, vector<16xf32>,
      } {sc.loop_unroll_factor = 4 : i64, sc.parallel_access}
      %dma_start3A_202 = arith.constant 0 : i32
      %dma_start3A_203 = arith.constant 0 : i32
      %dma_start3A_204 = arith.constant 0 : i32
      %dma_start3A_205 = tpu.memref_slice %arg7[%scan3A_72, %dma_start3A_203, %dma_start3A_204] : memref<2x128x128xf32, #tpu.memory_space<vmem>> -> memref<1x128x128xf32, #tpu.memory_space<vmem>>
      %dma_start3A_206 = tpu.memref_squeeze %dma_start3A_205 : memref<1x128x128xf32, #tpu.memory_space<vmem>> -> memref<128x128xf32, #tpu.memory_space<vmem>>
      %dma_start3A_207 = arith.constant 0 : i32
      %dma_start3A_208 = tpu.memref_slice %arg12[%dma_start3A_202, %dma_start3A_207] : memref<1x128xi32, #tpu.memory_space<vmem>> -> memref<1x128xi32, #tpu.memory_space<vmem>>
      %dma_start3A_209 = tpu.memref_squeeze %dma_start3A_208 : memref<1x128xi32, #tpu.memory_space<vmem>> -> memref<128xi32, #tpu.memory_space<vmem>>
      %dma_start3A_210 = arith.constant 0 : i32
      %dma_start3A_211 = arith.constant 0 : i32
      %dma_start3A_212 = tpu.memref_slice %arg13[%dma_start3A_210, %dma_start3A_211] : memref<10112x128xf32, #tpu.memory_space<vmem_shared>> -> memref<10112x128xf32, #tpu.memory_space<vmem_shared>>
      tpu.enqueue_indirect_dma source(%dma_start3A_206 : memref<128x128xf32, #tpu.memory_space<vmem>>) target(%dma_start3A_212 : memref<10112x128xf32, #tpu.memory_space<vmem_shared>>) offsets(%dma_start3A_209 : memref<128xi32, #tpu.memory_space<vmem>>) semaphore(%arg17 : memref<!tpu.dma_semaphore, #tpu.memory_space<semaphore_mem>>) {add = true}
      %scan3A_213 = arith.constant 0 : i32
      scf.yield %scan3A_213 : i32
    }
    %scan3A_79 = arith.constant 40 : i32
    %dma_wait3A = arith.constant 1 : i32
    %dma_wait3A_80 = arith.constant 0 : i32
    %dma_wait3A_81 = arith.constant 0 : i32
    %dma_wait3A_82 = arith.constant 0 : i32
    %dma_wait3A_83 = tpu.memref_slice %arg7[%dma_wait3A, %dma_wait3A_81, %dma_wait3A_82] : memref<2x128x128xf32, #tpu.memory_space<vmem>> -> memref<1x128x128xf32, #tpu.memory_space<vmem>>
    %dma_wait3A_84 = tpu.memref_squeeze %dma_wait3A_83 : memref<1x128x128xf32, #tpu.memory_space<vmem>> -> memref<128x128xf32, #tpu.memory_space<vmem>>
    %dma_wait3A_85 = arith.constant 0 : i32
    %dma_wait3A_86 = tpu.memref_slice %arg12[%dma_wait3A_80, %dma_wait3A_85] : memref<1x128xi32, #tpu.memory_space<vmem>> -> memref<1x128xi32, #tpu.memory_space<vmem>>
    %dma_wait3A_87 = tpu.memref_squeeze %dma_wait3A_86 : memref<1x128xi32, #tpu.memory_space<vmem>> -> memref<128xi32, #tpu.memory_space<vmem>>
    %dma_wait3A_88 = arith.constant 0 : i32
    %dma_wait3A_89 = arith.constant 0 : i32
    %dma_wait3A_90 = tpu.memref_slice %arg13[%dma_wait3A_88, %dma_wait3A_89] : memref<10112x128xf32, #tpu.memory_space<vmem_shared>> -> memref<10112x128xf32, #tpu.memory_space<vmem_shared>>
    tpu.wait_indirect_dma semaphore(%arg17 : memref<!tpu.dma_semaphore, #tpu.memory_space<semaphore_mem>>) src(%dma_wait3A_84 : memref<128x128xf32, #tpu.memory_space<vmem>>) dst(%dma_wait3A_90 : memref<10112x128xf32, #tpu.memory_space<vmem_shared>>)
    %barrier3A_91 = arith.constant 0 : index
    tpu.barrier barrier_id(%barrier3A_91)
    %mul3A_92 = arith.constant 632 : i32
    %mul3A_93 = arith.muli %arg1, %mul3A_92 : i32
    %mul3A_94 = arith.constant 632 : i32
    %mul3A_95 = arith.muli %arg1, %mul3A_94 : i32
    "tpu.region"() ({
      %run_scoped3A_96 = tpu.sem_alloc : memref<!tpu.dma_semaphore, #tpu.memory_space<semaphore_mem>>
      %dma_start3A_97 = arith.constant 0 : i32
      %dma_start3A_98 = tpu.memref_slice %arg6[%arg0, %mul3A_95, %dma_start3A_97] : memref<2x10112x128xf32, #tpu.memory_space<hbm>> -> memref<1x632x128xf32, #tpu.memory_space<hbm>>
      %dma_start3A_99 = tpu.memref_squeeze %dma_start3A_98 : memref<1x632x128xf32, #tpu.memory_space<hbm>> -> memref<632x128xf32, #tpu.memory_space<hbm>>
      %dma_start3A_100 = arith.constant 0 : i32
      %dma_start3A_101 = tpu.memref_slice %arg13[%mul3A_93, %dma_start3A_100] : memref<10112x128xf32, #tpu.memory_space<vmem_shared>> -> memref<632x128xf32, #tpu.memory_space<vmem_shared>>
      tpu.enqueue_dma source(%dma_start3A_101 : memref<632x128xf32, #tpu.memory_space<vmem_shared>>) target(%dma_start3A_99 : memref<632x128xf32, #tpu.memory_space<hbm>>) target_semaphore(%run_scoped3A_96 : memref<!tpu.dma_semaphore, #tpu.memory_space<semaphore_mem>>)
      %dma_wait3A_102 = arith.constant 0 : i32
      %dma_wait3A_103 = tpu.memref_slice %arg6[%arg0, %mul3A_95, %dma_wait3A_102] : memref<2x10112x128xf32, #tpu.memory_space<hbm>> -> memref<1x632x128xf32, #tpu.memory_space<hbm>>
      %dma_wait3A_104 = tpu.memref_squeeze %dma_wait3A_103 : memref<1x632x128xf32, #tpu.memory_space<hbm>> -> memref<632x128xf32, #tpu.memory_space<hbm>>
      %dma_wait3A_105 = arith.constant 0 : i32
      %dma_wait3A_106 = tpu.memref_slice %arg13[%mul3A_93, %dma_wait3A_105] : memref<10112x128xf32, #tpu.memory_space<vmem_shared>> -> memref<632x128xf32, #tpu.memory_space<vmem_shared>>
      tpu.wait_dma2 semaphore(%run_scoped3A_96 : memref<!tpu.dma_semaphore, #tpu.memory_space<semaphore_mem>>) src(%dma_wait3A_106 : memref<632x128xf32, #tpu.memory_space<vmem_shared>>) dst(%dma_wait3A_104 : memref<632x128xf32, #tpu.memory_space<hbm>>)
      tpu.yield
    }) : () -> ()
    return
  }
}

#map = affine_map<(d0, d1) -> (0, 0)>
#map1 = affine_map<(d0, d1) -> (0, 0, 0)>
module attributes {stable_mosaic.version = 14 : i64} {
  func.func @_k2_body(%arg0: i32, %arg1: i32, %arg2: memref<10000x128xf32, #tpu.memory_space<hbm>>, %arg3: memref<2560x128xi32, #tpu.memory_space<hbm>>, %arg4: memref<2560x128xi32, #tpu.memory_space<hbm>>, %arg5: memref<2560x128xf32, #tpu.memory_space<hbm>>, %arg6: memref<2x10112x128xf32, #tpu.memory_space<hbm>>, %arg7: memref<2x128x128xf32, #tpu.memory_space<vmem>>, %arg8: memref<80x128xi32, #tpu.memory_space<vmem>>, %arg9: memref<128xf32, #tpu.memory_space<vmem>>, %arg10: memref<128xf32, #tpu.memory_space<vmem>>, %arg11: memref<1x128xi32, #tpu.memory_space<vmem>>, %arg12: memref<1x128xi32, #tpu.memory_space<vmem>>, %arg13: memref<10112x128xf32, #tpu.memory_space<vmem_shared>>, %arg14: memref<!tpu.dma_semaphore, #tpu.memory_space<semaphore_mem>>, %arg15: memref<!tpu.dma_semaphore, #tpu.memory_space<semaphore_mem>>, %arg16: memref<!tpu.dma_semaphore, #tpu.memory_space<semaphore_mem>>, %arg17: memref<!tpu.dma_semaphore, #tpu.memory_space<semaphore_mem>>) attributes {dimension_semantics = [#tpu.dimension_semantics<core_parallel>, #tpu.dimension_semantics<subcore_parallel>], iteration_bounds = array<i64: 2, 16>, scalar_prefetch = 0 : i64, scratch_operands = 11 : i64, tpu.core_type = #tpu.core_type<sc_vector_subcore>, window_params = [{transform_indices = #map}, {transform_indices = #map}, {transform_indices = #map}, {transform_indices = #map}, {transform_indices = #map1}]} {
    %mul3A = arith.constant 16 : i32
    %mul3A_0 = arith.muli %arg0, %mul3A : i32
    %add3A = arith.addi %mul3A_0, %arg1 : i32
    %mul3A_1 = arith.constant 80 : i32
    %mul3A_2 = arith.muli %add3A, %mul3A_1 : i32
    "tpu.region"() ({
      %run_scoped3A_96 = tpu.sem_alloc : memref<!tpu.dma_semaphore, #tpu.memory_space<semaphore_mem>>
      %dma_start3A_97 = arith.constant 0 : i32
      %dma_start3A_98 = tpu.memref_slice %arg3[%mul3A_2, %dma_start3A_97] : memref<2560x128xi32, #tpu.memory_space<hbm>> -> memref<80x128xi32, #tpu.memory_space<hbm>>
      %dma_start3A_99 = arith.constant 0 : i32
      %dma_start3A_100 = tpu.memref_slice %arg3[%mul3A_2, %dma_start3A_99] : memref<2560x128xi32, #tpu.memory_space<hbm>> -> memref<80x128xi32, #tpu.memory_space<hbm>>
      tpu.enqueue_dma source(%dma_start3A_100 : memref<80x128xi32, #tpu.memory_space<hbm>>) target(%arg8 : memref<80x128xi32, #tpu.memory_space<vmem>>) target_semaphore(%run_scoped3A_96 : memref<!tpu.dma_semaphore, #tpu.memory_space<semaphore_mem>>)
      %dma_wait3A_101 = arith.constant 0 : i32
      %dma_wait3A_102 = tpu.memref_slice %arg3[%mul3A_2, %dma_wait3A_101] : memref<2560x128xi32, #tpu.memory_space<hbm>> -> memref<80x128xi32, #tpu.memory_space<hbm>>
      %dma_wait3A_103 = arith.constant 0 : i32
      %dma_wait3A_104 = tpu.memref_slice %arg3[%mul3A_2, %dma_wait3A_103] : memref<2560x128xi32, #tpu.memory_space<hbm>> -> memref<80x128xi32, #tpu.memory_space<hbm>>
      tpu.wait_dma2 semaphore(%run_scoped3A_96 : memref<!tpu.dma_semaphore, #tpu.memory_space<semaphore_mem>>) src(%dma_wait3A_104 : memref<80x128xi32, #tpu.memory_space<hbm>>) dst(%arg8 : memref<80x128xi32, #tpu.memory_space<vmem>>)
      tpu.yield
    }) : () -> ()
    %scan3A = arith.constant 0 : i32
    %scan3A_3 = arith.constant 0 : i32
    %scan3A_4 = arith.constant 128 : i32
    %scan3A_5 = arith.addi %scan3A_3, %scan3A_4 : i32
    %scan3A_6 = arith.constant 1 : i32
    %scan3A_7 = scf.for %scan3A_96 = %scan3A_3 to %scan3A_5 step %scan3A_6 iter_args(%scan3A_97 = %scan3A) -> (i32)  : i32 {
      %broadcast_in_dim3A = arith.constant 0.000000e+00 : f32
      %broadcast_in_dim3A_98 = vector.broadcast %broadcast_in_dim3A : f32 to vector<16xf32>
      %swap3A = arith.constant 0 : i32
      %swap3A_99 = arith.index_cast %swap3A : i32 to index
      %swap3A_100 = arith.index_cast %scan3A_96 : i32 to index
      %swap3A_101 = arith.constant 0 : index
      %swap3A_102 = tpu.vector_load %arg7[%swap3A_99, %swap3A_100, %swap3A_101] {strides = array<i32>} : memref<2x128x128xf32, #tpu.memory_space<vmem>>, vector<16xf32>,
      tpu.vector_store %arg7[%swap3A_99, %swap3A_100, %swap3A_101], %broadcast_in_dim3A_98 {strides = array<i32>} : memref<2x128x128xf32, #tpu.memory_space<vmem>>, vector<16xf32>,
      %broadcast_in_dim3A_103 = arith.constant 0.000000e+00 : f32
      %broadcast_in_dim3A_104 = vector.broadcast %broadcast_in_dim3A_103 : f32 to vector<16xf32>
      %swap3A_105 = arith.constant 0 : i32
      %swap3A_106 = arith.index_cast %swap3A_105 : i32 to index
      %swap3A_107 = arith.index_cast %scan3A_96 : i32 to index
      %swap3A_108 = arith.constant 16 : index
      %swap3A_109 = tpu.vector_load %arg7[%swap3A_106, %swap3A_107, %swap3A_108] {strides = array<i32>} : memref<2x128x128xf32, #tpu.memory_space<vmem>>, vector<16xf32>,
      tpu.vector_store %arg7[%swap3A_106, %swap3A_107, %swap3A_108], %broadcast_in_dim3A_104 {strides = array<i32>} : memref<2x128x128xf32, #tpu.memory_space<vmem>>, vector<16xf32>,
      %broadcast_in_dim3A_110 = arith.constant 0.000000e+00 : f32
      %broadcast_in_dim3A_111 = vector.broadcast %broadcast_in_dim3A_110 : f32 to vector<16xf32>
      %swap3A_112 = arith.constant 0 : i32
      %swap3A_113 = arith.index_cast %swap3A_112 : i32 to index
      %swap3A_114 = arith.index_cast %scan3A_96 : i32 to index
      %swap3A_115 = arith.constant 32 : index
      %swap3A_116 = tpu.vector_load %arg7[%swap3A_113, %swap3A_114, %swap3A_115] {strides = array<i32>} : memref<2x128x128xf32, #tpu.memory_space<vmem>>, vector<16xf32>,
      tpu.vector_store %arg7[%swap3A_113, %swap3A_114, %swap3A_115], %broadcast_in_dim3A_111 {strides = array<i32>} : memref<2x128x128xf32, #tpu.memory_space<vmem>>, vector<16xf32>,
      %broadcast_in_dim3A_117 = arith.constant 0.000000e+00 : f32
      %broadcast_in_dim3A_118 = vector.broadcast %broadcast_in_dim3A_117 : f32 to vector<16xf32>
      %swap3A_119 = arith.constant 0 : i32
      %swap3A_120 = arith.index_cast %swap3A_119 : i32 to index
      %swap3A_121 = arith.index_cast %scan3A_96 : i32 to index
      %swap3A_122 = arith.constant 48 : index
      %swap3A_123 = tpu.vector_load %arg7[%swap3A_120, %swap3A_121, %swap3A_122] {strides = array<i32>} : memref<2x128x128xf32, #tpu.memory_space<vmem>>, vector<16xf32>,
      tpu.vector_store %arg7[%swap3A_120, %swap3A_121, %swap3A_122], %broadcast_in_dim3A_118 {strides = array<i32>} : memref<2x128x128xf32, #tpu.memory_space<vmem>>, vector<16xf32>,
      %broadcast_in_dim3A_124 = arith.constant 0.000000e+00 : f32
      %broadcast_in_dim3A_125 = vector.broadcast %broadcast_in_dim3A_124 : f32 to vector<16xf32>
      %swap3A_126 = arith.constant 0 : i32
      %swap3A_127 = arith.index_cast %swap3A_126 : i32 to index
      %swap3A_128 = arith.index_cast %scan3A_96 : i32 to index
      %swap3A_129 = arith.constant 64 : index
      %swap3A_130 = tpu.vector_load %arg7[%swap3A_127, %swap3A_128, %swap3A_129] {strides = array<i32>} : memref<2x128x128xf32, #tpu.memory_space<vmem>>, vector<16xf32>,
      tpu.vector_store %arg7[%swap3A_127, %swap3A_128, %swap3A_129], %broadcast_in_dim3A_125 {strides = array<i32>} : memref<2x128x128xf32, #tpu.memory_space<vmem>>, vector<16xf32>,
      %broadcast_in_dim3A_131 = arith.constant 0.000000e+00 : f32
      %broadcast_in_dim3A_132 = vector.broadcast %broadcast_in_dim3A_131 : f32 to vector<16xf32>
      %swap3A_133 = arith.constant 0 : i32
      %swap3A_134 = arith.index_cast %swap3A_133 : i32 to index
      %swap3A_135 = arith.index_cast %scan3A_96 : i32 to index
      %swap3A_136 = arith.constant 80 : index
      %swap3A_137 = tpu.vector_load %arg7[%swap3A_134, %swap3A_135, %swap3A_136] {strides = array<i32>} : memref<2x128x128xf32, #tpu.memory_space<vmem>>, vector<16xf32>,
      tpu.vector_store %arg7[%swap3A_134, %swap3A_135, %swap3A_136], %broadcast_in_dim3A_132 {strides = array<i32>} : memref<2x128x128xf32, #tpu.memory_space<vmem>>, vector<16xf32>,
      %broadcast_in_dim3A_138 = arith.constant 0.000000e+00 : f32
      %broadcast_in_dim3A_139 = vector.broadcast %broadcast_in_dim3A_138 : f32 to vector<16xf32>
      %swap3A_140 = arith.constant 0 : i32
      %swap3A_141 = arith.index_cast %swap3A_140 : i32 to index
      %swap3A_142 = arith.index_cast %scan3A_96 : i32 to index
      %swap3A_143 = arith.constant 96 : index
      %swap3A_144 = tpu.vector_load %arg7[%swap3A_141, %swap3A_142, %swap3A_143] {strides = array<i32>} : memref<2x128x128xf32, #tpu.memory_space<vmem>>, vector<16xf32>,
      tpu.vector_store %arg7[%swap3A_141, %swap3A_142, %swap3A_143], %broadcast_in_dim3A_139 {strides = array<i32>} : memref<2x128x128xf32, #tpu.memory_space<vmem>>, vector<16xf32>,
      %broadcast_in_dim3A_145 = arith.constant 0.000000e+00 : f32
      %broadcast_in_dim3A_146 = vector.broadcast %broadcast_in_dim3A_145 : f32 to vector<16xf32>
      %swap3A_147 = arith.constant 0 : i32
      %swap3A_148 = arith.index_cast %swap3A_147 : i32 to index
      %swap3A_149 = arith.index_cast %scan3A_96 : i32 to index
      %swap3A_150 = arith.constant 112 : index
      %swap3A_151 = tpu.vector_load %arg7[%swap3A_148, %swap3A_149, %swap3A_150] {strides = array<i32>} : memref<2x128x128xf32, #tpu.memory_space<vmem>>, vector<16xf32>,
      tpu.vector_store %arg7[%swap3A_148, %swap3A_149, %swap3A_150], %broadcast_in_dim3A_146 {strides = array<i32>} : memref<2x128x128xf32, #tpu.memory_space<vmem>>, vector<16xf32>,
      %scan3A_152 = arith.constant 0 : i32
      scf.yield %scan3A_152 : i32
    }
    %scan3A_8 = arith.constant 128 : i32
    %mul3A_9 = arith.constant 632 : i32
    %mul3A_10 = arith.muli %arg1, %mul3A_9 : i32
    %add3A_11 = arith.constant 0 : i32
    %add3A_12 = arith.addi %mul3A_10, %add3A_11 : i32
    %run_scoped3A = arith.constant 0 : i32
    "tpu.region"() ({
      %run_scoped3A_96 = tpu.sem_alloc : memref<!tpu.dma_semaphore, #tpu.memory_space<semaphore_mem>>
      %dma_start3A_97 = arith.constant 0 : i32
      %dma_start3A_98 = arith.constant 0 : i32
      %dma_start3A_99 = tpu.memref_slice %arg7[%run_scoped3A, %dma_start3A_97, %dma_start3A_98] : memref<2x128x128xf32, #tpu.memory_space<vmem>> -> memref<1x128x128xf32, #tpu.memory_space<vmem>>
      %dma_start3A_100 = tpu.memref_squeeze %dma_start3A_99 : memref<1x128x128xf32, #tpu.memory_space<vmem>> -> memref<128x128xf32, #tpu.memory_space<vmem>>
      %dma_start3A_101 = arith.constant 0 : i32
      %dma_start3A_102 = tpu.memref_slice %arg13[%add3A_12, %dma_start3A_101] : memref<10112x128xf32, #tpu.memory_space<vmem_shared>> -> memref<128x128xf32, #tpu.memory_space<vmem_shared>>
      %dma_start3A_103 = arith.constant 0 : i32
      %dma_start3A_104 = tpu.memref_slice %arg13[%add3A_12, %dma_start3A_103] : memref<10112x128xf32, #tpu.memory_space<vmem_shared>> -> memref<128x128xf32, #tpu.memory_space<vmem_shared>>
      %dma_start3A_105 = arith.constant 0 : i32
      %dma_start3A_106 = arith.constant 0 : i32
      %dma_start3A_107 = tpu.memref_slice %arg7[%run_scoped3A, %dma_start3A_105, %dma_start3A_106] : memref<2x128x128xf32, #tpu.memory_space<vmem>> -> memref<1x128x128xf32, #tpu.memory_space<vmem>>
      %dma_start3A_108 = tpu.memref_squeeze %dma_start3A_107 : memref<1x128x128xf32, #tpu.memory_space<vmem>> -> memref<128x128xf32, #tpu.memory_space<vmem>>
      tpu.enqueue_dma source(%dma_start3A_108 : memref<128x128xf32, #tpu.memory_space<vmem>>) target(%dma_start3A_104 : memref<128x128xf32, #tpu.memory_space<vmem_shared>>) target_semaphore(%run_scoped3A_96 : memref<!tpu.dma_semaphore, #tpu.memory_space<semaphore_mem>>)
      %dma_wait3A_109 = arith.constant 0 : i32
      %dma_wait3A_110 = arith.constant 0 : i32
      %dma_wait3A_111 = tpu.memref_slice %arg7[%run_scoped3A, %dma_wait3A_109, %dma_wait3A_110] : memref<2x128x128xf32, #tpu.memory_space<vmem>> -> memref<1x128x128xf32, #tpu.memory_space<vmem>>
      %dma_wait3A_112 = tpu.memref_squeeze %dma_wait3A_111 : memref<1x128x128xf32, #tpu.memory_space<vmem>> -> memref<128x128xf32, #tpu.memory_space<vmem>>
      %dma_wait3A_113 = arith.constant 0 : i32
      %dma_wait3A_114 = tpu.memref_slice %arg13[%add3A_12, %dma_wait3A_113] : memref<10112x128xf32, #tpu.memory_space<vmem_shared>> -> memref<128x128xf32, #tpu.memory_space<vmem_shared>>
      %dma_wait3A_115 = arith.constant 0 : i32
      %dma_wait3A_116 = tpu.memref_slice %arg13[%add3A_12, %dma_wait3A_115] : memref<10112x128xf32, #tpu.memory_space<vmem_shared>> -> memref<128x128xf32, #tpu.memory_space<vmem_shared>>
      %dma_wait3A_117 = arith.constant 0 : i32
      %dma_wait3A_118 = arith.constant 0 : i32
      %dma_wait3A_119 = tpu.memref_slice %arg7[%run_scoped3A, %dma_wait3A_117, %dma_wait3A_118] : memref<2x128x128xf32, #tpu.memory_space<vmem>> -> memref<1x128x128xf32, #tpu.memory_space<vmem>>
      %dma_wait3A_120 = tpu.memref_squeeze %dma_wait3A_119 : memref<1x128x128xf32, #tpu.memory_space<vmem>> -> memref<128x128xf32, #tpu.memory_space<vmem>>
      tpu.wait_dma2 semaphore(%run_scoped3A_96 : memref<!tpu.dma_semaphore, #tpu.memory_space<semaphore_mem>>) src(%dma_wait3A_120 : memref<128x128xf32, #tpu.memory_space<vmem>>) dst(%dma_wait3A_116 : memref<128x128xf32, #tpu.memory_space<vmem_shared>>)
      tpu.yield
    }) : () -> ()
    %mul3A_13 = arith.constant 632 : i32
    %mul3A_14 = arith.muli %arg1, %mul3A_13 : i32
    %add3A_15 = arith.constant 128 : i32
    %add3A_16 = arith.addi %mul3A_14, %add3A_15 : i32
    %run_scoped3A_17 = arith.constant 0 : i32
    "tpu.region"() ({
      %run_scoped3A_96 = tpu.sem_alloc : memref<!tpu.dma_semaphore, #tpu.memory_space<semaphore_mem>>
      %dma_start3A_97 = arith.constant 0 : i32
      %dma_start3A_98 = arith.constant 0 : i32
      %dma_start3A_99 = tpu.memref_slice %arg7[%run_scoped3A_17, %dma_start3A_97, %dma_start3A_98] : memref<2x128x128xf32, #tpu.memory_space<vmem>> -> memref<1x128x128xf32, #tpu.memory_space<vmem>>
      %dma_start3A_100 = tpu.memref_squeeze %dma_start3A_99 : memref<1x128x128xf32, #tpu.memory_space<vmem>> -> memref<128x128xf32, #tpu.memory_space<vmem>>
      %dma_start3A_101 = arith.constant 0 : i32
      %dma_start3A_102 = tpu.memref_slice %arg13[%add3A_16, %dma_start3A_101] : memref<10112x128xf32, #tpu.memory_space<vmem_shared>> -> memref<128x128xf32, #tpu.memory_space<vmem_shared>>
      %dma_start3A_103 = arith.constant 0 : i32
      %dma_start3A_104 = tpu.memref_slice %arg13[%add3A_16, %dma_start3A_103] : memref<10112x128xf32, #tpu.memory_space<vmem_shared>> -> memref<128x128xf32, #tpu.memory_space<vmem_shared>>
      %dma_start3A_105 = arith.constant 0 : i32
      %dma_start3A_106 = arith.constant 0 : i32
      %dma_start3A_107 = tpu.memref_slice %arg7[%run_scoped3A_17, %dma_start3A_105, %dma_start3A_106] : memref<2x128x128xf32, #tpu.memory_space<vmem>> -> memref<1x128x128xf32, #tpu.memory_space<vmem>>
      %dma_start3A_108 = tpu.memref_squeeze %dma_start3A_107 : memref<1x128x128xf32, #tpu.memory_space<vmem>> -> memref<128x128xf32, #tpu.memory_space<vmem>>
      tpu.enqueue_dma source(%dma_start3A_108 : memref<128x128xf32, #tpu.memory_space<vmem>>) target(%dma_start3A_104 : memref<128x128xf32, #tpu.memory_space<vmem_shared>>) target_semaphore(%run_scoped3A_96 : memref<!tpu.dma_semaphore, #tpu.memory_space<semaphore_mem>>)
      %dma_wait3A_109 = arith.constant 0 : i32
      %dma_wait3A_110 = arith.constant 0 : i32
      %dma_wait3A_111 = tpu.memref_slice %arg7[%run_scoped3A_17, %dma_wait3A_109, %dma_wait3A_110] : memref<2x128x128xf32, #tpu.memory_space<vmem>> -> memref<1x128x128xf32, #tpu.memory_space<vmem>>
      %dma_wait3A_112 = tpu.memref_squeeze %dma_wait3A_111 : memref<1x128x128xf32, #tpu.memory_space<vmem>> -> memref<128x128xf32, #tpu.memory_space<vmem>>
      %dma_wait3A_113 = arith.constant 0 : i32
      %dma_wait3A_114 = tpu.memref_slice %arg13[%add3A_16, %dma_wait3A_113] : memref<10112x128xf32, #tpu.memory_space<vmem_shared>> -> memref<128x128xf32, #tpu.memory_space<vmem_shared>>
      %dma_wait3A_115 = arith.constant 0 : i32
      %dma_wait3A_116 = tpu.memref_slice %arg13[%add3A_16, %dma_wait3A_115] : memref<10112x128xf32, #tpu.memory_space<vmem_shared>> -> memref<128x128xf32, #tpu.memory_space<vmem_shared>>
      %dma_wait3A_117 = arith.constant 0 : i32
      %dma_wait3A_118 = arith.constant 0 : i32
      %dma_wait3A_119 = tpu.memref_slice %arg7[%run_scoped3A_17, %dma_wait3A_117, %dma_wait3A_118] : memref<2x128x128xf32, #tpu.memory_space<vmem>> -> memref<1x128x128xf32, #tpu.memory_space<vmem>>
      %dma_wait3A_120 = tpu.memref_squeeze %dma_wait3A_119 : memref<1x128x128xf32, #tpu.memory_space<vmem>> -> memref<128x128xf32, #tpu.memory_space<vmem>>
      tpu.wait_dma2 semaphore(%run_scoped3A_96 : memref<!tpu.dma_semaphore, #tpu.memory_space<semaphore_mem>>) src(%dma_wait3A_120 : memref<128x128xf32, #tpu.memory_space<vmem>>) dst(%dma_wait3A_116 : memref<128x128xf32, #tpu.memory_space<vmem_shared>>)
      tpu.yield
    }) : () -> ()
    %mul3A_18 = arith.constant 632 : i32
    %mul3A_19 = arith.muli %arg1, %mul3A_18 : i32
    %add3A_20 = arith.constant 256 : i32
    %add3A_21 = arith.addi %mul3A_19, %add3A_20 : i32
    %run_scoped3A_22 = arith.constant 0 : i32
    "tpu.region"() ({
      %run_scoped3A_96 = tpu.sem_alloc : memref<!tpu.dma_semaphore, #tpu.memory_space<semaphore_mem>>
      %dma_start3A_97 = arith.constant 0 : i32
      %dma_start3A_98 = arith.constant 0 : i32
      %dma_start3A_99 = tpu.memref_slice %arg7[%run_scoped3A_22, %dma_start3A_97, %dma_start3A_98] : memref<2x128x128xf32, #tpu.memory_space<vmem>> -> memref<1x128x128xf32, #tpu.memory_space<vmem>>
      %dma_start3A_100 = tpu.memref_squeeze %dma_start3A_99 : memref<1x128x128xf32, #tpu.memory_space<vmem>> -> memref<128x128xf32, #tpu.memory_space<vmem>>
      %dma_start3A_101 = arith.constant 0 : i32
      %dma_start3A_102 = tpu.memref_slice %arg13[%add3A_21, %dma_start3A_101] : memref<10112x128xf32, #tpu.memory_space<vmem_shared>> -> memref<128x128xf32, #tpu.memory_space<vmem_shared>>
      %dma_start3A_103 = arith.constant 0 : i32
      %dma_start3A_104 = tpu.memref_slice %arg13[%add3A_21, %dma_start3A_103] : memref<10112x128xf32, #tpu.memory_space<vmem_shared>> -> memref<128x128xf32, #tpu.memory_space<vmem_shared>>
      %dma_start3A_105 = arith.constant 0 : i32
      %dma_start3A_106 = arith.constant 0 : i32
      %dma_start3A_107 = tpu.memref_slice %arg7[%run_scoped3A_22, %dma_start3A_105, %dma_start3A_106] : memref<2x128x128xf32, #tpu.memory_space<vmem>> -> memref<1x128x128xf32, #tpu.memory_space<vmem>>
      %dma_start3A_108 = tpu.memref_squeeze %dma_start3A_107 : memref<1x128x128xf32, #tpu.memory_space<vmem>> -> memref<128x128xf32, #tpu.memory_space<vmem>>
      tpu.enqueue_dma source(%dma_start3A_108 : memref<128x128xf32, #tpu.memory_space<vmem>>) target(%dma_start3A_104 : memref<128x128xf32, #tpu.memory_space<vmem_shared>>) target_semaphore(%run_scoped3A_96 : memref<!tpu.dma_semaphore, #tpu.memory_space<semaphore_mem>>)
      %dma_wait3A_109 = arith.constant 0 : i32
      %dma_wait3A_110 = arith.constant 0 : i32
      %dma_wait3A_111 = tpu.memref_slice %arg7[%run_scoped3A_22, %dma_wait3A_109, %dma_wait3A_110] : memref<2x128x128xf32, #tpu.memory_space<vmem>> -> memref<1x128x128xf32, #tpu.memory_space<vmem>>
      %dma_wait3A_112 = tpu.memref_squeeze %dma_wait3A_111 : memref<1x128x128xf32, #tpu.memory_space<vmem>> -> memref<128x128xf32, #tpu.memory_space<vmem>>
      %dma_wait3A_113 = arith.constant 0 : i32
      %dma_wait3A_114 = tpu.memref_slice %arg13[%add3A_21, %dma_wait3A_113] : memref<10112x128xf32, #tpu.memory_space<vmem_shared>> -> memref<128x128xf32, #tpu.memory_space<vmem_shared>>
      %dma_wait3A_115 = arith.constant 0 : i32
      %dma_wait3A_116 = tpu.memref_slice %arg13[%add3A_21, %dma_wait3A_115] : memref<10112x128xf32, #tpu.memory_space<vmem_shared>> -> memref<128x128xf32, #tpu.memory_space<vmem_shared>>
      %dma_wait3A_117 = arith.constant 0 : i32
      %dma_wait3A_118 = arith.constant 0 : i32
      %dma_wait3A_119 = tpu.memref_slice %arg7[%run_scoped3A_22, %dma_wait3A_117, %dma_wait3A_118] : memref<2x128x128xf32, #tpu.memory_space<vmem>> -> memref<1x128x128xf32, #tpu.memory_space<vmem>>
      %dma_wait3A_120 = tpu.memref_squeeze %dma_wait3A_119 : memref<1x128x128xf32, #tpu.memory_space<vmem>> -> memref<128x128xf32, #tpu.memory_space<vmem>>
      tpu.wait_dma2 semaphore(%run_scoped3A_96 : memref<!tpu.dma_semaphore, #tpu.memory_space<semaphore_mem>>) src(%dma_wait3A_120 : memref<128x128xf32, #tpu.memory_space<vmem>>) dst(%dma_wait3A_116 : memref<128x128xf32, #tpu.memory_space<vmem_shared>>)
      tpu.yield
    }) : () -> ()
    %mul3A_23 = arith.constant 632 : i32
    %mul3A_24 = arith.muli %arg1, %mul3A_23 : i32
    %add3A_25 = arith.constant 384 : i32
    %add3A_26 = arith.addi %mul3A_24, %add3A_25 : i32
    %run_scoped3A_27 = arith.constant 0 : i32
    "tpu.region"() ({
      %run_scoped3A_96 = tpu.sem_alloc : memref<!tpu.dma_semaphore, #tpu.memory_space<semaphore_mem>>
      %dma_start3A_97 = arith.constant 0 : i32
      %dma_start3A_98 = arith.constant 0 : i32
      %dma_start3A_99 = tpu.memref_slice %arg7[%run_scoped3A_27, %dma_start3A_97, %dma_start3A_98] : memref<2x128x128xf32, #tpu.memory_space<vmem>> -> memref<1x128x128xf32, #tpu.memory_space<vmem>>
      %dma_start3A_100 = tpu.memref_squeeze %dma_start3A_99 : memref<1x128x128xf32, #tpu.memory_space<vmem>> -> memref<128x128xf32, #tpu.memory_space<vmem>>
      %dma_start3A_101 = arith.constant 0 : i32
      %dma_start3A_102 = tpu.memref_slice %arg13[%add3A_26, %dma_start3A_101] : memref<10112x128xf32, #tpu.memory_space<vmem_shared>> -> memref<128x128xf32, #tpu.memory_space<vmem_shared>>
      %dma_start3A_103 = arith.constant 0 : i32
      %dma_start3A_104 = tpu.memref_slice %arg13[%add3A_26, %dma_start3A_103] : memref<10112x128xf32, #tpu.memory_space<vmem_shared>> -> memref<128x128xf32, #tpu.memory_space<vmem_shared>>
      %dma_start3A_105 = arith.constant 0 : i32
      %dma_start3A_106 = arith.constant 0 : i32
      %dma_start3A_107 = tpu.memref_slice %arg7[%run_scoped3A_27, %dma_start3A_105, %dma_start3A_106] : memref<2x128x128xf32, #tpu.memory_space<vmem>> -> memref<1x128x128xf32, #tpu.memory_space<vmem>>
      %dma_start3A_108 = tpu.memref_squeeze %dma_start3A_107 : memref<1x128x128xf32, #tpu.memory_space<vmem>> -> memref<128x128xf32, #tpu.memory_space<vmem>>
      tpu.enqueue_dma source(%dma_start3A_108 : memref<128x128xf32, #tpu.memory_space<vmem>>) target(%dma_start3A_104 : memref<128x128xf32, #tpu.memory_space<vmem_shared>>) target_semaphore(%run_scoped3A_96 : memref<!tpu.dma_semaphore, #tpu.memory_space<semaphore_mem>>)
      %dma_wait3A_109 = arith.constant 0 : i32
      %dma_wait3A_110 = arith.constant 0 : i32
      %dma_wait3A_111 = tpu.memref_slice %arg7[%run_scoped3A_27, %dma_wait3A_109, %dma_wait3A_110] : memref<2x128x128xf32, #tpu.memory_space<vmem>> -> memref<1x128x128xf32, #tpu.memory_space<vmem>>
      %dma_wait3A_112 = tpu.memref_squeeze %dma_wait3A_111 : memref<1x128x128xf32, #tpu.memory_space<vmem>> -> memref<128x128xf32, #tpu.memory_space<vmem>>
      %dma_wait3A_113 = arith.constant 0 : i32
      %dma_wait3A_114 = tpu.memref_slice %arg13[%add3A_26, %dma_wait3A_113] : memref<10112x128xf32, #tpu.memory_space<vmem_shared>> -> memref<128x128xf32, #tpu.memory_space<vmem_shared>>
      %dma_wait3A_115 = arith.constant 0 : i32
      %dma_wait3A_116 = tpu.memref_slice %arg13[%add3A_26, %dma_wait3A_115] : memref<10112x128xf32, #tpu.memory_space<vmem_shared>> -> memref<128x128xf32, #tpu.memory_space<vmem_shared>>
      %dma_wait3A_117 = arith.constant 0 : i32
      %dma_wait3A_118 = arith.constant 0 : i32
      %dma_wait3A_119 = tpu.memref_slice %arg7[%run_scoped3A_27, %dma_wait3A_117, %dma_wait3A_118] : memref<2x128x128xf32, #tpu.memory_space<vmem>> -> memref<1x128x128xf32, #tpu.memory_space<vmem>>
      %dma_wait3A_120 = tpu.memref_squeeze %dma_wait3A_119 : memref<1x128x128xf32, #tpu.memory_space<vmem>> -> memref<128x128xf32, #tpu.memory_space<vmem>>
      tpu.wait_dma2 semaphore(%run_scoped3A_96 : memref<!tpu.dma_semaphore, #tpu.memory_space<semaphore_mem>>) src(%dma_wait3A_120 : memref<128x128xf32, #tpu.memory_space<vmem>>) dst(%dma_wait3A_116 : memref<128x128xf32, #tpu.memory_space<vmem_shared>>)
      tpu.yield
    }) : () -> ()
    %mul3A_28 = arith.constant 632 : i32
    %mul3A_29 = arith.muli %arg1, %mul3A_28 : i32
    %add3A_30 = arith.constant 512 : i32
    %add3A_31 = arith.addi %mul3A_29, %add3A_30 : i32
    %run_scoped3A_32 = arith.constant 0 : i32
    "tpu.region"() ({
      %run_scoped3A_96 = tpu.sem_alloc : memref<!tpu.dma_semaphore, #tpu.memory_space<semaphore_mem>>
      %dma_start3A_97 = arith.constant 0 : i32
      %dma_start3A_98 = arith.constant 0 : i32
      %dma_start3A_99 = tpu.memref_slice %arg7[%run_scoped3A_32, %dma_start3A_97, %dma_start3A_98] : memref<2x128x128xf32, #tpu.memory_space<vmem>> -> memref<1x120x128xf32, #tpu.memory_space<vmem>>
      %dma_start3A_100 = tpu.memref_squeeze %dma_start3A_99 : memref<1x120x128xf32, #tpu.memory_space<vmem>> -> memref<120x128xf32, #tpu.memory_space<vmem>>
      %dma_start3A_101 = arith.constant 0 : i32
      %dma_start3A_102 = tpu.memref_slice %arg13[%add3A_31, %dma_start3A_101] : memref<10112x128xf32, #tpu.memory_space<vmem_shared>> -> memref<120x128xf32, #tpu.memory_space<vmem_shared>>
      %dma_start3A_103 = arith.constant 0 : i32
      %dma_start3A_104 = tpu.memref_slice %arg13[%add3A_31, %dma_start3A_103] : memref<10112x128xf32, #tpu.memory_space<vmem_shared>> -> memref<120x128xf32, #tpu.memory_space<vmem_shared>>
      %dma_start3A_105 = arith.constant 0 : i32
      %dma_start3A_106 = arith.constant 0 : i32
      %dma_start3A_107 = tpu.memref_slice %arg7[%run_scoped3A_32, %dma_start3A_105, %dma_start3A_106] : memref<2x128x128xf32, #tpu.memory_space<vmem>> -> memref<1x120x128xf32, #tpu.memory_space<vmem>>
      %dma_start3A_108 = tpu.memref_squeeze %dma_start3A_107 : memref<1x120x128xf32, #tpu.memory_space<vmem>> -> memref<120x128xf32, #tpu.memory_space<vmem>>
      tpu.enqueue_dma source(%dma_start3A_108 : memref<120x128xf32, #tpu.memory_space<vmem>>) target(%dma_start3A_104 : memref<120x128xf32, #tpu.memory_space<vmem_shared>>) target_semaphore(%run_scoped3A_96 : memref<!tpu.dma_semaphore, #tpu.memory_space<semaphore_mem>>)
      %dma_wait3A_109 = arith.constant 0 : i32
      %dma_wait3A_110 = arith.constant 0 : i32
      %dma_wait3A_111 = tpu.memref_slice %arg7[%run_scoped3A_32, %dma_wait3A_109, %dma_wait3A_110] : memref<2x128x128xf32, #tpu.memory_space<vmem>> -> memref<1x120x128xf32, #tpu.memory_space<vmem>>
      %dma_wait3A_112 = tpu.memref_squeeze %dma_wait3A_111 : memref<1x120x128xf32, #tpu.memory_space<vmem>> -> memref<120x128xf32, #tpu.memory_space<vmem>>
      %dma_wait3A_113 = arith.constant 0 : i32
      %dma_wait3A_114 = tpu.memref_slice %arg13[%add3A_31, %dma_wait3A_113] : memref<10112x128xf32, #tpu.memory_space<vmem_shared>> -> memref<120x128xf32, #tpu.memory_space<vmem_shared>>
      %dma_wait3A_115 = arith.constant 0 : i32
      %dma_wait3A_116 = tpu.memref_slice %arg13[%add3A_31, %dma_wait3A_115] : memref<10112x128xf32, #tpu.memory_space<vmem_shared>> -> memref<120x128xf32, #tpu.memory_space<vmem_shared>>
      %dma_wait3A_117 = arith.constant 0 : i32
      %dma_wait3A_118 = arith.constant 0 : i32
      %dma_wait3A_119 = tpu.memref_slice %arg7[%run_scoped3A_32, %dma_wait3A_117, %dma_wait3A_118] : memref<2x128x128xf32, #tpu.memory_space<vmem>> -> memref<1x120x128xf32, #tpu.memory_space<vmem>>
      %dma_wait3A_120 = tpu.memref_squeeze %dma_wait3A_119 : memref<1x120x128xf32, #tpu.memory_space<vmem>> -> memref<120x128xf32, #tpu.memory_space<vmem>>
      tpu.wait_dma2 semaphore(%run_scoped3A_96 : memref<!tpu.dma_semaphore, #tpu.memory_space<semaphore_mem>>) src(%dma_wait3A_120 : memref<120x128xf32, #tpu.memory_space<vmem>>) dst(%dma_wait3A_116 : memref<120x128xf32, #tpu.memory_space<vmem_shared>>)
      tpu.yield
    }) : () -> ()
    %barrier3A = arith.constant 0 : index
    tpu.barrier barrier_id(%barrier3A)
    %dma_start3A = arith.constant 0 : i32
    %dma_start3A_33 = arith.constant 0 : i32
    %dma_start3A_34 = arith.constant 0 : i32
    %dma_start3A_35 = arith.constant 0 : i32
    %dma_start3A_36 = tpu.memref_slice %arg7[%dma_start3A_33, %dma_start3A_34, %dma_start3A_35] : memref<2x128x128xf32, #tpu.memory_space<vmem>> -> memref<1x128x128xf32, #tpu.memory_space<vmem>>
    %dma_start3A_37 = tpu.memref_squeeze %dma_start3A_36 : memref<1x128x128xf32, #tpu.memory_space<vmem>> -> memref<128x128xf32, #tpu.memory_space<vmem>>
    %dma_start3A_38 = arith.constant 0 : i32
    %dma_start3A_39 = tpu.memref_slice %arg8[%dma_start3A, %dma_start3A_38] : memref<80x128xi32, #tpu.memory_space<vmem>> -> memref<1x128xi32, #tpu.memory_space<vmem>>
    %dma_start3A_40 = tpu.memref_squeeze %dma_start3A_39 : memref<1x128xi32, #tpu.memory_space<vmem>> -> memref<128xi32, #tpu.memory_space<vmem>>
    %dma_start3A_41 = arith.constant 0 : i32
    %dma_start3A_42 = arith.constant 0 : i32
    %dma_start3A_43 = tpu.memref_slice %arg2[%dma_start3A_41, %dma_start3A_42] : memref<10000x128xf32, #tpu.memory_space<hbm>> -> memref<10000x128xf32, #tpu.memory_space<hbm>>
    tpu.enqueue_indirect_dma source(%dma_start3A_43 : memref<10000x128xf32, #tpu.memory_space<hbm>>) target(%dma_start3A_37 : memref<128x128xf32, #tpu.memory_space<vmem>>) offsets(%dma_start3A_40 : memref<128xi32, #tpu.memory_space<vmem>>) semaphore(%arg14 : memref<!tpu.dma_semaphore, #tpu.memory_space<semaphore_mem>>)
    %mul3A_44 = arith.constant 80 : i32
    %mul3A_45 = arith.muli %add3A, %mul3A_44 : i32
    %add3A_46 = arith.constant 0 : i32
    %add3A_47 = arith.addi %mul3A_45, %add3A_46 : i32
    %dma_start3A_48 = arith.constant 0 : i32
    %dma_start3A_49 = tpu.memref_slice %arg5[%add3A_47, %dma_start3A_48] : memref<2560x128xf32, #tpu.memory_space<hbm>> -> memref<1x128xf32, #tpu.memory_space<hbm>>
    %dma_start3A_50 = tpu.memref_squeeze %dma_start3A_49 : memref<1x128xf32, #tpu.memory_space<hbm>> -> memref<128xf32, #tpu.memory_space<hbm>>
    %dma_start3A_51 = arith.constant 0 : i32
    %dma_start3A_52 = tpu.memref_slice %arg5[%add3A_47, %dma_start3A_51] : memref<2560x128xf32, #tpu.memory_space<hbm>> -> memref<1x128xf32, #tpu.memory_space<hbm>>
    %dma_start3A_53 = tpu.memref_squeeze %dma_start3A_52 : memref<1x128xf32, #tpu.memory_space<hbm>> -> memref<128xf32, #tpu.memory_space<hbm>>
    tpu.enqueue_dma source(%dma_start3A_53 : memref<128xf32, #tpu.memory_space<hbm>>) target(%arg9 : memref<128xf32, #tpu.memory_space<vmem>>) target_semaphore(%arg14 : memref<!tpu.dma_semaphore, #tpu.memory_space<semaphore_mem>>)
    %mul3A_54 = arith.constant 80 : i32
    %mul3A_55 = arith.muli %add3A, %mul3A_54 : i32
    %add3A_56 = arith.constant 0 : i32
    %add3A_57 = arith.addi %mul3A_55, %add3A_56 : i32
    %dma_start3A_58 = arith.constant 0 : i32
    %dma_start3A_59 = arith.constant 0 : i32
    %dma_start3A_60 = tpu.memref_slice %arg11[%dma_start3A_58, %dma_start3A_59] : memref<1x128xi32, #tpu.memory_space<vmem>> -> memref<1x128xi32, #tpu.memory_space<vmem>>
    %dma_start3A_61 = tpu.memref_squeeze %dma_start3A_60 : memref<1x128xi32, #tpu.memory_space<vmem>> -> memref<128xi32, #tpu.memory_space<vmem>>
    %dma_start3A_62 = arith.constant 0 : i32
    %dma_start3A_63 = tpu.memref_slice %arg4[%add3A_57, %dma_start3A_62] : memref<2560x128xi32, #tpu.memory_space<hbm>> -> memref<1x128xi32, #tpu.memory_space<hbm>>
    %dma_start3A_64 = tpu.memref_squeeze %dma_start3A_63 : memref<1x128xi32, #tpu.memory_space<hbm>> -> memref<128xi32, #tpu.memory_space<hbm>>
    %dma_start3A_65 = arith.constant 0 : i32
    %dma_start3A_66 = tpu.memref_slice %arg11[%dma_start3A_58, %dma_start3A_65] : memref<1x128xi32, #tpu.memory_space<vmem>> -> memref<1x128xi32, #tpu.memory_space<vmem>>
    %dma_start3A_67 = tpu.memref_squeeze %dma_start3A_66 : memref<1x128xi32, #tpu.memory_space<vmem>> -> memref<128xi32, #tpu.memory_space<vmem>>
    %dma_start3A_68 = arith.constant 0 : i32
    %dma_start3A_69 = tpu.memref_slice %arg4[%add3A_57, %dma_start3A_68] : memref<2560x128xi32, #tpu.memory_space<hbm>> -> memref<1x128xi32, #tpu.memory_space<hbm>>
    %dma_start3A_70 = tpu.memref_squeeze %dma_start3A_69 : memref<1x128xi32, #tpu.memory_space<hbm>> -> memref<128xi32, #tpu.memory_space<hbm>>
    tpu.enqueue_dma source(%dma_start3A_70 : memref<128xi32, #tpu.memory_space<hbm>>) target(%dma_start3A_67 : memref<128xi32, #tpu.memory_space<vmem>>) target_semaphore(%arg14 : memref<!tpu.dma_semaphore, #tpu.memory_space<semaphore_mem>>)
    %scan3A_71 = arith.constant 0 : i32
    %scan3A_72 = arith.constant 1 : i32
    %scan3A_73 = arith.constant 0 : i32
    %scan3A_74 = arith.constant 0 : i32
    %scan3A_75 = arith.constant 40 : i32
    %scan3A_76 = arith.addi %scan3A_74, %scan3A_75 : i32
    %scan3A_77 = arith.constant 1 : i32
    %scan3A_78 = scf.for %scan3A_96 = %scan3A_74 to %scan3A_76 step %scan3A_77 iter_args(%scan3A_97 = %scan3A_73) -> (i32)  : i32 {
      %mul3A_98 = arith.constant 2 : i32
      %mul3A_99 = arith.muli %mul3A_98, %scan3A_96 : i32
      %dma_wait3A_100 = arith.constant 0 : i32
      %dma_wait3A_101 = arith.constant 0 : i32
      %dma_wait3A_102 = tpu.memref_slice %arg7[%scan3A_71, %dma_wait3A_100, %dma_wait3A_101] : memref<2x128x128xf32, #tpu.memory_space<vmem>> -> memref<1x128x128xf32, #tpu.memory_space<vmem>>
      %dma_wait3A_103 = tpu.memref_squeeze %dma_wait3A_102 : memref<1x128x128xf32, #tpu.memory_space<vmem>> -> memref<128x128xf32, #tpu.memory_space<vmem>>
      %dma_wait3A_104 = arith.constant 0 : i32
      %dma_wait3A_105 = tpu.memref_slice %arg8[%mul3A_99, %dma_wait3A_104] : memref<80x128xi32, #tpu.memory_space<vmem>> -> memref<1x128xi32, #tpu.memory_space<vmem>>
      %dma_wait3A_106 = tpu.memref_squeeze %dma_wait3A_105 : memref<1x128xi32, #tpu.memory_space<vmem>> -> memref<128xi32, #tpu.memory_space<vmem>>
      %dma_wait3A_107 = arith.constant 0 : i32
      %dma_wait3A_108 = arith.constant 0 : i32
      %dma_wait3A_109 = tpu.memref_slice %arg2[%dma_wait3A_107, %dma_wait3A_108] : memref<10000x128xf32, #tpu.memory_space<hbm>> -> memref<10000x128xf32, #tpu.memory_space<hbm>>
      tpu.wait_indirect_dma semaphore(%arg14 : memref<!tpu.dma_semaphore, #tpu.memory_space<semaphore_mem>>) src(%dma_wait3A_109 : memref<10000x128xf32, #tpu.memory_space<hbm>>) dst(%dma_wait3A_103 : memref<128x128xf32, #tpu.memory_space<vmem>>)
      %dma_wait3A_110 = arith.constant 0 : i32
      %dma_wait3A_111 = arith.constant 0 : i32
      %dma_wait3A_112 = tpu.memref_slice %arg5[%dma_wait3A_110, %dma_wait3A_111] : memref<2560x128xf32, #tpu.memory_space<hbm>> -> memref<1x128xf32, #tpu.memory_space<hbm>>
      %dma_wait3A_113 = tpu.memref_squeeze %dma_wait3A_112 : memref<1x128xf32, #tpu.memory_space<hbm>> -> memref<128xf32, #tpu.memory_space<hbm>>
      %dma_wait3A_114 = arith.constant 0 : i32
      %dma_wait3A_115 = tpu.memref_slice %arg5[%dma_wait3A_110, %dma_wait3A_114] : memref<2560x128xf32, #tpu.memory_space<hbm>> -> memref<1x128xf32, #tpu.memory_space<hbm>>
      %dma_wait3A_116 = tpu.memref_squeeze %dma_wait3A_115 : memref<1x128xf32, #tpu.memory_space<hbm>> -> memref<128xf32, #tpu.memory_space<hbm>>
      tpu.wait_dma2 semaphore(%arg14 : memref<!tpu.dma_semaphore, #tpu.memory_space<semaphore_mem>>) src(%dma_wait3A_116 : memref<128xf32, #tpu.memory_space<hbm>>) dst(%arg9 : memref<128xf32, #tpu.memory_space<vmem>>)
      %dma_wait3A_117 = arith.constant 0 : i32
      %dma_wait3A_118 = arith.constant 0 : i32
      %dma_wait3A_119 = arith.constant 0 : i32
      %dma_wait3A_120 = tpu.memref_slice %arg11[%dma_wait3A_118, %dma_wait3A_119] : memref<1x128xi32, #tpu.memory_space<vmem>> -> memref<1x128xi32, #tpu.memory_space<vmem>>
      %dma_wait3A_121 = tpu.memref_squeeze %dma_wait3A_120 : memref<1x128xi32, #tpu.memory_space<vmem>> -> memref<128xi32, #tpu.memory_space<vmem>>
      %dma_wait3A_122 = arith.constant 0 : i32
      %dma_wait3A_123 = tpu.memref_slice %arg4[%dma_wait3A_117, %dma_wait3A_122] : memref<2560x128xi32, #tpu.memory_space<hbm>> -> memref<1x128xi32, #tpu.memory_space<hbm>>
      %dma_wait3A_124 = tpu.memref_squeeze %dma_wait3A_123 : memref<1x128xi32, #tpu.memory_space<hbm>> -> memref<128xi32, #tpu.memory_space<hbm>>
      %dma_wait3A_125 = arith.constant 0 : i32
      %dma_wait3A_126 = tpu.memref_slice %arg11[%dma_wait3A_118, %dma_wait3A_125] : memref<1x128xi32, #tpu.memory_space<vmem>> -> memref<1x128xi32, #tpu.memory_space<vmem>>
      %dma_wait3A_127 = tpu.memref_squeeze %dma_wait3A_126 : memref<1x128xi32, #tpu.memory_space<vmem>> -> memref<128xi32, #tpu.memory_space<vmem>>
      %dma_wait3A_128 = arith.constant 0 : i32
      %dma_wait3A_129 = tpu.memref_slice %arg4[%dma_wait3A_117, %dma_wait3A_128] : memref<2560x128xi32, #tpu.memory_space<hbm>> -> memref<1x128xi32, #tpu.memory_space<hbm>>
      %dma_wait3A_130 = tpu.memref_squeeze %dma_wait3A_129 : memref<1x128xi32, #tpu.memory_space<hbm>> -> memref<128xi32, #tpu.memory_space<hbm>>
      tpu.wait_dma2 semaphore(%arg14 : memref<!tpu.dma_semaphore, #tpu.memory_space<semaphore_mem>>) src(%dma_wait3A_130 : memref<128xi32, #tpu.memory_space<hbm>>) dst(%dma_wait3A_127 : memref<128xi32, #tpu.memory_space<vmem>>)
      %ge3A = arith.constant 1 : i32
      %ge3A_131 = arith.cmpi sge, %mul3A_99, %ge3A : i32
      %convert_element_type3A = arith.extui %ge3A_131 : i1 to i32
      %cond3A = arith.constant 0 : i32
      %cond3A_132 = arith.cmpi ne, %convert_element_type3A, %cond3A : i32
      scf.if %cond3A_132 {
        %dma_wait3A_214 = arith.constant 0 : i32
        %dma_wait3A_215 = arith.constant 0 : i32
        %dma_wait3A_216 = arith.constant 0 : i32
        %dma_wait3A_217 = tpu.memref_slice %arg7[%scan3A_72, %dma_wait3A_215, %dma_wait3A_216] : memref<2x128x128xf32, #tpu.memory_space<vmem>> -> memref<1x128x128xf32, #tpu.memory_space<vmem>>
        %dma_wait3A_218 = tpu.memref_squeeze %dma_wait3A_217 : memref<1x128x128xf32, #tpu.memory_space<vmem>> -> memref<128x128xf32, #tpu.memory_space<vmem>>
        %dma_wait3A_219 = arith.constant 0 : i32
        %dma_wait3A_220 = tpu.memref_slice %arg12[%dma_wait3A_214, %dma_wait3A_219] : memref<1x128xi32, #tpu.memory_space<vmem>> -> memref<1x128xi32, #tpu.memory_space<vmem>>
        %dma_wait3A_221 = tpu.memref_squeeze %dma_wait3A_220 : memref<1x128xi32, #tpu.memory_space<vmem>> -> memref<128xi32, #tpu.memory_space<vmem>>
        %dma_wait3A_222 = arith.constant 0 : i32
        %dma_wait3A_223 = arith.constant 0 : i32
        %dma_wait3A_224 = tpu.memref_slice %arg13[%dma_wait3A_222, %dma_wait3A_223] : memref<10112x128xf32, #tpu.memory_space<vmem_shared>> -> memref<10112x128xf32, #tpu.memory_space<vmem_shared>>
        tpu.wait_indirect_dma semaphore(%arg17 : memref<!tpu.dma_semaphore, #tpu.memory_space<semaphore_mem>>) src(%dma_wait3A_218 : memref<128x128xf32, #tpu.memory_space<vmem>>) dst(%dma_wait3A_224 : memref<10112x128xf32, #tpu.memory_space<vmem_shared>>)
      } else {
      }
      %add3A_133 = arith.constant 1 : i32
      %add3A_134 = arith.addi %mul3A_99, %add3A_133 : i32
      %lt3A = arith.constant 80 : i32
      %lt3A_135 = arith.cmpi slt, %add3A_134, %lt3A : i32
      %convert_element_type3A_136 = arith.extui %lt3A_135 : i1 to i32
      %cond3A_137 = arith.constant 0 : i32
      %cond3A_138 = arith.cmpi ne, %convert_element_type3A_136, %cond3A_137 : i32
      scf.if %cond3A_138 {
        %add3A_214 = arith.constant 1 : i32
        %add3A_215 = arith.addi %mul3A_99, %add3A_214 : i32
        %dma_start3A_216 = arith.constant 0 : i32
        %dma_start3A_217 = arith.constant 0 : i32
        %dma_start3A_218 = tpu.memref_slice %arg7[%scan3A_72, %dma_start3A_216, %dma_start3A_217] : memref<2x128x128xf32, #tpu.memory_space<vmem>> -> memref<1x128x128xf32, #tpu.memory_space<vmem>>
        %dma_start3A_219 = tpu.memref_squeeze %dma_start3A_218 : memref<1x128x128xf32, #tpu.memory_space<vmem>> -> memref<128x128xf32, #tpu.memory_space<vmem>>
        %dma_start3A_220 = arith.constant 0 : i32
        %dma_start3A_221 = tpu.memref_slice %arg8[%add3A_215, %dma_start3A_220] : memref<80x128xi32, #tpu.memory_space<vmem>> -> memref<1x128xi32, #tpu.memory_space<vmem>>
        %dma_start3A_222 = tpu.memref_squeeze %dma_start3A_221 : memref<1x128xi32, #tpu.memory_space<vmem>> -> memref<128xi32, #tpu.memory_space<vmem>>
        %dma_start3A_223 = arith.constant 0 : i32
        %dma_start3A_224 = arith.constant 0 : i32
        %dma_start3A_225 = tpu.memref_slice %arg2[%dma_start3A_223, %dma_start3A_224] : memref<10000x128xf32, #tpu.memory_space<hbm>> -> memref<10000x128xf32, #tpu.memory_space<hbm>>
        tpu.enqueue_indirect_dma source(%dma_start3A_225 : memref<10000x128xf32, #tpu.memory_space<hbm>>) target(%dma_start3A_219 : memref<128x128xf32, #tpu.memory_space<vmem>>) offsets(%dma_start3A_222 : memref<128xi32, #tpu.memory_space<vmem>>) semaphore(%arg15 : memref<!tpu.dma_semaphore, #tpu.memory_space<semaphore_mem>>)
        %mul3A_226 = arith.constant 80 : i32
        %mul3A_227 = arith.muli %add3A, %mul3A_226 : i32
        %add3A_228 = arith.addi %mul3A_227, %add3A_215 : i32
        %dma_start3A_229 = arith.constant 0 : i32
        %dma_start3A_230 = tpu.memref_slice %arg5[%add3A_228, %dma_start3A_229] : memref<2560x128xf32, #tpu.memory_space<hbm>> -> memref<1x128xf32, #tpu.memory_space<hbm>>
        %dma_start3A_231 = tpu.memref_squeeze %dma_start3A_230 : memref<1x128xf32, #tpu.memory_space<hbm>> -> memref<128xf32, #tpu.memory_space<hbm>>
        %dma_start3A_232 = arith.constant 0 : i32
        %dma_start3A_233 = tpu.memref_slice %arg5[%add3A_228, %dma_start3A_232] : memref<2560x128xf32, #tpu.memory_space<hbm>> -> memref<1x128xf32, #tpu.memory_space<hbm>>
        %dma_start3A_234 = tpu.memref_squeeze %dma_start3A_233 : memref<1x128xf32, #tpu.memory_space<hbm>> -> memref<128xf32, #tpu.memory_space<hbm>>
        tpu.enqueue_dma source(%dma_start3A_234 : memref<128xf32, #tpu.memory_space<hbm>>) target(%arg10 : memref<128xf32, #tpu.memory_space<vmem>>) target_semaphore(%arg15 : memref<!tpu.dma_semaphore, #tpu.memory_space<semaphore_mem>>)
        %mul3A_235 = arith.constant 80 : i32
        %mul3A_236 = arith.muli %add3A, %mul3A_235 : i32
        %add3A_237 = arith.addi %mul3A_236, %add3A_215 : i32
        %dma_start3A_238 = arith.constant 0 : i32
        %dma_start3A_239 = arith.constant 0 : i32
        %dma_start3A_240 = tpu.memref_slice %arg12[%dma_start3A_238, %dma_start3A_239] : memref<1x128xi32, #tpu.memory_space<vmem>> -> memref<1x128xi32, #tpu.memory_space<vmem>>
        %dma_start3A_241 = tpu.memref_squeeze %dma_start3A_240 : memref<1x128xi32, #tpu.memory_space<vmem>> -> memref<128xi32, #tpu.memory_space<vmem>>
        %dma_start3A_242 = arith.constant 0 : i32
        %dma_start3A_243 = tpu.memref_slice %arg4[%add3A_237, %dma_start3A_242] : memref<2560x128xi32, #tpu.memory_space<hbm>> -> memref<1x128xi32, #tpu.memory_space<hbm>>
        %dma_start3A_244 = tpu.memref_squeeze %dma_start3A_243 : memref<1x128xi32, #tpu.memory_space<hbm>> -> memref<128xi32, #tpu.memory_space<hbm>>
        %dma_start3A_245 = arith.constant 0 : i32
        %dma_start3A_246 = tpu.memref_slice %arg12[%dma_start3A_238, %dma_start3A_245] : memref<1x128xi32, #tpu.memory_space<vmem>> -> memref<1x128xi32, #tpu.memory_space<vmem>>
        %dma_start3A_247 = tpu.memref_squeeze %dma_start3A_246 : memref<1x128xi32, #tpu.memory_space<vmem>> -> memref<128xi32, #tpu.memory_space<vmem>>
        %dma_start3A_248 = arith.constant 0 : i32
        %dma_start3A_249 = tpu.memref_slice %arg4[%add3A_237, %dma_start3A_248] : memref<2560x128xi32, #tpu.memory_space<hbm>> -> memref<1x128xi32, #tpu.memory_space<hbm>>
        %dma_start3A_250 = tpu.memref_squeeze %dma_start3A_249 : memref<1x128xi32, #tpu.memory_space<hbm>> -> memref<128xi32, #tpu.memory_space<hbm>>
        tpu.enqueue_dma source(%dma_start3A_250 : memref<128xi32, #tpu.memory_space<hbm>>) target(%dma_start3A_247 : memref<128xi32, #tpu.memory_space<vmem>>) target_semaphore(%arg15 : memref<!tpu.dma_semaphore, #tpu.memory_space<semaphore_mem>>)
      } else {
      }
      %parallel_loop3A = arith.constant 0 : i32
      %parallel_loop3A_139 = arith.constant 128 : i32
      %parallel_loop3A_140 = arith.constant 1 : i32
      scf.for %parallel_loop3A_214 = %parallel_loop3A to %parallel_loop3A_139 step %parallel_loop3A_140  : i32 {
        %parallel_loop3A_215 = vector.broadcast %parallel_loop3A_214 : i32 to vector<16xi32>
        %parallel_loop3A_216 = tpu.vector_load_idx %arg9[%parallel_loop3A_215] : memref<128xf32, #tpu.memory_space<vmem>>[vector<16xi32>], vector<16xf32>,
        %parallel_loop3A_217 = arith.constant 0 : i32
        %parallel_loop3A_218 = arith.constant 0 : i32
        %parallel_loop3A_219 = tpu.memref_slice %arg7[%scan3A_71, %parallel_loop3A_217, %parallel_loop3A_218] : memref<2x128x128xf32, #tpu.memory_space<vmem>> -> memref<1x128x128xf32, #tpu.memory_space<vmem>>
        %parallel_loop3A_220 = tpu.memref_squeeze %parallel_loop3A_219 : memref<1x128x128xf32, #tpu.memory_space<vmem>> -> memref<128x128xf32, #tpu.memory_space<vmem>>
        %parallel_loop3A_221 = arith.index_cast %parallel_loop3A_214 : i32 to index
        %parallel_loop3A_222 = arith.constant 0 : index
        %parallel_loop3A_223 = tpu.vector_load %parallel_loop3A_220[%parallel_loop3A_221, %parallel_loop3A_222] {strides = array<i32>} : memref<128x128xf32, #tpu.memory_space<vmem>>, vector<16xf32>,
        %parallel_loop3A_224 = arith.mulf %parallel_loop3A_223, %parallel_loop3A_216 : vector<16xf32>
        %parallel_loop3A_225 = arith.constant 0 : i32
        %parallel_loop3A_226 = arith.constant 0 : i32
        %parallel_loop3A_227 = tpu.memref_slice %arg7[%scan3A_71, %parallel_loop3A_225, %parallel_loop3A_226] : memref<2x128x128xf32, #tpu.memory_space<vmem>> -> memref<1x128x128xf32, #tpu.memory_space<vmem>>
        %parallel_loop3A_228 = tpu.memref_squeeze %parallel_loop3A_227 : memref<1x128x128xf32, #tpu.memory_space<vmem>> -> memref<128x128xf32, #tpu.memory_space<vmem>>
        %parallel_loop3A_229 = arith.index_cast %parallel_loop3A_214 : i32 to index
        %parallel_loop3A_230 = arith.constant 0 : index
        %parallel_loop3A_231 = tpu.vector_load %parallel_loop3A_228[%parallel_loop3A_229, %parallel_loop3A_230] {strides = array<i32>} : memref<128x128xf32, #tpu.memory_space<vmem>>, vector<16xf32>,
        tpu.vector_store %parallel_loop3A_228[%parallel_loop3A_229, %parallel_loop3A_230], %parallel_loop3A_224 {strides = array<i32>} : memref<128x128xf32, #tpu.memory_space<vmem>>, vector<16xf32>,
        %parallel_loop3A_232 = arith.constant 0 : i32
        %parallel_loop3A_233 = arith.constant 0 : i32
        %parallel_loop3A_234 = tpu.memref_slice %arg7[%scan3A_71, %parallel_loop3A_232, %parallel_loop3A_233] : memref<2x128x128xf32, #tpu.memory_space<vmem>> -> memref<1x128x128xf32, #tpu.memory_space<vmem>>
        %parallel_loop3A_235 = tpu.memref_squeeze %parallel_loop3A_234 : memref<1x128x128xf32, #tpu.memory_space<vmem>> -> memref<128x128xf32, #tpu.memory_space<vmem>>
        %parallel_loop3A_236 = arith.index_cast %parallel_loop3A_214 : i32 to index
        %parallel_loop3A_237 = arith.constant 16 : index
        %parallel_loop3A_238 = tpu.vector_load %parallel_loop3A_235[%parallel_loop3A_236, %parallel_loop3A_237] {strides = array<i32>} : memref<128x128xf32, #tpu.memory_space<vmem>>, vector<16xf32>,
        %parallel_loop3A_239 = arith.mulf %parallel_loop3A_238, %parallel_loop3A_216 : vector<16xf32>
        %parallel_loop3A_240 = arith.constant 0 : i32
        %parallel_loop3A_241 = arith.constant 0 : i32
        %parallel_loop3A_242 = tpu.memref_slice %arg7[%scan3A_71, %parallel_loop3A_240, %parallel_loop3A_241] : memref<2x128x128xf32, #tpu.memory_space<vmem>> -> memref<1x128x128xf32, #tpu.memory_space<vmem>>
        %parallel_loop3A_243 = tpu.memref_squeeze %parallel_loop3A_242 : memref<1x128x128xf32, #tpu.memory_space<vmem>> -> memref<128x128xf32, #tpu.memory_space<vmem>>
        %parallel_loop3A_244 = arith.index_cast %parallel_loop3A_214 : i32 to index
        %parallel_loop3A_245 = arith.constant 16 : index
        %parallel_loop3A_246 = tpu.vector_load %parallel_loop3A_243[%parallel_loop3A_244, %parallel_loop3A_245] {strides = array<i32>} : memref<128x128xf32, #tpu.memory_space<vmem>>, vector<16xf32>,
        tpu.vector_store %parallel_loop3A_243[%parallel_loop3A_244, %parallel_loop3A_245], %parallel_loop3A_239 {strides = array<i32>} : memref<128x128xf32, #tpu.memory_space<vmem>>, vector<16xf32>,
        %parallel_loop3A_247 = arith.constant 0 : i32
        %parallel_loop3A_248 = arith.constant 0 : i32
        %parallel_loop3A_249 = tpu.memref_slice %arg7[%scan3A_71, %parallel_loop3A_247, %parallel_loop3A_248] : memref<2x128x128xf32, #tpu.memory_space<vmem>> -> memref<1x128x128xf32, #tpu.memory_space<vmem>>
        %parallel_loop3A_250 = tpu.memref_squeeze %parallel_loop3A_249 : memref<1x128x128xf32, #tpu.memory_space<vmem>> -> memref<128x128xf32, #tpu.memory_space<vmem>>
        %parallel_loop3A_251 = arith.index_cast %parallel_loop3A_214 : i32 to index
        %parallel_loop3A_252 = arith.constant 32 : index
        %parallel_loop3A_253 = tpu.vector_load %parallel_loop3A_250[%parallel_loop3A_251, %parallel_loop3A_252] {strides = array<i32>} : memref<128x128xf32, #tpu.memory_space<vmem>>, vector<16xf32>,
        %parallel_loop3A_254 = arith.mulf %parallel_loop3A_253, %parallel_loop3A_216 : vector<16xf32>
        %parallel_loop3A_255 = arith.constant 0 : i32
        %parallel_loop3A_256 = arith.constant 0 : i32
        %parallel_loop3A_257 = tpu.memref_slice %arg7[%scan3A_71, %parallel_loop3A_255, %parallel_loop3A_256] : memref<2x128x128xf32, #tpu.memory_space<vmem>> -> memref<1x128x128xf32, #tpu.memory_space<vmem>>
        %parallel_loop3A_258 = tpu.memref_squeeze %parallel_loop3A_257 : memref<1x128x128xf32, #tpu.memory_space<vmem>> -> memref<128x128xf32, #tpu.memory_space<vmem>>
        %parallel_loop3A_259 = arith.index_cast %parallel_loop3A_214 : i32 to index
        %parallel_loop3A_260 = arith.constant 32 : index
        %parallel_loop3A_261 = tpu.vector_load %parallel_loop3A_258[%parallel_loop3A_259, %parallel_loop3A_260] {strides = array<i32>} : memref<128x128xf32, #tpu.memory_space<vmem>>, vector<16xf32>,
        tpu.vector_store %parallel_loop3A_258[%parallel_loop3A_259, %parallel_loop3A_260], %parallel_loop3A_254 {strides = array<i32>} : memref<128x128xf32, #tpu.memory_space<vmem>>, vector<16xf32>,
        %parallel_loop3A_262 = arith.constant 0 : i32
        %parallel_loop3A_263 = arith.constant 0 : i32
        %parallel_loop3A_264 = tpu.memref_slice %arg7[%scan3A_71, %parallel_loop3A_262, %parallel_loop3A_263] : memref<2x128x128xf32, #tpu.memory_space<vmem>> -> memref<1x128x128xf32, #tpu.memory_space<vmem>>
        %parallel_loop3A_265 = tpu.memref_squeeze %parallel_loop3A_264 : memref<1x128x128xf32, #tpu.memory_space<vmem>> -> memref<128x128xf32, #tpu.memory_space<vmem>>
        %parallel_loop3A_266 = arith.index_cast %parallel_loop3A_214 : i32 to index
        %parallel_loop3A_267 = arith.constant 48 : index
        %parallel_loop3A_268 = tpu.vector_load %parallel_loop3A_265[%parallel_loop3A_266, %parallel_loop3A_267] {strides = array<i32>} : memref<128x128xf32, #tpu.memory_space<vmem>>, vector<16xf32>,
        %parallel_loop3A_269 = arith.mulf %parallel_loop3A_268, %parallel_loop3A_216 : vector<16xf32>
        %parallel_loop3A_270 = arith.constant 0 : i32
        %parallel_loop3A_271 = arith.constant 0 : i32
        %parallel_loop3A_272 = tpu.memref_slice %arg7[%scan3A_71, %parallel_loop3A_270, %parallel_loop3A_271] : memref<2x128x128xf32, #tpu.memory_space<vmem>> -> memref<1x128x128xf32, #tpu.memory_space<vmem>>
        %parallel_loop3A_273 = tpu.memref_squeeze %parallel_loop3A_272 : memref<1x128x128xf32, #tpu.memory_space<vmem>> -> memref<128x128xf32, #tpu.memory_space<vmem>>
        %parallel_loop3A_274 = arith.index_cast %parallel_loop3A_214 : i32 to index
        %parallel_loop3A_275 = arith.constant 48 : index
        %parallel_loop3A_276 = tpu.vector_load %parallel_loop3A_273[%parallel_loop3A_274, %parallel_loop3A_275] {strides = array<i32>} : memref<128x128xf32, #tpu.memory_space<vmem>>, vector<16xf32>,
        tpu.vector_store %parallel_loop3A_273[%parallel_loop3A_274, %parallel_loop3A_275], %parallel_loop3A_269 {strides = array<i32>} : memref<128x128xf32, #tpu.memory_space<vmem>>, vector<16xf32>,
        %parallel_loop3A_277 = arith.constant 0 : i32
        %parallel_loop3A_278 = arith.constant 0 : i32
        %parallel_loop3A_279 = tpu.memref_slice %arg7[%scan3A_71, %parallel_loop3A_277, %parallel_loop3A_278] : memref<2x128x128xf32, #tpu.memory_space<vmem>> -> memref<1x128x128xf32, #tpu.memory_space<vmem>>
        %parallel_loop3A_280 = tpu.memref_squeeze %parallel_loop3A_279 : memref<1x128x128xf32, #tpu.memory_space<vmem>> -> memref<128x128xf32, #tpu.memory_space<vmem>>
        %parallel_loop3A_281 = arith.index_cast %parallel_loop3A_214 : i32 to index
        %parallel_loop3A_282 = arith.constant 64 : index
        %parallel_loop3A_283 = tpu.vector_load %parallel_loop3A_280[%parallel_loop3A_281, %parallel_loop3A_282] {strides = array<i32>} : memref<128x128xf32, #tpu.memory_space<vmem>>, vector<16xf32>,
        %parallel_loop3A_284 = arith.mulf %parallel_loop3A_283, %parallel_loop3A_216 : vector<16xf32>
        %parallel_loop3A_285 = arith.constant 0 : i32
        %parallel_loop3A_286 = arith.constant 0 : i32
        %parallel_loop3A_287 = tpu.memref_slice %arg7[%scan3A_71, %parallel_loop3A_285, %parallel_loop3A_286] : memref<2x128x128xf32, #tpu.memory_space<vmem>> -> memref<1x128x128xf32, #tpu.memory_space<vmem>>
        %parallel_loop3A_288 = tpu.memref_squeeze %parallel_loop3A_287 : memref<1x128x128xf32, #tpu.memory_space<vmem>> -> memref<128x128xf32, #tpu.memory_space<vmem>>
        %parallel_loop3A_289 = arith.index_cast %parallel_loop3A_214 : i32 to index
        %parallel_loop3A_290 = arith.constant 64 : index
        %parallel_loop3A_291 = tpu.vector_load %parallel_loop3A_288[%parallel_loop3A_289, %parallel_loop3A_290] {strides = array<i32>} : memref<128x128xf32, #tpu.memory_space<vmem>>, vector<16xf32>,
        tpu.vector_store %parallel_loop3A_288[%parallel_loop3A_289, %parallel_loop3A_290], %parallel_loop3A_284 {strides = array<i32>} : memref<128x128xf32, #tpu.memory_space<vmem>>, vector<16xf32>,
        %parallel_loop3A_292 = arith.constant 0 : i32
        %parallel_loop3A_293 = arith.constant 0 : i32
        %parallel_loop3A_294 = tpu.memref_slice %arg7[%scan3A_71, %parallel_loop3A_292, %parallel_loop3A_293] : memref<2x128x128xf32, #tpu.memory_space<vmem>> -> memref<1x128x128xf32, #tpu.memory_space<vmem>>
        %parallel_loop3A_295 = tpu.memref_squeeze %parallel_loop3A_294 : memref<1x128x128xf32, #tpu.memory_space<vmem>> -> memref<128x128xf32, #tpu.memory_space<vmem>>
        %parallel_loop3A_296 = arith.index_cast %parallel_loop3A_214 : i32 to index
        %parallel_loop3A_297 = arith.constant 80 : index
        %parallel_loop3A_298 = tpu.vector_load %parallel_loop3A_295[%parallel_loop3A_296, %parallel_loop3A_297] {strides = array<i32>} : memref<128x128xf32, #tpu.memory_space<vmem>>, vector<16xf32>,
        %parallel_loop3A_299 = arith.mulf %parallel_loop3A_298, %parallel_loop3A_216 : vector<16xf32>
        %parallel_loop3A_300 = arith.constant 0 : i32
        %parallel_loop3A_301 = arith.constant 0 : i32
        %parallel_loop3A_302 = tpu.memref_slice %arg7[%scan3A_71, %parallel_loop3A_300, %parallel_loop3A_301] : memref<2x128x128xf32, #tpu.memory_space<vmem>> -> memref<1x128x128xf32, #tpu.memory_space<vmem>>
        %parallel_loop3A_303 = tpu.memref_squeeze %parallel_loop3A_302 : memref<1x128x128xf32, #tpu.memory_space<vmem>> -> memref<128x128xf32, #tpu.memory_space<vmem>>
        %parallel_loop3A_304 = arith.index_cast %parallel_loop3A_214 : i32 to index
        %parallel_loop3A_305 = arith.constant 80 : index
        %parallel_loop3A_306 = tpu.vector_load %parallel_loop3A_303[%parallel_loop3A_304, %parallel_loop3A_305] {strides = array<i32>} : memref<128x128xf32, #tpu.memory_space<vmem>>, vector<16xf32>,
        tpu.vector_store %parallel_loop3A_303[%parallel_loop3A_304, %parallel_loop3A_305], %parallel_loop3A_299 {strides = array<i32>} : memref<128x128xf32, #tpu.memory_space<vmem>>, vector<16xf32>,
        %parallel_loop3A_307 = arith.constant 0 : i32
        %parallel_loop3A_308 = arith.constant 0 : i32
        %parallel_loop3A_309 = tpu.memref_slice %arg7[%scan3A_71, %parallel_loop3A_307, %parallel_loop3A_308] : memref<2x128x128xf32, #tpu.memory_space<vmem>> -> memref<1x128x128xf32, #tpu.memory_space<vmem>>
        %parallel_loop3A_310 = tpu.memref_squeeze %parallel_loop3A_309 : memref<1x128x128xf32, #tpu.memory_space<vmem>> -> memref<128x128xf32, #tpu.memory_space<vmem>>
        %parallel_loop3A_311 = arith.index_cast %parallel_loop3A_214 : i32 to index
        %parallel_loop3A_312 = arith.constant 96 : index
        %parallel_loop3A_313 = tpu.vector_load %parallel_loop3A_310[%parallel_loop3A_311, %parallel_loop3A_312] {strides = array<i32>} : memref<128x128xf32, #tpu.memory_space<vmem>>, vector<16xf32>,
        %parallel_loop3A_314 = arith.mulf %parallel_loop3A_313, %parallel_loop3A_216 : vector<16xf32>
        %parallel_loop3A_315 = arith.constant 0 : i32
        %parallel_loop3A_316 = arith.constant 0 : i32
        %parallel_loop3A_317 = tpu.memref_slice %arg7[%scan3A_71, %parallel_loop3A_315, %parallel_loop3A_316] : memref<2x128x128xf32, #tpu.memory_space<vmem>> -> memref<1x128x128xf32, #tpu.memory_space<vmem>>
        %parallel_loop3A_318 = tpu.memref_squeeze %parallel_loop3A_317 : memref<1x128x128xf32, #tpu.memory_space<vmem>> -> memref<128x128xf32, #tpu.memory_space<vmem>>
        %parallel_loop3A_319 = arith.index_cast %parallel_loop3A_214 : i32 to index
        %parallel_loop3A_320 = arith.constant 96 : index
        %parallel_loop3A_321 = tpu.vector_load %parallel_loop3A_318[%parallel_loop3A_319, %parallel_loop3A_320] {strides = array<i32>} : memref<128x128xf32, #tpu.memory_space<vmem>>, vector<16xf32>,
        tpu.vector_store %parallel_loop3A_318[%parallel_loop3A_319, %parallel_loop3A_320], %parallel_loop3A_314 {strides = array<i32>} : memref<128x128xf32, #tpu.memory_space<vmem>>, vector<16xf32>,
        %parallel_loop3A_322 = arith.constant 0 : i32
        %parallel_loop3A_323 = arith.constant 0 : i32
        %parallel_loop3A_324 = tpu.memref_slice %arg7[%scan3A_71, %parallel_loop3A_322, %parallel_loop3A_323] : memref<2x128x128xf32, #tpu.memory_space<vmem>> -> memref<1x128x128xf32, #tpu.memory_space<vmem>>
        %parallel_loop3A_325 = tpu.memref_squeeze %parallel_loop3A_324 : memref<1x128x128xf32, #tpu.memory_space<vmem>> -> memref<128x128xf32, #tpu.memory_space<vmem>>
        %parallel_loop3A_326 = arith.index_cast %parallel_loop3A_214 : i32 to index
        %parallel_loop3A_327 = arith.constant 112 : index
        %parallel_loop3A_328 = tpu.vector_load %parallel_loop3A_325[%parallel_loop3A_326, %parallel_loop3A_327] {strides = array<i32>} : memref<128x128xf32, #tpu.memory_space<vmem>>, vector<16xf32>,
        %parallel_loop3A_329 = arith.mulf %parallel_loop3A_328, %parallel_loop3A_216 : vector<16xf32>
        %parallel_loop3A_330 = arith.constant 0 : i32
        %parallel_loop3A_331 = arith.constant 0 : i32
        %parallel_loop3A_332 = tpu.memref_slice %arg7[%scan3A_71, %parallel_loop3A_330, %parallel_loop3A_331] : memref<2x128x128xf32, #tpu.memory_space<vmem>> -> memref<1x128x128xf32, #tpu.memory_space<vmem>>
        %parallel_loop3A_333 = tpu.memref_squeeze %parallel_loop3A_332 : memref<1x128x128xf32, #tpu.memory_space<vmem>> -> memref<128x128xf32, #tpu.memory_space<vmem>>
        %parallel_loop3A_334 = arith.index_cast %parallel_loop3A_214 : i32 to index
        %parallel_loop3A_335 = arith.constant 112 : index
        %parallel_loop3A_336 = tpu.vector_load %parallel_loop3A_333[%parallel_loop3A_334, %parallel_loop3A_335] {strides = array<i32>} : memref<128x128xf32, #tpu.memory_space<vmem>>, vector<16xf32>,
        tpu.vector_store %parallel_loop3A_333[%parallel_loop3A_334, %parallel_loop3A_335], %parallel_loop3A_329 {strides = array<i32>} : memref<128x128xf32, #tpu.memory_space<vmem>>, vector<16xf32>,
      } {sc.loop_unroll_factor = 4 : i64, sc.parallel_access}
      %dma_start3A_141 = arith.constant 0 : i32
      %dma_start3A_142 = arith.constant 0 : i32
      %dma_start3A_143 = arith.constant 0 : i32
      %dma_start3A_144 = tpu.memref_slice %arg7[%scan3A_71, %dma_start3A_142, %dma_start3A_143] : memref<2x128x128xf32, #tpu.memory_space<vmem>> -> memref<1x128x128xf32, #tpu.memory_space<vmem>>
      %dma_start3A_145 = tpu.memref_squeeze %dma_start3A_144 : memref<1x128x128xf32, #tpu.memory_space<vmem>> -> memref<128x128xf32, #tpu.memory_space<vmem>>
      %dma_start3A_146 = arith.constant 0 : i32
      %dma_start3A_147 = tpu.memref_slice %arg11[%dma_start3A_141, %dma_start3A_146] : memref<1x128xi32, #tpu.memory_space<vmem>> -> memref<1x128xi32, #tpu.memory_space<vmem>>
      %dma_start3A_148 = tpu.memref_squeeze %dma_start3A_147 : memref<1x128xi32, #tpu.memory_space<vmem>> -> memref<128xi32, #tpu.memory_space<vmem>>
      %dma_start3A_149 = arith.constant 0 : i32
      %dma_start3A_150 = arith.constant 0 : i32
      %dma_start3A_151 = tpu.memref_slice %arg13[%dma_start3A_149, %dma_start3A_150] : memref<10112x128xf32, #tpu.memory_space<vmem_shared>> -> memref<10112x128xf32, #tpu.memory_space<vmem_shared>>
      tpu.enqueue_indirect_dma source(%dma_start3A_145 : memref<128x128xf32, #tpu.memory_space<vmem>>) target(%dma_start3A_151 : memref<10112x128xf32, #tpu.memory_space<vmem_shared>>) offsets(%dma_start3A_148 : memref<128xi32, #tpu.memory_space<vmem>>) semaphore(%arg16 : memref<!tpu.dma_semaphore, #tpu.memory_space<semaphore_mem>>) {add = true}
      %mul3A_152 = arith.constant 2 : i32
      %mul3A_153 = arith.muli %mul3A_152, %scan3A_96 : i32
      %add3A_154 = arith.constant 1 : i32
      %add3A_155 = arith.addi %mul3A_153, %add3A_154 : i32
      %dma_wait3A_156 = arith.constant 0 : i32
      %dma_wait3A_157 = arith.constant 0 : i32
      %dma_wait3A_158 = tpu.memref_slice %arg7[%scan3A_72, %dma_wait3A_156, %dma_wait3A_157] : memref<2x128x128xf32, #tpu.memory_space<vmem>> -> memref<1x128x128xf32, #tpu.memory_space<vmem>>
      %dma_wait3A_159 = tpu.memref_squeeze %dma_wait3A_158 : memref<1x128x128xf32, #tpu.memory_space<vmem>> -> memref<128x128xf32, #tpu.memory_space<vmem>>
      %dma_wait3A_160 = arith.constant 0 : i32
      %dma_wait3A_161 = tpu.memref_slice %arg8[%add3A_155, %dma_wait3A_160] : memref<80x128xi32, #tpu.memory_space<vmem>> -> memref<1x128xi32, #tpu.memory_space<vmem>>
      %dma_wait3A_162 = tpu.memref_squeeze %dma_wait3A_161 : memref<1x128xi32, #tpu.memory_space<vmem>> -> memref<128xi32, #tpu.memory_space<vmem>>
      %dma_wait3A_163 = arith.constant 0 : i32
      %dma_wait3A_164 = arith.constant 0 : i32
      %dma_wait3A_165 = tpu.memref_slice %arg2[%dma_wait3A_163, %dma_wait3A_164] : memref<10000x128xf32, #tpu.memory_space<hbm>> -> memref<10000x128xf32, #tpu.memory_space<hbm>>
      tpu.wait_indirect_dma semaphore(%arg15 : memref<!tpu.dma_semaphore, #tpu.memory_space<semaphore_mem>>) src(%dma_wait3A_165 : memref<10000x128xf32, #tpu.memory_space<hbm>>) dst(%dma_wait3A_159 : memref<128x128xf32, #tpu.memory_space<vmem>>)
      %dma_wait3A_166 = arith.constant 0 : i32
      %dma_wait3A_167 = arith.constant 0 : i32
      %dma_wait3A_168 = tpu.memref_slice %arg5[%dma_wait3A_166, %dma_wait3A_167] : memref<2560x128xf32, #tpu.memory_space<hbm>> -> memref<1x128xf32, #tpu.memory_space<hbm>>
      %dma_wait3A_169 = tpu.memref_squeeze %dma_wait3A_168 : memref<1x128xf32, #tpu.memory_space<hbm>> -> memref<128xf32, #tpu.memory_space<hbm>>
      %dma_wait3A_170 = arith.constant 0 : i32
      %dma_wait3A_171 = tpu.memref_slice %arg5[%dma_wait3A_166, %dma_wait3A_170] : memref<2560x128xf32, #tpu.memory_space<hbm>> -> memref<1x128xf32, #tpu.memory_space<hbm>>
      %dma_wait3A_172 = tpu.memref_squeeze %dma_wait3A_171 : memref<1x128xf32, #tpu.memory_space<hbm>> -> memref<128xf32, #tpu.memory_space<hbm>>
      tpu.wait_dma2 semaphore(%arg15 : memref<!tpu.dma_semaphore, #tpu.memory_space<semaphore_mem>>) src(%dma_wait3A_172 : memref<128xf32, #tpu.memory_space<hbm>>) dst(%arg10 : memref<128xf32, #tpu.memory_space<vmem>>)
      %dma_wait3A_173 = arith.constant 0 : i32
      %dma_wait3A_174 = arith.constant 0 : i32
      %dma_wait3A_175 = arith.constant 0 : i32
      %dma_wait3A_176 = tpu.memref_slice %arg12[%dma_wait3A_174, %dma_wait3A_175] : memref<1x128xi32, #tpu.memory_space<vmem>> -> memref<1x128xi32, #tpu.memory_space<vmem>>
      %dma_wait3A_177 = tpu.memref_squeeze %dma_wait3A_176 : memref<1x128xi32, #tpu.memory_space<vmem>> -> memref<128xi32, #tpu.memory_space<vmem>>
      %dma_wait3A_178 = arith.constant 0 : i32
      %dma_wait3A_179 = tpu.memref_slice %arg4[%dma_wait3A_173, %dma_wait3A_178] : memref<2560x128xi32, #tpu.memory_space<hbm>> -> memref<1x128xi32, #tpu.memory_space<hbm>>
      %dma_wait3A_180 = tpu.memref_squeeze %dma_wait3A_179 : memref<1x128xi32, #tpu.memory_space<hbm>> -> memref<128xi32, #tpu.memory_space<hbm>>
      %dma_wait3A_181 = arith.constant 0 : i32
      %dma_wait3A_182 = tpu.memref_slice %arg12[%dma_wait3A_174, %dma_wait3A_181] : memref<1x128xi32, #tpu.memory_space<vmem>> -> memref<1x128xi32, #tpu.memory_space<vmem>>
      %dma_wait3A_183 = tpu.memref_squeeze %dma_wait3A_182 : memref<1x128xi32, #tpu.memory_space<vmem>> -> memref<128xi32, #tpu.memory_space<vmem>>
      %dma_wait3A_184 = arith.constant 0 : i32
      %dma_wait3A_185 = tpu.memref_slice %arg4[%dma_wait3A_173, %dma_wait3A_184] : memref<2560x128xi32, #tpu.memory_space<hbm>> -> memref<1x128xi32, #tpu.memory_space<hbm>>
      %dma_wait3A_186 = tpu.memref_squeeze %dma_wait3A_185 : memref<1x128xi32, #tpu.memory_space<hbm>> -> memref<128xi32, #tpu.memory_space<hbm>>
      tpu.wait_dma2 semaphore(%arg15 : memref<!tpu.dma_semaphore, #tpu.memory_space<semaphore_mem>>) src(%dma_wait3A_186 : memref<128xi32, #tpu.memory_space<hbm>>) dst(%dma_wait3A_183 : memref<128xi32, #tpu.memory_space<vmem>>)
      %ge3A_187 = arith.constant 1 : i32
      %ge3A_188 = arith.cmpi sge, %add3A_155, %ge3A_187 : i32
      %convert_element_type3A_189 = arith.extui %ge3A_188 : i1 to i32
      %cond3A_190 = arith.constant 0 : i32
      %cond3A_191 = arith.cmpi ne, %convert_element_type3A_189, %cond3A_190 : i32
      scf.if %cond3A_191 {
        %dma_wait3A_214 = arith.constant 0 : i32
        %dma_wait3A_215 = arith.constant 0 : i32
        %dma_wait3A_216 = arith.constant 0 : i32
        %dma_wait3A_217 = tpu.memref_slice %arg7[%scan3A_71, %dma_wait3A_215, %dma_wait3A_216] : memref<2x128x128xf32, #tpu.memory_space<vmem>> -> memref<1x128x128xf32, #tpu.memory_space<vmem>>
        %dma_wait3A_218 = tpu.memref_squeeze %dma_wait3A_217 : memref<1x128x128xf32, #tpu.memory_space<vmem>> -> memref<128x128xf32, #tpu.memory_space<vmem>>
        %dma_wait3A_219 = arith.constant 0 : i32
        %dma_wait3A_220 = tpu.memref_slice %arg11[%dma_wait3A_214, %dma_wait3A_219] : memref<1x128xi32, #tpu.memory_space<vmem>> -> memref<1x128xi32, #tpu.memory_space<vmem>>
        %dma_wait3A_221 = tpu.memref_squeeze %dma_wait3A_220 : memref<1x128xi32, #tpu.memory_space<vmem>> -> memref<128xi32, #tpu.memory_space<vmem>>
        %dma_wait3A_222 = arith.constant 0 : i32
        %dma_wait3A_223 = arith.constant 0 : i32
        %dma_wait3A_224 = tpu.memref_slice %arg13[%dma_wait3A_222, %dma_wait3A_223] : memref<10112x128xf32, #tpu.memory_space<vmem_shared>> -> memref<10112x128xf32, #tpu.memory_space<vmem_shared>>
        tpu.wait_indirect_dma semaphore(%arg16 : memref<!tpu.dma_semaphore, #tpu.memory_space<semaphore_mem>>) src(%dma_wait3A_218 : memref<128x128xf32, #tpu.memory_space<vmem>>) dst(%dma_wait3A_224 : memref<10112x128xf32, #tpu.memory_space<vmem_shared>>)
      } else {
      }
      %add3A_192 = arith.constant 1 : i32
      %add3A_193 = arith.addi %add3A_155, %add3A_192 : i32
      %lt3A_194 = arith.constant 80 : i32
      %lt3A_195 = arith.cmpi slt, %add3A_193, %lt3A_194 : i32
      %convert_element_type3A_196 = arith.extui %lt3A_195 : i1 to i32
      %cond3A_197 = arith.constant 0 : i32
      %cond3A_198 = arith.cmpi ne, %convert_element_type3A_196, %cond3A_197 : i32
      scf.if %cond3A_198 {
        %add3A_214 = arith.constant 1 : i32
        %add3A_215 = arith.addi %add3A_155, %add3A_214 : i32
        %dma_start3A_216 = arith.constant 0 : i32
        %dma_start3A_217 = arith.constant 0 : i32
        %dma_start3A_218 = tpu.memref_slice %arg7[%scan3A_71, %dma_start3A_216, %dma_start3A_217] : memref<2x128x128xf32, #tpu.memory_space<vmem>> -> memref<1x128x128xf32, #tpu.memory_space<vmem>>
        %dma_start3A_219 = tpu.memref_squeeze %dma_start3A_218 : memref<1x128x128xf32, #tpu.memory_space<vmem>> -> memref<128x128xf32, #tpu.memory_space<vmem>>
        %dma_start3A_220 = arith.constant 0 : i32
        %dma_start3A_221 = tpu.memref_slice %arg8[%add3A_215, %dma_start3A_220] : memref<80x128xi32, #tpu.memory_space<vmem>> -> memref<1x128xi32, #tpu.memory_space<vmem>>
        %dma_start3A_222 = tpu.memref_squeeze %dma_start3A_221 : memref<1x128xi32, #tpu.memory_space<vmem>> -> memref<128xi32, #tpu.memory_space<vmem>>
        %dma_start3A_223 = arith.constant 0 : i32
        %dma_start3A_224 = arith.constant 0 : i32
        %dma_start3A_225 = tpu.memref_slice %arg2[%dma_start3A_223, %dma_start3A_224] : memref<10000x128xf32, #tpu.memory_space<hbm>> -> memref<10000x128xf32, #tpu.memory_space<hbm>>
        tpu.enqueue_indirect_dma source(%dma_start3A_225 : memref<10000x128xf32, #tpu.memory_space<hbm>>) target(%dma_start3A_219 : memref<128x128xf32, #tpu.memory_space<vmem>>) offsets(%dma_start3A_222 : memref<128xi32, #tpu.memory_space<vmem>>) semaphore(%arg14 : memref<!tpu.dma_semaphore, #tpu.memory_space<semaphore_mem>>)
        %mul3A_226 = arith.constant 80 : i32
        %mul3A_227 = arith.muli %add3A, %mul3A_226 : i32
        %add3A_228 = arith.addi %mul3A_227, %add3A_215 : i32
        %dma_start3A_229 = arith.constant 0 : i32
        %dma_start3A_230 = tpu.memref_slice %arg5[%add3A_228, %dma_start3A_229] : memref<2560x128xf32, #tpu.memory_space<hbm>> -> memref<1x128xf32, #tpu.memory_space<hbm>>
        %dma_start3A_231 = tpu.memref_squeeze %dma_start3A_230 : memref<1x128xf32, #tpu.memory_space<hbm>> -> memref<128xf32, #tpu.memory_space<hbm>>
        %dma_start3A_232 = arith.constant 0 : i32
        %dma_start3A_233 = tpu.memref_slice %arg5[%add3A_228, %dma_start3A_232] : memref<2560x128xf32, #tpu.memory_space<hbm>> -> memref<1x128xf32, #tpu.memory_space<hbm>>
        %dma_start3A_234 = tpu.memref_squeeze %dma_start3A_233 : memref<1x128xf32, #tpu.memory_space<hbm>> -> memref<128xf32, #tpu.memory_space<hbm>>
        tpu.enqueue_dma source(%dma_start3A_234 : memref<128xf32, #tpu.memory_space<hbm>>) target(%arg9 : memref<128xf32, #tpu.memory_space<vmem>>) target_semaphore(%arg14 : memref<!tpu.dma_semaphore, #tpu.memory_space<semaphore_mem>>)
        %mul3A_235 = arith.constant 80 : i32
        %mul3A_236 = arith.muli %add3A, %mul3A_235 : i32
        %add3A_237 = arith.addi %mul3A_236, %add3A_215 : i32
        %dma_start3A_238 = arith.constant 0 : i32
        %dma_start3A_239 = arith.constant 0 : i32
        %dma_start3A_240 = tpu.memref_slice %arg11[%dma_start3A_238, %dma_start3A_239] : memref<1x128xi32, #tpu.memory_space<vmem>> -> memref<1x128xi32, #tpu.memory_space<vmem>>
        %dma_start3A_241 = tpu.memref_squeeze %dma_start3A_240 : memref<1x128xi32, #tpu.memory_space<vmem>> -> memref<128xi32, #tpu.memory_space<vmem>>
        %dma_start3A_242 = arith.constant 0 : i32
        %dma_start3A_243 = tpu.memref_slice %arg4[%add3A_237, %dma_start3A_242] : memref<2560x128xi32, #tpu.memory_space<hbm>> -> memref<1x128xi32, #tpu.memory_space<hbm>>
        %dma_start3A_244 = tpu.memref_squeeze %dma_start3A_243 : memref<1x128xi32, #tpu.memory_space<hbm>> -> memref<128xi32, #tpu.memory_space<hbm>>
        %dma_start3A_245 = arith.constant 0 : i32
        %dma_start3A_246 = tpu.memref_slice %arg11[%dma_start3A_238, %dma_start3A_245] : memref<1x128xi32, #tpu.memory_space<vmem>> -> memref<1x128xi32, #tpu.memory_space<vmem>>
        %dma_start3A_247 = tpu.memref_squeeze %dma_start3A_246 : memref<1x128xi32, #tpu.memory_space<vmem>> -> memref<128xi32, #tpu.memory_space<vmem>>
        %dma_start3A_248 = arith.constant 0 : i32
        %dma_start3A_249 = tpu.memref_slice %arg4[%add3A_237, %dma_start3A_248] : memref<2560x128xi32, #tpu.memory_space<hbm>> -> memref<1x128xi32, #tpu.memory_space<hbm>>
        %dma_start3A_250 = tpu.memref_squeeze %dma_start3A_249 : memref<1x128xi32, #tpu.memory_space<hbm>> -> memref<128xi32, #tpu.memory_space<hbm>>
        tpu.enqueue_dma source(%dma_start3A_250 : memref<128xi32, #tpu.memory_space<hbm>>) target(%dma_start3A_247 : memref<128xi32, #tpu.memory_space<vmem>>) target_semaphore(%arg14 : memref<!tpu.dma_semaphore, #tpu.memory_space<semaphore_mem>>)
      } else {
      }
      %parallel_loop3A_199 = arith.constant 0 : i32
      %parallel_loop3A_200 = arith.constant 128 : i32
      %parallel_loop3A_201 = arith.constant 1 : i32
      scf.for %parallel_loop3A_214 = %parallel_loop3A_199 to %parallel_loop3A_200 step %parallel_loop3A_201  : i32 {
        %parallel_loop3A_215 = vector.broadcast %parallel_loop3A_214 : i32 to vector<16xi32>
        %parallel_loop3A_216 = tpu.vector_load_idx %arg10[%parallel_loop3A_215] : memref<128xf32, #tpu.memory_space<vmem>>[vector<16xi32>], vector<16xf32>,
        %parallel_loop3A_217 = arith.constant 0 : i32
        %parallel_loop3A_218 = arith.constant 0 : i32
        %parallel_loop3A_219 = tpu.memref_slice %arg7[%scan3A_72, %parallel_loop3A_217, %parallel_loop3A_218] : memref<2x128x128xf32, #tpu.memory_space<vmem>> -> memref<1x128x128xf32, #tpu.memory_space<vmem>>
        %parallel_loop3A_220 = tpu.memref_squeeze %parallel_loop3A_219 : memref<1x128x128xf32, #tpu.memory_space<vmem>> -> memref<128x128xf32, #tpu.memory_space<vmem>>
        %parallel_loop3A_221 = arith.index_cast %parallel_loop3A_214 : i32 to index
        %parallel_loop3A_222 = arith.constant 0 : index
        %parallel_loop3A_223 = tpu.vector_load %parallel_loop3A_220[%parallel_loop3A_221, %parallel_loop3A_222] {strides = array<i32>} : memref<128x128xf32, #tpu.memory_space<vmem>>, vector<16xf32>,
        %parallel_loop3A_224 = arith.mulf %parallel_loop3A_223, %parallel_loop3A_216 : vector<16xf32>
        %parallel_loop3A_225 = arith.constant 0 : i32
        %parallel_loop3A_226 = arith.constant 0 : i32
        %parallel_loop3A_227 = tpu.memref_slice %arg7[%scan3A_72, %parallel_loop3A_225, %parallel_loop3A_226] : memref<2x128x128xf32, #tpu.memory_space<vmem>> -> memref<1x128x128xf32, #tpu.memory_space<vmem>>
        %parallel_loop3A_228 = tpu.memref_squeeze %parallel_loop3A_227 : memref<1x128x128xf32, #tpu.memory_space<vmem>> -> memref<128x128xf32, #tpu.memory_space<vmem>>
        %parallel_loop3A_229 = arith.index_cast %parallel_loop3A_214 : i32 to index
        %parallel_loop3A_230 = arith.constant 0 : index
        %parallel_loop3A_231 = tpu.vector_load %parallel_loop3A_228[%parallel_loop3A_229, %parallel_loop3A_230] {strides = array<i32>} : memref<128x128xf32, #tpu.memory_space<vmem>>, vector<16xf32>,
        tpu.vector_store %parallel_loop3A_228[%parallel_loop3A_229, %parallel_loop3A_230], %parallel_loop3A_224 {strides = array<i32>} : memref<128x128xf32, #tpu.memory_space<vmem>>, vector<16xf32>,
        %parallel_loop3A_232 = arith.constant 0 : i32
        %parallel_loop3A_233 = arith.constant 0 : i32
        %parallel_loop3A_234 = tpu.memref_slice %arg7[%scan3A_72, %parallel_loop3A_232, %parallel_loop3A_233] : memref<2x128x128xf32, #tpu.memory_space<vmem>> -> memref<1x128x128xf32, #tpu.memory_space<vmem>>
        %parallel_loop3A_235 = tpu.memref_squeeze %parallel_loop3A_234 : memref<1x128x128xf32, #tpu.memory_space<vmem>> -> memref<128x128xf32, #tpu.memory_space<vmem>>
        %parallel_loop3A_236 = arith.index_cast %parallel_loop3A_214 : i32 to index
        %parallel_loop3A_237 = arith.constant 16 : index
        %parallel_loop3A_238 = tpu.vector_load %parallel_loop3A_235[%parallel_loop3A_236, %parallel_loop3A_237] {strides = array<i32>} : memref<128x128xf32, #tpu.memory_space<vmem>>, vector<16xf32>,
        %parallel_loop3A_239 = arith.mulf %parallel_loop3A_238, %parallel_loop3A_216 : vector<16xf32>
        %parallel_loop3A_240 = arith.constant 0 : i32
        %parallel_loop3A_241 = arith.constant 0 : i32
        %parallel_loop3A_242 = tpu.memref_slice %arg7[%scan3A_72, %parallel_loop3A_240, %parallel_loop3A_241] : memref<2x128x128xf32, #tpu.memory_space<vmem>> -> memref<1x128x128xf32, #tpu.memory_space<vmem>>
        %parallel_loop3A_243 = tpu.memref_squeeze %parallel_loop3A_242 : memref<1x128x128xf32, #tpu.memory_space<vmem>> -> memref<128x128xf32, #tpu.memory_space<vmem>>
        %parallel_loop3A_244 = arith.index_cast %parallel_loop3A_214 : i32 to index
        %parallel_loop3A_245 = arith.constant 16 : index
        %parallel_loop3A_246 = tpu.vector_load %parallel_loop3A_243[%parallel_loop3A_244, %parallel_loop3A_245] {strides = array<i32>} : memref<128x128xf32, #tpu.memory_space<vmem>>, vector<16xf32>,
        tpu.vector_store %parallel_loop3A_243[%parallel_loop3A_244, %parallel_loop3A_245], %parallel_loop3A_239 {strides = array<i32>} : memref<128x128xf32, #tpu.memory_space<vmem>>, vector<16xf32>,
        %parallel_loop3A_247 = arith.constant 0 : i32
        %parallel_loop3A_248 = arith.constant 0 : i32
        %parallel_loop3A_249 = tpu.memref_slice %arg7[%scan3A_72, %parallel_loop3A_247, %parallel_loop3A_248] : memref<2x128x128xf32, #tpu.memory_space<vmem>> -> memref<1x128x128xf32, #tpu.memory_space<vmem>>
        %parallel_loop3A_250 = tpu.memref_squeeze %parallel_loop3A_249 : memref<1x128x128xf32, #tpu.memory_space<vmem>> -> memref<128x128xf32, #tpu.memory_space<vmem>>
        %parallel_loop3A_251 = arith.index_cast %parallel_loop3A_214 : i32 to index
        %parallel_loop3A_252 = arith.constant 32 : index
        %parallel_loop3A_253 = tpu.vector_load %parallel_loop3A_250[%parallel_loop3A_251, %parallel_loop3A_252] {strides = array<i32>} : memref<128x128xf32, #tpu.memory_space<vmem>>, vector<16xf32>,
        %parallel_loop3A_254 = arith.mulf %parallel_loop3A_253, %parallel_loop3A_216 : vector<16xf32>
        %parallel_loop3A_255 = arith.constant 0 : i32
        %parallel_loop3A_256 = arith.constant 0 : i32
        %parallel_loop3A_257 = tpu.memref_slice %arg7[%scan3A_72, %parallel_loop3A_255, %parallel_loop3A_256] : memref<2x128x128xf32, #tpu.memory_space<vmem>> -> memref<1x128x128xf32, #tpu.memory_space<vmem>>
        %parallel_loop3A_258 = tpu.memref_squeeze %parallel_loop3A_257 : memref<1x128x128xf32, #tpu.memory_space<vmem>> -> memref<128x128xf32, #tpu.memory_space<vmem>>
        %parallel_loop3A_259 = arith.index_cast %parallel_loop3A_214 : i32 to index
        %parallel_loop3A_260 = arith.constant 32 : index
        %parallel_loop3A_261 = tpu.vector_load %parallel_loop3A_258[%parallel_loop3A_259, %parallel_loop3A_260] {strides = array<i32>} : memref<128x128xf32, #tpu.memory_space<vmem>>, vector<16xf32>,
        tpu.vector_store %parallel_loop3A_258[%parallel_loop3A_259, %parallel_loop3A_260], %parallel_loop3A_254 {strides = array<i32>} : memref<128x128xf32, #tpu.memory_space<vmem>>, vector<16xf32>,
        %parallel_loop3A_262 = arith.constant 0 : i32
        %parallel_loop3A_263 = arith.constant 0 : i32
        %parallel_loop3A_264 = tpu.memref_slice %arg7[%scan3A_72, %parallel_loop3A_262, %parallel_loop3A_263] : memref<2x128x128xf32, #tpu.memory_space<vmem>> -> memref<1x128x128xf32, #tpu.memory_space<vmem>>
        %parallel_loop3A_265 = tpu.memref_squeeze %parallel_loop3A_264 : memref<1x128x128xf32, #tpu.memory_space<vmem>> -> memref<128x128xf32, #tpu.memory_space<vmem>>
        %parallel_loop3A_266 = arith.index_cast %parallel_loop3A_214 : i32 to index
        %parallel_loop3A_267 = arith.constant 48 : index
        %parallel_loop3A_268 = tpu.vector_load %parallel_loop3A_265[%parallel_loop3A_266, %parallel_loop3A_267] {strides = array<i32>} : memref<128x128xf32, #tpu.memory_space<vmem>>, vector<16xf32>,
        %parallel_loop3A_269 = arith.mulf %parallel_loop3A_268, %parallel_loop3A_216 : vector<16xf32>
        %parallel_loop3A_270 = arith.constant 0 : i32
        %parallel_loop3A_271 = arith.constant 0 : i32
        %parallel_loop3A_272 = tpu.memref_slice %arg7[%scan3A_72, %parallel_loop3A_270, %parallel_loop3A_271] : memref<2x128x128xf32, #tpu.memory_space<vmem>> -> memref<1x128x128xf32, #tpu.memory_space<vmem>>
        %parallel_loop3A_273 = tpu.memref_squeeze %parallel_loop3A_272 : memref<1x128x128xf32, #tpu.memory_space<vmem>> -> memref<128x128xf32, #tpu.memory_space<vmem>>
        %parallel_loop3A_274 = arith.index_cast %parallel_loop3A_214 : i32 to index
        %parallel_loop3A_275 = arith.constant 48 : index
        %parallel_loop3A_276 = tpu.vector_load %parallel_loop3A_273[%parallel_loop3A_274, %parallel_loop3A_275] {strides = array<i32>} : memref<128x128xf32, #tpu.memory_space<vmem>>, vector<16xf32>,
        tpu.vector_store %parallel_loop3A_273[%parallel_loop3A_274, %parallel_loop3A_275], %parallel_loop3A_269 {strides = array<i32>} : memref<128x128xf32, #tpu.memory_space<vmem>>, vector<16xf32>,
        %parallel_loop3A_277 = arith.constant 0 : i32
        %parallel_loop3A_278 = arith.constant 0 : i32
        %parallel_loop3A_279 = tpu.memref_slice %arg7[%scan3A_72, %parallel_loop3A_277, %parallel_loop3A_278] : memref<2x128x128xf32, #tpu.memory_space<vmem>> -> memref<1x128x128xf32, #tpu.memory_space<vmem>>
        %parallel_loop3A_280 = tpu.memref_squeeze %parallel_loop3A_279 : memref<1x128x128xf32, #tpu.memory_space<vmem>> -> memref<128x128xf32, #tpu.memory_space<vmem>>
        %parallel_loop3A_281 = arith.index_cast %parallel_loop3A_214 : i32 to index
        %parallel_loop3A_282 = arith.constant 64 : index
        %parallel_loop3A_283 = tpu.vector_load %parallel_loop3A_280[%parallel_loop3A_281, %parallel_loop3A_282] {strides = array<i32>} : memref<128x128xf32, #tpu.memory_space<vmem>>, vector<16xf32>,
        %parallel_loop3A_284 = arith.mulf %parallel_loop3A_283, %parallel_loop3A_216 : vector<16xf32>
        %parallel_loop3A_285 = arith.constant 0 : i32
        %parallel_loop3A_286 = arith.constant 0 : i32
        %parallel_loop3A_287 = tpu.memref_slice %arg7[%scan3A_72, %parallel_loop3A_285, %parallel_loop3A_286] : memref<2x128x128xf32, #tpu.memory_space<vmem>> -> memref<1x128x128xf32, #tpu.memory_space<vmem>>
        %parallel_loop3A_288 = tpu.memref_squeeze %parallel_loop3A_287 : memref<1x128x128xf32, #tpu.memory_space<vmem>> -> memref<128x128xf32, #tpu.memory_space<vmem>>
        %parallel_loop3A_289 = arith.index_cast %parallel_loop3A_214 : i32 to index
        %parallel_loop3A_290 = arith.constant 64 : index
        %parallel_loop3A_291 = tpu.vector_load %parallel_loop3A_288[%parallel_loop3A_289, %parallel_loop3A_290] {strides = array<i32>} : memref<128x128xf32, #tpu.memory_space<vmem>>, vector<16xf32>,
        tpu.vector_store %parallel_loop3A_288[%parallel_loop3A_289, %parallel_loop3A_290], %parallel_loop3A_284 {strides = array<i32>} : memref<128x128xf32, #tpu.memory_space<vmem>>, vector<16xf32>,
        %parallel_loop3A_292 = arith.constant 0 : i32
        %parallel_loop3A_293 = arith.constant 0 : i32
        %parallel_loop3A_294 = tpu.memref_slice %arg7[%scan3A_72, %parallel_loop3A_292, %parallel_loop3A_293] : memref<2x128x128xf32, #tpu.memory_space<vmem>> -> memref<1x128x128xf32, #tpu.memory_space<vmem>>
        %parallel_loop3A_295 = tpu.memref_squeeze %parallel_loop3A_294 : memref<1x128x128xf32, #tpu.memory_space<vmem>> -> memref<128x128xf32, #tpu.memory_space<vmem>>
        %parallel_loop3A_296 = arith.index_cast %parallel_loop3A_214 : i32 to index
        %parallel_loop3A_297 = arith.constant 80 : index
        %parallel_loop3A_298 = tpu.vector_load %parallel_loop3A_295[%parallel_loop3A_296, %parallel_loop3A_297] {strides = array<i32>} : memref<128x128xf32, #tpu.memory_space<vmem>>, vector<16xf32>,
        %parallel_loop3A_299 = arith.mulf %parallel_loop3A_298, %parallel_loop3A_216 : vector<16xf32>
        %parallel_loop3A_300 = arith.constant 0 : i32
        %parallel_loop3A_301 = arith.constant 0 : i32
        %parallel_loop3A_302 = tpu.memref_slice %arg7[%scan3A_72, %parallel_loop3A_300, %parallel_loop3A_301] : memref<2x128x128xf32, #tpu.memory_space<vmem>> -> memref<1x128x128xf32, #tpu.memory_space<vmem>>
        %parallel_loop3A_303 = tpu.memref_squeeze %parallel_loop3A_302 : memref<1x128x128xf32, #tpu.memory_space<vmem>> -> memref<128x128xf32, #tpu.memory_space<vmem>>
        %parallel_loop3A_304 = arith.index_cast %parallel_loop3A_214 : i32 to index
        %parallel_loop3A_305 = arith.constant 80 : index
        %parallel_loop3A_306 = tpu.vector_load %parallel_loop3A_303[%parallel_loop3A_304, %parallel_loop3A_305] {strides = array<i32>} : memref<128x128xf32, #tpu.memory_space<vmem>>, vector<16xf32>,
        tpu.vector_store %parallel_loop3A_303[%parallel_loop3A_304, %parallel_loop3A_305], %parallel_loop3A_299 {strides = array<i32>} : memref<128x128xf32, #tpu.memory_space<vmem>>, vector<16xf32>,
        %parallel_loop3A_307 = arith.constant 0 : i32
        %parallel_loop3A_308 = arith.constant 0 : i32
        %parallel_loop3A_309 = tpu.memref_slice %arg7[%scan3A_72, %parallel_loop3A_307, %parallel_loop3A_308] : memref<2x128x128xf32, #tpu.memory_space<vmem>> -> memref<1x128x128xf32, #tpu.memory_space<vmem>>
        %parallel_loop3A_310 = tpu.memref_squeeze %parallel_loop3A_309 : memref<1x128x128xf32, #tpu.memory_space<vmem>> -> memref<128x128xf32, #tpu.memory_space<vmem>>
        %parallel_loop3A_311 = arith.index_cast %parallel_loop3A_214 : i32 to index
        %parallel_loop3A_312 = arith.constant 96 : index
        %parallel_loop3A_313 = tpu.vector_load %parallel_loop3A_310[%parallel_loop3A_311, %parallel_loop3A_312] {strides = array<i32>} : memref<128x128xf32, #tpu.memory_space<vmem>>, vector<16xf32>,
        %parallel_loop3A_314 = arith.mulf %parallel_loop3A_313, %parallel_loop3A_216 : vector<16xf32>
        %parallel_loop3A_315 = arith.constant 0 : i32
        %parallel_loop3A_316 = arith.constant 0 : i32
        %parallel_loop3A_317 = tpu.memref_slice %arg7[%scan3A_72, %parallel_loop3A_315, %parallel_loop3A_316] : memref<2x128x128xf32, #tpu.memory_space<vmem>> -> memref<1x128x128xf32, #tpu.memory_space<vmem>>
        %parallel_loop3A_318 = tpu.memref_squeeze %parallel_loop3A_317 : memref<1x128x128xf32, #tpu.memory_space<vmem>> -> memref<128x128xf32, #tpu.memory_space<vmem>>
        %parallel_loop3A_319 = arith.index_cast %parallel_loop3A_214 : i32 to index
        %parallel_loop3A_320 = arith.constant 96 : index
        %parallel_loop3A_321 = tpu.vector_load %parallel_loop3A_318[%parallel_loop3A_319, %parallel_loop3A_320] {strides = array<i32>} : memref<128x128xf32, #tpu.memory_space<vmem>>, vector<16xf32>,
        tpu.vector_store %parallel_loop3A_318[%parallel_loop3A_319, %parallel_loop3A_320], %parallel_loop3A_314 {strides = array<i32>} : memref<128x128xf32, #tpu.memory_space<vmem>>, vector<16xf32>,
        %parallel_loop3A_322 = arith.constant 0 : i32
        %parallel_loop3A_323 = arith.constant 0 : i32
        %parallel_loop3A_324 = tpu.memref_slice %arg7[%scan3A_72, %parallel_loop3A_322, %parallel_loop3A_323] : memref<2x128x128xf32, #tpu.memory_space<vmem>> -> memref<1x128x128xf32, #tpu.memory_space<vmem>>
        %parallel_loop3A_325 = tpu.memref_squeeze %parallel_loop3A_324 : memref<1x128x128xf32, #tpu.memory_space<vmem>> -> memref<128x128xf32, #tpu.memory_space<vmem>>
        %parallel_loop3A_326 = arith.index_cast %parallel_loop3A_214 : i32 to index
        %parallel_loop3A_327 = arith.constant 112 : index
        %parallel_loop3A_328 = tpu.vector_load %parallel_loop3A_325[%parallel_loop3A_326, %parallel_loop3A_327] {strides = array<i32>} : memref<128x128xf32, #tpu.memory_space<vmem>>, vector<16xf32>,
        %parallel_loop3A_329 = arith.mulf %parallel_loop3A_328, %parallel_loop3A_216 : vector<16xf32>
        %parallel_loop3A_330 = arith.constant 0 : i32
        %parallel_loop3A_331 = arith.constant 0 : i32
        %parallel_loop3A_332 = tpu.memref_slice %arg7[%scan3A_72, %parallel_loop3A_330, %parallel_loop3A_331] : memref<2x128x128xf32, #tpu.memory_space<vmem>> -> memref<1x128x128xf32, #tpu.memory_space<vmem>>
        %parallel_loop3A_333 = tpu.memref_squeeze %parallel_loop3A_332 : memref<1x128x128xf32, #tpu.memory_space<vmem>> -> memref<128x128xf32, #tpu.memory_space<vmem>>
        %parallel_loop3A_334 = arith.index_cast %parallel_loop3A_214 : i32 to index
        %parallel_loop3A_335 = arith.constant 112 : index
        %parallel_loop3A_336 = tpu.vector_load %parallel_loop3A_333[%parallel_loop3A_334, %parallel_loop3A_335] {strides = array<i32>} : memref<128x128xf32, #tpu.memory_space<vmem>>, vector<16xf32>,
        tpu.vector_store %parallel_loop3A_333[%parallel_loop3A_334, %parallel_loop3A_335], %parallel_loop3A_329 {strides = array<i32>} : memref<128x128xf32, #tpu.memory_space<vmem>>, vector<16xf32>,
      } {sc.loop_unroll_factor = 4 : i64, sc.parallel_access}
      %dma_start3A_202 = arith.constant 0 : i32
      %dma_start3A_203 = arith.constant 0 : i32
      %dma_start3A_204 = arith.constant 0 : i32
      %dma_start3A_205 = tpu.memref_slice %arg7[%scan3A_72, %dma_start3A_203, %dma_start3A_204] : memref<2x128x128xf32, #tpu.memory_space<vmem>> -> memref<1x128x128xf32, #tpu.memory_space<vmem>>
      %dma_start3A_206 = tpu.memref_squeeze %dma_start3A_205 : memref<1x128x128xf32, #tpu.memory_space<vmem>> -> memref<128x128xf32, #tpu.memory_space<vmem>>
      %dma_start3A_207 = arith.constant 0 : i32
      %dma_start3A_208 = tpu.memref_slice %arg12[%dma_start3A_202, %dma_start3A_207] : memref<1x128xi32, #tpu.memory_space<vmem>> -> memref<1x128xi32, #tpu.memory_space<vmem>>
      %dma_start3A_209 = tpu.memref_squeeze %dma_start3A_208 : memref<1x128xi32, #tpu.memory_space<vmem>> -> memref<128xi32, #tpu.memory_space<vmem>>
      %dma_start3A_210 = arith.constant 0 : i32
      %dma_start3A_211 = arith.constant 0 : i32
      %dma_start3A_212 = tpu.memref_slice %arg13[%dma_start3A_210, %dma_start3A_211] : memref<10112x128xf32, #tpu.memory_space<vmem_shared>> -> memref<10112x128xf32, #tpu.memory_space<vmem_shared>>
      tpu.enqueue_indirect_dma source(%dma_start3A_206 : memref<128x128xf32, #tpu.memory_space<vmem>>) target(%dma_start3A_212 : memref<10112x128xf32, #tpu.memory_space<vmem_shared>>) offsets(%dma_start3A_209 : memref<128xi32, #tpu.memory_space<vmem>>) semaphore(%arg17 : memref<!tpu.dma_semaphore, #tpu.memory_space<semaphore_mem>>) {add = true}
      %scan3A_213 = arith.constant 0 : i32
      scf.yield %scan3A_213 : i32
    }
    %scan3A_79 = arith.constant 40 : i32
    %dma_wait3A = arith.constant 1 : i32
    %dma_wait3A_80 = arith.constant 0 : i32
    %dma_wait3A_81 = arith.constant 0 : i32
    %dma_wait3A_82 = arith.constant 0 : i32
    %dma_wait3A_83 = tpu.memref_slice %arg7[%dma_wait3A, %dma_wait3A_81, %dma_wait3A_82] : memref<2x128x128xf32, #tpu.memory_space<vmem>> -> memref<1x128x128xf32, #tpu.memory_space<vmem>>
    %dma_wait3A_84 = tpu.memref_squeeze %dma_wait3A_83 : memref<1x128x128xf32, #tpu.memory_space<vmem>> -> memref<128x128xf32, #tpu.memory_space<vmem>>
    %dma_wait3A_85 = arith.constant 0 : i32
    %dma_wait3A_86 = tpu.memref_slice %arg12[%dma_wait3A_80, %dma_wait3A_85] : memref<1x128xi32, #tpu.memory_space<vmem>> -> memref<1x128xi32, #tpu.memory_space<vmem>>
    %dma_wait3A_87 = tpu.memref_squeeze %dma_wait3A_86 : memref<1x128xi32, #tpu.memory_space<vmem>> -> memref<128xi32, #tpu.memory_space<vmem>>
    %dma_wait3A_88 = arith.constant 0 : i32
    %dma_wait3A_89 = arith.constant 0 : i32
    %dma_wait3A_90 = tpu.memref_slice %arg13[%dma_wait3A_88, %dma_wait3A_89] : memref<10112x128xf32, #tpu.memory_space<vmem_shared>> -> memref<10112x128xf32, #tpu.memory_space<vmem_shared>>
    tpu.wait_indirect_dma semaphore(%arg17 : memref<!tpu.dma_semaphore, #tpu.memory_space<semaphore_mem>>) src(%dma_wait3A_84 : memref<128x128xf32, #tpu.memory_space<vmem>>) dst(%dma_wait3A_90 : memref<10112x128xf32, #tpu.memory_space<vmem_shared>>)
    %barrier3A_91 = arith.constant 0 : index
    tpu.barrier barrier_id(%barrier3A_91)
    %mul3A_92 = arith.constant 632 : i32
    %mul3A_93 = arith.muli %arg1, %mul3A_92 : i32
    %mul3A_94 = arith.constant 632 : i32
    %mul3A_95 = arith.muli %arg1, %mul3A_94 : i32
    "tpu.region"() ({
      %run_scoped3A_96 = tpu.sem_alloc : memref<!tpu.dma_semaphore, #tpu.memory_space<semaphore_mem>>
      %dma_start3A_97 = arith.constant 0 : i32
      %dma_start3A_98 = tpu.memref_slice %arg6[%arg0, %mul3A_95, %dma_start3A_97] : memref<2x10112x128xf32, #tpu.memory_space<hbm>> -> memref<1x632x128xf32, #tpu.memory_space<hbm>>
      %dma_start3A_99 = tpu.memref_squeeze %dma_start3A_98 : memref<1x632x128xf32, #tpu.memory_space<hbm>> -> memref<632x128xf32, #tpu.memory_space<hbm>>
      %dma_start3A_100 = arith.constant 0 : i32
      %dma_start3A_101 = tpu.memref_slice %arg13[%mul3A_93, %dma_start3A_100] : memref<10112x128xf32, #tpu.memory_space<vmem_shared>> -> memref<632x128xf32, #tpu.memory_space<vmem_shared>>
      tpu.enqueue_dma source(%dma_start3A_101 : memref<632x128xf32, #tpu.memory_space<vmem_shared>>) target(%dma_start3A_99 : memref<632x128xf32, #tpu.memory_space<hbm>>) target_semaphore(%run_scoped3A_96 : memref<!tpu.dma_semaphore, #tpu.memory_space<semaphore_mem>>)
      %dma_wait3A_102 = arith.constant 0 : i32
      %dma_wait3A_103 = tpu.memref_slice %arg6[%arg0, %mul3A_95, %dma_wait3A_102] : memref<2x10112x128xf32, #tpu.memory_space<hbm>> -> memref<1x632x128xf32, #tpu.memory_space<hbm>>
      %dma_wait3A_104 = tpu.memref_squeeze %dma_wait3A_103 : memref<1x632x128xf32, #tpu.memory_space<hbm>> -> memref<632x128xf32, #tpu.memory_space<hbm>>
      %dma_wait3A_105 = arith.constant 0 : i32
      %dma_wait3A_106 = tpu.memref_slice %arg13[%mul3A_93, %dma_wait3A_105] : memref<10112x128xf32, #tpu.memory_space<vmem_shared>> -> memref<632x128xf32, #tpu.memory_space<vmem_shared>>
      tpu.wait_dma2 semaphore(%run_scoped3A_96 : memref<!tpu.dma_semaphore, #tpu.memory_space<semaphore_mem>>) src(%dma_wait3A_106 : memref<632x128xf32, #tpu.memory_space<vmem_shared>>) dst(%dma_wait3A_104 : memref<632x128xf32, #tpu.memory_space<hbm>>)
      tpu.yield
    }) : () -> ()
    return
  }
}

module attributes {stable_mosaic.version = 14 : i64} {
  func.func @_t_mid_body(%arg0: i32, %arg1: memref<2x2048x128xf32, #tpu.memory_space<vmem>>, %arg2: memref<2048x128xf32, #tpu.memory_space<vmem>>, %arg3: memref<32x2048xf32, #tpu.memory_space<vmem>>, %arg4: memref<1x128xf32, #tpu.memory_space<vmem>>, %arg5: memref<128x128xf32, #tpu.memory_space<vmem>>, %arg6: memref<2048x128xf32, #tpu.memory_space<vmem>>) attributes {dimension_semantics = [#tpu.dimension_semantics<arbitrary>], iteration_bounds = array<i64: 5>, scalar_prefetch = 0 : i64, scratch_operands = 0 : i64, tpu.core_type = #tpu.core_type<tc>, window_params = [{transform_indices = @transform_0, window_bounds = array<i64: 2, 2048, 128>}, {transform_indices = @transform_1, window_bounds = array<i64: 2048, 128>}, {transform_indices = @transform_2, window_bounds = array<i64: 32, 2048>}, {pipeline_mode = #tpu.pipeline_mode<synchronous>, transform_indices = @transform_3, window_bounds = array<i64: 1, 128>}, {pipeline_mode = #tpu.pipeline_mode<synchronous>, transform_indices = @transform_4, window_bounds = array<i64: 128, 128>}, {transform_indices = @transform_5, window_bounds = array<i64: 2048, 128>}]} {
    %get3A = arith.constant 0 : index
    %get3A_0 = arith.constant 0 : index
    %get3A_1 = vector.load %arg3[%get3A, %get3A_0] : memref<32x2048xf32, #tpu.memory_space<vmem>>, vector<32x2048xf32>
    %reduce_sum3A = arith.constant dense<0.000000e+00> : vector<2048xf32>
    %reduce_sum3A_2 = vector.multi_reduction <add>, %get3A_1, %reduce_sum3A [0] : vector<32x2048xf32> to vector<2048xf32>
    %add3A = arith.constant 1.000000e+00 : f32
    %add3A_3 = vector.broadcast %add3A : f32 to vector<2048xf32>
    %add3A_4 = arith.addf %add3A_3, %reduce_sum3A_2 : vector<2048xf32>
    %rsqrt3A = math.rsqrt %add3A_4 : vector<2048xf32>
    %broadcast_in_dim3A = vector.shape_cast %rsqrt3A : vector<2048xf32> to vector<2048x1xf32>
    %get3A_5 = arith.constant 0 : index
    %get3A_6 = arith.constant 0 : index
    %get3A_7 = arith.constant 0 : index
    %get3A_8 = vector.load %arg1[%get3A_5, %get3A_6, %get3A_7] : memref<2x2048x128xf32, #tpu.memory_space<vmem>>, vector<1x2048x128xf32>
    %get3A_9 = vector.shape_cast %get3A_8 : vector<1x2048x128xf32> to vector<2048x128xf32>
    %get3A_10 = arith.constant 1 : index
    %get3A_11 = arith.constant 0 : index
    %get3A_12 = arith.constant 0 : index
    %get3A_13 = vector.load %arg1[%get3A_10, %get3A_11, %get3A_12] : memref<2x2048x128xf32, #tpu.memory_space<vmem>>, vector<1x2048x128xf32>
    %get3A_14 = vector.shape_cast %get3A_13 : vector<1x2048x128xf32> to vector<2048x128xf32>
    %add3A_15 = arith.addf %get3A_9, %get3A_14 : vector<2048x128xf32>
    %get3A_16 = arith.constant 0 : index
    %get3A_17 = arith.constant 0 : index
    %get3A_18 = vector.load %arg2[%get3A_16, %get3A_17] : memref<2048x128xf32, #tpu.memory_space<vmem>>, vector<2048x128xf32>
    %add3A_19 = arith.addf %add3A_15, %get3A_18 : vector<2048x128xf32>
    %mul3A = vector.broadcast %broadcast_in_dim3A : vector<2048x1xf32> to vector<2048x128xf32>
    %mul3A_20 = arith.mulf %mul3A, %add3A_19 : vector<2048x128xf32>
    %get3A_21 = arith.constant 0 : index
    %get3A_22 = arith.constant 0 : index
    %get3A_23 = vector.load %arg4[%get3A_21, %get3A_22] : memref<1x128xf32, #tpu.memory_space<vmem>>, vector<1x128xf32>
    %add3A_24 = vector.broadcast %get3A_23 : vector<1x128xf32> to vector<2048x128xf32>
    %add3A_25 = arith.addf %mul3A_20, %add3A_24 : vector<2048x128xf32>
    %max3A = arith.constant 0.000000e+00 : f32
    %max3A_26 = vector.broadcast %max3A : f32 to vector<2048x128xf32>
    %max3A_27 = arith.maximumf %add3A_25, %max3A_26 : vector<2048x128xf32>
    %get3A_28 = arith.constant 0 : index
    %get3A_29 = arith.constant 0 : index
    %get3A_30 = vector.load %arg5[%get3A_28, %get3A_29] : memref<128x128xf32, #tpu.memory_space<vmem>>, vector<128x128xf32>
    %dot_general3A = arith.constant dense<0.000000e+00> : vector<2048x128xf32>
    %dot_general3A_31 = tpu.matmul %max3A_27, %get3A_30, %dot_general3A {dimension_numbers = #tpu.dot_dimension_numbers<[1], [0], [0], [1], [0, 0, 1, 1], [], []>, transpose_lhs_hint = false} : vector<2048x128xf32>, vector<128x128xf32>, vector<2048x128xf32> -> vector<2048x128xf32>
    %mul3A_32 = vector.broadcast %broadcast_in_dim3A : vector<2048x1xf32> to vector<2048x128xf32>
    %mul3A_33 = arith.mulf %dot_general3A_31, %mul3A_32 : vector<2048x128xf32>
    %swap3A = arith.constant 0 : index
    %swap3A_34 = arith.constant 0 : index
    %swap3A_35 = vector.load %arg6[%swap3A, %swap3A_34] : memref<2048x128xf32, #tpu.memory_space<vmem>>, vector<2048x128xf32>
    tpu.vector_store %arg6[%swap3A, %swap3A_34], %mul3A_33 {strides = array<i32>} : memref<2048x128xf32, #tpu.memory_space<vmem>>, vector<2048x128xf32>,
    return
  }
  func.func @transform_0(%arg0: i32) -> (i32, i32, i32) {
    %c0_i32 = arith.constant 0 : i32
    %c0_i32_0 = arith.constant 0 : i32
    %c0_i32_1 = arith.constant 0 : i32
    return %c0_i32, %arg0, %c0_i32_0 : i32, i32, i32
  }
  func.func @transform_1(%arg0: i32) -> (i32, i32) {
    %c0_i32 = arith.constant 0 : i32
    %c0_i32_0 = arith.constant 0 : i32
    return %arg0, %c0_i32 : i32, i32
  }
  func.func @transform_2(%arg0: i32) -> (i32, i32) {
    %c0_i32 = arith.constant 0 : i32
    %c0_i32_0 = arith.constant 0 : i32
    return %c0_i32, %arg0 : i32, i32
  }
  func.func @transform_3(%arg0: i32) -> (i32, i32) {
    %c0_i32 = arith.constant 0 : i32
    %c0_i32_0 = arith.constant 0 : i32
    %c0_i32_1 = arith.constant 0 : i32
    return %c0_i32, %c0_i32_0 : i32, i32
  }
  func.func @transform_4(%arg0: i32) -> (i32, i32) {
    %c0_i32 = arith.constant 0 : i32
    %c0_i32_0 = arith.constant 0 : i32
    %c0_i32_1 = arith.constant 0 : i32
    return %c0_i32, %c0_i32_0 : i32, i32
  }
  func.func @transform_5(%arg0: i32) -> (i32, i32) {
    %c0_i32 = arith.constant 0 : i32
    %c0_i32_0 = arith.constant 0 : i32
    return %arg0, %c0_i32 : i32, i32
  }
}

module attributes {stable_mosaic.version = 14 : i64} {
  func.func @_t_first_body(%arg0: i32, %arg1: memref<2048x128xf32, #tpu.memory_space<vmem>>, %arg2: memref<128x128xf32, #tpu.memory_space<vmem>>, %arg3: memref<32x2048xf32, #tpu.memory_space<vmem>>, %arg4: memref<2048x128xf32, #tpu.memory_space<vmem>>) attributes {dimension_semantics = [#tpu.dimension_semantics<arbitrary>], iteration_bounds = array<i64: 5>, scalar_prefetch = 0 : i64, scratch_operands = 0 : i64, tpu.core_type = #tpu.core_type<tc>, window_params = [{transform_indices = @transform_0, window_bounds = array<i64: 2048, 128>}, {pipeline_mode = #tpu.pipeline_mode<synchronous>, transform_indices = @transform_1, window_bounds = array<i64: 128, 128>}, {transform_indices = @transform_2, window_bounds = array<i64: 32, 2048>}, {transform_indices = @transform_3, window_bounds = array<i64: 2048, 128>}]} {
    %get3A = arith.constant 0 : index
    %get3A_0 = arith.constant 0 : index
    %get3A_1 = vector.load %arg3[%get3A, %get3A_0] : memref<32x2048xf32, #tpu.memory_space<vmem>>, vector<32x2048xf32>
    %reduce_sum3A = arith.constant dense<0.000000e+00> : vector<2048xf32>
    %reduce_sum3A_2 = vector.multi_reduction <add>, %get3A_1, %reduce_sum3A [0] : vector<32x2048xf32> to vector<2048xf32>
    %add3A = arith.constant 1.000000e+00 : f32
    %add3A_3 = vector.broadcast %add3A : f32 to vector<2048xf32>
    %add3A_4 = arith.addf %add3A_3, %reduce_sum3A_2 : vector<2048xf32>
    %rsqrt3A = math.rsqrt %add3A_4 : vector<2048xf32>
    %broadcast_in_dim3A = vector.shape_cast %rsqrt3A : vector<2048xf32> to vector<2048x1xf32>
    %get3A_5 = arith.constant 0 : index
    %get3A_6 = arith.constant 0 : index
    %get3A_7 = vector.load %arg1[%get3A_5, %get3A_6] : memref<2048x128xf32, #tpu.memory_space<vmem>>, vector<2048x128xf32>
    %get3A_8 = arith.constant 0 : index
    %get3A_9 = arith.constant 0 : index
    %get3A_10 = vector.load %arg2[%get3A_8, %get3A_9] : memref<128x128xf32, #tpu.memory_space<vmem>>, vector<128x128xf32>
    %dot_general3A = arith.constant dense<0.000000e+00> : vector<2048x128xf32>
    %dot_general3A_11 = tpu.matmul %get3A_7, %get3A_10, %dot_general3A {dimension_numbers = #tpu.dot_dimension_numbers<[1], [0], [0], [1], [0, 0, 1, 1], [], []>, transpose_lhs_hint = false} : vector<2048x128xf32>, vector<128x128xf32>, vector<2048x128xf32> -> vector<2048x128xf32>
    %mul3A = vector.broadcast %broadcast_in_dim3A : vector<2048x1xf32> to vector<2048x128xf32>
    %mul3A_12 = arith.mulf %dot_general3A_11, %mul3A : vector<2048x128xf32>
    %swap3A = arith.constant 0 : index
    %swap3A_13 = arith.constant 0 : index
    %swap3A_14 = vector.load %arg4[%swap3A, %swap3A_13] : memref<2048x128xf32, #tpu.memory_space<vmem>>, vector<2048x128xf32>
    tpu.vector_store %arg4[%swap3A, %swap3A_13], %mul3A_12 {strides = array<i32>} : memref<2048x128xf32, #tpu.memory_space<vmem>>, vector<2048x128xf32>,
    return
  }
  func.func @transform_0(%arg0: i32) -> (i32, i32) {
    %c0_i32 = arith.constant 0 : i32
    %c0_i32_0 = arith.constant 0 : i32
    return %arg0, %c0_i32 : i32, i32
  }
  func.func @transform_1(%arg0: i32) -> (i32, i32) {
    %c0_i32 = arith.constant 0 : i32
    %c0_i32_0 = arith.constant 0 : i32
    %c0_i32_1 = arith.constant 0 : i32
    return %c0_i32, %c0_i32_0 : i32, i32
  }
  func.func @transform_2(%arg0: i32) -> (i32, i32) {
    %c0_i32 = arith.constant 0 : i32
    %c0_i32_0 = arith.constant 0 : i32
    return %c0_i32, %arg0 : i32, i32
  }
  func.func @transform_3(%arg0: i32) -> (i32, i32) {
    %c0_i32 = arith.constant 0 : i32
    %c0_i32_0 = arith.constant 0 : i32
    return %arg0, %c0_i32 : i32, i32
  }
}

module attributes {stable_mosaic.version = 14 : i64} {
  func.func @_t_last_body(%arg0: i32, %arg1: memref<2x2048x128xf32, #tpu.memory_space<vmem>>, %arg2: memref<2048x128xf32, #tpu.memory_space<vmem>>, %arg3: memref<32x2048xf32, #tpu.memory_space<vmem>>, %arg4: memref<1x128xf32, #tpu.memory_space<vmem>>, %arg5: memref<2048x128xf32, #tpu.memory_space<vmem>>) attributes {dimension_semantics = [#tpu.dimension_semantics<arbitrary>], iteration_bounds = array<i64: 5>, scalar_prefetch = 0 : i64, scratch_operands = 0 : i64, tpu.core_type = #tpu.core_type<tc>, window_params = [{transform_indices = @transform_0, window_bounds = array<i64: 2, 2048, 128>}, {transform_indices = @transform_1, window_bounds = array<i64: 2048, 128>}, {transform_indices = @transform_2, window_bounds = array<i64: 32, 2048>}, {pipeline_mode = #tpu.pipeline_mode<synchronous>, transform_indices = @transform_3, window_bounds = array<i64: 1, 128>}, {transform_indices = @transform_4, window_bounds = array<i64: 2048, 128>}]} {
    %get3A = arith.constant 0 : index
    %get3A_0 = arith.constant 0 : index
    %get3A_1 = vector.load %arg3[%get3A, %get3A_0] : memref<32x2048xf32, #tpu.memory_space<vmem>>, vector<32x2048xf32>
    %reduce_sum3A = arith.constant dense<0.000000e+00> : vector<2048xf32>
    %reduce_sum3A_2 = vector.multi_reduction <add>, %get3A_1, %reduce_sum3A [0] : vector<32x2048xf32> to vector<2048xf32>
    %add3A = arith.constant 1.000000e+00 : f32
    %add3A_3 = vector.broadcast %add3A : f32 to vector<2048xf32>
    %add3A_4 = arith.addf %add3A_3, %reduce_sum3A_2 : vector<2048xf32>
    %rsqrt3A = math.rsqrt %add3A_4 : vector<2048xf32>
    %broadcast_in_dim3A = vector.shape_cast %rsqrt3A : vector<2048xf32> to vector<2048x1xf32>
    %get3A_5 = arith.constant 0 : index
    %get3A_6 = arith.constant 0 : index
    %get3A_7 = arith.constant 0 : index
    %get3A_8 = vector.load %arg1[%get3A_5, %get3A_6, %get3A_7] : memref<2x2048x128xf32, #tpu.memory_space<vmem>>, vector<1x2048x128xf32>
    %get3A_9 = vector.shape_cast %get3A_8 : vector<1x2048x128xf32> to vector<2048x128xf32>
    %get3A_10 = arith.constant 1 : index
    %get3A_11 = arith.constant 0 : index
    %get3A_12 = arith.constant 0 : index
    %get3A_13 = vector.load %arg1[%get3A_10, %get3A_11, %get3A_12] : memref<2x2048x128xf32, #tpu.memory_space<vmem>>, vector<1x2048x128xf32>
    %get3A_14 = vector.shape_cast %get3A_13 : vector<1x2048x128xf32> to vector<2048x128xf32>
    %add3A_15 = arith.addf %get3A_9, %get3A_14 : vector<2048x128xf32>
    %get3A_16 = arith.constant 0 : index
    %get3A_17 = arith.constant 0 : index
    %get3A_18 = vector.load %arg2[%get3A_16, %get3A_17] : memref<2048x128xf32, #tpu.memory_space<vmem>>, vector<2048x128xf32>
    %add3A_19 = arith.addf %add3A_15, %get3A_18 : vector<2048x128xf32>
    %mul3A = vector.broadcast %broadcast_in_dim3A : vector<2048x1xf32> to vector<2048x128xf32>
    %mul3A_20 = arith.mulf %mul3A, %add3A_19 : vector<2048x128xf32>
    %get3A_21 = arith.constant 0 : index
    %get3A_22 = arith.constant 0 : index
    %get3A_23 = vector.load %arg4[%get3A_21, %get3A_22] : memref<1x128xf32, #tpu.memory_space<vmem>>, vector<1x128xf32>
    %add3A_24 = vector.broadcast %get3A_23 : vector<1x128xf32> to vector<2048x128xf32>
    %add3A_25 = arith.addf %mul3A_20, %add3A_24 : vector<2048x128xf32>
    %swap3A = arith.constant 0 : index
    %swap3A_26 = arith.constant 0 : index
    %swap3A_27 = vector.load %arg5[%swap3A, %swap3A_26] : memref<2048x128xf32, #tpu.memory_space<vmem>>, vector<2048x128xf32>
    tpu.vector_store %arg5[%swap3A, %swap3A_26], %add3A_25 {strides = array<i32>} : memref<2048x128xf32, #tpu.memory_space<vmem>>, vector<2048x128xf32>,
    return
  }
  func.func @transform_0(%arg0: i32) -> (i32, i32, i32) {
    %c0_i32 = arith.constant 0 : i32
    %c0_i32_0 = arith.constant 0 : i32
    %c0_i32_1 = arith.constant 0 : i32
    return %c0_i32, %arg0, %c0_i32_0 : i32, i32, i32
  }
  func.func @transform_1(%arg0: i32) -> (i32, i32) {
    %c0_i32 = arith.constant 0 : i32
    %c0_i32_0 = arith.constant 0 : i32
    return %arg0, %c0_i32 : i32, i32
  }
  func.func @transform_2(%arg0: i32) -> (i32, i32) {
    %c0_i32 = arith.constant 0 : i32
    %c0_i32_0 = arith.constant 0 : i32
    return %c0_i32, %arg0 : i32, i32
  }
  func.func @transform_3(%arg0: i32) -> (i32, i32) {
    %c0_i32 = arith.constant 0 : i32
    %c0_i32_0 = arith.constant 0 : i32
    %c0_i32_1 = arith.constant 0 : i32
    return %c0_i32, %c0_i32_0 : i32, i32
  }
  func.func @transform_4(%arg0: i32) -> (i32, i32) {
    %c0_i32 = arith.constant 0 : i32
    %c0_i32_0 = arith.constant 0 : i32
    return %arg0, %c0_i32 : i32, i32
  }
}

</mosaic_0001>

<sc_bundles>
// kernel: kernel.10.cloned.1.call-start
scs
__scs_entry_jumppad:
0x0: {  	(pc) =	sbr.rel $0x88, $3  }
0x1: {  	(tag) =	ssettag $0x0;
	lr =	simm.s32 $0x1  }
0x2: {  	[smem:$0x3F98] =	sst lr;
	_ =	strace $0xD0000000  }
0x3: {  	_ = 	snop  }
0x4: {  	_ = 	snop  }
0x5: {  	_ = 	snop  }
0x6: {  	_ = 	snop  }
0x7: {  	_ = 	snop  }
__scs_overlays_trampoline_lowered:
0x8: {  	[smem:$0x3FA7] =	sst s0  }
0x9: {  	[smem:$0x3FA8] =	sst s1  }
0xa: {  	[smem:$0x3FA9] =	sst s2  }
0xb: {  	[smem:$0x3FAA] =	sst s3  }
0xc: {  	[smem:$0x3FAB] =	sst s4  }
0xd: {  	[smem:$0x3FAC] =	sst s5  }
0xe: {  	[smem:$0x3FAD] =	sst s6  }
0xf: {  	[smem:$0x3FAE] =	sst s7  }
0x10: {  	[smem:$0x3FAF] =	sst s8  }
0x11: {  	[smem:$0x3FB0] =	sst s9;
	s0 =	simm.s32 @!p0 $0x0  }
0x12: {  	s1 =	sld [smem:$0x3F96];
	s0 =	simm.s32 @p0 $0x1  }
0x13: {  	[smem:$0x3FB1] =	sst s0;
	s0 =	simm.s32 @!p1 $0x0  }
0x14: {  	s2 =	sld [smem:$0x3F95];
	s0 =	simm.s32 @p1 $0x1  }
0x15: {  	[smem:$0x3FB2] =	sst s0;
	s0 =	simm.s32 @!p2 $0x0  }
0x16: {  	s3 =	sld [smem:$0x3FDB];
	s0 =	simm.s32 @p2 $0x1  }
0x17: {  	s4 =	simm.s32 $0x1BF5;
	[smem:$0x3FB4] =	sst s0  }
0x18: {  	s0 =	sld [smem:$0x3F97];
	_ =	swait.ge [sflag:s4], $0x0  }
0x19: {  	s7 =	sld [smem:$0x3F98]  }
0x1a: {  	s8 =	sadd.s32 $0xFFFFE003, lr  }
0x1b: {  	s9 =	sadd.s32 $0xFFFFFEF7, lr;
	s5 =	simm.s32 $0xFFFFFFFF;
	p2 =	slt.u32 s8, $0xFFFFF086  }
0x1c: {  	p1 =	slt.u32 s9, $0xF7A;
	s5 =	simm.s32 @!p2 $0x0  }
0x1d: {  	s5 =	simm.s32 @p1 $0x1;
	p0 =	seq.s32 s7, s2  }
0x1e: {  	s7 =	smul.u32 @!p0 $0xF7A, s2;
	p2 =	seq.s32 @!p0 s5, $0x0  }
0x1f: {  	s9 =	smul.u32 $0xF7A, s1;
	s8 =	simm.s32 @!p0 $0x1BF5;
	p2 =	por !p2, p0  }
0x20: {  	[sflag:s8] =	ssyncset.s32 @!p0 $0xFFFFF086;
	s6 =	sadd.s32 @!p0 s3, s7;
	s7 =	simm.s32 @!p0 $0x108  }
0x21: {  	s3 =	sadd.s32 s3, s9;
	s6 =	sadd.s32 @!p0 $0x88, s6;
	s7 =	simm.s32 @p2 $0x1082  }
0x22: {  	[simem:s7], [sflag:s8] =	dma.local @!p0 [hbm:s6], $0xF7A  }
0x23: {  	s9 =	sor.u32 $0xD0000000, s2;
	s6 =	simm.s32 $0x108;
	_ =	swait.ge @!p0 [sflag:s8], $0x0  }
0x24: {  	s3 =	sadd.s32 $0x88, s3;
	s6 =	simm.s32 @!p1 $0x1082;
	[sflag:s4] =	ssyncset.s32 $0xFFFFF086  }
0x25: {  	[simem:s6], [sflag:s4] =	dma.local [hbm:s3], $0xF7A  }
0x26: {  	[smem:$0x3F98] =	sst s1;
	(tag) =	ssettag s2;
	_ =	strace s9  }
0x27: {  	s1 =	sld [smem:$0x3FA8]  }
0x28: {  	s2 =	sld [smem:$0x3FA9]  }
0x29: {  	s4 =	sld [smem:$0x3FAB]  }
0x2a: {  	p0 =	seq.s32 s5, $0x0;
	s5 =	sld [smem:$0x3FAC]  }
0x2b: {  	s6 =	sld [smem:$0x3FAD]  }
0x2c: {  	s7 =	sld [smem:$0x3FAE]  }
0x2d: {  	s3 =	simm.s32 $0x108;
	s8 =	sld [smem:$0x3FAF]  }
0x2e: {  	s3 =	simm.s32 @!p0 $0x1082;
	s9 =	sld [smem:$0x3FB0]  }
0x2f: {  	lr =	sadd.s32 s0, s3;
	s0 =	sld [smem:$0x3FA7]  }
0x30: {  	s3 =	sld [smem:$0x3FAA]  }
0x31: {  	[smem:$0x3FB3] =	sst s10  }
0x32: {  	s10 =	sld [smem:$0x3FB1];
	_ =	sdelay $0x3  }
0x33: {  	p0 =	seq.s32 s10, $0x1;
	s10 =	sld [smem:$0x3FB3];
	_ =	sdelay $0x3  }
0x34: {  	[smem:$0x3FB3] =	sst s10  }
0x35: {  	s10 =	sld [smem:$0x3FB2];
	_ =	sdelay $0x3  }
0x36: {  	p1 =	seq.s32 s10, $0x1;
	s10 =	sld [smem:$0x3FB3];
	_ =	sdelay $0x3  }
0x37: {  	[smem:$0x3FB3] =	sst s10  }
0x38: {  	s10 =	sld [smem:$0x3FB4]  }
0x39: {  	_ = 	snop;
	(pc) =	sbr.ind lr, $3  }
0x3a: {  	_ = 	snop  }
0x3b: {  	_ = 	snop  }
0x3c: {  	p2 =	seq.s32 s10, $0x1;
	s10 =	sld [smem:$0x3FB3]  }
0x3d: {  	_ =	shalt  }
0x3e: {  	_ =	shalt  }
0x3f: {  	_ =	shalt  }
0x40: {  	_ =	shalt  }
0x41: {  	_ =	shalt  }
0x42: {  	_ =	shalt  }
0x43: {  	_ =	shalt  }
0x44: {  	_ =	shalt  }
0x45: {  	_ =	shalt  }
0x46: {  	_ =	shalt  }
0x47: {  	_ =	shalt  }
0x48: {  	_ =	shalt  }
0x49: {  	_ =	shalt  }
0x4a: {  	_ =	shalt  }
0x4b: {  	_ =	shalt  }
0x4c: {  	_ =	shalt  }
0x4d: {  	_ =	shalt  }
0x4e: {  	_ =	shalt  }
0x4f: {  	_ =	shalt  }
0x50: {  	_ =	shalt  }
0x51: {  	_ =	shalt  }
0x52: {  	_ =	shalt  }
0x53: {  	_ =	shalt  }
0x54: {  	_ =	shalt  }
0x55: {  	_ =	shalt  }
0x56: {  	_ =	shalt  }
0x57: {  	_ =	shalt  }
0x58: {  	_ =	shalt  }
0x59: {  	_ =	shalt  }
0x5a: {  	_ =	shalt  }
0x5b: {  	_ =	shalt  }
0x5c: {  	_ =	shalt  }
0x5d: {  	_ =	shalt  }
0x5e: {  	_ =	shalt  }
0x5f: {  	_ =	shalt  }
0x60: {  	_ =	shalt  }
0x61: {  	_ =	shalt  }
0x62: {  	_ =	shalt  }
0x63: {  	_ =	shalt  }
0x64: {  	_ =	shalt  }
0x65: {  	_ =	shalt  }
0x66: {  	_ =	shalt  }
0x67: {  	_ =	shalt  }
0x68: {  	_ =	shalt  }
0x69: {  	_ =	shalt  }
0x6a: {  	_ =	shalt  }
0x6b: {  	_ =	shalt  }
0x6c: {  	_ =	shalt  }
0x6d: {  	_ =	shalt  }
0x6e: {  	_ =	shalt  }
0x6f: {  	_ =	shalt  }
0x70: {  	_ =	shalt  }
0x71: {  	_ =	shalt  }
0x72: {  	_ =	shalt  }
0x73: {  	_ =	shalt  }
0x74: {  	_ =	shalt  }
0x75: {  	_ =	shalt  }
0x76: {  	_ =	shalt  }
0x77: {  	_ =	shalt  }
0x78: {  	_ =	shalt  }
0x79: {  	_ =	shalt  }
0x7a: {  	_ =	shalt  }
0x7b: {  	_ =	shalt  }
0x7c: {  	_ =	shalt  }
0x7d: {  	_ =	shalt  }
0x7e: {  	_ =	shalt  }
0x7f: {  	_ =	shalt  }
0x80: {  	_ =	shalt  }
0x81: {  	_ =	shalt  }
0x82: {  	_ =	shalt  }
0x83: {  	_ =	shalt  }
0x84: {  	_ =	shalt  }
0x85: {  	_ =	shalt  }
0x86: {  	_ =	shalt  }
0x87: {  	_ =	shalt  }
.Lfunc_end0:
.L_simem_size_0:
called_computation_lowered:
.L_overlay_start_0:
0x88: {  	s2 =	sld [smem:$0x3FD9]  }
0x89: {  	s3 =	sld [smem:$0x3FFE];
	_ =	sdelay $0x1  }
0x8a: {  	s1 =	srdreg.scid  }
0x8b: {  	s0 =	sand.u32 $0x1, s1  }
0x8c: {  	s17 =	sshll.u32 s0, $0xA;
	s2 =	sadd.s32 s3, s2  }
0x8d: {  	s2 =	sadd.s32 s2, s17  }
0x8e: {  	[smem:$0x3FBF] =	sst s2  }
0x8f: {  	_ = 	snop  }
0x90: {  	s2 =	sld [smem:$0x3FD0];
	(tm) =	ssettm $0x1  }
0x91: {  	s18 =	sld [smem:$0x3FFB];
	_ =	sdelay $0x3  }
0x92: {  	_ =	strace s18  }
0x93: {  	s3 =	sld [smem:$0x3FFC];
	_ =	sdelay $0x3  }
0x94: {  	_ =	strace s3  }
0x95: {  	s3 =	sld [smem:$0x3FFD];
	_ =	sdelay $0x3  }
0x96: {  	_ =	strace s3  }
0x97: {  	_ =	strace $0x8FFFFFFF  }
0x98: {  	s19 =	sld [smem:$0x3FDB];
	_ =	sdelay $0x1  }
0x99: {  	s4 =	simm.s32 $_scs_section_size  }
0x9a: {  	s5 =	simm.s32 $_size__tile_overlayer_lowered;
	s6 =	simm.s32 $_tile_overlayer_lowered  }
0x9b: {  	s22 =	simm.s32 $0x1BFF;
	s21 =	sshll.u32 s6, $0x1;
	s3 =	sadd.s32 s4, s19  }
0x9c: {  	s7 =	simm.s32 $0x0;
	s20 =	sshll.u32 s5, $0x1;
	s5 =	sadd.s32 s21, s3  }
0x9d: {  	[timem:s7], [sflag:s22] =	dma.local [hbm:s5], s20  }
0x9e: {  	_ =	swait.ge [sflag:s22], s20  }
0x9f: {  	s4 =	ssub.s32 $0x0, s20;
	[sflag:s22] =	ssyncset.done $0x0  }
0xa0: {  	[sflag:s22] =	ssyncadd.s32 s4;
	_ =	sdelay $0x1  }
0xa1: {  	s23 =	simm.s32 $0x1B8B  }
0xa2: {  	_ =	swait.ge [sflag:s23], $0x1  }
0xa3: {  	[sflag:s23] =	ssyncset.done $0x0  }
0xa4: {  	s25 =	simm.s32 $0x1B8E;
	s24 =	sld [smem:$0x3FFE];
	[sflag:s23] =	ssyncadd.s32 $0xFFFFFFFF  }
0xa5: {  	s26 =	simm.s32 $execute0_lowered;
	[smem:$0x3FD2] =	sst s25  }
0xa6: {  	s5 =	sshll.u32 s26, $0x1;
	_ =	strace $0x80000046;
	[dreg:$0x1] =	wrdreg $0xFFFFFFFF  }
0xa7: {  	s28 =	simm.s32 $_size_execute0_lowered;
	s3 =	sadd.s32 s3, s5;
	[dreg:$0x0] =	wrdreg $0x0  }
0xa8: {  	s5 =	sshll.u32 s28, $0x1;
	[dreg:$0x2] =	wrdreg s3  }
0xa9: {  	[dreg:$0x3] =	wrdreg s5  }
0xaa: {  	[dreg:$0x4] =	wrdreg $0xC0  }
0xab: {  	_ =	task [dreg:s7], $0x5FFFF  }
0xac: {  	[dreg:$0x1] =	wrdreg $0xFFFFFFFF  }
0xad: {  	[dreg:$0x0] =	wrdreg $0x60  }
0xae: {  	[dreg:$0x2] =	wrdreg s2  }
0xaf: {  	[dreg:$0x3] =	wrdreg s24  }
0xb0: {  	[dreg:$0x4] =	wrdreg $0x9  }
0xb1: {  	_ =	task.clear_ibuf [dreg:s7], $0x5FFFF;
	_ =	strace $0x90000046  }
0xb2: {  	s29 =	simm.s32 $0x9;
	_ =	strace $0x80000048  }
0xb3: {  	_ =	swait.ge [sflag:s29], $0x1  }
0xb4: {  	[sflag:s29] =	ssyncadd.s32 $0xFFFFFFFF  }
0xb5: {  	_ =	strace $0x90000048  }
0xb6: {  	_ =	sfence  }
0xb7: {  	s30 =	sld [smem:$0x0];
	_ =	sdelay $0x2  }
0xb8: {  	s31 =	sshll.u32 s1, $0xD;
	s1 =	sshrl.u32 s1, $0x2  }
0xb9: {  	s3 =	sand.u32 $0x4000, s31;
	s1 =	sadd.s32 s1, s30  }
0xba: {  	s0 =	sor.u32 s3, s0;
	s1 =	sshll.u32 s1, $0x11  }
0xbb: {  	s0 =	sor.u32 s1, s0  }
0xbc: {  	s0 =	sadd.s32 $0x8F2B, s0  }
0xbd: {  	[sflag:s0] =	ssyncadd.remote.s32 $0x1  }
0xbe: {  	_ =	sfence.sel $0xFFFF  }
0xbf: {  	[dreg:$0x0] =	wrdreg $0xFFFFFFFF;
	(pc) =	sbr.abs _section_cstart, $3  }
0xc0: {  	[dreg:$0x1] =	wrdreg $0xFFFFFFFF  }
0xc1: {  	_ =	task.clear_ibuf [dreg:s7], $0x2FFFF;
	_ =	strace $0x9FFFFFFF  }
0xc2: {  	(tm) =	ssettm $0x7FFFFFFF  }
0xc3: {  	_ =	shalt  }
tec
execute0_lowered:
.L_overlay_start_1:
0x0: {  	(tag) =	ssettag $0x1  }
0x1: {  	s0 =	srdreg.scid;
	s2 =	rddreg [dreg:$0x0]  }
0x2: {  	s6 =	rddreg [dreg:$0x1];
	s3 =	simm.s32 $0x0;
	s4 =	sand.u32 $0x1, s0  }
0x3: {  	s11 =	simm.s32 $0xC00;
	s0 =	stileid.u32;
	s1 =	sshll.u32 s4, $0x4  }
0x4: {  	s12 =	simm.s32 $0x800;
	s13 =	simm.s32 $0x80;
	s7 =	sor.u32 s0, s1  }
0x5: {  	s14 =	simm.s32 $0x0;
	[smem:$0x7FF] =	sst s3;
	s5 =	sshrl.u32 s7, $0x3  }
0x6: {  	s8 =	sshll.u32 s0, $0x7;
	s31 =	ssub.s32 $0x2, s4;
	s5 =	smul.u32 $0x13C00, s5  }
0x7: {  	s4 =	sadd.s32 $0x3C00, s6;
	s1 =	rddreg [dreg:$0x2];
	s8 =	sand.u32 $0x380, s8  }
0x8: {  	_ =	strace $0x80000047;
	s10 =	sshrl.u32 s31, $0x1;
	s5 =	sor.u32 s8, s5  }
0x9: {  	s8 =	ssub.s32 s31, s10;
	s10 =	simm.s32 $0x400;
	s9 =	sshrl.u32 s5, $0x3  }
0xa: {  	s5 =	sadd.s32 $0x17A00, s6;
	s8 =	smax.u32 s8, $0x1;
	s9 =	sadd.s32 s9, s6  }
0xb: {  	v0 =	vimm.f32 $0.0e+00;
	s6 =	smul.u32 $0x2800, s7;
	s7 =	sadd.s32 $0xDC00, s9;
	s9 =	simm.s32 $0x1  }
.LBB2_1:
0xc: {  	s15 =	simm.s32 $0x40;
	s16 =	simm.s32 $0x0  }
.LBB2_2:
0xd: {  	p0 =	sne.s32 s15, $0x9DC0;
	[tilespmem:s16+$0xC00] =	vst v0;
	s16 =	smov.u32 s15;
	s15 =	sadd.s32 $0x40, s15  }
.Ltmp0:
0xe: {  	(pc) =	sbr.rel @p0 .LBB2_2-.Ltmp0, $2  }
0xf: {  	_ =	sdelay $0x2  }
0x10: {  	s16 =	sshra.s32 s16, $0x2  }
0x11: {  	[tilespmem:s16+$0xC00] =	vst v0;
	s15 =	simm.s32 $0x0;
	s16 =	simm.s32 $0x0  }
.LBB2_4:
0x12: {  	s17 =	sshll.u32 s16, $0xA  }
0x13: {  	s17 =	sadd.s32 s6, s17  }
0x14: {  	s17 =	sshrl.u32 s17, $0x3  }
0x15: {  	s18 =	sadd.s32 s2, s17  }
0x16: {  	[tilespmem:s15], [sflag:$0x1] =	stream.linear.gather [hbm4b:s18+s15], $0x400, $0x38;
	[tilespmem:$0x3380] =	vst v63  }
0x17: {  	_ =	swait.ge [sflag:s9], $0x400  }
0x18: {  	[sflag:s9] =	ssyncset.done $0x0  }
0x19: {  	s31 =	sadd.s32 s4, s17;
	[sflag:s9] =	ssyncadd.s32 $0xFFFFFC00  }
0x1a: {  	[tilespmem:s10], [sflag:$0x1] =	stream.linear.gather [hbm4b:s31+s15], $0x400, $0x38;
	[tilespmem:$0x3380] =	vst v63  }
0x1b: {  	_ =	swait.ge [sflag:s9], $0x400  }
0x1c: {  	[sflag:s9] =	ssyncset.done $0x0  }
0x1d: {  	s18 =	simm.s32 $0x0;
	[sflag:s9] =	ssyncadd.s32 $0xFFFFFC00  }
0x1e: {  	s19 =	simm.s32 $0x40;
	v1 =	vld [tilespmem:s18+$0x0]  }
.LBB2_5:
0x1f: {  	p0 =	sne.s32 s19, $0xFC0;
	_ =	sdelay $0x3  }
0x20: {  	v1 =	vsub.f32 $0.0e+00, v1;
	_ =	sdelay $0x1  }
0x21: {  	v1 =	vmul.f32 $1.442695020e+00, v1;
	_ =	sdelay $0x1  }
0x22: {  	(erf) = vpow2.f32 v1;
	_ =	sdelay $0x8  }
0x23: {  	v1 =	vpop (erf)  }
0x24: {  	v1 =	vadd.f32 $1.000000000e+00, v1;
	_ =	sdelay $0x1  }
0x25: {  	(erf) = vrcp.f32 v1;
	_ =	sdelay $0x2  }
0x26: {  	v1 =	vld [tilespmem:s18+$0x400];
	_ =	sdelay $0x4  }
.Ltmp1:
0x27: {  	(pc) =	sbr.rel @p0 .LBB2_5-.Ltmp1, $4  }
0x28: {  	v2 =	vpop (erf)  }
0x29: {  	[tilespmem:s18+$0x800] =	vst v2  }
0x2a: {  	s18 =	sshra.s32 s19, $0x2;
	[tilespmem:v1+s11+$0x0] =	vst.idx.add.f32.msk $0xffff, v2  }
0x2b: {  	s19 =	sadd.s32 $0x40, s19;
	v1 =	vld [tilespmem:s18+$0x0]  }
0x2c: {  	_ =	sdelay $0x3  }
0x2d: {  	v1 =	vsub.f32 $0.0e+00, v1;
	_ =	sdelay $0x1  }
0x2e: {  	v1 =	vmul.f32 $1.442695020e+00, v1;
	_ =	sdelay $0x1  }
0x2f: {  	(erf) = vpow2.f32 v1;
	_ =	sdelay $0x8  }
0x30: {  	v1 =	vpop (erf)  }
0x31: {  	v1 =	vadd.f32 $1.000000000e+00, v1;
	_ =	sdelay $0x1  }
0x32: {  	(erf) = vrcp.f32 v1;
	_ =	sdelay $0x2  }
0x33: {  	v1 =	vld [tilespmem:s18+$0x400];
	_ =	sdelay $0x5  }
0x34: {  	s16 =	sadd.s32 $0x1, s16;
	v2 =	vpop (erf)  }
0x35: {  	p0 =	sne.s32 s16, $0xA;
	[tilespmem:s18+$0x800] =	vst v2  }
.Ltmp2:
0x36: {  	s17 =	sadd.s32 s5, s17;
	[tilespmem:v1+s11+$0x0] =	vst.idx.add.f32.msk $0xffff, v2;
	(pc) =	sbr.rel @p0 .LBB2_4-.Ltmp2, $4  }
0x37: {  	[hbm4b:s17+s3] =	stream.linear.scatter [tilespmem:s12], [sflag:$0x1], $0x400, $0x38;
	[tilespmem:$0x3380] =	vst v63  }
0x38: {  	_ =	swait.ge [sflag:s9], $0x400  }
0x39: {  	[sflag:s9] =	ssyncset.done $0x0  }
0x3a: {  	[sflag:s9] =	ssyncadd.s32 $0xFFFFFC00  }
0x3b: {  	s14 =	sadd.s32 $0x1, s14  }
0x3c: {  	p0 =	sne.s32 s14, s8  }
.Ltmp3:
0x3d: {  	_ = 	snop;
	(pc) =	sbr.rel @p0 .LBB2_1-.Ltmp3, $4  }
0x3e: {  	[hbm4b:s7+s13] =	stream.strided.scatter [tilespmem:s11], [sflag:$0x1], $0x2780, s10, s13, $0x38;
	[tilespmem:$0x3380] =	vst v63  }
0x3f: {  	_ =	swait.ge [sflag:s9], $0x2780  }
0x40: {  	[sflag:s9] =	ssyncset.done $0x0  }
0x41: {  	[sflag:s9] =	ssyncadd.s32 $0xFFFFD880  }
0x42: {  	_ =	sfence.sel $0x180000  }
0x43: {  	[bflag:$0x0] =	sbarrier.arrive $0xFFFF  }
0x44: {  	p0 =	sne.s32 s0, $0x0;
	_ =	strace $0x90000047  }
0x45: {  	s0 =	sadd.s32 @!p0 $0x100000, s1;
	[bflag:$0x2] =	sbarrier.arrive $0xFFFF  }
0x46: {  	[sflag:s0] =	ssyncadd.tile.s32 @!p0 $0x1;
	_ =	shalt  }
.Lfunc_end2:
_tile_overlayer_lowered:
.L_overlay_start_2:
0x47: {  	(tag) =	ssettag $0x2  }
0x48: {  	s0 =	rddreg [dreg:$0x0];
	s2 =	stileid.u32  }
0x49: {  	s1 =	rddreg [dreg:$0x1];
	p0 =	sne.s32 s2, $0x0  }
0x4a: {  	s3 =	rddreg [dreg:$0x2];
	[bflag:$0x3] =	sbarrier.arrive $0xFFFF;
	s2 =	simm.s32 @!p0 $0x1C01  }
0x4b: {  	[timem:s3], [sflag:s2] =	dma.local @!p0 [hbm:s0], s1  }
0x4c: {  	s0 =	simm.s32 @!p0 $0x1  }
0x4d: {  	_ =	swait.ge @!p0 [sflag:s0], s1  }
0x4e: {  	s1 =	ssub.s32 @!p0 $0x0, s1;
	[sflag:s0] =	ssyncset.done @!p0 $0x0  }
0x4f: {  	[sflag:s0] =	ssyncadd.s32 @!p0 s1  }
0x50: {  	[bflag:$0x3] =	sbarrier.arrive $0xFFFF  }
0x51: {  	_ =	shalt  }

// kernel: kernel.13.cloned.1.call-start
scs
__scs_entry_jumppad:
0x0: {  	(pc) =	sbr.rel $0x88, $3  }
0x1: {  	(tag) =	ssettag $0x0;
	lr =	simm.s32 $0x1  }
0x2: {  	[smem:$0x3F98] =	sst lr;
	_ =	strace $0xD0000000  }
0x3: {  	_ = 	snop  }
0x4: {  	_ = 	snop  }
0x5: {  	_ = 	snop  }
0x6: {  	_ = 	snop  }
0x7: {  	_ = 	snop  }
__scs_overlays_trampoline_lowered:
0x8: {  	[smem:$0x3FA7] =	sst s0  }
0x9: {  	[smem:$0x3FA8] =	sst s1  }
0xa: {  	[smem:$0x3FA9] =	sst s2  }
0xb: {  	[smem:$0x3FAA] =	sst s3  }
0xc: {  	[smem:$0x3FAB] =	sst s4  }
0xd: {  	[smem:$0x3FAC] =	sst s5  }
0xe: {  	[smem:$0x3FAD] =	sst s6  }
0xf: {  	[smem:$0x3FAE] =	sst s7  }
0x10: {  	[smem:$0x3FAF] =	sst s8  }
0x11: {  	[smem:$0x3FB0] =	sst s9;
	s0 =	simm.s32 @!p0 $0x0  }
0x12: {  	s1 =	sld [smem:$0x3F96];
	s0 =	simm.s32 @p0 $0x1  }
0x13: {  	[smem:$0x3FB1] =	sst s0;
	s0 =	simm.s32 @!p1 $0x0  }
0x14: {  	s2 =	sld [smem:$0x3F95];
	s0 =	simm.s32 @p1 $0x1  }
0x15: {  	[smem:$0x3FB2] =	sst s0;
	s0 =	simm.s32 @!p2 $0x0  }
0x16: {  	s3 =	sld [smem:$0x3FDB];
	s0 =	simm.s32 @p2 $0x1  }
0x17: {  	s4 =	simm.s32 $0x1BF5;
	[smem:$0x3FB4] =	sst s0  }
0x18: {  	s0 =	sld [smem:$0x3F97];
	_ =	swait.ge [sflag:s4], $0x0  }
0x19: {  	s7 =	sld [smem:$0x3F98]  }
0x1a: {  	s8 =	sadd.s32 $0xFFFFE003, lr  }
0x1b: {  	s9 =	sadd.s32 $0xFFFFFEF7, lr;
	s5 =	simm.s32 $0xFFFFFFFF;
	p2 =	slt.u32 s8, $0xFFFFF086  }
0x1c: {  	p1 =	slt.u32 s9, $0xF7A;
	s5 =	simm.s32 @!p2 $0x0  }
0x1d: {  	s5 =	simm.s32 @p1 $0x1;
	p0 =	seq.s32 s7, s2  }
0x1e: {  	s7 =	smul.u32 @!p0 $0xF7A, s2;
	p2 =	seq.s32 @!p0 s5, $0x0  }
0x1f: {  	s9 =	smul.u32 $0xF7A, s1;
	s8 =	simm.s32 @!p0 $0x1BF5;
	p2 =	por !p2, p0  }
0x20: {  	[sflag:s8] =	ssyncset.s32 @!p0 $0xFFFFF086;
	s6 =	sadd.s32 @!p0 s3, s7;
	s7 =	simm.s32 @!p0 $0x108  }
0x21: {  	s3 =	sadd.s32 s3, s9;
	s6 =	sadd.s32 @!p0 $0x88, s6;
	s7 =	simm.s32 @p2 $0x1082  }
0x22: {  	[simem:s7], [sflag:s8] =	dma.local @!p0 [hbm:s6], $0xF7A  }
0x23: {  	s9 =	sor.u32 $0xD0000000, s2;
	s6 =	simm.s32 $0x108;
	_ =	swait.ge @!p0 [sflag:s8], $0x0  }
0x24: {  	s3 =	sadd.s32 $0x88, s3;
	s6 =	simm.s32 @!p1 $0x1082;
	[sflag:s4] =	ssyncset.s32 $0xFFFFF086  }
0x25: {  	[simem:s6], [sflag:s4] =	dma.local [hbm:s3], $0xF7A  }
0x26: {  	[smem:$0x3F98] =	sst s1;
	(tag) =	ssettag s2;
	_ =	strace s9  }
0x27: {  	s1 =	sld [smem:$0x3FA8]  }
0x28: {  	s2 =	sld [smem:$0x3FA9]  }
0x29: {  	s4 =	sld [smem:$0x3FAB]  }
0x2a: {  	p0 =	seq.s32 s5, $0x0;
	s5 =	sld [smem:$0x3FAC]  }
0x2b: {  	s6 =	sld [smem:$0x3FAD]  }
0x2c: {  	s7 =	sld [smem:$0x3FAE]  }
0x2d: {  	s3 =	simm.s32 $0x108;
	s8 =	sld [smem:$0x3FAF]  }
0x2e: {  	s3 =	simm.s32 @!p0 $0x1082;
	s9 =	sld [smem:$0x3FB0]  }
0x2f: {  	lr =	sadd.s32 s0, s3;
	s0 =	sld [smem:$0x3FA7]  }
0x30: {  	s3 =	sld [smem:$0x3FAA]  }
0x31: {  	[smem:$0x3FB3] =	sst s10  }
0x32: {  	s10 =	sld [smem:$0x3FB1];
	_ =	sdelay $0x3  }
0x33: {  	p0 =	seq.s32 s10, $0x1;
	s10 =	sld [smem:$0x3FB3];
	_ =	sdelay $0x3  }
0x34: {  	[smem:$0x3FB3] =	sst s10  }
0x35: {  	s10 =	sld [smem:$0x3FB2];
	_ =	sdelay $0x3  }
0x36: {  	p1 =	seq.s32 s10, $0x1;
	s10 =	sld [smem:$0x3FB3];
	_ =	sdelay $0x3  }
0x37: {  	[smem:$0x3FB3] =	sst s10  }
0x38: {  	s10 =	sld [smem:$0x3FB4]  }
0x39: {  	_ = 	snop;
	(pc) =	sbr.ind lr, $3  }
0x3a: {  	_ = 	snop  }
0x3b: {  	_ = 	snop  }
0x3c: {  	p2 =	seq.s32 s10, $0x1;
	s10 =	sld [smem:$0x3FB3]  }
0x3d: {  	_ =	shalt  }
0x3e: {  	_ =	shalt  }
0x3f: {  	_ =	shalt  }
0x40: {  	_ =	shalt  }
0x41: {  	_ =	shalt  }
0x42: {  	_ =	shalt  }
0x43: {  	_ =	shalt  }
0x44: {  	_ =	shalt  }
0x45: {  	_ =	shalt  }
0x46: {  	_ =	shalt  }
0x47: {  	_ =	shalt  }
0x48: {  	_ =	shalt  }
0x49: {  	_ =	shalt  }
0x4a: {  	_ =	shalt  }
0x4b: {  	_ =	shalt  }
0x4c: {  	_ =	shalt  }
0x4d: {  	_ =	shalt  }
0x4e: {  	_ =	shalt  }
0x4f: {  	_ =	shalt  }
0x50: {  	_ =	shalt  }
0x51: {  	_ =	shalt  }
0x52: {  	_ =	shalt  }
0x53: {  	_ =	shalt  }
0x54: {  	_ =	shalt  }
0x55: {  	_ =	shalt  }
0x56: {  	_ =	shalt  }
0x57: {  	_ =	shalt  }
0x58: {  	_ =	shalt  }
0x59: {  	_ =	shalt  }
0x5a: {  	_ =	shalt  }
0x5b: {  	_ =	shalt  }
0x5c: {  	_ =	shalt  }
0x5d: {  	_ =	shalt  }
0x5e: {  	_ =	shalt  }
0x5f: {  	_ =	shalt  }
0x60: {  	_ =	shalt  }
0x61: {  	_ =	shalt  }
0x62: {  	_ =	shalt  }
0x63: {  	_ =	shalt  }
0x64: {  	_ =	shalt  }
0x65: {  	_ =	shalt  }
0x66: {  	_ =	shalt  }
0x67: {  	_ =	shalt  }
0x68: {  	_ =	shalt  }
0x69: {  	_ =	shalt  }
0x6a: {  	_ =	shalt  }
0x6b: {  	_ =	shalt  }
0x6c: {  	_ =	shalt  }
0x6d: {  	_ =	shalt  }
0x6e: {  	_ =	shalt  }
0x6f: {  	_ =	shalt  }
0x70: {  	_ =	shalt  }
0x71: {  	_ =	shalt  }
0x72: {  	_ =	shalt  }
0x73: {  	_ =	shalt  }
0x74: {  	_ =	shalt  }
0x75: {  	_ =	shalt  }
0x76: {  	_ =	shalt  }
0x77: {  	_ =	shalt  }
0x78: {  	_ =	shalt  }
0x79: {  	_ =	shalt  }
0x7a: {  	_ =	shalt  }
0x7b: {  	_ =	shalt  }
0x7c: {  	_ =	shalt  }
0x7d: {  	_ =	shalt  }
0x7e: {  	_ =	shalt  }
0x7f: {  	_ =	shalt  }
0x80: {  	_ =	shalt  }
0x81: {  	_ =	shalt  }
0x82: {  	_ =	shalt  }
0x83: {  	_ =	shalt  }
0x84: {  	_ =	shalt  }
0x85: {  	_ =	shalt  }
0x86: {  	_ =	shalt  }
0x87: {  	_ =	shalt  }
.Lfunc_end0:
.L_simem_size_0:
called_computation.1_lowered:
.L_overlay_start_0:
0x88: {  	s2 =	sld [smem:$0x3FD9]  }
0x89: {  	s3 =	sld [smem:$0x3FFE];
	_ =	sdelay $0x1  }
0x8a: {  	s1 =	srdreg.scid  }
0x8b: {  	s0 =	sand.u32 $0x1, s1  }
0x8c: {  	s17 =	sshll.u32 s0, $0xA;
	s2 =	sadd.s32 s3, s2  }
0x8d: {  	s2 =	sadd.s32 s2, s17  }
0x8e: {  	[smem:$0x3FBF] =	sst s2  }
0x8f: {  	_ = 	snop  }
0x90: {  	s2 =	sld [smem:$0x3FD0];
	(tm) =	ssettm $0x1  }
0x91: {  	s18 =	sld [smem:$0x3FFB];
	_ =	sdelay $0x3  }
0x92: {  	_ =	strace s18  }
0x93: {  	s3 =	sld [smem:$0x3FFC];
	_ =	sdelay $0x3  }
0x94: {  	_ =	strace s3  }
0x95: {  	s3 =	sld [smem:$0x3FFD];
	_ =	sdelay $0x3  }
0x96: {  	_ =	strace s3  }
0x97: {  	_ =	strace $0x8FFFFFFF  }
0x98: {  	s19 =	sld [smem:$0x3FDB];
	_ =	sdelay $0x1  }
0x99: {  	s4 =	simm.s32 $_scs_section_size  }
0x9a: {  	s5 =	simm.s32 $_size__tile_overlayer_lowered;
	s6 =	simm.s32 $_tile_overlayer_lowered  }
0x9b: {  	s22 =	simm.s32 $0x1BFF;
	s21 =	sshll.u32 s6, $0x1;
	s3 =	sadd.s32 s4, s19  }
0x9c: {  	s7 =	simm.s32 $0x0;
	s20 =	sshll.u32 s5, $0x1;
	s5 =	sadd.s32 s21, s3  }
0x9d: {  	[timem:s7], [sflag:s22] =	dma.local [hbm:s5], s20  }
0x9e: {  	_ =	swait.ge [sflag:s22], s20  }
0x9f: {  	s4 =	ssub.s32 $0x0, s20;
	[sflag:s22] =	ssyncset.done $0x0  }
0xa0: {  	[sflag:s22] =	ssyncadd.s32 s4;
	_ =	sdelay $0x1  }
0xa1: {  	s23 =	simm.s32 $0x1B8B  }
0xa2: {  	_ =	swait.ge [sflag:s23], $0x1  }
0xa3: {  	[sflag:s23] =	ssyncset.done $0x0  }
0xa4: {  	s25 =	simm.s32 $0x1B8E;
	s24 =	sld [smem:$0x3FFE];
	[sflag:s23] =	ssyncadd.s32 $0xFFFFFFFF  }
0xa5: {  	s26 =	simm.s32 $execute0_lowered;
	[smem:$0x3FD2] =	sst s25  }
0xa6: {  	s5 =	sshll.u32 s26, $0x1;
	_ =	strace $0x80000049;
	[dreg:$0x1] =	wrdreg $0xFFFFFFFF  }
0xa7: {  	s28 =	simm.s32 $_size_execute0_lowered;
	s3 =	sadd.s32 s3, s5;
	[dreg:$0x0] =	wrdreg $0x0  }
0xa8: {  	s5 =	sshll.u32 s28, $0x1;
	[dreg:$0x2] =	wrdreg s3  }
0xa9: {  	[dreg:$0x3] =	wrdreg s5  }
0xaa: {  	[dreg:$0x4] =	wrdreg $0xC0  }
0xab: {  	_ =	task [dreg:s7], $0x5FFFF  }
0xac: {  	[dreg:$0x1] =	wrdreg $0xFFFFFFFF  }
0xad: {  	[dreg:$0x0] =	wrdreg $0x60  }
0xae: {  	[dreg:$0x2] =	wrdreg s2  }
0xaf: {  	[dreg:$0x3] =	wrdreg s24  }
0xb0: {  	[dreg:$0x4] =	wrdreg $0xAA000  }
0xb1: {  	[dreg:$0x5] =	wrdreg $0x9  }
0xb2: {  	_ =	task.clear_ibuf [dreg:s7], $0x6FFFF;
	_ =	strace $0x90000049  }
0xb3: {  	s29 =	simm.s32 $0x9;
	_ =	strace $0x8000004B  }
0xb4: {  	_ =	swait.ge [sflag:s29], $0x1  }
0xb5: {  	[sflag:s29] =	ssyncadd.s32 $0xFFFFFFFF  }
0xb6: {  	_ =	strace $0x9000004B  }
0xb7: {  	_ =	sfence  }
0xb8: {  	s30 =	sld [smem:$0x0];
	_ =	sdelay $0x2  }
0xb9: {  	s31 =	sshll.u32 s1, $0xD;
	s1 =	sshrl.u32 s1, $0x2  }
0xba: {  	s3 =	sand.u32 $0x4000, s31;
	s1 =	sadd.s32 s1, s30  }
0xbb: {  	s0 =	sor.u32 s3, s0;
	s1 =	sshll.u32 s1, $0x11  }
0xbc: {  	s0 =	sor.u32 s1, s0  }
0xbd: {  	s0 =	sadd.s32 $0x8F2B, s0  }
0xbe: {  	[sflag:s0] =	ssyncadd.remote.s32 $0x1  }
0xbf: {  	_ =	sfence.sel $0xFFFF  }
0xc0: {  	[dreg:$0x0] =	wrdreg $0xFFFFFFFF;
	(pc) =	sbr.abs _section_cstart, $3  }
0xc1: {  	[dreg:$0x1] =	wrdreg $0xFFFFFFFF  }
0xc2: {  	_ =	task.clear_ibuf [dreg:s7], $0x2FFFF;
	_ =	strace $0x9FFFFFFF  }
0xc3: {  	(tm) =	ssettm $0x7FFFFFFF  }
tec
execute0_lowered:
.L_overlay_start_1:
0x0: {  	(tag) =	ssettag $0x1  }
0x1: {  	s1 =	rddreg [dreg:$0x0]  }
0x2: {  	s0 =	srdreg.scid;
	s7 =	rddreg [dreg:$0x1]  }
0x3: {  	s11 =	stileid.u32;
	s3 =	rddreg [dreg:$0x2];
	s4 =	simm.s32 $0x0  }
0x4: {  	s19 =	simm.s32 $0x5;
	s20 =	simm.s32 $0x80;
	s28 =	simm.s32 $0x2  }
0x5: {  	s29 =	simm.s32 $0x3;
	s30 =	simm.s32 $0x4;
	s31 =	simm.s32 $0x0  }
0x6: {  	s0 =	sand.u32 $0x1, s0;
	[smem:$0x7FF] =	sst s4;
	s9 =	smul.u32 $0x13C00, s11  }
0x7: {  	s5 =	sadd.s32 $0x2BA00, s7;
	s2 =	sshll.u32 s0, $0x4;
	s6 =	smul.u32 $0x13C000, s0  }
0x8: {  	s0 =	ssub.s32 $0x2, s0;
	s2 =	sor.u32 s11, s2;
	s11 =	smul.u32 $0x4F000, s11  }
0x9: {  	_ =	strace $0x8000004A;
	s12 =	sshrl.u32 s0, $0x1;
	s8 =	smul.u32 $0x500, s2  }
0xa: {  	s9 =	sadd.s32 s9, s6;
	s6 =	sadd.s32 $0x17A00, s7;
	s0 =	ssub.s32 s0, s12  }
0xb: {  	s9 =	sshrl.u32 s9, $0x3;
	s21 =	sshrl.u32 s11, $0x2;
	s17 =	smax.u32 s0, $0x1  }
0xc: {  	s10 =	sadd.s32 s8, s7;
	s16 =	sadd.s32 s9, s7;
	s7 =	smul.u32 $0x50, s2  }
0xd: {  	s9 =	sadd.s32 s21, s3;
	s14 =	sadd.s32 s6, s8;
	s22 =	sadd.s32 $0x21A00, s10  }
0xe: {  	s15 =	sadd.s32 s5, s8;
	s23 =	sadd.s32 $0x4000, s9;
	[dreg:$0x4] =	wrdreg s22  }
0xf: {  	s8 =	simm.s32 $0x8000;
	s24 =	sadd.s32 $0x8000, s9;
	[dreg:$0x5] =	wrdreg s23  }
0x10: {  	s21 =	simm.s32 $0xA800;
	s25 =	sadd.s32 $0xC000, s9;
	[dreg:$0x6] =	wrdreg s24  }
0x11: {  	s26 =	sadd.s32 $0x10000, s9;
	s16 =	sadd.s32 $0x35A00, s16;
	[dreg:$0x7] =	wrdreg s25  }
0x12: {  	[dreg:$0x8] =	wrdreg s26;
	s22 =	simm.s32 $0xA900;
	s23 =	simm.s32 $0x1  }
0x13: {  	v0 =	vimm.f32 $0.0e+00;
	s24 =	simm.s32 $0x4000;
	s25 =	simm.s32 $0xA880;
	s26 =	simm.s32 $0xA980  }
.LBB2_1:
0x14: {  	s0 =	rddreg [dreg:$0x4]  }
0x15: {  	[tilespmem:s8], [sflag:$0x5] =	stream.linear.gather [hbm4b:s0+s4], $0x2800, $0x38;
	[tilespmem:$0x1E600] =	vst v63  }
0x16: {  	_ =	swait.ge [sflag:s19], $0x2800  }
0x17: {  	[sflag:s19] =	ssyncset.done $0x0  }
0x18: {  	s2 =	simm.s32 $0x200;
	s0 =	simm.s32 $0x0;
	[sflag:s19] =	ssyncadd.s32 $0xFFFFD800  }
.LBB2_2:
0x19: {  	p0 =	sne.s32 s2, $0xFE00;
	[tilespmem:s0+$0x70] =	vst v0  }
0x1a: {  	[tilespmem:s0+$0x0] =	vst v0  }
0x1b: {  	[tilespmem:s0+$0x10] =	vst v0  }
.Ltmp0:
0x1c: {  	[tilespmem:s0+$0x20] =	vst v0;
	(pc) =	sbr.rel @p0 .LBB2_2-.Ltmp0, $4  }
0x1d: {  	[tilespmem:s0+$0x30] =	vst v0  }
0x1e: {  	[tilespmem:s0+$0x40] =	vst v0  }
0x1f: {  	[tilespmem:s0+$0x50] =	vst v0  }
0x20: {  	[tilespmem:s0+$0x60] =	vst v0;
	s0 =	sshra.s32 s2, $0x2;
	s2 =	sadd.s32 $0x200, s2  }
0x21: {  	[tilespmem:s0+$0x70] =	vst v0  }
0x22: {  	[tilespmem:s0+$0x0] =	vst v0  }
0x23: {  	[tilespmem:s0+$0x10] =	vst v0  }
0x24: {  	[tilespmem:s0+$0x20] =	vst v0  }
0x25: {  	[tilespmem:s0+$0x30] =	vst v0  }
0x26: {  	[tilespmem:s0+$0x40] =	vst v0  }
0x27: {  	[tilespmem:s0+$0x50] =	vst v0  }
0x28: {  	[tilespmem:s0+$0x60] =	vst v0;
	s2 =	simm.s32 $0x0  }
0x29: {  	[spmem:s9] =	stream.linear.scatter [tilespmem:s2], [sflag:$0x5], $0x4000, $0x38;
	[tilespmem:$0x1E600] =	vst v63  }
0x2a: {  	_ =	swait.ge [sflag:s19], $0x4000  }
0x2b: {  	[sflag:s19] =	ssyncset.done $0x0  }
0x2c: {  	s11 =	rddreg [dreg:$0x5];
	[sflag:s19] =	ssyncadd.s32 $0xFFFFC000  }
0x2d: {  	[spmem:s11] =	stream.linear.scatter [tilespmem:s2], [sflag:$0x5], $0x4000, $0x38;
	[tilespmem:$0x1E600] =	vst v63  }
0x2e: {  	_ =	swait.ge [sflag:s19], $0x4000  }
0x2f: {  	[sflag:s19] =	ssyncset.done $0x0  }
0x30: {  	s12 =	rddreg [dreg:$0x6];
	[sflag:s19] =	ssyncadd.s32 $0xFFFFC000  }
0x31: {  	[spmem:s12] =	stream.linear.scatter [tilespmem:s2], [sflag:$0x5], $0x4000, $0x38;
	[tilespmem:$0x1E600] =	vst v63  }
0x32: {  	_ =	swait.ge [sflag:s19], $0x4000  }
0x33: {  	[sflag:s19] =	ssyncset.done $0x0  }
0x34: {  	s13 =	rddreg [dreg:$0x7];
	[sflag:s19] =	ssyncadd.s32 $0xFFFFC000  }
0x35: {  	[spmem:s13] =	stream.linear.scatter [tilespmem:s2], [sflag:$0x5], $0x4000, $0x38;
	[tilespmem:$0x1E600] =	vst v63  }
0x36: {  	_ =	swait.ge [sflag:s19], $0x4000  }
0x37: {  	[sflag:s19] =	ssyncset.done $0x0  }
0x38: {  	s18 =	rddreg [dreg:$0x8];
	[sflag:s19] =	ssyncadd.s32 $0xFFFFC000  }
0x39: {  	[spmem:s18] =	stream.linear.scatter [tilespmem:s2], [sflag:$0x5], $0x3C00, $0x38;
	[tilespmem:$0x1E600] =	vst v63  }
0x3a: {  	_ =	swait.ge [sflag:s19], $0x3C00  }
0x3b: {  	[sflag:s19] =	ssyncset.done $0x0  }
0x3c: {  	[sflag:s19] =	ssyncadd.s32 $0xFFFFC400  }
0x3d: {  	[bflag:$0x0] =	sbarrier.arrive $0xFFFF  }
0x3e: {  	[tilespmem:s2], [sflag:$0x1] =	stream.indirect.gather [hbm4b:s1+s20], $0x80, s8, s20, $0xb8;
	[tilespmem:$0x1E600] =	vst v63  }
0x3f: {  	_ = 	snop  }
0x40: {  	[tilespmem:s21], [sflag:$0x1] =	stream.linear.gather [hbm4b:s14+s2], $0x80, $0x38;
	[tilespmem:$0x1E600] =	vst v63  }
0x41: {  	s0 =	simm.s32 $0x0  }
0x42: {  	[tilespmem:s22], [sflag:$0x1] =	stream.linear.gather [hbm4b:s15+s2], $0x80, $0x38;
	[tilespmem:$0x1E600] =	vst v63  }
.LBB2_4:
0x43: {  	_ =	swait.ge [sflag:s23], $0x4000  }
0x44: {  	[sflag:s23] =	ssyncset.done $0x0  }
0x45: {  	[sflag:s23] =	ssyncadd.s32 $0xFFFFC000  }
0x46: {  	_ =	swait.ge [sflag:s23], $0x80  }
0x47: {  	[sflag:s23] =	ssyncset.done $0x0  }
0x48: {  	[sflag:s23] =	ssyncadd.s32 $0xFFFFFF80  }
0x49: {  	s18 =	sshll.u32 s0, $0x1;
	_ =	swait.ge [sflag:s23], $0x80  }
0x4a: {  	p0 =	seq.s32 s0, $0x0;
	s13 =	simm.s32 $0x2;
	[sflag:s23] =	ssyncset.done $0x0  }
0x4b: {  	s8 =	simm.s32 @!p0 $0x4;
	s10 =	sor.u32 $0x1, s18;
	[sflag:s23] =	ssyncadd.s32 $0xFFFFFF80  }
0x4c: {  	s12 =	sadd.s32 s7, s18;
	s11 =	sshll.u32 s10, $0x7;
	_ =	swait.ge @!p0 [sflag:s8], $0x4000  }
0x4d: {  	s10 =	sshll.u32 s10, $0x4;
	s11 =	sand.u32 $0x3FFFFF80, s11;
	[sflag:s8] =	ssyncset.done @!p0 $0x0  }
0x4e: {  	v1 =	vmov s2;
	s11 =	sadd.s32 $0x8000, s11;
	[sflag:s8] =	ssyncadd.s32 @!p0 $0xFFFFC000;
	s8 =	sshll.u32 s12, $0x4  }
0x4f: {  	v1 =	vand.u32 $0xFFFFFFFC, v1;
	v2 =	vmov s13;
	[tilespmem:s24], [sflag:$0x2] =	stream.indirect.gather [hbm4b:s1+s20], $0x80, s11, s20, $0xb8;
	[tilespmem:$0x1E600] =	vst v63  }
0x50: {  	v1 =	vbroadcast v1, $0x0;
	v2 =	vand.u32 $0xFFFFFFFE, v2;
	s10 =	sand.u32 $0x70, s10;
	s8 =	sand.u32 $0xFFFFF80, s8  }
0x51: {  	v2 =	vbroadcast v2, $0x0;
	s8 =	sor.u32 s10, s8  }
0x52: {  	s10 =	sadd.s32 s6, s8  }
0x53: {  	[tilespmem:s25], [sflag:$0x2] =	stream.linear.gather [hbm4b:s10+s2], $0x80, $0x38;
	[tilespmem:$0x1E600] =	vst v63  }
0x54: {  	s8 =	sadd.s32 s5, s8  }
0x55: {  	[tilespmem:s26], [sflag:$0x2] =	stream.linear.gather [hbm4b:s8+s2], $0x80, $0x38;
	[tilespmem:$0x1E600] =	vst v63  }
0x56: {  	v1 =	vld.idx.msk [tilespmem:v1+s21+$0x0], $0xffff  }
0x57: {  	s8 =	simm.s32 $0x100;
	v2 =	vld.idx.msk [tilespmem:v2+s21+$0x0], $0xffff  }
0x58: {  	s12 =	simm.s32 $0x1;
	v4 =	vld [tilespmem:s8+$0x70]  }
0x59: {  	v3 =	vmov s12;
	v5 =	vld [tilespmem:s8+$0xFFFFFF00]  }
0x5a: {  	v3 =	vand.u32 $0xFFFFFFFD, v3;
	v6 =	vld [tilespmem:s8+$0xFFFFFF10]  }
0x5b: {  	v3 =	vbroadcast v3, $0x0;
	v7 =	vld [tilespmem:s8+$0xFFFFFF20]  }
0x5c: {  	v8 =	vld [tilespmem:s8+$0xFFFFFF30]  }
0x5d: {  	v9 =	vld [tilespmem:s8+$0xFFFFFF40]  }
0x5e: {  	v10 =	vld [tilespmem:s8+$0xFFFFFF50]  }
0x5f: {  	v11 =	vld [tilespmem:s8+$0xFFFFFF60];
	v5 =	vmul.f32 v5, v1  }
0x60: {  	v13 =	vld [tilespmem:s8+$0x40];
	v4 =	vmul.f32 v4, v2  }
0x61: {  	v3 =	vld.idx.msk [tilespmem:v3+s21+$0x0], $0xffff;
	[tilespmem:s8+$0xFFFFFF00] =	vst v5;
	v5 =	vmul.f32 v6, v1  }
0x62: {  	v6 =	vld [tilespmem:s8+$0xFFFFFF70];
	[tilespmem:s8+$0x70] =	vst v4;
	v4 =	vmul.f32 v7, v1  }
0x63: {  	v7 =	vld [tilespmem:s8+$0xFFFFFF80];
	[tilespmem:s8+$0xFFFFFF10] =	vst v5;
	v5 =	vmul.f32 v8, v1  }
0x64: {  	v8 =	vld [tilespmem:s8+$0xFFFFFF90];
	[tilespmem:s8+$0xFFFFFF20] =	vst v4;
	v4 =	vmul.f32 v9, v1  }
0x65: {  	v9 =	vld [tilespmem:s8+$0xFFFFFFA0];
	[tilespmem:s8+$0xFFFFFF30] =	vst v5;
	v5 =	vmul.f32 v10, v1  }
0x66: {  	v10 =	vld [tilespmem:s8+$0xFFFFFFB0];
	[tilespmem:s8+$0xFFFFFF40] =	vst v4;
	v4 =	vmul.f32 v11, v1  }
0x67: {  	v11 =	vld [tilespmem:s8+$0xFFFFFFC0];
	v6 =	vmul.f32 v6, v1;
	[tilespmem:s8+$0xFFFFFF50] =	vst v5  }
0x68: {  	v5 =	vmul.f32 v7, v3;
	v7 =	vld [tilespmem:s8+$0xFFFFFFD0];
	[tilespmem:s8+$0xFFFFFF60] =	vst v4  }
0x69: {  	s13 =	simm.s32 $0x3;
	v4 =	vld [tilespmem:s8+$0xFFFFFFE0];
	v8 =	vmul.f32 v8, v3;
	[tilespmem:s8+$0xFFFFFF70] =	vst v6  }
0x6a: {  	v12 =	vmov s13;
	v6 =	vld [tilespmem:s8+$0xFFFFFFF0];
	[tilespmem:s8+$0xFFFFFF80] =	vst v5;
	v5 =	vmul.f32 v9, v3  }
0x6b: {  	v9 =	vld [tilespmem:s8+$0x0];
	[tilespmem:s8+$0xFFFFFF90] =	vst v8;
	v8 =	vmul.f32 v10, v3  }
0x6c: {  	v10 =	vld [tilespmem:s8+$0x10];
	[tilespmem:s8+$0xFFFFFFA0] =	vst v5;
	v5 =	vmul.f32 v11, v3  }
0x6d: {  	[tilespmem:s8+$0xFFFFFFB0] =	vst v8;
	v7 =	vmul.f32 v7, v3;
	v8 =	vld [tilespmem:s8+$0x20]  }
0x6e: {  	v11 =	vld [tilespmem:s8+$0x30];
	v4 =	vmul.f32 v4, v3;
	[tilespmem:s8+$0xFFFFFFC0] =	vst v5  }
0x6f: {  	v1 =	vld.idx.msk [tilespmem:v12+s21+$0x0], $0xffff;
	v3 =	vmul.f32 v6, v3;
	[tilespmem:s8+$0xFFFFFFD0] =	vst v7  }
0x70: {  	[tilespmem:s8+$0xFFFFFFE0] =	vst v4;
	v5 =	vmul.f32 v9, v2;
	v4 =	vld [tilespmem:s8+$0x50]  }
0x71: {  	s11 =	simm.s32 $0x4;
	[tilespmem:s8+$0xFFFFFFF0] =	vst v3;
	v6 =	vmul.f32 v10, v2;
	v3 =	vld [tilespmem:s8+$0x60]  }
0x72: {  	s12 =	simm.s32 $0x7;
	v7 =	vmov s11;
	[tilespmem:s8+$0x0] =	vst v5;
	v9 =	vmul.f32 v8, v2;
	v8 =	vld [tilespmem:s8+$0x80]  }
0x73: {  	s13 =	simm.s32 $0x5;
	v12 =	vand.u32 $0xFFFFFFFC, v7;
	v7 =	vld [tilespmem:s8+$0x90];
	v5 =	vmov s12;
	v10 =	vmul.f32 v11, v2;
	[tilespmem:s8+$0x10] =	vst v6  }
0x74: {  	s10 =	simm.s32 $0x100;
	s11 =	simm.s32 $0x8;
	s12 =	simm.s32 $0x6;
	v11 =	vmul.f32 v13, v2;
	v6 =	vbroadcast v12, $0x0;
	v12 =	vmov s13;
	[tilespmem:s8+$0x20] =	vst v9;
	v9 =	vld [tilespmem:s8+$0xA0]  }
.LBB2_5:
0x75: {  	p0 =	slt.u32 s11, $0x7C;
	v12 =	vand.u32 $0xFFFFFFFD, v12;
	v13 =	vmov s12;
	[tilespmem:s8+$0x30] =	vst v10;
	v4 =	vmul.f32 v4, v2;
	v10 =	vld [tilespmem:s8+$0xB0]  }
0x76: {  	v12 =	vbroadcast v12, $0x0;
	v13 =	vand.u32 $0xFFFFFFFE, v13;
	[tilespmem:s8+$0x40] =	vst v11;
	v2 =	vmul.f32 v3, v2;
	v3 =	vld [tilespmem:s8+$0xC0]  }
0x77: {  	v11 =	vbroadcast v13, $0x0;
	[tilespmem:s8+$0x50] =	vst v4;
	v4 =	vmul.f32 v8, v1;
	v8 =	vld [tilespmem:s8+$0xD0]  }
0x78: {  	[tilespmem:s8+$0x60] =	vst v2;
	v2 =	vmul.f32 v7, v1;
	v7 =	vld [tilespmem:s8+$0xE0]  }
0x79: {  	[tilespmem:s8+$0x80] =	vst v4;
	v4 =	vmul.f32 v9, v1;
	v9 =	vld [tilespmem:s8+$0xF0]  }
0x7a: {  	v5 =	vld.idx.msk [tilespmem:v5+s21+$0x0], $0xffff;
	[tilespmem:s8+$0x90] =	vst v2;
	v2 =	vmul.f32 v10, v1  }
0x7b: {  	v6 =	vld.idx.msk [tilespmem:v6+s21+$0x0], $0xffff;
	[tilespmem:s8+$0xA0] =	vst v4;
	v3 =	vmul.f32 v3, v1  }
0x7c: {  	v4 =	vld.idx.msk [tilespmem:v12+s21+$0x0], $0xffff;
	[tilespmem:s8+$0xB0] =	vst v2;
	v8 =	vmul.f32 v8, v1  }
0x7d: {  	s8 =	sadd.s32 $0x200, s8;
	v2 =	vld.idx.msk [tilespmem:v11+s21+$0x0], $0xffff;
	[tilespmem:s10+$0xC0] =	vst v3;
	v3 =	vmul.f32 v7, v1  }
0x7e: {  	v7 =	vld [tilespmem:s8+$0x70];
	[tilespmem:s10+$0xD0] =	vst v8;
	v9 =	vmul.f32 v9, v1  }
0x7f: {  	v8 =	vld [tilespmem:s8+$0xFFFFFF00];
	[tilespmem:s10+$0xE0] =	vst v3  }
0x80: {  	v1 =	vmov v5;
	v3 =	vld [tilespmem:s8+$0xFFFFFF10];
	[tilespmem:s10+$0xF0] =	vst v9;
	s10 =	smov.u32 s8  }
0x81: {  	v5 =	vld [tilespmem:s8+$0xFFFFFF20]  }
0x82: {  	v9 =	vld [tilespmem:s8+$0xFFFFFF30]  }
0x83: {  	v10 =	vld [tilespmem:s8+$0xFFFFFF40];
	v7 =	vmul.f32 v7, v2  }
0x84: {  	v8 =	vmul.f32 v8, v6;
	v11 =	vld [tilespmem:s8+$0xFFFFFF50]  }
0x85: {  	v3 =	vmul.f32 v3, v6;
	v12 =	vld [tilespmem:s8+$0xFFFFFF60];
	[tilespmem:s8+$0x70] =	vst v7  }
0x86: {  	[tilespmem:s8+$0xFFFFFF00] =	vst v8;
	v5 =	vmul.f32 v5, v6;
	v7 =	vld [tilespmem:s8+$0xFFFFFF70]  }
0x87: {  	[tilespmem:s8+$0xFFFFFF10] =	vst v3;
	v3 =	vmul.f32 v9, v6;
	v8 =	vld [tilespmem:s8+$0xFFFFFF80]  }
0x88: {  	[tilespmem:s8+$0xFFFFFF20] =	vst v5;
	v5 =	vmul.f32 v10, v6;
	v9 =	vld [tilespmem:s8+$0xFFFFFF90]  }
0x89: {  	[tilespmem:s8+$0xFFFFFF30] =	vst v3;
	v3 =	vmul.f32 v11, v6;
	v10 =	vld [tilespmem:s8+$0xFFFFFFA0]  }
0x8a: {  	[tilespmem:s8+$0xFFFFFF40] =	vst v5;
	v5 =	vmul.f32 v12, v6;
	v11 =	vld [tilespmem:s8+$0xFFFFFFB0]  }
0x8b: {  	[tilespmem:s8+$0xFFFFFF50] =	vst v3;
	v3 =	vmul.f32 v7, v6;
	v6 =	vld [tilespmem:s8+$0xFFFFFFC0]  }
0x8c: {  	[tilespmem:s8+$0xFFFFFF60] =	vst v5;
	v5 =	vmul.f32 v8, v4;
	v7 =	vld [tilespmem:s8+$0xFFFFFFD0]  }
0x8d: {  	[tilespmem:s8+$0xFFFFFF70] =	vst v3;
	v3 =	vmul.f32 v9, v4;
	v8 =	vld [tilespmem:s8+$0xFFFFFFE0]  }
0x8e: {  	[tilespmem:s8+$0xFFFFFF80] =	vst v5;
	v5 =	vmul.f32 v10, v4;
	v9 =	vld [tilespmem:s8+$0xFFFFFFF0]  }
0x8f: {  	[tilespmem:s8+$0xFFFFFF90] =	vst v3;
	v3 =	vmul.f32 v11, v4;
	v10 =	vld [tilespmem:s8+$0x0]  }
0x90: {  	[tilespmem:s8+$0xFFFFFFA0] =	vst v5;
	v5 =	vmul.f32 v6, v4;
	v6 =	vld [tilespmem:s8+$0x10]  }
0x91: {  	[tilespmem:s8+$0xFFFFFFB0] =	vst v3;
	v3 =	vmul.f32 v7, v4;
	v7 =	vld [tilespmem:s8+$0x20]  }
0x92: {  	[tilespmem:s8+$0xFFFFFFC0] =	vst v5;
	v5 =	vmul.f32 v8, v4;
	v11 =	vld [tilespmem:s8+$0x30]  }
0x93: {  	[tilespmem:s8+$0xFFFFFFD0] =	vst v3;
	v3 =	vmul.f32 v9, v4;
	v9 =	vld [tilespmem:s8+$0x40]  }
.Ltmp1:
0x94: {  	[tilespmem:s8+$0xFFFFFFE0] =	vst v5;
	v5 =	vmul.f32 v10, v2;
	v4 =	vld [tilespmem:s8+$0x50];
	(pc) =	sbr.rel @p0 .LBB2_5-.Ltmp1, $4  }
0x95: {  	[tilespmem:s8+$0xFFFFFFF0] =	vst v3;
	v6 =	vmul.f32 v6, v2;
	v3 =	vld [tilespmem:s8+$0x60]  }
0x96: {  	s12 =	sadd.s32 $0x3, s11;
	v10 =	vmov s11;
	[tilespmem:s8+$0x0] =	vst v5;
	v13 =	vmul.f32 v7, v2;
	v8 =	vld [tilespmem:s8+$0x80]  }
0x97: {  	s13 =	sadd.s32 $0x1, s11;
	v12 =	vand.u32 $0xFFFFFFFC, v10;
	v5 =	vmov s12;
	[tilespmem:s8+$0x10] =	vst v6;
	v10 =	vmul.f32 v11, v2;
	v7 =	vld [tilespmem:s8+$0x90]  }
0x98: {  	s12 =	sadd.s32 $0x2, s11;
	s11 =	sadd.s32 $0x4, s11;
	v6 =	vbroadcast v12, $0x0;
	v12 =	vmov s13;
	[tilespmem:s8+$0x20] =	vst v13;
	v11 =	vmul.f32 v9, v2;
	v9 =	vld [tilespmem:s8+$0xA0]  }
0x99: {  	v13 =	vld [tilespmem:s8+$0xB0]  }
0x9a: {  	v15 =	vld [tilespmem:s8+$0xC0]  }
0x9b: {  	v14 =	vmov s12;
	v16 =	vld [tilespmem:s8+$0xD0]  }
0x9c: {  	v17 =	vld [tilespmem:s8+$0xE0];
	[tilespmem:s8+$0x30] =	vst v10;
	v4 =	vmul.f32 v4, v2;
	v14 =	vand.u32 $0xFFFFFFFE, v14  }
0x9d: {  	v12 =	vand.u32 $0xFFFFFFFD, v12;
	v5 =	vld.idx.msk [tilespmem:v5+s21+$0x0], $0xffff;
	[tilespmem:s8+$0x40] =	vst v11;
	v2 =	vmul.f32 v3, v2;
	v14 =	vbroadcast v14, $0x0  }
0x9e: {  	s11 =	sadd.s32 $0x200, s8;
	v12 =	vbroadcast v12, $0x0;
	v3 =	vld.idx.msk [tilespmem:v6+s21+$0x0], $0xffff;
	v8 =	vmul.f32 v8, v1;
	[tilespmem:s8+$0x50] =	vst v4  }
0x9f: {  	v10 =	vld [tilespmem:s11+$0xFFFFFF00];
	v4 =	vmul.f32 v7, v1;
	[tilespmem:s8+$0x60] =	vst v2  }
0xa0: {  	[tilespmem:s8+$0x80] =	vst v8;
	v8 =	vld [tilespmem:s8+$0xF0];
	v2 =	vmul.f32 v9, v1  }
0xa1: {  	v11 =	vld [tilespmem:s11+$0xFFFFFF10];
	[tilespmem:s8+$0x90] =	vst v4;
	v4 =	vmul.f32 v13, v1  }
0xa2: {  	v9 =	vld [tilespmem:s11+$0x70];
	[tilespmem:s8+$0xA0] =	vst v2;
	v2 =	vmul.f32 v15, v1  }
0xa3: {  	[tilespmem:s8+$0xB0] =	vst v4;
	v4 =	vmul.f32 v16, v1;
	v7 =	vld.idx.msk [tilespmem:v14+s21+$0x0], $0xffff  }
0xa4: {  	v6 =	vld.idx.msk [tilespmem:v12+s21+$0x0], $0xffff;
	[tilespmem:s10+$0xC0] =	vst v2;
	v2 =	vmul.f32 v17, v1  }
0xa5: {  	v12 =	vld [tilespmem:s11+$0xFFFFFF20];
	[tilespmem:s10+$0xD0] =	vst v4;
	v1 =	vmul.f32 v8, v1  }
0xa6: {  	v4 =	vld [tilespmem:s11+$0xFFFFFF30];
	[tilespmem:s10+$0xE0] =	vst v2  }
0xa7: {  	v2 =	vld [tilespmem:s11+$0xFFFFFF40];
	[tilespmem:s10+$0xF0] =	vst v1;
	v1 =	vmul.f32 v10, v3  }
0xa8: {  	v8 =	vmul.f32 v9, v7;
	v9 =	vld [tilespmem:s11+$0xFFFFFF50]  }
0xa9: {  	v10 =	vmul.f32 v11, v3;
	v11 =	vld [tilespmem:s11+$0xFFFFFF60];
	[tilespmem:s11+$0xFFFFFF00] =	vst v1  }
0xaa: {  	v1 =	vmul.f32 v12, v3;
	[tilespmem:s11+$0x70] =	vst v8;
	v8 =	vld [tilespmem:s11+$0xFFFFFF70]  }
0xab: {  	[tilespmem:s11+$0xFFFFFF10] =	vst v10;
	v10 =	vld [tilespmem:s11+$0xFFFFFF80];
	v4 =	vmul.f32 v4, v3  }
0xac: {  	[tilespmem:s11+$0xFFFFFF20] =	vst v1;
	v1 =	vmul.f32 v2, v3;
	v2 =	vld [tilespmem:s11+$0xFFFFFF90]  }
0xad: {  	[tilespmem:s11+$0xFFFFFF30] =	vst v4;
	v4 =	vmul.f32 v9, v3;
	v9 =	vld [tilespmem:s11+$0xFFFFFFA0]  }
0xae: {  	[tilespmem:s11+$0xFFFFFF40] =	vst v1;
	v1 =	vmul.f32 v11, v3;
	v11 =	vld [tilespmem:s11+$0xFFFFFFB0]  }
0xaf: {  	[tilespmem:s11+$0xFFFFFF50] =	vst v4;
	v3 =	vmul.f32 v8, v3;
	v4 =	vld [tilespmem:s11+$0xFFFFFFC0]  }
0xb0: {  	[tilespmem:s11+$0xFFFFFF60] =	vst v1;
	v1 =	vmul.f32 v10, v6;
	v8 =	vld [tilespmem:s11+$0xFFFFFFD0]  }
0xb1: {  	v2 =	vmul.f32 v2, v6;
	[tilespmem:s11+$0xFFFFFF70] =	vst v3;
	v3 =	vld [tilespmem:s11+$0xFFFFFFE0]  }
0xb2: {  	[tilespmem:s11+$0xFFFFFF80] =	vst v1;
	v1 =	vmul.f32 v9, v6;
	v9 =	vld [tilespmem:s11+$0xFFFFFFF0]  }
0xb3: {  	v10 =	vld [tilespmem:s11+$0x0];
	[tilespmem:s11+$0xFFFFFF90] =	vst v2;
	v2 =	vmul.f32 v11, v6  }
0xb4: {  	[tilespmem:s11+$0xFFFFFFA0] =	vst v1;
	v1 =	vmul.f32 v4, v6;
	v4 =	vld [tilespmem:s11+$0x10]  }
0xb5: {  	[tilespmem:s11+$0xFFFFFFB0] =	vst v2;
	v2 =	vmul.f32 v8, v6;
	v8 =	vld [tilespmem:s11+$0x20]  }
0xb6: {  	[tilespmem:s11+$0xFFFFFFC0] =	vst v1;
	v1 =	vmul.f32 v3, v6;
	v3 =	vld [tilespmem:s11+$0x30]  }
0xb7: {  	[tilespmem:s11+$0xFFFFFFD0] =	vst v2;
	v2 =	vmul.f32 v9, v6;
	v6 =	vld [tilespmem:s11+$0x40]  }
0xb8: {  	v9 =	vld [tilespmem:s11+$0x50];
	[tilespmem:s11+$0xFFFFFFE0] =	vst v1;
	v1 =	vmul.f32 v10, v7  }
0xb9: {  	[tilespmem:s11+$0xFFFFFFF0] =	vst v2;
	v2 =	vmul.f32 v4, v7;
	v4 =	vld [tilespmem:s11+$0x60]  }
0xba: {  	[tilespmem:s11+$0x0] =	vst v1;
	v1 =	vmul.f32 v8, v7;
	v8 =	vld [tilespmem:s11+$0x80]  }
0xbb: {  	[tilespmem:s11+$0x10] =	vst v2;
	v2 =	vmul.f32 v3, v7;
	v3 =	vld [tilespmem:s11+$0x90]  }
0xbc: {  	[tilespmem:s11+$0x20] =	vst v1;
	v1 =	vmul.f32 v6, v7;
	v6 =	vld [tilespmem:s11+$0xA0]  }
0xbd: {  	[tilespmem:s11+$0x30] =	vst v2;
	v2 =	vmul.f32 v9, v7;
	v9 =	vld [tilespmem:s11+$0xB0]  }
0xbe: {  	[tilespmem:s11+$0x40] =	vst v1;
	v1 =	vmul.f32 v4, v7;
	v4 =	vld [tilespmem:s11+$0xC0]  }
0xbf: {  	v7 =	vld [tilespmem:s11+$0xD0];
	[tilespmem:s11+$0x50] =	vst v2;
	v2 =	vmul.f32 v8, v5  }
0xc0: {  	[tilespmem:s11+$0x60] =	vst v1;
	v1 =	vmul.f32 v3, v5;
	v3 =	vld [tilespmem:s11+$0xE0]  }
0xc1: {  	[tilespmem:s11+$0x80] =	vst v2;
	v2 =	vmul.f32 v6, v5;
	v6 =	vld [tilespmem:s11+$0xF0]  }
0xc2: {  	[tilespmem:s11+$0x90] =	vst v1;
	v1 =	vmul.f32 v9, v5  }
0xc3: {  	[tilespmem:s11+$0xA0] =	vst v2;
	v2 =	vmul.f32 v4, v5  }
0xc4: {  	[tilespmem:s11+$0xB0] =	vst v1;
	v1 =	vmul.f32 v7, v5  }
0xc5: {  	[tilespmem:s11+$0xC0] =	vst v2;
	v2 =	vmul.f32 v3, v5  }
0xc6: {  	[tilespmem:s11+$0xD0] =	vst v1;
	v1 =	vmul.f32 v6, v5  }
0xc7: {  	[tilespmem:s11+$0xE0] =	vst v2  }
0xc8: {  	[tilespmem:s11+$0xF0] =	vst v1  }
0xc9: {  	[spmem:s3] =	stream.indirect.scatter.add.f32 [tilespmem:s4], [sflag:$0x3], $0x80, s22, s20, $0xb8;
	[tilespmem:$0x1E600] =	vst v63  }
0xca: {  	_ =	swait.ge [sflag:s28], $0x4000  }
0xcb: {  	[sflag:s28] =	ssyncset.done $0x0  }
0xcc: {  	[sflag:s28] =	ssyncadd.s32 $0xFFFFC000  }
0xcd: {  	_ =	swait.ge [sflag:s28], $0x80  }
0xce: {  	[sflag:s28] =	ssyncset.done $0x0  }
0xcf: {  	[sflag:s28] =	ssyncadd.s32 $0xFFFFFF80  }
0xd0: {  	_ =	swait.ge [sflag:s28], $0x80  }
0xd1: {  	p0 =	seq.s32 s0, $0x27;
	[sflag:s28] =	ssyncset.done $0x0  }
0xd2: {  	s8 =	sadd.s32 @!p0 $0x2, s18;
	[sflag:s28] =	ssyncadd.s32 $0xFFFFFF80  }
0xd3: {  	s12 =	simm.s32 @!p0 $0x0;
	s10 =	sshll.u32 @!p0 s8, $0x7;
	_ =	swait.ge [sflag:s29], $0x4000  }
0xd4: {  	s18 =	simm.s32 $0x0;
	s10 =	sand.u32 @!p0 $0x3FFFFF80, s10;
	[sflag:s29] =	ssyncset.done $0x0  }
0xd5: {  	s10 =	sadd.s32 @!p0 $0x8000, s10;
	s11 =	simm.s32 @!p0 $0x80;
	[sflag:s29] =	ssyncadd.s32 $0xFFFFC000  }
0xd6: {  	[tilespmem:s12], [sflag:$0x1] =	stream.indirect.gather @!p0 [hbm4b:s1+s11], $0x80, s10, s11, $0xb8;
	[tilespmem:$0x1E600] =	vst v63  }
0xd7: {  	s13 =	simm.s32 $0x2;
	v1 =	vmov s18;
	s11 =	sadd.s32 @!p0 s7, s8  }
0xd8: {  	v2 =	vmov s13;
	v1 =	vand.u32 $0xFFFFFFFC, v1;
	s8 =	sshll.u32 @!p0 s8, $0x4;
	s11 =	sshll.u32 @!p0 s11, $0x4  }
0xd9: {  	v2 =	vand.u32 $0xFFFFFFFE, v2;
	v1 =	vbroadcast v1, $0x0;
	s8 =	sand.u32 @!p0 $0x60, s8;
	s10 =	sand.u32 @!p0 $0xFFFFF80, s11  }
0xda: {  	v2 =	vbroadcast v2, $0x0;
	s8 =	sor.u32 @!p0 s8, s10  }
0xdb: {  	s11 =	simm.s32 @!p0 $0xA800;
	s10 =	sadd.s32 @!p0 s6, s8  }
0xdc: {  	[tilespmem:s11], [sflag:$0x1] =	stream.linear.gather @!p0 [hbm4b:s10+s12], $0x80, $0x38;
	[tilespmem:$0x1E600] =	vst v63  }
0xdd: {  	s8 =	sadd.s32 @!p0 s5, s8;
	s10 =	simm.s32 @!p0 $0xA900  }
0xde: {  	[tilespmem:s10], [sflag:$0x1] =	stream.linear.gather @!p0 [hbm4b:s8+s12], $0x80, $0x38;
	[tilespmem:$0x1E600] =	vst v63  }
0xdf: {  	v1 =	vld.idx.msk [tilespmem:v1+s25+$0x0], $0xffff  }
0xe0: {  	s18 =	simm.s32 $0x1;
	s8 =	simm.s32 $0x41F0;
	v2 =	vld.idx.msk [tilespmem:v2+s25+$0x0], $0xffff  }
0xe1: {  	v3 =	vmov s18;
	v4 =	vld [tilespmem:s8+$0xFFFFFF80]  }
0xe2: {  	v3 =	vand.u32 $0xFFFFFFFD, v3;
	v5 =	vld [tilespmem:s8+$0xFFFFFE10]  }
0xe3: {  	v3 =	vbroadcast v3, $0x0;
	v6 =	vld [tilespmem:s8+$0xFFFFFE20]  }
0xe4: {  	v7 =	vld [tilespmem:s8+$0xFFFFFE30]  }
0xe5: {  	v8 =	vld [tilespmem:s8+$0xFFFFFE40]  }
0xe6: {  	v9 =	vld [tilespmem:s8+$0xFFFFFE50]  }
0xe7: {  	v10 =	vld [tilespmem:s8+$0xFFFFFE60]  }
0xe8: {  	v11 =	vld [tilespmem:s8+$0xFFFFFE70];
	v5 =	vmul.f32 v5, v1  }
0xe9: {  	v3 =	vld.idx.msk [tilespmem:v3+s25+$0x0], $0xffff;
	v4 =	vmul.f32 v4, v2  }
0xea: {  	v13 =	vld [tilespmem:s8+$0xFFFFFF50];
	[tilespmem:s8+$0xFFFFFE10] =	vst v5;
	v5 =	vmul.f32 v6, v1  }
0xeb: {  	v6 =	vld [tilespmem:s8+$0xFFFFFE80];
	[tilespmem:s8+$0xFFFFFF80] =	vst v4;
	v4 =	vmul.f32 v7, v1  }
0xec: {  	v7 =	vld [tilespmem:s8+$0xFFFFFE90];
	[tilespmem:s8+$0xFFFFFE20] =	vst v5;
	v5 =	vmul.f32 v8, v1  }
0xed: {  	v8 =	vld [tilespmem:s8+$0xFFFFFEA0];
	[tilespmem:s8+$0xFFFFFE30] =	vst v4;
	v4 =	vmul.f32 v9, v1  }
0xee: {  	v9 =	vld [tilespmem:s8+$0xFFFFFEB0];
	[tilespmem:s8+$0xFFFFFE40] =	vst v5;
	v5 =	vmul.f32 v10, v1  }
0xef: {  	v10 =	vld [tilespmem:s8+$0xFFFFFEC0];
	[tilespmem:s8+$0xFFFFFE50] =	vst v4;
	v4 =	vmul.f32 v11, v1  }
0xf0: {  	v11 =	vld [tilespmem:s8+$0xFFFFFED0];
	v6 =	vmul.f32 v6, v1;
	[tilespmem:s8+$0xFFFFFE60] =	vst v5  }
0xf1: {  	v5 =	vmul.f32 v7, v3;
	v7 =	vld [tilespmem:s8+$0xFFFFFEE0];
	[tilespmem:s8+$0xFFFFFE70] =	vst v4  }
0xf2: {  	s11 =	simm.s32 $0x3;
	v4 =	vld [tilespmem:s8+$0xFFFFFEF0];
	v8 =	vmul.f32 v8, v3;
	[tilespmem:s8+$0xFFFFFE80] =	vst v6  }
0xf3: {  	v12 =	vmov s11;
	v6 =	vld [tilespmem:s8+$0xFFFFFF00];
	[tilespmem:s8+$0xFFFFFE90] =	vst v5;
	v5 =	vmul.f32 v9, v3  }
0xf4: {  	v9 =	vld [tilespmem:s8+$0xFFFFFF10];
	[tilespmem:s8+$0xFFFFFEA0] =	vst v8;
	v8 =	vmul.f32 v10, v3  }
0xf5: {  	v10 =	vld [tilespmem:s8+$0xFFFFFF20];
	[tilespmem:s8+$0xFFFFFEB0] =	vst v5;
	v5 =	vmul.f32 v11, v3  }
0xf6: {  	[tilespmem:s8+$0xFFFFFEC0] =	vst v8;
	v7 =	vmul.f32 v7, v3;
	v8 =	vld [tilespmem:s8+$0xFFFFFF30]  }
0xf7: {  	v11 =	vld [tilespmem:s8+$0xFFFFFF40];
	v4 =	vmul.f32 v4, v3;
	[tilespmem:s8+$0xFFFFFED0] =	vst v5  }
0xf8: {  	v1 =	vld.idx.msk [tilespmem:v12+s25+$0x0], $0xffff;
	v3 =	vmul.f32 v6, v3;
	[tilespmem:s8+$0xFFFFFEE0] =	vst v7  }
0xf9: {  	[tilespmem:s8+$0xFFFFFEF0] =	vst v4;
	v5 =	vmul.f32 v9, v2;
	v4 =	vld [tilespmem:s8+$0xFFFFFF60]  }
0xfa: {  	s12 =	simm.s32 $0x4;
	[tilespmem:s8+$0xFFFFFF00] =	vst v3;
	v6 =	vmul.f32 v10, v2;
	v3 =	vld [tilespmem:s8+$0xFFFFFF70]  }
0xfb: {  	s13 =	simm.s32 $0x7;
	v7 =	vmov s12;
	[tilespmem:s8+$0xFFFFFF10] =	vst v5;
	v9 =	vmul.f32 v8, v2;
	v8 =	vld [tilespmem:s8+$0xFFFFFF90]  }
0xfc: {  	s18 =	simm.s32 $0x5;
	v12 =	vand.u32 $0xFFFFFFFC, v7;
	v7 =	vld [tilespmem:s8+$0xFFFFFFA0];
	v5 =	vmov s13;
	v10 =	vmul.f32 v11, v2;
	[tilespmem:s8+$0xFFFFFF20] =	vst v6  }
0xfd: {  	s11 =	simm.s32 $0x8;
	s10 =	simm.s32 $0x41F0;
	s12 =	simm.s32 $0x6;
	v11 =	vmul.f32 v13, v2;
	v6 =	vbroadcast v12, $0x0;
	v12 =	vmov s18;
	[tilespmem:s8+$0xFFFFFF30] =	vst v9;
	v9 =	vld [tilespmem:s8+$0xFFFFFFB0]  }
.LBB2_7:
0xfe: {  	p0 =	slt.u32 s11, $0x7C;
	v12 =	vand.u32 $0xFFFFFFFD, v12;
	v13 =	vmov s12;
	[tilespmem:s8+$0xFFFFFF40] =	vst v10;
	v4 =	vmul.f32 v4, v2;
	v10 =	vld [tilespmem:s8+$0xFFFFFFC0]  }
0xff: {  	v12 =	vbroadcast v12, $0x0;
	v13 =	vand.u32 $0xFFFFFFFE, v13;
	[tilespmem:s8+$0xFFFFFF50] =	vst v11;
	v2 =	vmul.f32 v3, v2;
	v3 =	vld [tilespmem:s8+$0xFFFFFFD0]  }
0x100: {  	v11 =	vbroadcast v13, $0x0;
	[tilespmem:s8+$0xFFFFFF60] =	vst v4;
	v4 =	vmul.f32 v8, v1;
	v8 =	vld [tilespmem:s8+$0xFFFFFFE0]  }
0x101: {  	[tilespmem:s8+$0xFFFFFF70] =	vst v2;
	v2 =	vmul.f32 v7, v1;
	v7 =	vld [tilespmem:s8+$0xFFFFFFF0]  }
0x102: {  	[tilespmem:s8+$0xFFFFFF90] =	vst v4;
	v4 =	vmul.f32 v9, v1;
	v9 =	vld [tilespmem:s8+$0x0]  }
0x103: {  	v5 =	vld.idx.msk [tilespmem:v5+s25+$0x0], $0xffff;
	[tilespmem:s8+$0xFFFFFFA0] =	vst v2;
	v2 =	vmul.f32 v10, v1  }
0x104: {  	v6 =	vld.idx.msk [tilespmem:v6+s25+$0x0], $0xffff;
	[tilespmem:s8+$0xFFFFFFB0] =	vst v4;
	v3 =	vmul.f32 v3, v1  }
0x105: {  	v4 =	vld.idx.msk [tilespmem:v12+s25+$0x0], $0xffff;
	[tilespmem:s8+$0xFFFFFFC0] =	vst v2;
	v8 =	vmul.f32 v8, v1  }
0x106: {  	s8 =	sadd.s32 $0x200, s8;
	v2 =	vld.idx.msk [tilespmem:v11+s25+$0x0], $0xffff;
	[tilespmem:s10+$0xFFFFFFD0] =	vst v3;
	v3 =	vmul.f32 v7, v1  }
0x107: {  	v7 =	vld [tilespmem:s8+$0xFFFFFF80];
	[tilespmem:s10+$0xFFFFFFE0] =	vst v8;
	v9 =	vmul.f32 v9, v1  }
0x108: {  	v8 =	vld [tilespmem:s8+$0xFFFFFE10];
	[tilespmem:s10+$0xFFFFFFF0] =	vst v3  }
0x109: {  	v1 =	vmov v5;
	v3 =	vld [tilespmem:s8+$0xFFFFFE20];
	[tilespmem:s10+$0x0] =	vst v9;
	s10 =	smov.u32 s8  }
0x10a: {  	v5 =	vld [tilespmem:s8+$0xFFFFFE30]  }
0x10b: {  	v9 =	vld [tilespmem:s8+$0xFFFFFE40]  }
0x10c: {  	v10 =	vld [tilespmem:s8+$0xFFFFFE50];
	v7 =	vmul.f32 v7, v2  }
0x10d: {  	v8 =	vmul.f32 v8, v6;
	v11 =	vld [tilespmem:s8+$0xFFFFFE60]  }
0x10e: {  	v3 =	vmul.f32 v3, v6;
	v12 =	vld [tilespmem:s8+$0xFFFFFE70];
	[tilespmem:s8+$0xFFFFFF80] =	vst v7  }
0x10f: {  	[tilespmem:s8+$0xFFFFFE10] =	vst v8;
	v5 =	vmul.f32 v5, v6;
	v7 =	vld [tilespmem:s8+$0xFFFFFE80]  }
0x110: {  	[tilespmem:s8+$0xFFFFFE20] =	vst v3;
	v3 =	vmul.f32 v9, v6;
	v8 =	vld [tilespmem:s8+$0xFFFFFE90]  }
0x111: {  	[tilespmem:s8+$0xFFFFFE30] =	vst v5;
	v5 =	vmul.f32 v10, v6;
	v9 =	vld [tilespmem:s8+$0xFFFFFEA0]  }
0x112: {  	[tilespmem:s8+$0xFFFFFE40] =	vst v3;
	v3 =	vmul.f32 v11, v6;
	v10 =	vld [tilespmem:s8+$0xFFFFFEB0]  }
0x113: {  	[tilespmem:s8+$0xFFFFFE50] =	vst v5;
	v5 =	vmul.f32 v12, v6;
	v11 =	vld [tilespmem:s8+$0xFFFFFEC0]  }
0x114: {  	[tilespmem:s8+$0xFFFFFE60] =	vst v3;
	v3 =	vmul.f32 v7, v6;
	v6 =	vld [tilespmem:s8+$0xFFFFFED0]  }
0x115: {  	[tilespmem:s8+$0xFFFFFE70] =	vst v5;
	v5 =	vmul.f32 v8, v4;
	v7 =	vld [tilespmem:s8+$0xFFFFFEE0]  }
0x116: {  	[tilespmem:s8+$0xFFFFFE80] =	vst v3;
	v3 =	vmul.f32 v9, v4;
	v8 =	vld [tilespmem:s8+$0xFFFFFEF0]  }
0x117: {  	[tilespmem:s8+$0xFFFFFE90] =	vst v5;
	v5 =	vmul.f32 v10, v4;
	v9 =	vld [tilespmem:s8+$0xFFFFFF00]  }
0x118: {  	[tilespmem:s8+$0xFFFFFEA0] =	vst v3;
	v3 =	vmul.f32 v11, v4;
	v10 =	vld [tilespmem:s8+$0xFFFFFF10]  }
0x119: {  	[tilespmem:s8+$0xFFFFFEB0] =	vst v5;
	v5 =	vmul.f32 v6, v4;
	v6 =	vld [tilespmem:s8+$0xFFFFFF20]  }
0x11a: {  	[tilespmem:s8+$0xFFFFFEC0] =	vst v3;
	v3 =	vmul.f32 v7, v4;
	v7 =	vld [tilespmem:s8+$0xFFFFFF30]  }
0x11b: {  	[tilespmem:s8+$0xFFFFFED0] =	vst v5;
	v5 =	vmul.f32 v8, v4;
	v11 =	vld [tilespmem:s8+$0xFFFFFF40]  }
0x11c: {  	[tilespmem:s8+$0xFFFFFEE0] =	vst v3;
	v3 =	vmul.f32 v9, v4;
	v9 =	vld [tilespmem:s8+$0xFFFFFF50]  }
.Ltmp2:
0x11d: {  	[tilespmem:s8+$0xFFFFFEF0] =	vst v5;
	v5 =	vmul.f32 v10, v2;
	v4 =	vld [tilespmem:s8+$0xFFFFFF60];
	(pc) =	sbr.rel @p0 .LBB2_7-.Ltmp2, $4  }
0x11e: {  	[tilespmem:s8+$0xFFFFFF00] =	vst v3;
	v6 =	vmul.f32 v6, v2;
	v3 =	vld [tilespmem:s8+$0xFFFFFF70]  }
0x11f: {  	s12 =	sadd.s32 $0x3, s11;
	v10 =	vmov s11;
	[tilespmem:s8+$0xFFFFFF10] =	vst v5;
	v13 =	vmul.f32 v7, v2;
	v8 =	vld [tilespmem:s8+$0xFFFFFF90]  }
0x120: {  	s13 =	sadd.s32 $0x1, s11;
	v12 =	vand.u32 $0xFFFFFFFC, v10;
	v5 =	vmov s12;
	[tilespmem:s8+$0xFFFFFF20] =	vst v6;
	v10 =	vmul.f32 v11, v2;
	v7 =	vld [tilespmem:s8+$0xFFFFFFA0]  }
0x121: {  	s12 =	sadd.s32 $0x2, s11;
	s11 =	sadd.s32 $0x4, s11;
	v6 =	vbroadcast v12, $0x0;
	v12 =	vmov s13;
	[tilespmem:s8+$0xFFFFFF30] =	vst v13;
	v11 =	vmul.f32 v9, v2;
	v9 =	vld [tilespmem:s8+$0xFFFFFFB0]  }
0x122: {  	v13 =	vld [tilespmem:s8+$0xFFFFFFC0]  }
0x123: {  	v15 =	vld [tilespmem:s8+$0xFFFFFFD0]  }
0x124: {  	v16 =	vld [tilespmem:s8+$0xFFFFFFE0]  }
0x125: {  	v17 =	vld [tilespmem:s8+$0xFFFFFFF0]  }
0x126: {  	v29 =	vld [tilespmem:s8+$0x0];
	[tilespmem:s8+$0xFFFFFF40] =	vst v10;
	v4 =	vmul.f32 v4, v2  }
0x127: {  	v5 =	vld.idx.msk [tilespmem:v5+s25+$0x0], $0xffff;
	[tilespmem:s8+$0xFFFFFF50] =	vst v11;
	v2 =	vmul.f32 v3, v2  }
0x128: {  	s11 =	sadd.s32 $0x200, s8;
	v3 =	vld.idx.msk [tilespmem:v6+s25+$0x0], $0xffff;
	v8 =	vmul.f32 v8, v1;
	[tilespmem:s8+$0xFFFFFF60] =	vst v4  }
0x129: {  	v14 =	vmov s12;
	v34 =	vld [tilespmem:s11+$0xFFFFFF80];
	v30 =	vmul.f32 v7, v1;
	[tilespmem:s8+$0xFFFFFF70] =	vst v2  }
0x12a: {  	v14 =	vand.u32 $0xFFFFFFFE, v14;
	v35 =	vld [tilespmem:s11+$0xFFFFFE10];
	[tilespmem:s8+$0xFFFFFF90] =	vst v8;
	v2 =	vmul.f32 v9, v1  }
0x12b: {  	v37 =	vld [tilespmem:s11+$0xFFFFFE20];
	v14 =	vbroadcast v14, $0x0;
	[tilespmem:s8+$0xFFFFFFA0] =	vst v30;
	v33 =	vmul.f32 v13, v1  }
0x12c: {  	v38 =	vld [tilespmem:s11+$0xFFFFFE30];
	[tilespmem:s8+$0xFFFFFFB0] =	vst v2;
	v2 =	vmul.f32 v15, v1  }
0x12d: {  	v12 =	vand.u32 $0xFFFFFFFD, v12;
	v39 =	vld [tilespmem:s11+$0xFFFFFE40];
	v36 =	vmul.f32 v16, v1;
	[tilespmem:s8+$0xFFFFFFC0] =	vst v33  }
0x12e: {  	v12 =	vbroadcast v12, $0x0;
	v41 =	vld [tilespmem:s11+$0xFFFFFE60];
	[tilespmem:s10+$0xFFFFFFD0] =	vst v2;
	v2 =	vmul.f32 v17, v1  }
0x12f: {  	v43 =	vld [tilespmem:s11+$0xFFFFFE70];
	[tilespmem:s10+$0xFFFFFFE0] =	vst v36;
	v1 =	vmul.f32 v29, v1  }
0x130: {  	v42 =	vmul.f32 v37, v3;
	[tilespmem:s10+$0xFFFFFFF0] =	vst v2;
	v2 =	vld [tilespmem:s11+$0xFFFFFE50]  }
0x131: {  	v32 =	vld.idx.msk [tilespmem:v14+s25+$0x0], $0xffff;
	[tilespmem:s10+$0x0] =	vst v1;
	v1 =	vmul.f32 v35, v3  }
0x132: {  	v44 =	vld [tilespmem:s11+$0xFFFFFE80];
	v4 =	vmul.f32 v39, v3;
	[tilespmem:s11+$0xFFFFFE20] =	vst v42  }
0x133: {  	v45 =	vld [tilespmem:s11+$0xFFFFFE90];
	[tilespmem:s11+$0xFFFFFE10] =	vst v1;
	v1 =	vmul.f32 v38, v3  }
0x134: {  	v46 =	vmul.f32 v41, v3;
	v31 =	vld.idx.msk [tilespmem:v12+s25+$0x0], $0xffff;
	[tilespmem:s11+$0xFFFFFE40] =	vst v4  }
0x135: {  	[tilespmem:s11+$0xFFFFFE30] =	vst v1;
	v1 =	vmul.f32 v2, v3;
	v2 =	vld [tilespmem:s11+$0xFFFFFEA0]  }
0x136: {  	v47 =	vld [tilespmem:s11+$0xFFFFFEB0];
	[tilespmem:s11+$0xFFFFFE60] =	vst v46;
	v40 =	vmul.f32 v34, v32  }
0x137: {  	v48 =	vld [tilespmem:s11+$0xFFFFFEC0];
	[tilespmem:s11+$0xFFFFFE50] =	vst v1;
	v1 =	vmul.f32 v43, v3  }
0x138: {  	v49 =	vld [tilespmem:s11+$0xFFFFFED0];
	[tilespmem:s11+$0xFFFFFF80] =	vst v40;
	v3 =	vmul.f32 v44, v3  }
0x139: {  	v50 =	vld [tilespmem:s11+$0xFFFFFEE0];
	[tilespmem:s11+$0xFFFFFE70] =	vst v1;
	v1 =	vmul.f32 v45, v31  }
0x13a: {  	[tilespmem:s11+$0xFFFFFE80] =	vst v3;
	v3 =	vld [tilespmem:s11+$0xFFFFFEF0];
	v2 =	vmul.f32 v2, v31  }
0x13b: {  	v51 =	vld [tilespmem:s11+$0xFFFFFF00];
	[tilespmem:s11+$0xFFFFFE90] =	vst v1;
	v1 =	vmul.f32 v47, v31  }
0x13c: {  	v52 =	vld [tilespmem:s11+$0xFFFFFF10];
	[tilespmem:s11+$0xFFFFFEA0] =	vst v2;
	v2 =	vmul.f32 v48, v31  }
0x13d: {  	v53 =	vld [tilespmem:s11+$0xFFFFFF20];
	[tilespmem:s11+$0xFFFFFEB0] =	vst v1;
	v1 =	vmul.f32 v49, v31  }
0x13e: {  	v54 =	vld [tilespmem:s11+$0xFFFFFF30];
	[tilespmem:s11+$0xFFFFFEC0] =	vst v2;
	v2 =	vmul.f32 v50, v31  }
0x13f: {  	[tilespmem:s11+$0xFFFFFED0] =	vst v1;
	v1 =	vmul.f32 v3, v31;
	v3 =	vld [tilespmem:s11+$0xFFFFFF40]  }
0x140: {  	v55 =	vld [tilespmem:s11+$0xFFFFFF50];
	[tilespmem:s11+$0xFFFFFEE0] =	vst v2;
	v2 =	vmul.f32 v51, v31  }
0x141: {  	v56 =	vld [tilespmem:s11+$0xFFFFFF60];
	[tilespmem:s11+$0xFFFFFEF0] =	vst v1;
	v1 =	vmul.f32 v52, v32  }
0x142: {  	v57 =	vld [tilespmem:s11+$0xFFFFFF70];
	[tilespmem:s11+$0xFFFFFF00] =	vst v2;
	v2 =	vmul.f32 v53, v32  }
0x143: {  	v58 =	vld [tilespmem:s11+$0xFFFFFF90];
	[tilespmem:s11+$0xFFFFFF10] =	vst v1;
	v1 =	vmul.f32 v54, v32  }
0x144: {  	[tilespmem:s11+$0xFFFFFF20] =	vst v2;
	v2 =	vmul.f32 v3, v32;
	v3 =	vld [tilespmem:s11+$0xFFFFFFA0]  }
0x145: {  	v59 =	vld [tilespmem:s11+$0xFFFFFFB0];
	[tilespmem:s11+$0xFFFFFF30] =	vst v1;
	v1 =	vmul.f32 v55, v32  }
0x146: {  	v60 =	vld [tilespmem:s11+$0xFFFFFFC0];
	[tilespmem:s11+$0xFFFFFF40] =	vst v2;
	v2 =	vmul.f32 v56, v32  }
0x147: {  	v61 =	vld [tilespmem:s11+$0xFFFFFFD0];
	[tilespmem:s11+$0xFFFFFF50] =	vst v1;
	v1 =	vmul.f32 v57, v32  }
0x148: {  	v62 =	vld [tilespmem:s11+$0xFFFFFFE0];
	[tilespmem:s11+$0xFFFFFF60] =	vst v2;
	v2 =	vmul.f32 v58, v5  }
0x149: {  	[tilespmem:s11+$0xFFFFFF70] =	vst v1;
	v1 =	vmul.f32 v3, v5;
	v3 =	vld [tilespmem:s11+$0xFFFFFFF0]  }
0x14a: {  	v63 =	vld [tilespmem:s11+$0x0];
	[tilespmem:s11+$0xFFFFFF90] =	vst v2;
	v2 =	vmul.f32 v59, v5  }
0x14b: {  	[tilespmem:s11+$0xFFFFFFA0] =	vst v1;
	v1 =	vmul.f32 v60, v5  }
0x14c: {  	s0 =	sadd.s32 $0x1, s0;
	[tilespmem:s11+$0xFFFFFFB0] =	vst v2;
	v2 =	vmul.f32 v61, v5  }
0x14d: {  	p0 =	sne.s32 s0, $0x28;
	[tilespmem:s11+$0xFFFFFFC0] =	vst v1;
	v1 =	vmul.f32 v62, v5  }
.Ltmp3:
0x14e: {  	[tilespmem:s11+$0xFFFFFFD0] =	vst v2;
	v2 =	vmul.f32 v3, v5;
	(pc) =	sbr.rel @p0 .LBB2_4-.Ltmp3, $4  }
0x14f: {  	[tilespmem:s11+$0xFFFFFFE0] =	vst v1;
	v1 =	vmul.f32 v63, v5  }
0x150: {  	[tilespmem:s11+$0xFFFFFFF0] =	vst v2  }
0x151: {  	[tilespmem:s11+$0x0] =	vst v1  }
0x152: {  	[spmem:s3] =	stream.indirect.scatter.add.f32 [tilespmem:s24], [sflag:$0x4], $0x80, s26, s20, $0xb8;
	[tilespmem:$0x1E600] =	vst v63  }
0x153: {  	_ =	swait.ge [sflag:s30], $0x4000;
	s0 =	stileid.u32  }
0x154: {  	s2 =	sshrl.u32 s9, $0x3;
	s31 =	sadd.s32 $0x1, s31;
	[sflag:s30] =	ssyncset.done $0x0  }
0x155: {  	s0 =	sshll.u32 s0, $0x6;
	p0 =	sne.s32 s31, s17;
	[sflag:s30] =	ssyncadd.s32 $0xFFFFC000  }
.Ltmp4:
0x156: {  	s0 =	sor.u32 $0x1C05, s0;
	[bflag:$0x0] =	sbarrier.arrive $0xFFFF;
	(pc) =	sbr.rel @p0 .LBB2_1-.Ltmp4, $4  }
0x157: {  	[hbm:s16], [sflag:s0] =	dma.local [spmem:s2], $0x2780  }
0x158: {  	_ =	swait.ge [sflag:s19], $0x2780  }
0x159: {  	[sflag:s19] =	ssyncset.done $0x0  }
0x15a: {  	s8 =	simm.s32 $0x8000;
	[sflag:s19] =	ssyncadd.s32 $0xFFFFD880  }
0x15b: {  	_ =	sfence.sel $0x180000  }
0x15c: {  	[bflag:$0x0] =	sbarrier.arrive $0xFFFF  }
0x15d: {  	_ =	strace $0x9000004A  }
0x15e: {  	s0 =	stileid.u32;
	[bflag:$0x2] =	sbarrier.arrive $0xFFFF  }
0x15f: {  	p0 =	sne.s32 s0, $0x0;
	s0 =	rddreg [dreg:$0x3]  }
0x160: {  	s0 =	sadd.s32 @!p0 $0x100000, s0  }
0x161: {  	[sflag:s0] =	ssyncadd.tile.s32 @!p0 $0x1;
	_ =	shalt  }
.Lfunc_end2:
_tile_overlayer_lowered:
.L_overlay_start_2:
0x162: {  	(tag) =	ssettag $0x2  }
0x163: {  	s0 =	rddreg [dreg:$0x0];
	s2 =	stileid.u32  }
0x164: {  	s1 =	rddreg [dreg:$0x1];
	p0 =	sne.s32 s2, $0x0  }
0x165: {  	s3 =	rddreg [dreg:$0x2];
	[bflag:$0x3] =	sbarrier.arrive $0xFFFF;
	s2 =	simm.s32 @!p0 $0x1C05  }
0x166: {  	[timem:s3], [sflag:s2] =	dma.local @!p0 [hbm:s0], s1  }
0x167: {  	s0 =	simm.s32 @!p0 $0x5  }
0x168: {  	_ =	swait.ge @!p0 [sflag:s0], s1  }
0x169: {  	s1 =	ssub.s32 @!p0 $0x0, s1;
	[sflag:s0] =	ssyncset.done @!p0 $0x0  }
0x16a: {  	[sflag:s0] =	ssyncadd.s32 @!p0 s1  }
0x16b: {  	[bflag:$0x3] =	sbarrier.arrive $0xFFFF  }
0x16c: {  	_ =	shalt  }

// kernel: kernel.16.cloned.1.call-start
scs
__scs_entry_jumppad:
0x0: {  	(pc) =	sbr.rel $0x88, $3  }
0x1: {  	(tag) =	ssettag $0x0;
	lr =	simm.s32 $0x1  }
0x2: {  	[smem:$0x3F98] =	sst lr;
	_ =	strace $0xD0000000  }
0x3: {  	_ = 	snop  }
0x4: {  	_ = 	snop  }
0x5: {  	_ = 	snop  }
0x6: {  	_ = 	snop  }
0x7: {  	_ = 	snop  }
__scs_overlays_trampoline_lowered:
0x8: {  	[smem:$0x3FA7] =	sst s0  }
0x9: {  	[smem:$0x3FA8] =	sst s1  }
0xa: {  	[smem:$0x3FA9] =	sst s2  }
0xb: {  	[smem:$0x3FAA] =	sst s3  }
0xc: {  	[smem:$0x3FAB] =	sst s4  }
0xd: {  	[smem:$0x3FAC] =	sst s5  }
0xe: {  	[smem:$0x3FAD] =	sst s6  }
0xf: {  	[smem:$0x3FAE] =	sst s7  }
0x10: {  	[smem:$0x3FAF] =	sst s8  }
0x11: {  	[smem:$0x3FB0] =	sst s9;
	s0 =	simm.s32 @!p0 $0x0  }
0x12: {  	s1 =	sld [smem:$0x3F96];
	s0 =	simm.s32 @p0 $0x1  }
0x13: {  	[smem:$0x3FB1] =	sst s0;
	s0 =	simm.s32 @!p1 $0x0  }
0x14: {  	s2 =	sld [smem:$0x3F95];
	s0 =	simm.s32 @p1 $0x1  }
0x15: {  	[smem:$0x3FB2] =	sst s0;
	s0 =	simm.s32 @!p2 $0x0  }
0x16: {  	s3 =	sld [smem:$0x3FDB];
	s0 =	simm.s32 @p2 $0x1  }
0x17: {  	s4 =	simm.s32 $0x1BF5;
	[smem:$0x3FB4] =	sst s0  }
0x18: {  	s0 =	sld [smem:$0x3F97];
	_ =	swait.ge [sflag:s4], $0x0  }
0x19: {  	s7 =	sld [smem:$0x3F98]  }
0x1a: {  	s8 =	sadd.s32 $0xFFFFE003, lr  }
0x1b: {  	s9 =	sadd.s32 $0xFFFFFEF7, lr;
	s5 =	simm.s32 $0xFFFFFFFF;
	p2 =	slt.u32 s8, $0xFFFFF086  }
0x1c: {  	p1 =	slt.u32 s9, $0xF7A;
	s5 =	simm.s32 @!p2 $0x0  }
0x1d: {  	s5 =	simm.s32 @p1 $0x1;
	p0 =	seq.s32 s7, s2  }
0x1e: {  	s7 =	smul.u32 @!p0 $0xF7A, s2;
	p2 =	seq.s32 @!p0 s5, $0x0  }
0x1f: {  	s9 =	smul.u32 $0xF7A, s1;
	s8 =	simm.s32 @!p0 $0x1BF5;
	p2 =	por !p2, p0  }
0x20: {  	[sflag:s8] =	ssyncset.s32 @!p0 $0xFFFFF086;
	s6 =	sadd.s32 @!p0 s3, s7;
	s7 =	simm.s32 @!p0 $0x108  }
0x21: {  	s3 =	sadd.s32 s3, s9;
	s6 =	sadd.s32 @!p0 $0x88, s6;
	s7 =	simm.s32 @p2 $0x1082  }
0x22: {  	[simem:s7], [sflag:s8] =	dma.local @!p0 [hbm:s6], $0xF7A  }
0x23: {  	s9 =	sor.u32 $0xD0000000, s2;
	s6 =	simm.s32 $0x108;
	_ =	swait.ge @!p0 [sflag:s8], $0x0  }
0x24: {  	s3 =	sadd.s32 $0x88, s3;
	s6 =	simm.s32 @!p1 $0x1082;
	[sflag:s4] =	ssyncset.s32 $0xFFFFF086  }
0x25: {  	[simem:s6], [sflag:s4] =	dma.local [hbm:s3], $0xF7A  }
0x26: {  	[smem:$0x3F98] =	sst s1;
	(tag) =	ssettag s2;
	_ =	strace s9  }
0x27: {  	s1 =	sld [smem:$0x3FA8]  }
0x28: {  	s2 =	sld [smem:$0x3FA9]  }
0x29: {  	s4 =	sld [smem:$0x3FAB]  }
0x2a: {  	p0 =	seq.s32 s5, $0x0;
	s5 =	sld [smem:$0x3FAC]  }
0x2b: {  	s6 =	sld [smem:$0x3FAD]  }
0x2c: {  	s7 =	sld [smem:$0x3FAE]  }
0x2d: {  	s3 =	simm.s32 $0x108;
	s8 =	sld [smem:$0x3FAF]  }
0x2e: {  	s3 =	simm.s32 @!p0 $0x1082;
	s9 =	sld [smem:$0x3FB0]  }
0x2f: {  	lr =	sadd.s32 s0, s3;
	s0 =	sld [smem:$0x3FA7]  }
0x30: {  	s3 =	sld [smem:$0x3FAA]  }
0x31: {  	[smem:$0x3FB3] =	sst s10  }
0x32: {  	s10 =	sld [smem:$0x3FB1];
	_ =	sdelay $0x3  }
0x33: {  	p0 =	seq.s32 s10, $0x1;
	s10 =	sld [smem:$0x3FB3];
	_ =	sdelay $0x3  }
0x34: {  	[smem:$0x3FB3] =	sst s10  }
0x35: {  	s10 =	sld [smem:$0x3FB2];
	_ =	sdelay $0x3  }
0x36: {  	p1 =	seq.s32 s10, $0x1;
	s10 =	sld [smem:$0x3FB3];
	_ =	sdelay $0x3  }
0x37: {  	[smem:$0x3FB3] =	sst s10  }
0x38: {  	s10 =	sld [smem:$0x3FB4]  }
0x39: {  	_ = 	snop;
	(pc) =	sbr.ind lr, $3  }
0x3a: {  	_ = 	snop  }
0x3b: {  	_ = 	snop  }
0x3c: {  	p2 =	seq.s32 s10, $0x1;
	s10 =	sld [smem:$0x3FB3]  }
0x3d: {  	_ =	shalt  }
0x3e: {  	_ =	shalt  }
0x3f: {  	_ =	shalt  }
0x40: {  	_ =	shalt  }
0x41: {  	_ =	shalt  }
0x42: {  	_ =	shalt  }
0x43: {  	_ =	shalt  }
0x44: {  	_ =	shalt  }
0x45: {  	_ =	shalt  }
0x46: {  	_ =	shalt  }
0x47: {  	_ =	shalt  }
0x48: {  	_ =	shalt  }
0x49: {  	_ =	shalt  }
0x4a: {  	_ =	shalt  }
0x4b: {  	_ =	shalt  }
0x4c: {  	_ =	shalt  }
0x4d: {  	_ =	shalt  }
0x4e: {  	_ =	shalt  }
0x4f: {  	_ =	shalt  }
0x50: {  	_ =	shalt  }
0x51: {  	_ =	shalt  }
0x52: {  	_ =	shalt  }
0x53: {  	_ =	shalt  }
0x54: {  	_ =	shalt  }
0x55: {  	_ =	shalt  }
0x56: {  	_ =	shalt  }
0x57: {  	_ =	shalt  }
0x58: {  	_ =	shalt  }
0x59: {  	_ =	shalt  }
0x5a: {  	_ =	shalt  }
0x5b: {  	_ =	shalt  }
0x5c: {  	_ =	shalt  }
0x5d: {  	_ =	shalt  }
0x5e: {  	_ =	shalt  }
0x5f: {  	_ =	shalt  }
0x60: {  	_ =	shalt  }
0x61: {  	_ =	shalt  }
0x62: {  	_ =	shalt  }
0x63: {  	_ =	shalt  }
0x64: {  	_ =	shalt  }
0x65: {  	_ =	shalt  }
0x66: {  	_ =	shalt  }
0x67: {  	_ =	shalt  }
0x68: {  	_ =	shalt  }
0x69: {  	_ =	shalt  }
0x6a: {  	_ =	shalt  }
0x6b: {  	_ =	shalt  }
0x6c: {  	_ =	shalt  }
0x6d: {  	_ =	shalt  }
0x6e: {  	_ =	shalt  }
0x6f: {  	_ =	shalt  }
0x70: {  	_ =	shalt  }
0x71: {  	_ =	shalt  }
0x72: {  	_ =	shalt  }
0x73: {  	_ =	shalt  }
0x74: {  	_ =	shalt  }
0x75: {  	_ =	shalt  }
0x76: {  	_ =	shalt  }
0x77: {  	_ =	shalt  }
0x78: {  	_ =	shalt  }
0x79: {  	_ =	shalt  }
0x7a: {  	_ =	shalt  }
0x7b: {  	_ =	shalt  }
0x7c: {  	_ =	shalt  }
0x7d: {  	_ =	shalt  }
0x7e: {  	_ =	shalt  }
0x7f: {  	_ =	shalt  }
0x80: {  	_ =	shalt  }
0x81: {  	_ =	shalt  }
0x82: {  	_ =	shalt  }
0x83: {  	_ =	shalt  }
0x84: {  	_ =	shalt  }
0x85: {  	_ =	shalt  }
0x86: {  	_ =	shalt  }
0x87: {  	_ =	shalt  }
.Lfunc_end0:
.L_simem_size_0:
called_computation.2_lowered:
.L_overlay_start_0:
0x88: {  	s2 =	sld [smem:$0x3FD9]  }
0x89: {  	s3 =	sld [smem:$0x3FFE];
	_ =	sdelay $0x1  }
0x8a: {  	s1 =	srdreg.scid  }
0x8b: {  	s0 =	sand.u32 $0x1, s1  }
0x8c: {  	s17 =	sshll.u32 s0, $0xA;
	s2 =	sadd.s32 s3, s2  }
0x8d: {  	s2 =	sadd.s32 s2, s17  }
0x8e: {  	[smem:$0x3FBF] =	sst s2  }
0x8f: {  	_ = 	snop  }
0x90: {  	s2 =	sld [smem:$0x3FD0];
	(tm) =	ssettm $0x1  }
0x91: {  	s18 =	sld [smem:$0x3FFB];
	_ =	sdelay $0x3  }
0x92: {  	_ =	strace s18  }
0x93: {  	s3 =	sld [smem:$0x3FFC];
	_ =	sdelay $0x3  }
0x94: {  	_ =	strace s3  }
0x95: {  	s3 =	sld [smem:$0x3FFD];
	_ =	sdelay $0x3  }
0x96: {  	_ =	strace s3  }
0x97: {  	_ =	strace $0x8FFFFFFF  }
0x98: {  	s19 =	sld [smem:$0x3FDB];
	_ =	sdelay $0x1  }
0x99: {  	s4 =	simm.s32 $_scs_section_size  }
0x9a: {  	s5 =	simm.s32 $_size__tile_overlayer_lowered;
	s6 =	simm.s32 $_tile_overlayer_lowered  }
0x9b: {  	s22 =	simm.s32 $0x1BFF;
	s21 =	sshll.u32 s6, $0x1;
	s3 =	sadd.s32 s4, s19  }
0x9c: {  	s7 =	simm.s32 $0x0;
	s20 =	sshll.u32 s5, $0x1;
	s5 =	sadd.s32 s21, s3  }
0x9d: {  	[timem:s7], [sflag:s22] =	dma.local [hbm:s5], s20  }
0x9e: {  	_ =	swait.ge [sflag:s22], s20  }
0x9f: {  	s4 =	ssub.s32 $0x0, s20;
	[sflag:s22] =	ssyncset.done $0x0  }
0xa0: {  	[sflag:s22] =	ssyncadd.s32 s4;
	_ =	sdelay $0x1  }
0xa1: {  	s23 =	simm.s32 $0x1B8B  }
0xa2: {  	_ =	swait.ge [sflag:s23], $0x1  }
0xa3: {  	[sflag:s23] =	ssyncset.done $0x0  }
0xa4: {  	s25 =	simm.s32 $0x1B8E;
	s24 =	sld [smem:$0x3FFE];
	[sflag:s23] =	ssyncadd.s32 $0xFFFFFFFF  }
0xa5: {  	s26 =	simm.s32 $execute0_lowered;
	[smem:$0x3FD2] =	sst s25  }
0xa6: {  	s5 =	sshll.u32 s26, $0x1;
	_ =	strace $0x8000004C;
	[dreg:$0x1] =	wrdreg $0xFFFFFFFF  }
0xa7: {  	s28 =	simm.s32 $_size_execute0_lowered;
	s3 =	sadd.s32 s3, s5;
	[dreg:$0x0] =	wrdreg $0x0  }
0xa8: {  	s5 =	sshll.u32 s28, $0x1;
	[dreg:$0x2] =	wrdreg s3  }
0xa9: {  	[dreg:$0x3] =	wrdreg s5  }
0xaa: {  	[dreg:$0x4] =	wrdreg $0xC0  }
0xab: {  	_ =	task [dreg:s7], $0x5FFFF  }
0xac: {  	[dreg:$0x1] =	wrdreg $0xFFFFFFFF  }
0xad: {  	[dreg:$0x0] =	wrdreg $0x60  }
0xae: {  	[dreg:$0x2] =	wrdreg s2  }
0xaf: {  	[dreg:$0x3] =	wrdreg s24  }
0xb0: {  	[dreg:$0x4] =	wrdreg $0xAA000  }
0xb1: {  	[dreg:$0x5] =	wrdreg $0x9  }
0xb2: {  	_ =	task.clear_ibuf [dreg:s7], $0x6FFFF;
	_ =	strace $0x9000004C  }
0xb3: {  	s29 =	simm.s32 $0x9;
	_ =	strace $0x8000004E  }
0xb4: {  	_ =	swait.ge [sflag:s29], $0x1  }
0xb5: {  	[sflag:s29] =	ssyncadd.s32 $0xFFFFFFFF  }
0xb6: {  	_ =	strace $0x9000004E  }
0xb7: {  	_ =	sfence  }
0xb8: {  	s30 =	sld [smem:$0x0];
	_ =	sdelay $0x2  }
0xb9: {  	s31 =	sshll.u32 s1, $0xD;
	s1 =	sshrl.u32 s1, $0x2  }
0xba: {  	s3 =	sand.u32 $0x4000, s31;
	s1 =	sadd.s32 s1, s30  }
0xbb: {  	s0 =	sor.u32 s3, s0;
	s1 =	sshll.u32 s1, $0x11  }
0xbc: {  	s0 =	sor.u32 s1, s0  }
0xbd: {  	s0 =	sadd.s32 $0x8F2B, s0  }
0xbe: {  	[sflag:s0] =	ssyncadd.remote.s32 $0x1  }
0xbf: {  	_ =	sfence.sel $0xFFFF  }
0xc0: {  	[dreg:$0x0] =	wrdreg $0xFFFFFFFF;
	(pc) =	sbr.abs _section_cstart, $3  }
0xc1: {  	[dreg:$0x1] =	wrdreg $0xFFFFFFFF  }
0xc2: {  	_ =	task.clear_ibuf [dreg:s7], $0x2FFFF;
	_ =	strace $0x9FFFFFFF  }
0xc3: {  	(tm) =	ssettm $0x7FFFFFFF  }
tec
execute0_lowered:
.L_overlay_start_1:
0x0: {  	(tag) =	ssettag $0x1  }
0x1: {  	s1 =	rddreg [dreg:$0x0]  }
0x2: {  	s0 =	srdreg.scid;
	s7 =	rddreg [dreg:$0x1]  }
0x3: {  	s11 =	stileid.u32;
	s3 =	rddreg [dreg:$0x2];
	s4 =	simm.s32 $0x0  }
0x4: {  	s19 =	simm.s32 $0x5;
	s20 =	simm.s32 $0x80;
	s28 =	simm.s32 $0x2  }
0x5: {  	s29 =	simm.s32 $0x3;
	s30 =	simm.s32 $0x4;
	s31 =	simm.s32 $0x0  }
0x6: {  	s0 =	sand.u32 $0x1, s0;
	[smem:$0x7FF] =	sst s4;
	s9 =	smul.u32 $0x13C00, s11  }
0x7: {  	s5 =	sadd.s32 $0x2BA00, s7;
	s2 =	sshll.u32 s0, $0x4;
	s6 =	smul.u32 $0x13C000, s0  }
0x8: {  	s0 =	ssub.s32 $0x2, s0;
	s2 =	sor.u32 s11, s2;
	s11 =	smul.u32 $0x4F000, s11  }
0x9: {  	_ =	strace $0x8000004D;
	s12 =	sshrl.u32 s0, $0x1;
	s8 =	smul.u32 $0x500, s2  }
0xa: {  	s9 =	sadd.s32 s9, s6;
	s6 =	sadd.s32 $0x17A00, s7;
	s0 =	ssub.s32 s0, s12  }
0xb: {  	s9 =	sshrl.u32 s9, $0x3;
	s21 =	sshrl.u32 s11, $0x2;
	s17 =	smax.u32 s0, $0x1  }
0xc: {  	s10 =	sadd.s32 s8, s7;
	s16 =	sadd.s32 s9, s7;
	s7 =	smul.u32 $0x50, s2  }
0xd: {  	s9 =	sadd.s32 s21, s3;
	s14 =	sadd.s32 s6, s8;
	s22 =	sadd.s32 $0x21A00, s10  }
0xe: {  	s15 =	sadd.s32 s5, s8;
	s23 =	sadd.s32 $0x4000, s9;
	[dreg:$0x4] =	wrdreg s22  }
0xf: {  	s8 =	simm.s32 $0x8000;
	s24 =	sadd.s32 $0x8000, s9;
	[dreg:$0x5] =	wrdreg s23  }
0x10: {  	s21 =	simm.s32 $0xA800;
	s25 =	sadd.s32 $0xC000, s9;
	[dreg:$0x6] =	wrdreg s24  }
0x11: {  	s26 =	sadd.s32 $0x10000, s9;
	s16 =	sadd.s32 $0x35A00, s16;
	[dreg:$0x7] =	wrdreg s25  }
0x12: {  	[dreg:$0x8] =	wrdreg s26;
	s22 =	simm.s32 $0xA900;
	s23 =	simm.s32 $0x1  }
0x13: {  	v0 =	vimm.f32 $0.0e+00;
	s24 =	simm.s32 $0x4000;
	s25 =	simm.s32 $0xA880;
	s26 =	simm.s32 $0xA980  }
.LBB2_1:
0x14: {  	s0 =	rddreg [dreg:$0x4]  }
0x15: {  	[tilespmem:s8], [sflag:$0x5] =	stream.linear.gather [hbm4b:s0+s4], $0x2800, $0x38;
	[tilespmem:$0x1E600] =	vst v63  }
0x16: {  	_ =	swait.ge [sflag:s19], $0x2800  }
0x17: {  	[sflag:s19] =	ssyncset.done $0x0  }
0x18: {  	s2 =	simm.s32 $0x200;
	s0 =	simm.s32 $0x0;
	[sflag:s19] =	ssyncadd.s32 $0xFFFFD800  }
.LBB2_2:
0x19: {  	p0 =	sne.s32 s2, $0xFE00;
	[tilespmem:s0+$0x70] =	vst v0  }
0x1a: {  	[tilespmem:s0+$0x0] =	vst v0  }
0x1b: {  	[tilespmem:s0+$0x10] =	vst v0  }
.Ltmp0:
0x1c: {  	[tilespmem:s0+$0x20] =	vst v0;
	(pc) =	sbr.rel @p0 .LBB2_2-.Ltmp0, $4  }
0x1d: {  	[tilespmem:s0+$0x30] =	vst v0  }
0x1e: {  	[tilespmem:s0+$0x40] =	vst v0  }
0x1f: {  	[tilespmem:s0+$0x50] =	vst v0  }
0x20: {  	[tilespmem:s0+$0x60] =	vst v0;
	s0 =	sshra.s32 s2, $0x2;
	s2 =	sadd.s32 $0x200, s2  }
0x21: {  	[tilespmem:s0+$0x70] =	vst v0  }
0x22: {  	[tilespmem:s0+$0x0] =	vst v0  }
0x23: {  	[tilespmem:s0+$0x10] =	vst v0  }
0x24: {  	[tilespmem:s0+$0x20] =	vst v0  }
0x25: {  	[tilespmem:s0+$0x30] =	vst v0  }
0x26: {  	[tilespmem:s0+$0x40] =	vst v0  }
0x27: {  	[tilespmem:s0+$0x50] =	vst v0  }
0x28: {  	[tilespmem:s0+$0x60] =	vst v0;
	s2 =	simm.s32 $0x0  }
0x29: {  	[spmem:s9] =	stream.linear.scatter [tilespmem:s2], [sflag:$0x5], $0x4000, $0x38;
	[tilespmem:$0x1E600] =	vst v63  }
0x2a: {  	_ =	swait.ge [sflag:s19], $0x4000  }
0x2b: {  	[sflag:s19] =	ssyncset.done $0x0  }
0x2c: {  	s11 =	rddreg [dreg:$0x5];
	[sflag:s19] =	ssyncadd.s32 $0xFFFFC000  }
0x2d: {  	[spmem:s11] =	stream.linear.scatter [tilespmem:s2], [sflag:$0x5], $0x4000, $0x38;
	[tilespmem:$0x1E600] =	vst v63  }
0x2e: {  	_ =	swait.ge [sflag:s19], $0x4000  }
0x2f: {  	[sflag:s19] =	ssyncset.done $0x0  }
0x30: {  	s12 =	rddreg [dreg:$0x6];
	[sflag:s19] =	ssyncadd.s32 $0xFFFFC000  }
0x31: {  	[spmem:s12] =	stream.linear.scatter [tilespmem:s2], [sflag:$0x5], $0x4000, $0x38;
	[tilespmem:$0x1E600] =	vst v63  }
0x32: {  	_ =	swait.ge [sflag:s19], $0x4000  }
0x33: {  	[sflag:s19] =	ssyncset.done $0x0  }
0x34: {  	s13 =	rddreg [dreg:$0x7];
	[sflag:s19] =	ssyncadd.s32 $0xFFFFC000  }
0x35: {  	[spmem:s13] =	stream.linear.scatter [tilespmem:s2], [sflag:$0x5], $0x4000, $0x38;
	[tilespmem:$0x1E600] =	vst v63  }
0x36: {  	_ =	swait.ge [sflag:s19], $0x4000  }
0x37: {  	[sflag:s19] =	ssyncset.done $0x0  }
0x38: {  	s18 =	rddreg [dreg:$0x8];
	[sflag:s19] =	ssyncadd.s32 $0xFFFFC000  }
0x39: {  	[spmem:s18] =	stream.linear.scatter [tilespmem:s2], [sflag:$0x5], $0x3C00, $0x38;
	[tilespmem:$0x1E600] =	vst v63  }
0x3a: {  	_ =	swait.ge [sflag:s19], $0x3C00  }
0x3b: {  	[sflag:s19] =	ssyncset.done $0x0  }
0x3c: {  	[sflag:s19] =	ssyncadd.s32 $0xFFFFC400  }
0x3d: {  	[bflag:$0x0] =	sbarrier.arrive $0xFFFF  }
0x3e: {  	[tilespmem:s2], [sflag:$0x1] =	stream.indirect.gather [hbm4b:s1+s20], $0x80, s8, s20, $0xb8;
	[tilespmem:$0x1E600] =	vst v63  }
0x3f: {  	_ = 	snop  }
0x40: {  	[tilespmem:s21], [sflag:$0x1] =	stream.linear.gather [hbm4b:s14+s2], $0x80, $0x38;
	[tilespmem:$0x1E600] =	vst v63  }
0x41: {  	s0 =	simm.s32 $0x0  }
0x42: {  	[tilespmem:s22], [sflag:$0x1] =	stream.linear.gather [hbm4b:s15+s2], $0x80, $0x38;
	[tilespmem:$0x1E600] =	vst v63  }
.LBB2_4:
0x43: {  	_ =	swait.ge [sflag:s23], $0x4000  }
0x44: {  	[sflag:s23] =	ssyncset.done $0x0  }
0x45: {  	[sflag:s23] =	ssyncadd.s32 $0xFFFFC000  }
0x46: {  	_ =	swait.ge [sflag:s23], $0x80  }
0x47: {  	[sflag:s23] =	ssyncset.done $0x0  }
0x48: {  	[sflag:s23] =	ssyncadd.s32 $0xFFFFFF80  }
0x49: {  	s18 =	sshll.u32 s0, $0x1;
	_ =	swait.ge [sflag:s23], $0x80  }
0x4a: {  	p0 =	seq.s32 s0, $0x0;
	s13 =	simm.s32 $0x2;
	[sflag:s23] =	ssyncset.done $0x0  }
0x4b: {  	s8 =	simm.s32 @!p0 $0x4;
	s10 =	sor.u32 $0x1, s18;
	[sflag:s23] =	ssyncadd.s32 $0xFFFFFF80  }
0x4c: {  	s12 =	sadd.s32 s7, s18;
	s11 =	sshll.u32 s10, $0x7;
	_ =	swait.ge @!p0 [sflag:s8], $0x4000  }
0x4d: {  	s10 =	sshll.u32 s10, $0x4;
	s11 =	sand.u32 $0x3FFFFF80, s11;
	[sflag:s8] =	ssyncset.done @!p0 $0x0  }
0x4e: {  	v1 =	vmov s2;
	s11 =	sadd.s32 $0x8000, s11;
	[sflag:s8] =	ssyncadd.s32 @!p0 $0xFFFFC000;
	s8 =	sshll.u32 s12, $0x4  }
0x4f: {  	v1 =	vand.u32 $0xFFFFFFFC, v1;
	v2 =	vmov s13;
	[tilespmem:s24], [sflag:$0x2] =	stream.indirect.gather [hbm4b:s1+s20], $0x80, s11, s20, $0xb8;
	[tilespmem:$0x1E600] =	vst v63  }
0x50: {  	v1 =	vbroadcast v1, $0x0;
	v2 =	vand.u32 $0xFFFFFFFE, v2;
	s10 =	sand.u32 $0x70, s10;
	s8 =	sand.u32 $0xFFFFF80, s8  }
0x51: {  	v2 =	vbroadcast v2, $0x0;
	s8 =	sor.u32 s10, s8  }
0x52: {  	s10 =	sadd.s32 s6, s8  }
0x53: {  	[tilespmem:s25], [sflag:$0x2] =	stream.linear.gather [hbm4b:s10+s2], $0x80, $0x38;
	[tilespmem:$0x1E600] =	vst v63  }
0x54: {  	s8 =	sadd.s32 s5, s8  }
0x55: {  	[tilespmem:s26], [sflag:$0x2] =	stream.linear.gather [hbm4b:s8+s2], $0x80, $0x38;
	[tilespmem:$0x1E600] =	vst v63  }
0x56: {  	v1 =	vld.idx.msk [tilespmem:v1+s21+$0x0], $0xffff  }
0x57: {  	s8 =	simm.s32 $0x100;
	v2 =	vld.idx.msk [tilespmem:v2+s21+$0x0], $0xffff  }
0x58: {  	s12 =	simm.s32 $0x1;
	v4 =	vld [tilespmem:s8+$0x70]  }
0x59: {  	v3 =	vmov s12;
	v5 =	vld [tilespmem:s8+$0xFFFFFF00]  }
0x5a: {  	v3 =	vand.u32 $0xFFFFFFFD, v3;
	v6 =	vld [tilespmem:s8+$0xFFFFFF10]  }
0x5b: {  	v3 =	vbroadcast v3, $0x0;
	v7 =	vld [tilespmem:s8+$0xFFFFFF20]  }
0x5c: {  	v8 =	vld [tilespmem:s8+$0xFFFFFF30]  }
0x5d: {  	v9 =	vld [tilespmem:s8+$0xFFFFFF40]  }
0x5e: {  	v10 =	vld [tilespmem:s8+$0xFFFFFF50]  }
0x5f: {  	v11 =	vld [tilespmem:s8+$0xFFFFFF60];
	v5 =	vmul.f32 v5, v1  }
0x60: {  	v13 =	vld [tilespmem:s8+$0x40];
	v4 =	vmul.f32 v4, v2  }
0x61: {  	v3 =	vld.idx.msk [tilespmem:v3+s21+$0x0], $0xffff;
	[tilespmem:s8+$0xFFFFFF00] =	vst v5;
	v5 =	vmul.f32 v6, v1  }
0x62: {  	v6 =	vld [tilespmem:s8+$0xFFFFFF70];
	[tilespmem:s8+$0x70] =	vst v4;
	v4 =	vmul.f32 v7, v1  }
0x63: {  	v7 =	vld [tilespmem:s8+$0xFFFFFF80];
	[tilespmem:s8+$0xFFFFFF10] =	vst v5;
	v5 =	vmul.f32 v8, v1  }
0x64: {  	v8 =	vld [tilespmem:s8+$0xFFFFFF90];
	[tilespmem:s8+$0xFFFFFF20] =	vst v4;
	v4 =	vmul.f32 v9, v1  }
0x65: {  	v9 =	vld [tilespmem:s8+$0xFFFFFFA0];
	[tilespmem:s8+$0xFFFFFF30] =	vst v5;
	v5 =	vmul.f32 v10, v1  }
0x66: {  	v10 =	vld [tilespmem:s8+$0xFFFFFFB0];
	[tilespmem:s8+$0xFFFFFF40] =	vst v4;
	v4 =	vmul.f32 v11, v1  }
0x67: {  	v11 =	vld [tilespmem:s8+$0xFFFFFFC0];
	v6 =	vmul.f32 v6, v1;
	[tilespmem:s8+$0xFFFFFF50] =	vst v5  }
0x68: {  	v5 =	vmul.f32 v7, v3;
	v7 =	vld [tilespmem:s8+$0xFFFFFFD0];
	[tilespmem:s8+$0xFFFFFF60] =	vst v4  }
0x69: {  	s13 =	simm.s32 $0x3;
	v4 =	vld [tilespmem:s8+$0xFFFFFFE0];
	v8 =	vmul.f32 v8, v3;
	[tilespmem:s8+$0xFFFFFF70] =	vst v6  }
0x6a: {  	v12 =	vmov s13;
	v6 =	vld [tilespmem:s8+$0xFFFFFFF0];
	[tilespmem:s8+$0xFFFFFF80] =	vst v5;
	v5 =	vmul.f32 v9, v3  }
0x6b: {  	v9 =	vld [tilespmem:s8+$0x0];
	[tilespmem:s8+$0xFFFFFF90] =	vst v8;
	v8 =	vmul.f32 v10, v3  }
0x6c: {  	v10 =	vld [tilespmem:s8+$0x10];
	[tilespmem:s8+$0xFFFFFFA0] =	vst v5;
	v5 =	vmul.f32 v11, v3  }
0x6d: {  	[tilespmem:s8+$0xFFFFFFB0] =	vst v8;
	v7 =	vmul.f32 v7, v3;
	v8 =	vld [tilespmem:s8+$0x20]  }
0x6e: {  	v11 =	vld [tilespmem:s8+$0x30];
	v4 =	vmul.f32 v4, v3;
	[tilespmem:s8+$0xFFFFFFC0] =	vst v5  }
0x6f: {  	v1 =	vld.idx.msk [tilespmem:v12+s21+$0x0], $0xffff;
	v3 =	vmul.f32 v6, v3;
	[tilespmem:s8+$0xFFFFFFD0] =	vst v7  }
0x70: {  	[tilespmem:s8+$0xFFFFFFE0] =	vst v4;
	v5 =	vmul.f32 v9, v2;
	v4 =	vld [tilespmem:s8+$0x50]  }
0x71: {  	s11 =	simm.s32 $0x4;
	[tilespmem:s8+$0xFFFFFFF0] =	vst v3;
	v6 =	vmul.f32 v10, v2;
	v3 =	vld [tilespmem:s8+$0x60]  }
0x72: {  	s12 =	simm.s32 $0x7;
	v7 =	vmov s11;
	[tilespmem:s8+$0x0] =	vst v5;
	v9 =	vmul.f32 v8, v2;
	v8 =	vld [tilespmem:s8+$0x80]  }
0x73: {  	s13 =	simm.s32 $0x5;
	v12 =	vand.u32 $0xFFFFFFFC, v7;
	v7 =	vld [tilespmem:s8+$0x90];
	v5 =	vmov s12;
	v10 =	vmul.f32 v11, v2;
	[tilespmem:s8+$0x10] =	vst v6  }
0x74: {  	s10 =	simm.s32 $0x100;
	s11 =	simm.s32 $0x8;
	s12 =	simm.s32 $0x6;
	v11 =	vmul.f32 v13, v2;
	v6 =	vbroadcast v12, $0x0;
	v12 =	vmov s13;
	[tilespmem:s8+$0x20] =	vst v9;
	v9 =	vld [tilespmem:s8+$0xA0]  }
.LBB2_5:
0x75: {  	p0 =	slt.u32 s11, $0x7C;
	v12 =	vand.u32 $0xFFFFFFFD, v12;
	v13 =	vmov s12;
	[tilespmem:s8+$0x30] =	vst v10;
	v4 =	vmul.f32 v4, v2;
	v10 =	vld [tilespmem:s8+$0xB0]  }
0x76: {  	v12 =	vbroadcast v12, $0x0;
	v13 =	vand.u32 $0xFFFFFFFE, v13;
	[tilespmem:s8+$0x40] =	vst v11;
	v2 =	vmul.f32 v3, v2;
	v3 =	vld [tilespmem:s8+$0xC0]  }
0x77: {  	v11 =	vbroadcast v13, $0x0;
	[tilespmem:s8+$0x50] =	vst v4;
	v4 =	vmul.f32 v8, v1;
	v8 =	vld [tilespmem:s8+$0xD0]  }
0x78: {  	[tilespmem:s8+$0x60] =	vst v2;
	v2 =	vmul.f32 v7, v1;
	v7 =	vld [tilespmem:s8+$0xE0]  }
0x79: {  	[tilespmem:s8+$0x80] =	vst v4;
	v4 =	vmul.f32 v9, v1;
	v9 =	vld [tilespmem:s8+$0xF0]  }
0x7a: {  	v5 =	vld.idx.msk [tilespmem:v5+s21+$0x0], $0xffff;
	[tilespmem:s8+$0x90] =	vst v2;
	v2 =	vmul.f32 v10, v1  }
0x7b: {  	v6 =	vld.idx.msk [tilespmem:v6+s21+$0x0], $0xffff;
	[tilespmem:s8+$0xA0] =	vst v4;
	v3 =	vmul.f32 v3, v1  }
0x7c: {  	v4 =	vld.idx.msk [tilespmem:v12+s21+$0x0], $0xffff;
	[tilespmem:s8+$0xB0] =	vst v2;
	v8 =	vmul.f32 v8, v1  }
0x7d: {  	s8 =	sadd.s32 $0x200, s8;
	v2 =	vld.idx.msk [tilespmem:v11+s21+$0x0], $0xffff;
	[tilespmem:s10+$0xC0] =	vst v3;
	v3 =	vmul.f32 v7, v1  }
0x7e: {  	v7 =	vld [tilespmem:s8+$0x70];
	[tilespmem:s10+$0xD0] =	vst v8;
	v9 =	vmul.f32 v9, v1  }
0x7f: {  	v8 =	vld [tilespmem:s8+$0xFFFFFF00];
	[tilespmem:s10+$0xE0] =	vst v3  }
0x80: {  	v1 =	vmov v5;
	v3 =	vld [tilespmem:s8+$0xFFFFFF10];
	[tilespmem:s10+$0xF0] =	vst v9;
	s10 =	smov.u32 s8  }
0x81: {  	v5 =	vld [tilespmem:s8+$0xFFFFFF20]  }
0x82: {  	v9 =	vld [tilespmem:s8+$0xFFFFFF30]  }
0x83: {  	v10 =	vld [tilespmem:s8+$0xFFFFFF40];
	v7 =	vmul.f32 v7, v2  }
0x84: {  	v8 =	vmul.f32 v8, v6;
	v11 =	vld [tilespmem:s8+$0xFFFFFF50]  }
0x85: {  	v3 =	vmul.f32 v3, v6;
	v12 =	vld [tilespmem:s8+$0xFFFFFF60];
	[tilespmem:s8+$0x70] =	vst v7  }
0x86: {  	[tilespmem:s8+$0xFFFFFF00] =	vst v8;
	v5 =	vmul.f32 v5, v6;
	v7 =	vld [tilespmem:s8+$0xFFFFFF70]  }
0x87: {  	[tilespmem:s8+$0xFFFFFF10] =	vst v3;
	v3 =	vmul.f32 v9, v6;
	v8 =	vld [tilespmem:s8+$0xFFFFFF80]  }
0x88: {  	[tilespmem:s8+$0xFFFFFF20] =	vst v5;
	v5 =	vmul.f32 v10, v6;
	v9 =	vld [tilespmem:s8+$0xFFFFFF90]  }
0x89: {  	[tilespmem:s8+$0xFFFFFF30] =	vst v3;
	v3 =	vmul.f32 v11, v6;
	v10 =	vld [tilespmem:s8+$0xFFFFFFA0]  }
0x8a: {  	[tilespmem:s8+$0xFFFFFF40] =	vst v5;
	v5 =	vmul.f32 v12, v6;
	v11 =	vld [tilespmem:s8+$0xFFFFFFB0]  }
0x8b: {  	[tilespmem:s8+$0xFFFFFF50] =	vst v3;
	v3 =	vmul.f32 v7, v6;
	v6 =	vld [tilespmem:s8+$0xFFFFFFC0]  }
0x8c: {  	[tilespmem:s8+$0xFFFFFF60] =	vst v5;
	v5 =	vmul.f32 v8, v4;
	v7 =	vld [tilespmem:s8+$0xFFFFFFD0]  }
0x8d: {  	[tilespmem:s8+$0xFFFFFF70] =	vst v3;
	v3 =	vmul.f32 v9, v4;
	v8 =	vld [tilespmem:s8+$0xFFFFFFE0]  }
0x8e: {  	[tilespmem:s8+$0xFFFFFF80] =	vst v5;
	v5 =	vmul.f32 v10, v4;
	v9 =	vld [tilespmem:s8+$0xFFFFFFF0]  }
0x8f: {  	[tilespmem:s8+$0xFFFFFF90] =	vst v3;
	v3 =	vmul.f32 v11, v4;
	v10 =	vld [tilespmem:s8+$0x0]  }
0x90: {  	[tilespmem:s8+$0xFFFFFFA0] =	vst v5;
	v5 =	vmul.f32 v6, v4;
	v6 =	vld [tilespmem:s8+$0x10]  }
0x91: {  	[tilespmem:s8+$0xFFFFFFB0] =	vst v3;
	v3 =	vmul.f32 v7, v4;
	v7 =	vld [tilespmem:s8+$0x20]  }
0x92: {  	[tilespmem:s8+$0xFFFFFFC0] =	vst v5;
	v5 =	vmul.f32 v8, v4;
	v11 =	vld [tilespmem:s8+$0x30]  }
0x93: {  	[tilespmem:s8+$0xFFFFFFD0] =	vst v3;
	v3 =	vmul.f32 v9, v4;
	v9 =	vld [tilespmem:s8+$0x40]  }
.Ltmp1:
0x94: {  	[tilespmem:s8+$0xFFFFFFE0] =	vst v5;
	v5 =	vmul.f32 v10, v2;
	v4 =	vld [tilespmem:s8+$0x50];
	(pc) =	sbr.rel @p0 .LBB2_5-.Ltmp1, $4  }
0x95: {  	[tilespmem:s8+$0xFFFFFFF0] =	vst v3;
	v6 =	vmul.f32 v6, v2;
	v3 =	vld [tilespmem:s8+$0x60]  }
0x96: {  	s12 =	sadd.s32 $0x3, s11;
	v10 =	vmov s11;
	[tilespmem:s8+$0x0] =	vst v5;
	v13 =	vmul.f32 v7, v2;
	v8 =	vld [tilespmem:s8+$0x80]  }
0x97: {  	s13 =	sadd.s32 $0x1, s11;
	v12 =	vand.u32 $0xFFFFFFFC, v10;
	v5 =	vmov s12;
	[tilespmem:s8+$0x10] =	vst v6;
	v10 =	vmul.f32 v11, v2;
	v7 =	vld [tilespmem:s8+$0x90]  }
0x98: {  	s12 =	sadd.s32 $0x2, s11;
	s11 =	sadd.s32 $0x4, s11;
	v6 =	vbroadcast v12, $0x0;
	v12 =	vmov s13;
	[tilespmem:s8+$0x20] =	vst v13;
	v11 =	vmul.f32 v9, v2;
	v9 =	vld [tilespmem:s8+$0xA0]  }
0x99: {  	v13 =	vld [tilespmem:s8+$0xB0]  }
0x9a: {  	v15 =	vld [tilespmem:s8+$0xC0]  }
0x9b: {  	v14 =	vmov s12;
	v16 =	vld [tilespmem:s8+$0xD0]  }
0x9c: {  	v17 =	vld [tilespmem:s8+$0xE0];
	[tilespmem:s8+$0x30] =	vst v10;
	v4 =	vmul.f32 v4, v2;
	v14 =	vand.u32 $0xFFFFFFFE, v14  }
0x9d: {  	v12 =	vand.u32 $0xFFFFFFFD, v12;
	v5 =	vld.idx.msk [tilespmem:v5+s21+$0x0], $0xffff;
	[tilespmem:s8+$0x40] =	vst v11;
	v2 =	vmul.f32 v3, v2;
	v14 =	vbroadcast v14, $0x0  }
0x9e: {  	s11 =	sadd.s32 $0x200, s8;
	v12 =	vbroadcast v12, $0x0;
	v3 =	vld.idx.msk [tilespmem:v6+s21+$0x0], $0xffff;
	v8 =	vmul.f32 v8, v1;
	[tilespmem:s8+$0x50] =	vst v4  }
0x9f: {  	v10 =	vld [tilespmem:s11+$0xFFFFFF00];
	v4 =	vmul.f32 v7, v1;
	[tilespmem:s8+$0x60] =	vst v2  }
0xa0: {  	[tilespmem:s8+$0x80] =	vst v8;
	v8 =	vld [tilespmem:s8+$0xF0];
	v2 =	vmul.f32 v9, v1  }
0xa1: {  	v11 =	vld [tilespmem:s11+$0xFFFFFF10];
	[tilespmem:s8+$0x90] =	vst v4;
	v4 =	vmul.f32 v13, v1  }
0xa2: {  	v9 =	vld [tilespmem:s11+$0x70];
	[tilespmem:s8+$0xA0] =	vst v2;
	v2 =	vmul.f32 v15, v1  }
0xa3: {  	[tilespmem:s8+$0xB0] =	vst v4;
	v4 =	vmul.f32 v16, v1;
	v7 =	vld.idx.msk [tilespmem:v14+s21+$0x0], $0xffff  }
0xa4: {  	v6 =	vld.idx.msk [tilespmem:v12+s21+$0x0], $0xffff;
	[tilespmem:s10+$0xC0] =	vst v2;
	v2 =	vmul.f32 v17, v1  }
0xa5: {  	v12 =	vld [tilespmem:s11+$0xFFFFFF20];
	[tilespmem:s10+$0xD0] =	vst v4;
	v1 =	vmul.f32 v8, v1  }
0xa6: {  	v4 =	vld [tilespmem:s11+$0xFFFFFF30];
	[tilespmem:s10+$0xE0] =	vst v2  }
0xa7: {  	v2 =	vld [tilespmem:s11+$0xFFFFFF40];
	[tilespmem:s10+$0xF0] =	vst v1;
	v1 =	vmul.f32 v10, v3  }
0xa8: {  	v8 =	vmul.f32 v9, v7;
	v9 =	vld [tilespmem:s11+$0xFFFFFF50]  }
0xa9: {  	v10 =	vmul.f32 v11, v3;
	v11 =	vld [tilespmem:s11+$0xFFFFFF60];
	[tilespmem:s11+$0xFFFFFF00] =	vst v1  }
0xaa: {  	v1 =	vmul.f32 v12, v3;
	[tilespmem:s11+$0x70] =	vst v8;
	v8 =	vld [tilespmem:s11+$0xFFFFFF70]  }
0xab: {  	[tilespmem:s11+$0xFFFFFF10] =	vst v10;
	v10 =	vld [tilespmem:s11+$0xFFFFFF80];
	v4 =	vmul.f32 v4, v3  }
0xac: {  	[tilespmem:s11+$0xFFFFFF20] =	vst v1;
	v1 =	vmul.f32 v2, v3;
	v2 =	vld [tilespmem:s11+$0xFFFFFF90]  }
0xad: {  	[tilespmem:s11+$0xFFFFFF30] =	vst v4;
	v4 =	vmul.f32 v9, v3;
	v9 =	vld [tilespmem:s11+$0xFFFFFFA0]  }
0xae: {  	[tilespmem:s11+$0xFFFFFF40] =	vst v1;
	v1 =	vmul.f32 v11, v3;
	v11 =	vld [tilespmem:s11+$0xFFFFFFB0]  }
0xaf: {  	[tilespmem:s11+$0xFFFFFF50] =	vst v4;
	v3 =	vmul.f32 v8, v3;
	v4 =	vld [tilespmem:s11+$0xFFFFFFC0]  }
0xb0: {  	[tilespmem:s11+$0xFFFFFF60] =	vst v1;
	v1 =	vmul.f32 v10, v6;
	v8 =	vld [tilespmem:s11+$0xFFFFFFD0]  }
0xb1: {  	v2 =	vmul.f32 v2, v6;
	[tilespmem:s11+$0xFFFFFF70] =	vst v3;
	v3 =	vld [tilespmem:s11+$0xFFFFFFE0]  }
0xb2: {  	[tilespmem:s11+$0xFFFFFF80] =	vst v1;
	v1 =	vmul.f32 v9, v6;
	v9 =	vld [tilespmem:s11+$0xFFFFFFF0]  }
0xb3: {  	v10 =	vld [tilespmem:s11+$0x0];
	[tilespmem:s11+$0xFFFFFF90] =	vst v2;
	v2 =	vmul.f32 v11, v6  }
0xb4: {  	[tilespmem:s11+$0xFFFFFFA0] =	vst v1;
	v1 =	vmul.f32 v4, v6;
	v4 =	vld [tilespmem:s11+$0x10]  }
0xb5: {  	[tilespmem:s11+$0xFFFFFFB0] =	vst v2;
	v2 =	vmul.f32 v8, v6;
	v8 =	vld [tilespmem:s11+$0x20]  }
0xb6: {  	[tilespmem:s11+$0xFFFFFFC0] =	vst v1;
	v1 =	vmul.f32 v3, v6;
	v3 =	vld [tilespmem:s11+$0x30]  }
0xb7: {  	[tilespmem:s11+$0xFFFFFFD0] =	vst v2;
	v2 =	vmul.f32 v9, v6;
	v6 =	vld [tilespmem:s11+$0x40]  }
0xb8: {  	v9 =	vld [tilespmem:s11+$0x50];
	[tilespmem:s11+$0xFFFFFFE0] =	vst v1;
	v1 =	vmul.f32 v10, v7  }
0xb9: {  	[tilespmem:s11+$0xFFFFFFF0] =	vst v2;
	v2 =	vmul.f32 v4, v7;
	v4 =	vld [tilespmem:s11+$0x60]  }
0xba: {  	[tilespmem:s11+$0x0] =	vst v1;
	v1 =	vmul.f32 v8, v7;
	v8 =	vld [tilespmem:s11+$0x80]  }
0xbb: {  	[tilespmem:s11+$0x10] =	vst v2;
	v2 =	vmul.f32 v3, v7;
	v3 =	vld [tilespmem:s11+$0x90]  }
0xbc: {  	[tilespmem:s11+$0x20] =	vst v1;
	v1 =	vmul.f32 v6, v7;
	v6 =	vld [tilespmem:s11+$0xA0]  }
0xbd: {  	[tilespmem:s11+$0x30] =	vst v2;
	v2 =	vmul.f32 v9, v7;
	v9 =	vld [tilespmem:s11+$0xB0]  }
0xbe: {  	[tilespmem:s11+$0x40] =	vst v1;
	v1 =	vmul.f32 v4, v7;
	v4 =	vld [tilespmem:s11+$0xC0]  }
0xbf: {  	v7 =	vld [tilespmem:s11+$0xD0];
	[tilespmem:s11+$0x50] =	vst v2;
	v2 =	vmul.f32 v8, v5  }
0xc0: {  	[tilespmem:s11+$0x60] =	vst v1;
	v1 =	vmul.f32 v3, v5;
	v3 =	vld [tilespmem:s11+$0xE0]  }
0xc1: {  	[tilespmem:s11+$0x80] =	vst v2;
	v2 =	vmul.f32 v6, v5;
	v6 =	vld [tilespmem:s11+$0xF0]  }
0xc2: {  	[tilespmem:s11+$0x90] =	vst v1;
	v1 =	vmul.f32 v9, v5  }
0xc3: {  	[tilespmem:s11+$0xA0] =	vst v2;
	v2 =	vmul.f32 v4, v5  }
0xc4: {  	[tilespmem:s11+$0xB0] =	vst v1;
	v1 =	vmul.f32 v7, v5  }
0xc5: {  	[tilespmem:s11+$0xC0] =	vst v2;
	v2 =	vmul.f32 v3, v5  }
0xc6: {  	[tilespmem:s11+$0xD0] =	vst v1;
	v1 =	vmul.f32 v6, v5  }
0xc7: {  	[tilespmem:s11+$0xE0] =	vst v2  }
0xc8: {  	[tilespmem:s11+$0xF0] =	vst v1  }
0xc9: {  	[spmem:s3] =	stream.indirect.scatter.add.f32 [tilespmem:s4], [sflag:$0x3], $0x80, s22, s20, $0xb8;
	[tilespmem:$0x1E600] =	vst v63  }
0xca: {  	_ =	swait.ge [sflag:s28], $0x4000  }
0xcb: {  	[sflag:s28] =	ssyncset.done $0x0  }
0xcc: {  	[sflag:s28] =	ssyncadd.s32 $0xFFFFC000  }
0xcd: {  	_ =	swait.ge [sflag:s28], $0x80  }
0xce: {  	[sflag:s28] =	ssyncset.done $0x0  }
0xcf: {  	[sflag:s28] =	ssyncadd.s32 $0xFFFFFF80  }
0xd0: {  	_ =	swait.ge [sflag:s28], $0x80  }
0xd1: {  	p0 =	seq.s32 s0, $0x27;
	[sflag:s28] =	ssyncset.done $0x0  }
0xd2: {  	s8 =	sadd.s32 @!p0 $0x2, s18;
	[sflag:s28] =	ssyncadd.s32 $0xFFFFFF80  }
0xd3: {  	s12 =	simm.s32 @!p0 $0x0;
	s10 =	sshll.u32 @!p0 s8, $0x7;
	_ =	swait.ge [sflag:s29], $0x4000  }
0xd4: {  	s18 =	simm.s32 $0x0;
	s10 =	sand.u32 @!p0 $0x3FFFFF80, s10;
	[sflag:s29] =	ssyncset.done $0x0  }
0xd5: {  	s10 =	sadd.s32 @!p0 $0x8000, s10;
	s11 =	simm.s32 @!p0 $0x80;
	[sflag:s29] =	ssyncadd.s32 $0xFFFFC000  }
0xd6: {  	[tilespmem:s12], [sflag:$0x1] =	stream.indirect.gather @!p0 [hbm4b:s1+s11], $0x80, s10, s11, $0xb8;
	[tilespmem:$0x1E600] =	vst v63  }
0xd7: {  	s13 =	simm.s32 $0x2;
	v1 =	vmov s18;
	s11 =	sadd.s32 @!p0 s7, s8  }
0xd8: {  	v2 =	vmov s13;
	v1 =	vand.u32 $0xFFFFFFFC, v1;
	s8 =	sshll.u32 @!p0 s8, $0x4;
	s11 =	sshll.u32 @!p0 s11, $0x4  }
0xd9: {  	v2 =	vand.u32 $0xFFFFFFFE, v2;
	v1 =	vbroadcast v1, $0x0;
	s8 =	sand.u32 @!p0 $0x60, s8;
	s10 =	sand.u32 @!p0 $0xFFFFF80, s11  }
0xda: {  	v2 =	vbroadcast v2, $0x0;
	s8 =	sor.u32 @!p0 s8, s10  }
0xdb: {  	s11 =	simm.s32 @!p0 $0xA800;
	s10 =	sadd.s32 @!p0 s6, s8  }
0xdc: {  	[tilespmem:s11], [sflag:$0x1] =	stream.linear.gather @!p0 [hbm4b:s10+s12], $0x80, $0x38;
	[tilespmem:$0x1E600] =	vst v63  }
0xdd: {  	s8 =	sadd.s32 @!p0 s5, s8;
	s10 =	simm.s32 @!p0 $0xA900  }
0xde: {  	[tilespmem:s10], [sflag:$0x1] =	stream.linear.gather @!p0 [hbm4b:s8+s12], $0x80, $0x38;
	[tilespmem:$0x1E600] =	vst v63  }
0xdf: {  	v1 =	vld.idx.msk [tilespmem:v1+s25+$0x0], $0xffff  }
0xe0: {  	s18 =	simm.s32 $0x1;
	s8 =	simm.s32 $0x41F0;
	v2 =	vld.idx.msk [tilespmem:v2+s25+$0x0], $0xffff  }
0xe1: {  	v3 =	vmov s18;
	v4 =	vld [tilespmem:s8+$0xFFFFFF80]  }
0xe2: {  	v3 =	vand.u32 $0xFFFFFFFD, v3;
	v5 =	vld [tilespmem:s8+$0xFFFFFE10]  }
0xe3: {  	v3 =	vbroadcast v3, $0x0;
	v6 =	vld [tilespmem:s8+$0xFFFFFE20]  }
0xe4: {  	v7 =	vld [tilespmem:s8+$0xFFFFFE30]  }
0xe5: {  	v8 =	vld [tilespmem:s8+$0xFFFFFE40]  }
0xe6: {  	v9 =	vld [tilespmem:s8+$0xFFFFFE50]  }
0xe7: {  	v10 =	vld [tilespmem:s8+$0xFFFFFE60]  }
0xe8: {  	v11 =	vld [tilespmem:s8+$0xFFFFFE70];
	v5 =	vmul.f32 v5, v1  }
0xe9: {  	v3 =	vld.idx.msk [tilespmem:v3+s25+$0x0], $0xffff;
	v4 =	vmul.f32 v4, v2  }
0xea: {  	v13 =	vld [tilespmem:s8+$0xFFFFFF50];
	[tilespmem:s8+$0xFFFFFE10] =	vst v5;
	v5 =	vmul.f32 v6, v1  }
0xeb: {  	v6 =	vld [tilespmem:s8+$0xFFFFFE80];
	[tilespmem:s8+$0xFFFFFF80] =	vst v4;
	v4 =	vmul.f32 v7, v1  }
0xec: {  	v7 =	vld [tilespmem:s8+$0xFFFFFE90];
	[tilespmem:s8+$0xFFFFFE20] =	vst v5;
	v5 =	vmul.f32 v8, v1  }
0xed: {  	v8 =	vld [tilespmem:s8+$0xFFFFFEA0];
	[tilespmem:s8+$0xFFFFFE30] =	vst v4;
	v4 =	vmul.f32 v9, v1  }
0xee: {  	v9 =	vld [tilespmem:s8+$0xFFFFFEB0];
	[tilespmem:s8+$0xFFFFFE40] =	vst v5;
	v5 =	vmul.f32 v10, v1  }
0xef: {  	v10 =	vld [tilespmem:s8+$0xFFFFFEC0];
	[tilespmem:s8+$0xFFFFFE50] =	vst v4;
	v4 =	vmul.f32 v11, v1  }
0xf0: {  	v11 =	vld [tilespmem:s8+$0xFFFFFED0];
	v6 =	vmul.f32 v6, v1;
	[tilespmem:s8+$0xFFFFFE60] =	vst v5  }
0xf1: {  	v5 =	vmul.f32 v7, v3;
	v7 =	vld [tilespmem:s8+$0xFFFFFEE0];
	[tilespmem:s8+$0xFFFFFE70] =	vst v4  }
0xf2: {  	s11 =	simm.s32 $0x3;
	v4 =	vld [tilespmem:s8+$0xFFFFFEF0];
	v8 =	vmul.f32 v8, v3;
	[tilespmem:s8+$0xFFFFFE80] =	vst v6  }
0xf3: {  	v12 =	vmov s11;
	v6 =	vld [tilespmem:s8+$0xFFFFFF00];
	[tilespmem:s8+$0xFFFFFE90] =	vst v5;
	v5 =	vmul.f32 v9, v3  }
0xf4: {  	v9 =	vld [tilespmem:s8+$0xFFFFFF10];
	[tilespmem:s8+$0xFFFFFEA0] =	vst v8;
	v8 =	vmul.f32 v10, v3  }
0xf5: {  	v10 =	vld [tilespmem:s8+$0xFFFFFF20];
	[tilespmem:s8+$0xFFFFFEB0] =	vst v5;
	v5 =	vmul.f32 v11, v3  }
0xf6: {  	[tilespmem:s8+$0xFFFFFEC0] =	vst v8;
	v7 =	vmul.f32 v7, v3;
	v8 =	vld [tilespmem:s8+$0xFFFFFF30]  }
0xf7: {  	v11 =	vld [tilespmem:s8+$0xFFFFFF40];
	v4 =	vmul.f32 v4, v3;
	[tilespmem:s8+$0xFFFFFED0] =	vst v5  }
0xf8: {  	v1 =	vld.idx.msk [tilespmem:v12+s25+$0x0], $0xffff;
	v3 =	vmul.f32 v6, v3;
	[tilespmem:s8+$0xFFFFFEE0] =	vst v7  }
0xf9: {  	[tilespmem:s8+$0xFFFFFEF0] =	vst v4;
	v5 =	vmul.f32 v9, v2;
	v4 =	vld [tilespmem:s8+$0xFFFFFF60]  }
0xfa: {  	s12 =	simm.s32 $0x4;
	[tilespmem:s8+$0xFFFFFF00] =	vst v3;
	v6 =	vmul.f32 v10, v2;
	v3 =	vld [tilespmem:s8+$0xFFFFFF70]  }
0xfb: {  	s13 =	simm.s32 $0x7;
	v7 =	vmov s12;
	[tilespmem:s8+$0xFFFFFF10] =	vst v5;
	v9 =	vmul.f32 v8, v2;
	v8 =	vld [tilespmem:s8+$0xFFFFFF90]  }
0xfc: {  	s18 =	simm.s32 $0x5;
	v12 =	vand.u32 $0xFFFFFFFC, v7;
	v7 =	vld [tilespmem:s8+$0xFFFFFFA0];
	v5 =	vmov s13;
	v10 =	vmul.f32 v11, v2;
	[tilespmem:s8+$0xFFFFFF20] =	vst v6  }
0xfd: {  	s11 =	simm.s32 $0x8;
	s10 =	simm.s32 $0x41F0;
	s12 =	simm.s32 $0x6;
	v11 =	vmul.f32 v13, v2;
	v6 =	vbroadcast v12, $0x0;
	v12 =	vmov s18;
	[tilespmem:s8+$0xFFFFFF30] =	vst v9;
	v9 =	vld [tilespmem:s8+$0xFFFFFFB0]  }
.LBB2_7:
0xfe: {  	p0 =	slt.u32 s11, $0x7C;
	v12 =	vand.u32 $0xFFFFFFFD, v12;
	v13 =	vmov s12;
	[tilespmem:s8+$0xFFFFFF40] =	vst v10;
	v4 =	vmul.f32 v4, v2;
	v10 =	vld [tilespmem:s8+$0xFFFFFFC0]  }
0xff: {  	v12 =	vbroadcast v12, $0x0;
	v13 =	vand.u32 $0xFFFFFFFE, v13;
	[tilespmem:s8+$0xFFFFFF50] =	vst v11;
	v2 =	vmul.f32 v3, v2;
	v3 =	vld [tilespmem:s8+$0xFFFFFFD0]  }
0x100: {  	v11 =	vbroadcast v13, $0x0;
	[tilespmem:s8+$0xFFFFFF60] =	vst v4;
	v4 =	vmul.f32 v8, v1;
	v8 =	vld [tilespmem:s8+$0xFFFFFFE0]  }
0x101: {  	[tilespmem:s8+$0xFFFFFF70] =	vst v2;
	v2 =	vmul.f32 v7, v1;
	v7 =	vld [tilespmem:s8+$0xFFFFFFF0]  }
0x102: {  	[tilespmem:s8+$0xFFFFFF90] =	vst v4;
	v4 =	vmul.f32 v9, v1;
	v9 =	vld [tilespmem:s8+$0x0]  }
0x103: {  	v5 =	vld.idx.msk [tilespmem:v5+s25+$0x0], $0xffff;
	[tilespmem:s8+$0xFFFFFFA0] =	vst v2;
	v2 =	vmul.f32 v10, v1  }
0x104: {  	v6 =	vld.idx.msk [tilespmem:v6+s25+$0x0], $0xffff;
	[tilespmem:s8+$0xFFFFFFB0] =	vst v4;
	v3 =	vmul.f32 v3, v1  }
0x105: {  	v4 =	vld.idx.msk [tilespmem:v12+s25+$0x0], $0xffff;
	[tilespmem:s8+$0xFFFFFFC0] =	vst v2;
	v8 =	vmul.f32 v8, v1  }
0x106: {  	s8 =	sadd.s32 $0x200, s8;
	v2 =	vld.idx.msk [tilespmem:v11+s25+$0x0], $0xffff;
	[tilespmem:s10+$0xFFFFFFD0] =	vst v3;
	v3 =	vmul.f32 v7, v1  }
0x107: {  	v7 =	vld [tilespmem:s8+$0xFFFFFF80];
	[tilespmem:s10+$0xFFFFFFE0] =	vst v8;
	v9 =	vmul.f32 v9, v1  }
0x108: {  	v8 =	vld [tilespmem:s8+$0xFFFFFE10];
	[tilespmem:s10+$0xFFFFFFF0] =	vst v3  }
0x109: {  	v1 =	vmov v5;
	v3 =	vld [tilespmem:s8+$0xFFFFFE20];
	[tilespmem:s10+$0x0] =	vst v9;
	s10 =	smov.u32 s8  }
0x10a: {  	v5 =	vld [tilespmem:s8+$0xFFFFFE30]  }
0x10b: {  	v9 =	vld [tilespmem:s8+$0xFFFFFE40]  }
0x10c: {  	v10 =	vld [tilespmem:s8+$0xFFFFFE50];
	v7 =	vmul.f32 v7, v2  }
0x10d: {  	v8 =	vmul.f32 v8, v6;
	v11 =	vld [tilespmem:s8+$0xFFFFFE60]  }
0x10e: {  	v3 =	vmul.f32 v3, v6;
	v12 =	vld [tilespmem:s8+$0xFFFFFE70];
	[tilespmem:s8+$0xFFFFFF80] =	vst v7  }
0x10f: {  	[tilespmem:s8+$0xFFFFFE10] =	vst v8;
	v5 =	vmul.f32 v5, v6;
	v7 =	vld [tilespmem:s8+$0xFFFFFE80]  }
0x110: {  	[tilespmem:s8+$0xFFFFFE20] =	vst v3;
	v3 =	vmul.f32 v9, v6;
	v8 =	vld [tilespmem:s8+$0xFFFFFE90]  }
0x111: {  	[tilespmem:s8+$0xFFFFFE30] =	vst v5;
	v5 =	vmul.f32 v10, v6;
	v9 =	vld [tilespmem:s8+$0xFFFFFEA0]  }
0x112: {  	[tilespmem:s8+$0xFFFFFE40] =	vst v3;
	v3 =	vmul.f32 v11, v6;
	v10 =	vld [tilespmem:s8+$0xFFFFFEB0]  }
0x113: {  	[tilespmem:s8+$0xFFFFFE50] =	vst v5;
	v5 =	vmul.f32 v12, v6;
	v11 =	vld [tilespmem:s8+$0xFFFFFEC0]  }
0x114: {  	[tilespmem:s8+$0xFFFFFE60] =	vst v3;
	v3 =	vmul.f32 v7, v6;
	v6 =	vld [tilespmem:s8+$0xFFFFFED0]  }
0x115: {  	[tilespmem:s8+$0xFFFFFE70] =	vst v5;
	v5 =	vmul.f32 v8, v4;
	v7 =	vld [tilespmem:s8+$0xFFFFFEE0]  }
0x116: {  	[tilespmem:s8+$0xFFFFFE80] =	vst v3;
	v3 =	vmul.f32 v9, v4;
	v8 =	vld [tilespmem:s8+$0xFFFFFEF0]  }
0x117: {  	[tilespmem:s8+$0xFFFFFE90] =	vst v5;
	v5 =	vmul.f32 v10, v4;
	v9 =	vld [tilespmem:s8+$0xFFFFFF00]  }
0x118: {  	[tilespmem:s8+$0xFFFFFEA0] =	vst v3;
	v3 =	vmul.f32 v11, v4;
	v10 =	vld [tilespmem:s8+$0xFFFFFF10]  }
0x119: {  	[tilespmem:s8+$0xFFFFFEB0] =	vst v5;
	v5 =	vmul.f32 v6, v4;
	v6 =	vld [tilespmem:s8+$0xFFFFFF20]  }
0x11a: {  	[tilespmem:s8+$0xFFFFFEC0] =	vst v3;
	v3 =	vmul.f32 v7, v4;
	v7 =	vld [tilespmem:s8+$0xFFFFFF30]  }
0x11b: {  	[tilespmem:s8+$0xFFFFFED0] =	vst v5;
	v5 =	vmul.f32 v8, v4;
	v11 =	vld [tilespmem:s8+$0xFFFFFF40]  }
0x11c: {  	[tilespmem:s8+$0xFFFFFEE0] =	vst v3;
	v3 =	vmul.f32 v9, v4;
	v9 =	vld [tilespmem:s8+$0xFFFFFF50]  }
.Ltmp2:
0x11d: {  	[tilespmem:s8+$0xFFFFFEF0] =	vst v5;
	v5 =	vmul.f32 v10, v2;
	v4 =	vld [tilespmem:s8+$0xFFFFFF60];
	(pc) =	sbr.rel @p0 .LBB2_7-.Ltmp2, $4  }
0x11e: {  	[tilespmem:s8+$0xFFFFFF00] =	vst v3;
	v6 =	vmul.f32 v6, v2;
	v3 =	vld [tilespmem:s8+$0xFFFFFF70]  }
0x11f: {  	s12 =	sadd.s32 $0x3, s11;
	v10 =	vmov s11;
	[tilespmem:s8+$0xFFFFFF10] =	vst v5;
	v13 =	vmul.f32 v7, v2;
	v8 =	vld [tilespmem:s8+$0xFFFFFF90]  }
0x120: {  	s13 =	sadd.s32 $0x1, s11;
	v12 =	vand.u32 $0xFFFFFFFC, v10;
	v5 =	vmov s12;
	[tilespmem:s8+$0xFFFFFF20] =	vst v6;
	v10 =	vmul.f32 v11, v2;
	v7 =	vld [tilespmem:s8+$0xFFFFFFA0]  }
0x121: {  	s12 =	sadd.s32 $0x2, s11;
	s11 =	sadd.s32 $0x4, s11;
	v6 =	vbroadcast v12, $0x0;
	v12 =	vmov s13;
	[tilespmem:s8+$0xFFFFFF30] =	vst v13;
	v11 =	vmul.f32 v9, v2;
	v9 =	vld [tilespmem:s8+$0xFFFFFFB0]  }
0x122: {  	v13 =	vld [tilespmem:s8+$0xFFFFFFC0]  }
0x123: {  	v15 =	vld [tilespmem:s8+$0xFFFFFFD0]  }
0x124: {  	v16 =	vld [tilespmem:s8+$0xFFFFFFE0]  }
0x125: {  	v17 =	vld [tilespmem:s8+$0xFFFFFFF0]  }
0x126: {  	v29 =	vld [tilespmem:s8+$0x0];
	[tilespmem:s8+$0xFFFFFF40] =	vst v10;
	v4 =	vmul.f32 v4, v2  }
0x127: {  	v5 =	vld.idx.msk [tilespmem:v5+s25+$0x0], $0xffff;
	[tilespmem:s8+$0xFFFFFF50] =	vst v11;
	v2 =	vmul.f32 v3, v2  }
0x128: {  	s11 =	sadd.s32 $0x200, s8;
	v3 =	vld.idx.msk [tilespmem:v6+s25+$0x0], $0xffff;
	v8 =	vmul.f32 v8, v1;
	[tilespmem:s8+$0xFFFFFF60] =	vst v4  }
0x129: {  	v14 =	vmov s12;
	v34 =	vld [tilespmem:s11+$0xFFFFFF80];
	v30 =	vmul.f32 v7, v1;
	[tilespmem:s8+$0xFFFFFF70] =	vst v2  }
0x12a: {  	v14 =	vand.u32 $0xFFFFFFFE, v14;
	v35 =	vld [tilespmem:s11+$0xFFFFFE10];
	[tilespmem:s8+$0xFFFFFF90] =	vst v8;
	v2 =	vmul.f32 v9, v1  }
0x12b: {  	v37 =	vld [tilespmem:s11+$0xFFFFFE20];
	v14 =	vbroadcast v14, $0x0;
	[tilespmem:s8+$0xFFFFFFA0] =	vst v30;
	v33 =	vmul.f32 v13, v1  }
0x12c: {  	v38 =	vld [tilespmem:s11+$0xFFFFFE30];
	[tilespmem:s8+$0xFFFFFFB0] =	vst v2;
	v2 =	vmul.f32 v15, v1  }
0x12d: {  	v12 =	vand.u32 $0xFFFFFFFD, v12;
	v39 =	vld [tilespmem:s11+$0xFFFFFE40];
	v36 =	vmul.f32 v16, v1;
	[tilespmem:s8+$0xFFFFFFC0] =	vst v33  }
0x12e: {  	v12 =	vbroadcast v12, $0x0;
	v41 =	vld [tilespmem:s11+$0xFFFFFE60];
	[tilespmem:s10+$0xFFFFFFD0] =	vst v2;
	v2 =	vmul.f32 v17, v1  }
0x12f: {  	v43 =	vld [tilespmem:s11+$0xFFFFFE70];
	[tilespmem:s10+$0xFFFFFFE0] =	vst v36;
	v1 =	vmul.f32 v29, v1  }
0x130: {  	v42 =	vmul.f32 v37, v3;
	[tilespmem:s10+$0xFFFFFFF0] =	vst v2;
	v2 =	vld [tilespmem:s11+$0xFFFFFE50]  }
0x131: {  	v32 =	vld.idx.msk [tilespmem:v14+s25+$0x0], $0xffff;
	[tilespmem:s10+$0x0] =	vst v1;
	v1 =	vmul.f32 v35, v3  }
0x132: {  	v44 =	vld [tilespmem:s11+$0xFFFFFE80];
	v4 =	vmul.f32 v39, v3;
	[tilespmem:s11+$0xFFFFFE20] =	vst v42  }
0x133: {  	v45 =	vld [tilespmem:s11+$0xFFFFFE90];
	[tilespmem:s11+$0xFFFFFE10] =	vst v1;
	v1 =	vmul.f32 v38, v3  }
0x134: {  	v46 =	vmul.f32 v41, v3;
	v31 =	vld.idx.msk [tilespmem:v12+s25+$0x0], $0xffff;
	[tilespmem:s11+$0xFFFFFE40] =	vst v4  }
0x135: {  	[tilespmem:s11+$0xFFFFFE30] =	vst v1;
	v1 =	vmul.f32 v2, v3;
	v2 =	vld [tilespmem:s11+$0xFFFFFEA0]  }
0x136: {  	v47 =	vld [tilespmem:s11+$0xFFFFFEB0];
	[tilespmem:s11+$0xFFFFFE60] =	vst v46;
	v40 =	vmul.f32 v34, v32  }
0x137: {  	v48 =	vld [tilespmem:s11+$0xFFFFFEC0];
	[tilespmem:s11+$0xFFFFFE50] =	vst v1;
	v1 =	vmul.f32 v43, v3  }
0x138: {  	v49 =	vld [tilespmem:s11+$0xFFFFFED0];
	[tilespmem:s11+$0xFFFFFF80] =	vst v40;
	v3 =	vmul.f32 v44, v3  }
0x139: {  	v50 =	vld [tilespmem:s11+$0xFFFFFEE0];
	[tilespmem:s11+$0xFFFFFE70] =	vst v1;
	v1 =	vmul.f32 v45, v31  }
0x13a: {  	[tilespmem:s11+$0xFFFFFE80] =	vst v3;
	v3 =	vld [tilespmem:s11+$0xFFFFFEF0];
	v2 =	vmul.f32 v2, v31  }
0x13b: {  	v51 =	vld [tilespmem:s11+$0xFFFFFF00];
	[tilespmem:s11+$0xFFFFFE90] =	vst v1;
	v1 =	vmul.f32 v47, v31  }
0x13c: {  	v52 =	vld [tilespmem:s11+$0xFFFFFF10];
	[tilespmem:s11+$0xFFFFFEA0] =	vst v2;
	v2 =	vmul.f32 v48, v31  }
0x13d: {  	v53 =	vld [tilespmem:s11+$0xFFFFFF20];
	[tilespmem:s11+$0xFFFFFEB0] =	vst v1;
	v1 =	vmul.f32 v49, v31  }
0x13e: {  	v54 =	vld [tilespmem:s11+$0xFFFFFF30];
	[tilespmem:s11+$0xFFFFFEC0] =	vst v2;
	v2 =	vmul.f32 v50, v31  }
0x13f: {  	[tilespmem:s11+$0xFFFFFED0] =	vst v1;
	v1 =	vmul.f32 v3, v31;
	v3 =	vld [tilespmem:s11+$0xFFFFFF40]  }
0x140: {  	v55 =	vld [tilespmem:s11+$0xFFFFFF50];
	[tilespmem:s11+$0xFFFFFEE0] =	vst v2;
	v2 =	vmul.f32 v51, v31  }
0x141: {  	v56 =	vld [tilespmem:s11+$0xFFFFFF60];
	[tilespmem:s11+$0xFFFFFEF0] =	vst v1;
	v1 =	vmul.f32 v52, v32  }
0x142: {  	v57 =	vld [tilespmem:s11+$0xFFFFFF70];
	[tilespmem:s11+$0xFFFFFF00] =	vst v2;
	v2 =	vmul.f32 v53, v32  }
0x143: {  	v58 =	vld [tilespmem:s11+$0xFFFFFF90];
	[tilespmem:s11+$0xFFFFFF10] =	vst v1;
	v1 =	vmul.f32 v54, v32  }
0x144: {  	[tilespmem:s11+$0xFFFFFF20] =	vst v2;
	v2 =	vmul.f32 v3, v32;
	v3 =	vld [tilespmem:s11+$0xFFFFFFA0]  }
0x145: {  	v59 =	vld [tilespmem:s11+$0xFFFFFFB0];
	[tilespmem:s11+$0xFFFFFF30] =	vst v1;
	v1 =	vmul.f32 v55, v32  }
0x146: {  	v60 =	vld [tilespmem:s11+$0xFFFFFFC0];
	[tilespmem:s11+$0xFFFFFF40] =	vst v2;
	v2 =	vmul.f32 v56, v32  }
0x147: {  	v61 =	vld [tilespmem:s11+$0xFFFFFFD0];
	[tilespmem:s11+$0xFFFFFF50] =	vst v1;
	v1 =	vmul.f32 v57, v32  }
0x148: {  	v62 =	vld [tilespmem:s11+$0xFFFFFFE0];
	[tilespmem:s11+$0xFFFFFF60] =	vst v2;
	v2 =	vmul.f32 v58, v5  }
0x149: {  	[tilespmem:s11+$0xFFFFFF70] =	vst v1;
	v1 =	vmul.f32 v3, v5;
	v3 =	vld [tilespmem:s11+$0xFFFFFFF0]  }
0x14a: {  	v63 =	vld [tilespmem:s11+$0x0];
	[tilespmem:s11+$0xFFFFFF90] =	vst v2;
	v2 =	vmul.f32 v59, v5  }
0x14b: {  	[tilespmem:s11+$0xFFFFFFA0] =	vst v1;
	v1 =	vmul.f32 v60, v5  }
0x14c: {  	s0 =	sadd.s32 $0x1, s0;
	[tilespmem:s11+$0xFFFFFFB0] =	vst v2;
	v2 =	vmul.f32 v61, v5  }
0x14d: {  	p0 =	sne.s32 s0, $0x28;
	[tilespmem:s11+$0xFFFFFFC0] =	vst v1;
	v1 =	vmul.f32 v62, v5  }
.Ltmp3:
0x14e: {  	[tilespmem:s11+$0xFFFFFFD0] =	vst v2;
	v2 =	vmul.f32 v3, v5;
	(pc) =	sbr.rel @p0 .LBB2_4-.Ltmp3, $4  }
0x14f: {  	[tilespmem:s11+$0xFFFFFFE0] =	vst v1;
	v1 =	vmul.f32 v63, v5  }
0x150: {  	[tilespmem:s11+$0xFFFFFFF0] =	vst v2  }
0x151: {  	[tilespmem:s11+$0x0] =	vst v1  }
0x152: {  	[spmem:s3] =	stream.indirect.scatter.add.f32 [tilespmem:s24], [sflag:$0x4], $0x80, s26, s20, $0xb8;
	[tilespmem:$0x1E600] =	vst v63  }
0x153: {  	_ =	swait.ge [sflag:s30], $0x4000;
	s0 =	stileid.u32  }
0x154: {  	s2 =	sshrl.u32 s9, $0x3;
	s31 =	sadd.s32 $0x1, s31;
	[sflag:s30] =	ssyncset.done $0x0  }
0x155: {  	s0 =	sshll.u32 s0, $0x6;
	p0 =	sne.s32 s31, s17;
	[sflag:s30] =	ssyncadd.s32 $0xFFFFC000  }
.Ltmp4:
0x156: {  	s0 =	sor.u32 $0x1C05, s0;
	[bflag:$0x0] =	sbarrier.arrive $0xFFFF;
	(pc) =	sbr.rel @p0 .LBB2_1-.Ltmp4, $4  }
0x157: {  	[hbm:s16], [sflag:s0] =	dma.local [spmem:s2], $0x2780  }
0x158: {  	_ =	swait.ge [sflag:s19], $0x2780  }
0x159: {  	[sflag:s19] =	ssyncset.done $0x0  }
0x15a: {  	s8 =	simm.s32 $0x8000;
	[sflag:s19] =	ssyncadd.s32 $0xFFFFD880  }
0x15b: {  	_ =	sfence.sel $0x180000  }
0x15c: {  	[bflag:$0x0] =	sbarrier.arrive $0xFFFF  }
0x15d: {  	_ =	strace $0x9000004D  }
0x15e: {  	s0 =	stileid.u32;
	[bflag:$0x2] =	sbarrier.arrive $0xFFFF  }
0x15f: {  	p0 =	sne.s32 s0, $0x0;
	s0 =	rddreg [dreg:$0x3]  }
0x160: {  	s0 =	sadd.s32 @!p0 $0x100000, s0  }
0x161: {  	[sflag:s0] =	ssyncadd.tile.s32 @!p0 $0x1;
	_ =	shalt  }
.Lfunc_end2:
_tile_overlayer_lowered:
.L_overlay_start_2:
0x162: {  	(tag) =	ssettag $0x2  }
0x163: {  	s0 =	rddreg [dreg:$0x0];
	s2 =	stileid.u32  }
0x164: {  	s1 =	rddreg [dreg:$0x1];
	p0 =	sne.s32 s2, $0x0  }
0x165: {  	s3 =	rddreg [dreg:$0x2];
	[bflag:$0x3] =	sbarrier.arrive $0xFFFF;
	s2 =	simm.s32 @!p0 $0x1C05  }
0x166: {  	[timem:s3], [sflag:s2] =	dma.local @!p0 [hbm:s0], s1  }
0x167: {  	s0 =	simm.s32 @!p0 $0x5  }
0x168: {  	_ =	swait.ge @!p0 [sflag:s0], s1  }
0x169: {  	s1 =	ssub.s32 @!p0 $0x0, s1;
	[sflag:s0] =	ssyncset.done @!p0 $0x0  }
0x16a: {  	[sflag:s0] =	ssyncadd.s32 @!p0 s1  }
0x16b: {  	[bflag:$0x3] =	sbarrier.arrive $0xFFFF  }
0x16c: {  	_ =	shalt  }

// kernel: kernel.19.cloned.1.call-start
scs
__scs_entry_jumppad:
0x0: {  	(pc) =	sbr.rel $0x88, $3  }
0x1: {  	(tag) =	ssettag $0x0;
	lr =	simm.s32 $0x1  }
0x2: {  	[smem:$0x3F98] =	sst lr;
	_ =	strace $0xD0000000  }
0x3: {  	_ = 	snop  }
0x4: {  	_ = 	snop  }
0x5: {  	_ = 	snop  }
0x6: {  	_ = 	snop  }
0x7: {  	_ = 	snop  }
__scs_overlays_trampoline_lowered:
0x8: {  	[smem:$0x3FA7] =	sst s0  }
0x9: {  	[smem:$0x3FA8] =	sst s1  }
0xa: {  	[smem:$0x3FA9] =	sst s2  }
0xb: {  	[smem:$0x3FAA] =	sst s3  }
0xc: {  	[smem:$0x3FAB] =	sst s4  }
0xd: {  	[smem:$0x3FAC] =	sst s5  }
0xe: {  	[smem:$0x3FAD] =	sst s6  }
0xf: {  	[smem:$0x3FAE] =	sst s7  }
0x10: {  	[smem:$0x3FAF] =	sst s8  }
0x11: {  	[smem:$0x3FB0] =	sst s9;
	s0 =	simm.s32 @!p0 $0x0  }
0x12: {  	s1 =	sld [smem:$0x3F96];
	s0 =	simm.s32 @p0 $0x1  }
0x13: {  	[smem:$0x3FB1] =	sst s0;
	s0 =	simm.s32 @!p1 $0x0  }
0x14: {  	s2 =	sld [smem:$0x3F95];
	s0 =	simm.s32 @p1 $0x1  }
0x15: {  	[smem:$0x3FB2] =	sst s0;
	s0 =	simm.s32 @!p2 $0x0  }
0x16: {  	s3 =	sld [smem:$0x3FDB];
	s0 =	simm.s32 @p2 $0x1  }
0x17: {  	s4 =	simm.s32 $0x1BF5;
	[smem:$0x3FB4] =	sst s0  }
0x18: {  	s0 =	sld [smem:$0x3F97];
	_ =	swait.ge [sflag:s4], $0x0  }
0x19: {  	s7 =	sld [smem:$0x3F98]  }
0x1a: {  	s8 =	sadd.s32 $0xFFFFE003, lr  }
0x1b: {  	s9 =	sadd.s32 $0xFFFFFEF7, lr;
	s5 =	simm.s32 $0xFFFFFFFF;
	p2 =	slt.u32 s8, $0xFFFFF086  }
0x1c: {  	p1 =	slt.u32 s9, $0xF7A;
	s5 =	simm.s32 @!p2 $0x0  }
0x1d: {  	s5 =	simm.s32 @p1 $0x1;
	p0 =	seq.s32 s7, s2  }
0x1e: {  	s7 =	smul.u32 @!p0 $0xF7A, s2;
	p2 =	seq.s32 @!p0 s5, $0x0  }
0x1f: {  	s9 =	smul.u32 $0xF7A, s1;
	s8 =	simm.s32 @!p0 $0x1BF5;
	p2 =	por !p2, p0  }
0x20: {  	[sflag:s8] =	ssyncset.s32 @!p0 $0xFFFFF086;
	s6 =	sadd.s32 @!p0 s3, s7;
	s7 =	simm.s32 @!p0 $0x108  }
0x21: {  	s3 =	sadd.s32 s3, s9;
	s6 =	sadd.s32 @!p0 $0x88, s6;
	s7 =	simm.s32 @p2 $0x1082  }
0x22: {  	[simem:s7], [sflag:s8] =	dma.local @!p0 [hbm:s6], $0xF7A  }
0x23: {  	s9 =	sor.u32 $0xD0000000, s2;
	s6 =	simm.s32 $0x108;
	_ =	swait.ge @!p0 [sflag:s8], $0x0  }
0x24: {  	s3 =	sadd.s32 $0x88, s3;
	s6 =	simm.s32 @!p1 $0x1082;
	[sflag:s4] =	ssyncset.s32 $0xFFFFF086  }
0x25: {  	[simem:s6], [sflag:s4] =	dma.local [hbm:s3], $0xF7A  }
0x26: {  	[smem:$0x3F98] =	sst s1;
	(tag) =	ssettag s2;
	_ =	strace s9  }
0x27: {  	s1 =	sld [smem:$0x3FA8]  }
0x28: {  	s2 =	sld [smem:$0x3FA9]  }
0x29: {  	s4 =	sld [smem:$0x3FAB]  }
0x2a: {  	p0 =	seq.s32 s5, $0x0;
	s5 =	sld [smem:$0x3FAC]  }
0x2b: {  	s6 =	sld [smem:$0x3FAD]  }
0x2c: {  	s7 =	sld [smem:$0x3FAE]  }
0x2d: {  	s3 =	simm.s32 $0x108;
	s8 =	sld [smem:$0x3FAF]  }
0x2e: {  	s3 =	simm.s32 @!p0 $0x1082;
	s9 =	sld [smem:$0x3FB0]  }
0x2f: {  	lr =	sadd.s32 s0, s3;
	s0 =	sld [smem:$0x3FA7]  }
0x30: {  	s3 =	sld [smem:$0x3FAA]  }
0x31: {  	[smem:$0x3FB3] =	sst s10  }
0x32: {  	s10 =	sld [smem:$0x3FB1];
	_ =	sdelay $0x3  }
0x33: {  	p0 =	seq.s32 s10, $0x1;
	s10 =	sld [smem:$0x3FB3];
	_ =	sdelay $0x3  }
0x34: {  	[smem:$0x3FB3] =	sst s10  }
0x35: {  	s10 =	sld [smem:$0x3FB2];
	_ =	sdelay $0x3  }
0x36: {  	p1 =	seq.s32 s10, $0x1;
	s10 =	sld [smem:$0x3FB3];
	_ =	sdelay $0x3  }
0x37: {  	[smem:$0x3FB3] =	sst s10  }
0x38: {  	s10 =	sld [smem:$0x3FB4]  }
0x39: {  	_ = 	snop;
	(pc) =	sbr.ind lr, $3  }
0x3a: {  	_ = 	snop  }
0x3b: {  	_ = 	snop  }
0x3c: {  	p2 =	seq.s32 s10, $0x1;
	s10 =	sld [smem:$0x3FB3]  }
0x3d: {  	_ =	shalt  }
0x3e: {  	_ =	shalt  }
0x3f: {  	_ =	shalt  }
0x40: {  	_ =	shalt  }
0x41: {  	_ =	shalt  }
0x42: {  	_ =	shalt  }
0x43: {  	_ =	shalt  }
0x44: {  	_ =	shalt  }
0x45: {  	_ =	shalt  }
0x46: {  	_ =	shalt  }
0x47: {  	_ =	shalt  }
0x48: {  	_ =	shalt  }
0x49: {  	_ =	shalt  }
0x4a: {  	_ =	shalt  }
0x4b: {  	_ =	shalt  }
0x4c: {  	_ =	shalt  }
0x4d: {  	_ =	shalt  }
0x4e: {  	_ =	shalt  }
0x4f: {  	_ =	shalt  }
0x50: {  	_ =	shalt  }
0x51: {  	_ =	shalt  }
0x52: {  	_ =	shalt  }
0x53: {  	_ =	shalt  }
0x54: {  	_ =	shalt  }
0x55: {  	_ =	shalt  }
0x56: {  	_ =	shalt  }
0x57: {  	_ =	shalt  }
0x58: {  	_ =	shalt  }
0x59: {  	_ =	shalt  }
0x5a: {  	_ =	shalt  }
0x5b: {  	_ =	shalt  }
0x5c: {  	_ =	shalt  }
0x5d: {  	_ =	shalt  }
0x5e: {  	_ =	shalt  }
0x5f: {  	_ =	shalt  }
0x60: {  	_ =	shalt  }
0x61: {  	_ =	shalt  }
0x62: {  	_ =	shalt  }
0x63: {  	_ =	shalt  }
0x64: {  	_ =	shalt  }
0x65: {  	_ =	shalt  }
0x66: {  	_ =	shalt  }
0x67: {  	_ =	shalt  }
0x68: {  	_ =	shalt  }
0x69: {  	_ =	shalt  }
0x6a: {  	_ =	shalt  }
0x6b: {  	_ =	shalt  }
0x6c: {  	_ =	shalt  }
0x6d: {  	_ =	shalt  }
0x6e: {  	_ =	shalt  }
0x6f: {  	_ =	shalt  }
0x70: {  	_ =	shalt  }
0x71: {  	_ =	shalt  }
0x72: {  	_ =	shalt  }
0x73: {  	_ =	shalt  }
0x74: {  	_ =	shalt  }
0x75: {  	_ =	shalt  }
0x76: {  	_ =	shalt  }
0x77: {  	_ =	shalt  }
0x78: {  	_ =	shalt  }
0x79: {  	_ =	shalt  }
0x7a: {  	_ =	shalt  }
0x7b: {  	_ =	shalt  }
0x7c: {  	_ =	shalt  }
0x7d: {  	_ =	shalt  }
0x7e: {  	_ =	shalt  }
0x7f: {  	_ =	shalt  }
0x80: {  	_ =	shalt  }
0x81: {  	_ =	shalt  }
0x82: {  	_ =	shalt  }
0x83: {  	_ =	shalt  }
0x84: {  	_ =	shalt  }
0x85: {  	_ =	shalt  }
0x86: {  	_ =	shalt  }
0x87: {  	_ =	shalt  }
.Lfunc_end0:
.L_simem_size_0:
called_computation.3_lowered:
.L_overlay_start_0:
0x88: {  	s2 =	sld [smem:$0x3FD9]  }
0x89: {  	s3 =	sld [smem:$0x3FFE];
	_ =	sdelay $0x1  }
0x8a: {  	s1 =	srdreg.scid  }
0x8b: {  	s0 =	sand.u32 $0x1, s1  }
0x8c: {  	s17 =	sshll.u32 s0, $0xA;
	s2 =	sadd.s32 s3, s2  }
0x8d: {  	s2 =	sadd.s32 s2, s17  }
0x8e: {  	[smem:$0x3FBF] =	sst s2  }
0x8f: {  	_ = 	snop  }
0x90: {  	s2 =	sld [smem:$0x3FD0];
	(tm) =	ssettm $0x1  }
0x91: {  	s18 =	sld [smem:$0x3FFB];
	_ =	sdelay $0x3  }
0x92: {  	_ =	strace s18  }
0x93: {  	s3 =	sld [smem:$0x3FFC];
	_ =	sdelay $0x3  }
0x94: {  	_ =	strace s3  }
0x95: {  	s3 =	sld [smem:$0x3FFD];
	_ =	sdelay $0x3  }
0x96: {  	_ =	strace s3  }
0x97: {  	_ =	strace $0x8FFFFFFF  }
0x98: {  	s19 =	sld [smem:$0x3FDB];
	_ =	sdelay $0x1  }
0x99: {  	s4 =	simm.s32 $_scs_section_size  }
0x9a: {  	s5 =	simm.s32 $_size__tile_overlayer_lowered;
	s6 =	simm.s32 $_tile_overlayer_lowered  }
0x9b: {  	s22 =	simm.s32 $0x1BFF;
	s21 =	sshll.u32 s6, $0x1;
	s3 =	sadd.s32 s4, s19  }
0x9c: {  	s7 =	simm.s32 $0x0;
	s20 =	sshll.u32 s5, $0x1;
	s5 =	sadd.s32 s21, s3  }
0x9d: {  	[timem:s7], [sflag:s22] =	dma.local [hbm:s5], s20  }
0x9e: {  	_ =	swait.ge [sflag:s22], s20  }
0x9f: {  	s4 =	ssub.s32 $0x0, s20;
	[sflag:s22] =	ssyncset.done $0x0  }
0xa0: {  	[sflag:s22] =	ssyncadd.s32 s4;
	_ =	sdelay $0x1  }
0xa1: {  	s23 =	simm.s32 $0x1B8B  }
0xa2: {  	_ =	swait.ge [sflag:s23], $0x1  }
0xa3: {  	[sflag:s23] =	ssyncset.done $0x0  }
0xa4: {  	s25 =	simm.s32 $0x1B8E;
	s24 =	sld [smem:$0x3FFE];
	[sflag:s23] =	ssyncadd.s32 $0xFFFFFFFF  }
0xa5: {  	s26 =	simm.s32 $execute0_lowered;
	[smem:$0x3FD2] =	sst s25  }
0xa6: {  	s5 =	sshll.u32 s26, $0x1;
	_ =	strace $0x8000004F;
	[dreg:$0x1] =	wrdreg $0xFFFFFFFF  }
0xa7: {  	s28 =	simm.s32 $_size_execute0_lowered;
	s3 =	sadd.s32 s3, s5;
	[dreg:$0x0] =	wrdreg $0x0  }
0xa8: {  	s5 =	sshll.u32 s28, $0x1;
	[dreg:$0x2] =	wrdreg s3  }
0xa9: {  	[dreg:$0x3] =	wrdreg s5  }
0xaa: {  	[dreg:$0x4] =	wrdreg $0xC0  }
0xab: {  	_ =	task [dreg:s7], $0x5FFFF  }
0xac: {  	[dreg:$0x1] =	wrdreg $0xFFFFFFFF  }
0xad: {  	[dreg:$0x0] =	wrdreg $0x60  }
0xae: {  	[dreg:$0x2] =	wrdreg s2  }
0xaf: {  	[dreg:$0x3] =	wrdreg s24  }
0xb0: {  	[dreg:$0x4] =	wrdreg $0xAA000  }
0xb1: {  	[dreg:$0x5] =	wrdreg $0x9  }
0xb2: {  	_ =	task.clear_ibuf [dreg:s7], $0x6FFFF;
	_ =	strace $0x9000004F  }
0xb3: {  	s29 =	simm.s32 $0x9;
	_ =	strace $0x80000051  }
0xb4: {  	_ =	swait.ge [sflag:s29], $0x1  }
0xb5: {  	[sflag:s29] =	ssyncadd.s32 $0xFFFFFFFF  }
0xb6: {  	_ =	strace $0x90000051  }
0xb7: {  	_ =	sfence  }
0xb8: {  	s30 =	sld [smem:$0x0];
	_ =	sdelay $0x2  }
0xb9: {  	s31 =	sshll.u32 s1, $0xD;
	s1 =	sshrl.u32 s1, $0x2  }
0xba: {  	s3 =	sand.u32 $0x4000, s31;
	s1 =	sadd.s32 s1, s30  }
0xbb: {  	s0 =	sor.u32 s3, s0;
	s1 =	sshll.u32 s1, $0x11  }
0xbc: {  	s0 =	sor.u32 s1, s0  }
0xbd: {  	s0 =	sadd.s32 $0x8F2B, s0  }
0xbe: {  	[sflag:s0] =	ssyncadd.remote.s32 $0x1  }
0xbf: {  	_ =	sfence.sel $0xFFFF  }
0xc0: {  	[dreg:$0x0] =	wrdreg $0xFFFFFFFF;
	(pc) =	sbr.abs _section_cstart, $3  }
0xc1: {  	[dreg:$0x1] =	wrdreg $0xFFFFFFFF  }
0xc2: {  	_ =	task.clear_ibuf [dreg:s7], $0x2FFFF;
	_ =	strace $0x9FFFFFFF  }
0xc3: {  	(tm) =	ssettm $0x7FFFFFFF  }
tec
execute0_lowered:
.L_overlay_start_1:
0x0: {  	(tag) =	ssettag $0x1  }
0x1: {  	s1 =	rddreg [dreg:$0x0]  }
0x2: {  	s0 =	srdreg.scid;
	s7 =	rddreg [dreg:$0x1]  }
0x3: {  	s11 =	stileid.u32;
	s3 =	rddreg [dreg:$0x2];
	s4 =	simm.s32 $0x0  }
0x4: {  	s19 =	simm.s32 $0x5;
	s20 =	simm.s32 $0x80;
	s28 =	simm.s32 $0x2  }
0x5: {  	s29 =	simm.s32 $0x3;
	s30 =	simm.s32 $0x4;
	s31 =	simm.s32 $0x0  }
0x6: {  	s0 =	sand.u32 $0x1, s0;
	[smem:$0x7FF] =	sst s4;
	s9 =	smul.u32 $0x13C00, s11  }
0x7: {  	s5 =	sadd.s32 $0x2BA00, s7;
	s2 =	sshll.u32 s0, $0x4;
	s6 =	smul.u32 $0x13C000, s0  }
0x8: {  	s0 =	ssub.s32 $0x2, s0;
	s2 =	sor.u32 s11, s2;
	s11 =	smul.u32 $0x4F000, s11  }
0x9: {  	_ =	strace $0x80000050;
	s12 =	sshrl.u32 s0, $0x1;
	s8 =	smul.u32 $0x500, s2  }
0xa: {  	s9 =	sadd.s32 s9, s6;
	s6 =	sadd.s32 $0x17A00, s7;
	s0 =	ssub.s32 s0, s12  }
0xb: {  	s9 =	sshrl.u32 s9, $0x3;
	s21 =	sshrl.u32 s11, $0x2;
	s17 =	smax.u32 s0, $0x1  }
0xc: {  	s10 =	sadd.s32 s8, s7;
	s16 =	sadd.s32 s9, s7;
	s7 =	smul.u32 $0x50, s2  }
0xd: {  	s9 =	sadd.s32 s21, s3;
	s14 =	sadd.s32 s6, s8;
	s22 =	sadd.s32 $0x21A00, s10  }
0xe: {  	s15 =	sadd.s32 s5, s8;
	s23 =	sadd.s32 $0x4000, s9;
	[dreg:$0x4] =	wrdreg s22  }
0xf: {  	s8 =	simm.s32 $0x8000;
	s24 =	sadd.s32 $0x8000, s9;
	[dreg:$0x5] =	wrdreg s23  }
0x10: {  	s21 =	simm.s32 $0xA800;
	s25 =	sadd.s32 $0xC000, s9;
	[dreg:$0x6] =	wrdreg s24  }
0x11: {  	s26 =	sadd.s32 $0x10000, s9;
	s16 =	sadd.s32 $0x35A00, s16;
	[dreg:$0x7] =	wrdreg s25  }
0x12: {  	[dreg:$0x8] =	wrdreg s26;
	s22 =	simm.s32 $0xA900;
	s23 =	simm.s32 $0x1  }
0x13: {  	v0 =	vimm.f32 $0.0e+00;
	s24 =	simm.s32 $0x4000;
	s25 =	simm.s32 $0xA880;
	s26 =	simm.s32 $0xA980  }
.LBB2_1:
0x14: {  	s0 =	rddreg [dreg:$0x4]  }
0x15: {  	[tilespmem:s8], [sflag:$0x5] =	stream.linear.gather [hbm4b:s0+s4], $0x2800, $0x38;
	[tilespmem:$0x1E600] =	vst v63  }
0x16: {  	_ =	swait.ge [sflag:s19], $0x2800  }
0x17: {  	[sflag:s19] =	ssyncset.done $0x0  }
0x18: {  	s2 =	simm.s32 $0x200;
	s0 =	simm.s32 $0x0;
	[sflag:s19] =	ssyncadd.s32 $0xFFFFD800  }
.LBB2_2:
0x19: {  	p0 =	sne.s32 s2, $0xFE00;
	[tilespmem:s0+$0x70] =	vst v0  }
0x1a: {  	[tilespmem:s0+$0x0] =	vst v0  }
0x1b: {  	[tilespmem:s0+$0x10] =	vst v0  }
.Ltmp0:
0x1c: {  	[tilespmem:s0+$0x20] =	vst v0;
	(pc) =	sbr.rel @p0 .LBB2_2-.Ltmp0, $4  }
0x1d: {  	[tilespmem:s0+$0x30] =	vst v0  }
0x1e: {  	[tilespmem:s0+$0x40] =	vst v0  }
0x1f: {  	[tilespmem:s0+$0x50] =	vst v0  }
0x20: {  	[tilespmem:s0+$0x60] =	vst v0;
	s0 =	sshra.s32 s2, $0x2;
	s2 =	sadd.s32 $0x200, s2  }
0x21: {  	[tilespmem:s0+$0x70] =	vst v0  }
0x22: {  	[tilespmem:s0+$0x0] =	vst v0  }
0x23: {  	[tilespmem:s0+$0x10] =	vst v0  }
0x24: {  	[tilespmem:s0+$0x20] =	vst v0  }
0x25: {  	[tilespmem:s0+$0x30] =	vst v0  }
0x26: {  	[tilespmem:s0+$0x40] =	vst v0  }
0x27: {  	[tilespmem:s0+$0x50] =	vst v0  }
0x28: {  	[tilespmem:s0+$0x60] =	vst v0;
	s2 =	simm.s32 $0x0  }
0x29: {  	[spmem:s9] =	stream.linear.scatter [tilespmem:s2], [sflag:$0x5], $0x4000, $0x38;
	[tilespmem:$0x1E600] =	vst v63  }
0x2a: {  	_ =	swait.ge [sflag:s19], $0x4000  }
0x2b: {  	[sflag:s19] =	ssyncset.done $0x0  }
0x2c: {  	s11 =	rddreg [dreg:$0x5];
	[sflag:s19] =	ssyncadd.s32 $0xFFFFC000  }
0x2d: {  	[spmem:s11] =	stream.linear.scatter [tilespmem:s2], [sflag:$0x5], $0x4000, $0x38;
	[tilespmem:$0x1E600] =	vst v63  }
0x2e: {  	_ =	swait.ge [sflag:s19], $0x4000  }
0x2f: {  	[sflag:s19] =	ssyncset.done $0x0  }
0x30: {  	s12 =	rddreg [dreg:$0x6];
	[sflag:s19] =	ssyncadd.s32 $0xFFFFC000  }
0x31: {  	[spmem:s12] =	stream.linear.scatter [tilespmem:s2], [sflag:$0x5], $0x4000, $0x38;
	[tilespmem:$0x1E600] =	vst v63  }
0x32: {  	_ =	swait.ge [sflag:s19], $0x4000  }
0x33: {  	[sflag:s19] =	ssyncset.done $0x0  }
0x34: {  	s13 =	rddreg [dreg:$0x7];
	[sflag:s19] =	ssyncadd.s32 $0xFFFFC000  }
0x35: {  	[spmem:s13] =	stream.linear.scatter [tilespmem:s2], [sflag:$0x5], $0x4000, $0x38;
	[tilespmem:$0x1E600] =	vst v63  }
0x36: {  	_ =	swait.ge [sflag:s19], $0x4000  }
0x37: {  	[sflag:s19] =	ssyncset.done $0x0  }
0x38: {  	s18 =	rddreg [dreg:$0x8];
	[sflag:s19] =	ssyncadd.s32 $0xFFFFC000  }
0x39: {  	[spmem:s18] =	stream.linear.scatter [tilespmem:s2], [sflag:$0x5], $0x3C00, $0x38;
	[tilespmem:$0x1E600] =	vst v63  }
0x3a: {  	_ =	swait.ge [sflag:s19], $0x3C00  }
0x3b: {  	[sflag:s19] =	ssyncset.done $0x0  }
0x3c: {  	[sflag:s19] =	ssyncadd.s32 $0xFFFFC400  }
0x3d: {  	[bflag:$0x0] =	sbarrier.arrive $0xFFFF  }
0x3e: {  	[tilespmem:s2], [sflag:$0x1] =	stream.indirect.gather [hbm4b:s1+s20], $0x80, s8, s20, $0xb8;
	[tilespmem:$0x1E600] =	vst v63  }
0x3f: {  	_ = 	snop  }
0x40: {  	[tilespmem:s21], [sflag:$0x1] =	stream.linear.gather [hbm4b:s14+s2], $0x80, $0x38;
	[tilespmem:$0x1E600] =	vst v63  }
0x41: {  	s0 =	simm.s32 $0x0  }
0x42: {  	[tilespmem:s22], [sflag:$0x1] =	stream.linear.gather [hbm4b:s15+s2], $0x80, $0x38;
	[tilespmem:$0x1E600] =	vst v63  }
.LBB2_4:
0x43: {  	_ =	swait.ge [sflag:s23], $0x4000  }
0x44: {  	[sflag:s23] =	ssyncset.done $0x0  }
0x45: {  	[sflag:s23] =	ssyncadd.s32 $0xFFFFC000  }
0x46: {  	_ =	swait.ge [sflag:s23], $0x80  }
0x47: {  	[sflag:s23] =	ssyncset.done $0x0  }
0x48: {  	[sflag:s23] =	ssyncadd.s32 $0xFFFFFF80  }
0x49: {  	s18 =	sshll.u32 s0, $0x1;
	_ =	swait.ge [sflag:s23], $0x80  }
0x4a: {  	p0 =	seq.s32 s0, $0x0;
	s13 =	simm.s32 $0x2;
	[sflag:s23] =	ssyncset.done $0x0  }
0x4b: {  	s8 =	simm.s32 @!p0 $0x4;
	s10 =	sor.u32 $0x1, s18;
	[sflag:s23] =	ssyncadd.s32 $0xFFFFFF80  }
0x4c: {  	s12 =	sadd.s32 s7, s18;
	s11 =	sshll.u32 s10, $0x7;
	_ =	swait.ge @!p0 [sflag:s8], $0x4000  }
0x4d: {  	s10 =	sshll.u32 s10, $0x4;
	s11 =	sand.u32 $0x3FFFFF80, s11;
	[sflag:s8] =	ssyncset.done @!p0 $0x0  }
0x4e: {  	v1 =	vmov s2;
	s11 =	sadd.s32 $0x8000, s11;
	[sflag:s8] =	ssyncadd.s32 @!p0 $0xFFFFC000;
	s8 =	sshll.u32 s12, $0x4  }
0x4f: {  	v1 =	vand.u32 $0xFFFFFFFC, v1;
	v2 =	vmov s13;
	[tilespmem:s24], [sflag:$0x2] =	stream.indirect.gather [hbm4b:s1+s20], $0x80, s11, s20, $0xb8;
	[tilespmem:$0x1E600] =	vst v63  }
0x50: {  	v1 =	vbroadcast v1, $0x0;
	v2 =	vand.u32 $0xFFFFFFFE, v2;
	s10 =	sand.u32 $0x70, s10;
	s8 =	sand.u32 $0xFFFFF80, s8  }
0x51: {  	v2 =	vbroadcast v2, $0x0;
	s8 =	sor.u32 s10, s8  }
0x52: {  	s10 =	sadd.s32 s6, s8  }
0x53: {  	[tilespmem:s25], [sflag:$0x2] =	stream.linear.gather [hbm4b:s10+s2], $0x80, $0x38;
	[tilespmem:$0x1E600] =	vst v63  }
0x54: {  	s8 =	sadd.s32 s5, s8  }
0x55: {  	[tilespmem:s26], [sflag:$0x2] =	stream.linear.gather [hbm4b:s8+s2], $0x80, $0x38;
	[tilespmem:$0x1E600] =	vst v63  }
0x56: {  	v1 =	vld.idx.msk [tilespmem:v1+s21+$0x0], $0xffff  }
0x57: {  	s8 =	simm.s32 $0x100;
	v2 =	vld.idx.msk [tilespmem:v2+s21+$0x0], $0xffff  }
0x58: {  	s12 =	simm.s32 $0x1;
	v4 =	vld [tilespmem:s8+$0x70]  }
0x59: {  	v3 =	vmov s12;
	v5 =	vld [tilespmem:s8+$0xFFFFFF00]  }
0x5a: {  	v3 =	vand.u32 $0xFFFFFFFD, v3;
	v6 =	vld [tilespmem:s8+$0xFFFFFF10]  }
0x5b: {  	v3 =	vbroadcast v3, $0x0;
	v7 =	vld [tilespmem:s8+$0xFFFFFF20]  }
0x5c: {  	v8 =	vld [tilespmem:s8+$0xFFFFFF30]  }
0x5d: {  	v9 =	vld [tilespmem:s8+$0xFFFFFF40]  }
0x5e: {  	v10 =	vld [tilespmem:s8+$0xFFFFFF50]  }
0x5f: {  	v11 =	vld [tilespmem:s8+$0xFFFFFF60];
	v5 =	vmul.f32 v5, v1  }
0x60: {  	v13 =	vld [tilespmem:s8+$0x40];
	v4 =	vmul.f32 v4, v2  }
0x61: {  	v3 =	vld.idx.msk [tilespmem:v3+s21+$0x0], $0xffff;
	[tilespmem:s8+$0xFFFFFF00] =	vst v5;
	v5 =	vmul.f32 v6, v1  }
0x62: {  	v6 =	vld [tilespmem:s8+$0xFFFFFF70];
	[tilespmem:s8+$0x70] =	vst v4;
	v4 =	vmul.f32 v7, v1  }
0x63: {  	v7 =	vld [tilespmem:s8+$0xFFFFFF80];
	[tilespmem:s8+$0xFFFFFF10] =	vst v5;
	v5 =	vmul.f32 v8, v1  }
0x64: {  	v8 =	vld [tilespmem:s8+$0xFFFFFF90];
	[tilespmem:s8+$0xFFFFFF20] =	vst v4;
	v4 =	vmul.f32 v9, v1  }
0x65: {  	v9 =	vld [tilespmem:s8+$0xFFFFFFA0];
	[tilespmem:s8+$0xFFFFFF30] =	vst v5;
	v5 =	vmul.f32 v10, v1  }
0x66: {  	v10 =	vld [tilespmem:s8+$0xFFFFFFB0];
	[tilespmem:s8+$0xFFFFFF40] =	vst v4;
	v4 =	vmul.f32 v11, v1  }
0x67: {  	v11 =	vld [tilespmem:s8+$0xFFFFFFC0];
	v6 =	vmul.f32 v6, v1;
	[tilespmem:s8+$0xFFFFFF50] =	vst v5  }
0x68: {  	v5 =	vmul.f32 v7, v3;
	v7 =	vld [tilespmem:s8+$0xFFFFFFD0];
	[tilespmem:s8+$0xFFFFFF60] =	vst v4  }
0x69: {  	s13 =	simm.s32 $0x3;
	v4 =	vld [tilespmem:s8+$0xFFFFFFE0];
	v8 =	vmul.f32 v8, v3;
	[tilespmem:s8+$0xFFFFFF70] =	vst v6  }
0x6a: {  	v12 =	vmov s13;
	v6 =	vld [tilespmem:s8+$0xFFFFFFF0];
	[tilespmem:s8+$0xFFFFFF80] =	vst v5;
	v5 =	vmul.f32 v9, v3  }
0x6b: {  	v9 =	vld [tilespmem:s8+$0x0];
	[tilespmem:s8+$0xFFFFFF90] =	vst v8;
	v8 =	vmul.f32 v10, v3  }
0x6c: {  	v10 =	vld [tilespmem:s8+$0x10];
	[tilespmem:s8+$0xFFFFFFA0] =	vst v5;
	v5 =	vmul.f32 v11, v3  }
0x6d: {  	[tilespmem:s8+$0xFFFFFFB0] =	vst v8;
	v7 =	vmul.f32 v7, v3;
	v8 =	vld [tilespmem:s8+$0x20]  }
0x6e: {  	v11 =	vld [tilespmem:s8+$0x30];
	v4 =	vmul.f32 v4, v3;
	[tilespmem:s8+$0xFFFFFFC0] =	vst v5  }
0x6f: {  	v1 =	vld.idx.msk [tilespmem:v12+s21+$0x0], $0xffff;
	v3 =	vmul.f32 v6, v3;
	[tilespmem:s8+$0xFFFFFFD0] =	vst v7  }
0x70: {  	[tilespmem:s8+$0xFFFFFFE0] =	vst v4;
	v5 =	vmul.f32 v9, v2;
	v4 =	vld [tilespmem:s8+$0x50]  }
0x71: {  	s11 =	simm.s32 $0x4;
	[tilespmem:s8+$0xFFFFFFF0] =	vst v3;
	v6 =	vmul.f32 v10, v2;
	v3 =	vld [tilespmem:s8+$0x60]  }
0x72: {  	s12 =	simm.s32 $0x7;
	v7 =	vmov s11;
	[tilespmem:s8+$0x0] =	vst v5;
	v9 =	vmul.f32 v8, v2;
	v8 =	vld [tilespmem:s8+$0x80]  }
0x73: {  	s13 =	simm.s32 $0x5;
	v12 =	vand.u32 $0xFFFFFFFC, v7;
	v7 =	vld [tilespmem:s8+$0x90];
	v5 =	vmov s12;
	v10 =	vmul.f32 v11, v2;
	[tilespmem:s8+$0x10] =	vst v6  }
0x74: {  	s10 =	simm.s32 $0x100;
	s11 =	simm.s32 $0x8;
	s12 =	simm.s32 $0x6;
	v11 =	vmul.f32 v13, v2;
	v6 =	vbroadcast v12, $0x0;
	v12 =	vmov s13;
	[tilespmem:s8+$0x20] =	vst v9;
	v9 =	vld [tilespmem:s8+$0xA0]  }
.LBB2_5:
0x75: {  	p0 =	slt.u32 s11, $0x7C;
	v12 =	vand.u32 $0xFFFFFFFD, v12;
	v13 =	vmov s12;
	[tilespmem:s8+$0x30] =	vst v10;
	v4 =	vmul.f32 v4, v2;
	v10 =	vld [tilespmem:s8+$0xB0]  }
0x76: {  	v12 =	vbroadcast v12, $0x0;
	v13 =	vand.u32 $0xFFFFFFFE, v13;
	[tilespmem:s8+$0x40] =	vst v11;
	v2 =	vmul.f32 v3, v2;
	v3 =	vld [tilespmem:s8+$0xC0]  }
0x77: {  	v11 =	vbroadcast v13, $0x0;
	[tilespmem:s8+$0x50] =	vst v4;
	v4 =	vmul.f32 v8, v1;
	v8 =	vld [tilespmem:s8+$0xD0]  }
0x78: {  	[tilespmem:s8+$0x60] =	vst v2;
	v2 =	vmul.f32 v7, v1;
	v7 =	vld [tilespmem:s8+$0xE0]  }
0x79: {  	[tilespmem:s8+$0x80] =	vst v4;
	v4 =	vmul.f32 v9, v1;
	v9 =	vld [tilespmem:s8+$0xF0]  }
0x7a: {  	v5 =	vld.idx.msk [tilespmem:v5+s21+$0x0], $0xffff;
	[tilespmem:s8+$0x90] =	vst v2;
	v2 =	vmul.f32 v10, v1  }
0x7b: {  	v6 =	vld.idx.msk [tilespmem:v6+s21+$0x0], $0xffff;
	[tilespmem:s8+$0xA0] =	vst v4;
	v3 =	vmul.f32 v3, v1  }
0x7c: {  	v4 =	vld.idx.msk [tilespmem:v12+s21+$0x0], $0xffff;
	[tilespmem:s8+$0xB0] =	vst v2;
	v8 =	vmul.f32 v8, v1  }
0x7d: {  	s8 =	sadd.s32 $0x200, s8;
	v2 =	vld.idx.msk [tilespmem:v11+s21+$0x0], $0xffff;
	[tilespmem:s10+$0xC0] =	vst v3;
	v3 =	vmul.f32 v7, v1  }
0x7e: {  	v7 =	vld [tilespmem:s8+$0x70];
	[tilespmem:s10+$0xD0] =	vst v8;
	v9 =	vmul.f32 v9, v1  }
0x7f: {  	v8 =	vld [tilespmem:s8+$0xFFFFFF00];
	[tilespmem:s10+$0xE0] =	vst v3  }
0x80: {  	v1 =	vmov v5;
	v3 =	vld [tilespmem:s8+$0xFFFFFF10];
	[tilespmem:s10+$0xF0] =	vst v9;
	s10 =	smov.u32 s8  }
0x81: {  	v5 =	vld [tilespmem:s8+$0xFFFFFF20]  }
0x82: {  	v9 =	vld [tilespmem:s8+$0xFFFFFF30]  }
0x83: {  	v10 =	vld [tilespmem:s8+$0xFFFFFF40];
	v7 =	vmul.f32 v7, v2  }
0x84: {  	v8 =	vmul.f32 v8, v6;
	v11 =	vld [tilespmem:s8+$0xFFFFFF50]  }
0x85: {  	v3 =	vmul.f32 v3, v6;
	v12 =	vld [tilespmem:s8+$0xFFFFFF60];
	[tilespmem:s8+$0x70] =	vst v7  }
0x86: {  	[tilespmem:s8+$0xFFFFFF00] =	vst v8;
	v5 =	vmul.f32 v5, v6;
	v7 =	vld [tilespmem:s8+$0xFFFFFF70]  }
0x87: {  	[tilespmem:s8+$0xFFFFFF10] =	vst v3;
	v3 =	vmul.f32 v9, v6;
	v8 =	vld [tilespmem:s8+$0xFFFFFF80]  }
0x88: {  	[tilespmem:s8+$0xFFFFFF20] =	vst v5;
	v5 =	vmul.f32 v10, v6;
	v9 =	vld [tilespmem:s8+$0xFFFFFF90]  }
0x89: {  	[tilespmem:s8+$0xFFFFFF30] =	vst v3;
	v3 =	vmul.f32 v11, v6;
	v10 =	vld [tilespmem:s8+$0xFFFFFFA0]  }
0x8a: {  	[tilespmem:s8+$0xFFFFFF40] =	vst v5;
	v5 =	vmul.f32 v12, v6;
	v11 =	vld [tilespmem:s8+$0xFFFFFFB0]  }
0x8b: {  	[tilespmem:s8+$0xFFFFFF50] =	vst v3;
	v3 =	vmul.f32 v7, v6;
	v6 =	vld [tilespmem:s8+$0xFFFFFFC0]  }
0x8c: {  	[tilespmem:s8+$0xFFFFFF60] =	vst v5;
	v5 =	vmul.f32 v8, v4;
	v7 =	vld [tilespmem:s8+$0xFFFFFFD0]  }
0x8d: {  	[tilespmem:s8+$0xFFFFFF70] =	vst v3;
	v3 =	vmul.f32 v9, v4;
	v8 =	vld [tilespmem:s8+$0xFFFFFFE0]  }
0x8e: {  	[tilespmem:s8+$0xFFFFFF80] =	vst v5;
	v5 =	vmul.f32 v10, v4;
	v9 =	vld [tilespmem:s8+$0xFFFFFFF0]  }
0x8f: {  	[tilespmem:s8+$0xFFFFFF90] =	vst v3;
	v3 =	vmul.f32 v11, v4;
	v10 =	vld [tilespmem:s8+$0x0]  }
0x90: {  	[tilespmem:s8+$0xFFFFFFA0] =	vst v5;
	v5 =	vmul.f32 v6, v4;
	v6 =	vld [tilespmem:s8+$0x10]  }
0x91: {  	[tilespmem:s8+$0xFFFFFFB0] =	vst v3;
	v3 =	vmul.f32 v7, v4;
	v7 =	vld [tilespmem:s8+$0x20]  }
0x92: {  	[tilespmem:s8+$0xFFFFFFC0] =	vst v5;
	v5 =	vmul.f32 v8, v4;
	v11 =	vld [tilespmem:s8+$0x30]  }
0x93: {  	[tilespmem:s8+$0xFFFFFFD0] =	vst v3;
	v3 =	vmul.f32 v9, v4;
	v9 =	vld [tilespmem:s8+$0x40]  }
.Ltmp1:
0x94: {  	[tilespmem:s8+$0xFFFFFFE0] =	vst v5;
	v5 =	vmul.f32 v10, v2;
	v4 =	vld [tilespmem:s8+$0x50];
	(pc) =	sbr.rel @p0 .LBB2_5-.Ltmp1, $4  }
0x95: {  	[tilespmem:s8+$0xFFFFFFF0] =	vst v3;
	v6 =	vmul.f32 v6, v2;
	v3 =	vld [tilespmem:s8+$0x60]  }
0x96: {  	s12 =	sadd.s32 $0x3, s11;
	v10 =	vmov s11;
	[tilespmem:s8+$0x0] =	vst v5;
	v13 =	vmul.f32 v7, v2;
	v8 =	vld [tilespmem:s8+$0x80]  }
0x97: {  	s13 =	sadd.s32 $0x1, s11;
	v12 =	vand.u32 $0xFFFFFFFC, v10;
	v5 =	vmov s12;
	[tilespmem:s8+$0x10] =	vst v6;
	v10 =	vmul.f32 v11, v2;
	v7 =	vld [tilespmem:s8+$0x90]  }
0x98: {  	s12 =	sadd.s32 $0x2, s11;
	s11 =	sadd.s32 $0x4, s11;
	v6 =	vbroadcast v12, $0x0;
	v12 =	vmov s13;
	[tilespmem:s8+$0x20] =	vst v13;
	v11 =	vmul.f32 v9, v2;
	v9 =	vld [tilespmem:s8+$0xA0]  }
0x99: {  	v13 =	vld [tilespmem:s8+$0xB0]  }
0x9a: {  	v15 =	vld [tilespmem:s8+$0xC0]  }
0x9b: {  	v14 =	vmov s12;
	v16 =	vld [tilespmem:s8+$0xD0]  }
0x9c: {  	v17 =	vld [tilespmem:s8+$0xE0];
	[tilespmem:s8+$0x30] =	vst v10;
	v4 =	vmul.f32 v4, v2;
	v14 =	vand.u32 $0xFFFFFFFE, v14  }
0x9d: {  	v12 =	vand.u32 $0xFFFFFFFD, v12;
	v5 =	vld.idx.msk [tilespmem:v5+s21+$0x0], $0xffff;
	[tilespmem:s8+$0x40] =	vst v11;
	v2 =	vmul.f32 v3, v2;
	v14 =	vbroadcast v14, $0x0  }
0x9e: {  	s11 =	sadd.s32 $0x200, s8;
	v12 =	vbroadcast v12, $0x0;
	v3 =	vld.idx.msk [tilespmem:v6+s21+$0x0], $0xffff;
	v8 =	vmul.f32 v8, v1;
	[tilespmem:s8+$0x50] =	vst v4  }
0x9f: {  	v10 =	vld [tilespmem:s11+$0xFFFFFF00];
	v4 =	vmul.f32 v7, v1;
	[tilespmem:s8+$0x60] =	vst v2  }
0xa0: {  	[tilespmem:s8+$0x80] =	vst v8;
	v8 =	vld [tilespmem:s8+$0xF0];
	v2 =	vmul.f32 v9, v1  }
0xa1: {  	v11 =	vld [tilespmem:s11+$0xFFFFFF10];
	[tilespmem:s8+$0x90] =	vst v4;
	v4 =	vmul.f32 v13, v1  }
0xa2: {  	v9 =	vld [tilespmem:s11+$0x70];
	[tilespmem:s8+$0xA0] =	vst v2;
	v2 =	vmul.f32 v15, v1  }
0xa3: {  	[tilespmem:s8+$0xB0] =	vst v4;
	v4 =	vmul.f32 v16, v1;
	v7 =	vld.idx.msk [tilespmem:v14+s21+$0x0], $0xffff  }
0xa4: {  	v6 =	vld.idx.msk [tilespmem:v12+s21+$0x0], $0xffff;
	[tilespmem:s10+$0xC0] =	vst v2;
	v2 =	vmul.f32 v17, v1  }
0xa5: {  	v12 =	vld [tilespmem:s11+$0xFFFFFF20];
	[tilespmem:s10+$0xD0] =	vst v4;
	v1 =	vmul.f32 v8, v1  }
0xa6: {  	v4 =	vld [tilespmem:s11+$0xFFFFFF30];
	[tilespmem:s10+$0xE0] =	vst v2  }
0xa7: {  	v2 =	vld [tilespmem:s11+$0xFFFFFF40];
	[tilespmem:s10+$0xF0] =	vst v1;
	v1 =	vmul.f32 v10, v3  }
0xa8: {  	v8 =	vmul.f32 v9, v7;
	v9 =	vld [tilespmem:s11+$0xFFFFFF50]  }
0xa9: {  	v10 =	vmul.f32 v11, v3;
	v11 =	vld [tilespmem:s11+$0xFFFFFF60];
	[tilespmem:s11+$0xFFFFFF00] =	vst v1  }
0xaa: {  	v1 =	vmul.f32 v12, v3;
	[tilespmem:s11+$0x70] =	vst v8;
	v8 =	vld [tilespmem:s11+$0xFFFFFF70]  }
0xab: {  	[tilespmem:s11+$0xFFFFFF10] =	vst v10;
	v10 =	vld [tilespmem:s11+$0xFFFFFF80];
	v4 =	vmul.f32 v4, v3  }
0xac: {  	[tilespmem:s11+$0xFFFFFF20] =	vst v1;
	v1 =	vmul.f32 v2, v3;
	v2 =	vld [tilespmem:s11+$0xFFFFFF90]  }
0xad: {  	[tilespmem:s11+$0xFFFFFF30] =	vst v4;
	v4 =	vmul.f32 v9, v3;
	v9 =	vld [tilespmem:s11+$0xFFFFFFA0]  }
0xae: {  	[tilespmem:s11+$0xFFFFFF40] =	vst v1;
	v1 =	vmul.f32 v11, v3;
	v11 =	vld [tilespmem:s11+$0xFFFFFFB0]  }
0xaf: {  	[tilespmem:s11+$0xFFFFFF50] =	vst v4;
	v3 =	vmul.f32 v8, v3;
	v4 =	vld [tilespmem:s11+$0xFFFFFFC0]  }
0xb0: {  	[tilespmem:s11+$0xFFFFFF60] =	vst v1;
	v1 =	vmul.f32 v10, v6;
	v8 =	vld [tilespmem:s11+$0xFFFFFFD0]  }
0xb1: {  	v2 =	vmul.f32 v2, v6;
	[tilespmem:s11+$0xFFFFFF70] =	vst v3;
	v3 =	vld [tilespmem:s11+$0xFFFFFFE0]  }
0xb2: {  	[tilespmem:s11+$0xFFFFFF80] =	vst v1;
	v1 =	vmul.f32 v9, v6;
	v9 =	vld [tilespmem:s11+$0xFFFFFFF0]  }
0xb3: {  	v10 =	vld [tilespmem:s11+$0x0];
	[tilespmem:s11+$0xFFFFFF90] =	vst v2;
	v2 =	vmul.f32 v11, v6  }
0xb4: {  	[tilespmem:s11+$0xFFFFFFA0] =	vst v1;
	v1 =	vmul.f32 v4, v6;
	v4 =	vld [tilespmem:s11+$0x10]  }
0xb5: {  	[tilespmem:s11+$0xFFFFFFB0] =	vst v2;
	v2 =	vmul.f32 v8, v6;
	v8 =	vld [tilespmem:s11+$0x20]  }
0xb6: {  	[tilespmem:s11+$0xFFFFFFC0] =	vst v1;
	v1 =	vmul.f32 v3, v6;
	v3 =	vld [tilespmem:s11+$0x30]  }
0xb7: {  	[tilespmem:s11+$0xFFFFFFD0] =	vst v2;
	v2 =	vmul.f32 v9, v6;
	v6 =	vld [tilespmem:s11+$0x40]  }
0xb8: {  	v9 =	vld [tilespmem:s11+$0x50];
	[tilespmem:s11+$0xFFFFFFE0] =	vst v1;
	v1 =	vmul.f32 v10, v7  }
0xb9: {  	[tilespmem:s11+$0xFFFFFFF0] =	vst v2;
	v2 =	vmul.f32 v4, v7;
	v4 =	vld [tilespmem:s11+$0x60]  }
0xba: {  	[tilespmem:s11+$0x0] =	vst v1;
	v1 =	vmul.f32 v8, v7;
	v8 =	vld [tilespmem:s11+$0x80]  }
0xbb: {  	[tilespmem:s11+$0x10] =	vst v2;
	v2 =	vmul.f32 v3, v7;
	v3 =	vld [tilespmem:s11+$0x90]  }
0xbc: {  	[tilespmem:s11+$0x20] =	vst v1;
	v1 =	vmul.f32 v6, v7;
	v6 =	vld [tilespmem:s11+$0xA0]  }
0xbd: {  	[tilespmem:s11+$0x30] =	vst v2;
	v2 =	vmul.f32 v9, v7;
	v9 =	vld [tilespmem:s11+$0xB0]  }
0xbe: {  	[tilespmem:s11+$0x40] =	vst v1;
	v1 =	vmul.f32 v4, v7;
	v4 =	vld [tilespmem:s11+$0xC0]  }
0xbf: {  	v7 =	vld [tilespmem:s11+$0xD0];
	[tilespmem:s11+$0x50] =	vst v2;
	v2 =	vmul.f32 v8, v5  }
0xc0: {  	[tilespmem:s11+$0x60] =	vst v1;
	v1 =	vmul.f32 v3, v5;
	v3 =	vld [tilespmem:s11+$0xE0]  }
0xc1: {  	[tilespmem:s11+$0x80] =	vst v2;
	v2 =	vmul.f32 v6, v5;
	v6 =	vld [tilespmem:s11+$0xF0]  }
0xc2: {  	[tilespmem:s11+$0x90] =	vst v1;
	v1 =	vmul.f32 v9, v5  }
0xc3: {  	[tilespmem:s11+$0xA0] =	vst v2;
	v2 =	vmul.f32 v4, v5  }
0xc4: {  	[tilespmem:s11+$0xB0] =	vst v1;
	v1 =	vmul.f32 v7, v5  }
0xc5: {  	[tilespmem:s11+$0xC0] =	vst v2;
	v2 =	vmul.f32 v3, v5  }
0xc6: {  	[tilespmem:s11+$0xD0] =	vst v1;
	v1 =	vmul.f32 v6, v5  }
0xc7: {  	[tilespmem:s11+$0xE0] =	vst v2  }
0xc8: {  	[tilespmem:s11+$0xF0] =	vst v1  }
0xc9: {  	[spmem:s3] =	stream.indirect.scatter.add.f32 [tilespmem:s4], [sflag:$0x3], $0x80, s22, s20, $0xb8;
	[tilespmem:$0x1E600] =	vst v63  }
0xca: {  	_ =	swait.ge [sflag:s28], $0x4000  }
0xcb: {  	[sflag:s28] =	ssyncset.done $0x0  }
0xcc: {  	[sflag:s28] =	ssyncadd.s32 $0xFFFFC000  }
0xcd: {  	_ =	swait.ge [sflag:s28], $0x80  }
0xce: {  	[sflag:s28] =	ssyncset.done $0x0  }
0xcf: {  	[sflag:s28] =	ssyncadd.s32 $0xFFFFFF80  }
0xd0: {  	_ =	swait.ge [sflag:s28], $0x80  }
0xd1: {  	p0 =	seq.s32 s0, $0x27;
	[sflag:s28] =	ssyncset.done $0x0  }
0xd2: {  	s8 =	sadd.s32 @!p0 $0x2, s18;
	[sflag:s28] =	ssyncadd.s32 $0xFFFFFF80  }
0xd3: {  	s12 =	simm.s32 @!p0 $0x0;
	s10 =	sshll.u32 @!p0 s8, $0x7;
	_ =	swait.ge [sflag:s29], $0x4000  }
0xd4: {  	s18 =	simm.s32 $0x0;
	s10 =	sand.u32 @!p0 $0x3FFFFF80, s10;
	[sflag:s29] =	ssyncset.done $0x0  }
0xd5: {  	s10 =	sadd.s32 @!p0 $0x8000, s10;
	s11 =	simm.s32 @!p0 $0x80;
	[sflag:s29] =	ssyncadd.s32 $0xFFFFC000  }
0xd6: {  	[tilespmem:s12], [sflag:$0x1] =	stream.indirect.gather @!p0 [hbm4b:s1+s11], $0x80, s10, s11, $0xb8;
	[tilespmem:$0x1E600] =	vst v63  }
0xd7: {  	s13 =	simm.s32 $0x2;
	v1 =	vmov s18;
	s11 =	sadd.s32 @!p0 s7, s8  }
0xd8: {  	v2 =	vmov s13;
	v1 =	vand.u32 $0xFFFFFFFC, v1;
	s8 =	sshll.u32 @!p0 s8, $0x4;
	s11 =	sshll.u32 @!p0 s11, $0x4  }
0xd9: {  	v2 =	vand.u32 $0xFFFFFFFE, v2;
	v1 =	vbroadcast v1, $0x0;
	s8 =	sand.u32 @!p0 $0x60, s8;
	s10 =	sand.u32 @!p0 $0xFFFFF80, s11  }
0xda: {  	v2 =	vbroadcast v2, $0x0;
	s8 =	sor.u32 @!p0 s8, s10  }
0xdb: {  	s11 =	simm.s32 @!p0 $0xA800;
	s10 =	sadd.s32 @!p0 s6, s8  }
0xdc: {  	[tilespmem:s11], [sflag:$0x1] =	stream.linear.gather @!p0 [hbm4b:s10+s12], $0x80, $0x38;
	[tilespmem:$0x1E600] =	vst v63  }
0xdd: {  	s8 =	sadd.s32 @!p0 s5, s8;
	s10 =	simm.s32 @!p0 $0xA900  }
0xde: {  	[tilespmem:s10], [sflag:$0x1] =	stream.linear.gather @!p0 [hbm4b:s8+s12], $0x80, $0x38;
	[tilespmem:$0x1E600] =	vst v63  }
0xdf: {  	v1 =	vld.idx.msk [tilespmem:v1+s25+$0x0], $0xffff  }
0xe0: {  	s18 =	simm.s32 $0x1;
	s8 =	simm.s32 $0x41F0;
	v2 =	vld.idx.msk [tilespmem:v2+s25+$0x0], $0xffff  }
0xe1: {  	v3 =	vmov s18;
	v4 =	vld [tilespmem:s8+$0xFFFFFF80]  }
0xe2: {  	v3 =	vand.u32 $0xFFFFFFFD, v3;
	v5 =	vld [tilespmem:s8+$0xFFFFFE10]  }
0xe3: {  	v3 =	vbroadcast v3, $0x0;
	v6 =	vld [tilespmem:s8+$0xFFFFFE20]  }
0xe4: {  	v7 =	vld [tilespmem:s8+$0xFFFFFE30]  }
0xe5: {  	v8 =	vld [tilespmem:s8+$0xFFFFFE40]  }
0xe6: {  	v9 =	vld [tilespmem:s8+$0xFFFFFE50]  }
0xe7: {  	v10 =	vld [tilespmem:s8+$0xFFFFFE60]  }
0xe8: {  	v11 =	vld [tilespmem:s8+$0xFFFFFE70];
	v5 =	vmul.f32 v5, v1  }
0xe9: {  	v3 =	vld.idx.msk [tilespmem:v3+s25+$0x0], $0xffff;
	v4 =	vmul.f32 v4, v2  }
0xea: {  	v13 =	vld [tilespmem:s8+$0xFFFFFF50];
	[tilespmem:s8+$0xFFFFFE10] =	vst v5;
	v5 =	vmul.f32 v6, v1  }
0xeb: {  	v6 =	vld [tilespmem:s8+$0xFFFFFE80];
	[tilespmem:s8+$0xFFFFFF80] =	vst v4;
	v4 =	vmul.f32 v7, v1  }
0xec: {  	v7 =	vld [tilespmem:s8+$0xFFFFFE90];
	[tilespmem:s8+$0xFFFFFE20] =	vst v5;
	v5 =	vmul.f32 v8, v1  }
0xed: {  	v8 =	vld [tilespmem:s8+$0xFFFFFEA0];
	[tilespmem:s8+$0xFFFFFE30] =	vst v4;
	v4 =	vmul.f32 v9, v1  }
0xee: {  	v9 =	vld [tilespmem:s8+$0xFFFFFEB0];
	[tilespmem:s8+$0xFFFFFE40] =	vst v5;
	v5 =	vmul.f32 v10, v1  }
0xef: {  	v10 =	vld [tilespmem:s8+$0xFFFFFEC0];
	[tilespmem:s8+$0xFFFFFE50] =	vst v4;
	v4 =	vmul.f32 v11, v1  }
0xf0: {  	v11 =	vld [tilespmem:s8+$0xFFFFFED0];
	v6 =	vmul.f32 v6, v1;
	[tilespmem:s8+$0xFFFFFE60] =	vst v5  }
0xf1: {  	v5 =	vmul.f32 v7, v3;
	v7 =	vld [tilespmem:s8+$0xFFFFFEE0];
	[tilespmem:s8+$0xFFFFFE70] =	vst v4  }
0xf2: {  	s11 =	simm.s32 $0x3;
	v4 =	vld [tilespmem:s8+$0xFFFFFEF0];
	v8 =	vmul.f32 v8, v3;
	[tilespmem:s8+$0xFFFFFE80] =	vst v6  }
0xf3: {  	v12 =	vmov s11;
	v6 =	vld [tilespmem:s8+$0xFFFFFF00];
	[tilespmem:s8+$0xFFFFFE90] =	vst v5;
	v5 =	vmul.f32 v9, v3  }
0xf4: {  	v9 =	vld [tilespmem:s8+$0xFFFFFF10];
	[tilespmem:s8+$0xFFFFFEA0] =	vst v8;
	v8 =	vmul.f32 v10, v3  }
0xf5: {  	v10 =	vld [tilespmem:s8+$0xFFFFFF20];
	[tilespmem:s8+$0xFFFFFEB0] =	vst v5;
	v5 =	vmul.f32 v11, v3  }
0xf6: {  	[tilespmem:s8+$0xFFFFFEC0] =	vst v8;
	v7 =	vmul.f32 v7, v3;
	v8 =	vld [tilespmem:s8+$0xFFFFFF30]  }
0xf7: {  	v11 =	vld [tilespmem:s8+$0xFFFFFF40];
	v4 =	vmul.f32 v4, v3;
	[tilespmem:s8+$0xFFFFFED0] =	vst v5  }
0xf8: {  	v1 =	vld.idx.msk [tilespmem:v12+s25+$0x0], $0xffff;
	v3 =	vmul.f32 v6, v3;
	[tilespmem:s8+$0xFFFFFEE0] =	vst v7  }
0xf9: {  	[tilespmem:s8+$0xFFFFFEF0] =	vst v4;
	v5 =	vmul.f32 v9, v2;
	v4 =	vld [tilespmem:s8+$0xFFFFFF60]  }
0xfa: {  	s12 =	simm.s32 $0x4;
	[tilespmem:s8+$0xFFFFFF00] =	vst v3;
	v6 =	vmul.f32 v10, v2;
	v3 =	vld [tilespmem:s8+$0xFFFFFF70]  }
0xfb: {  	s13 =	simm.s32 $0x7;
	v7 =	vmov s12;
	[tilespmem:s8+$0xFFFFFF10] =	vst v5;
	v9 =	vmul.f32 v8, v2;
	v8 =	vld [tilespmem:s8+$0xFFFFFF90]  }
0xfc: {  	s18 =	simm.s32 $0x5;
	v12 =	vand.u32 $0xFFFFFFFC, v7;
	v7 =	vld [tilespmem:s8+$0xFFFFFFA0];
	v5 =	vmov s13;
	v10 =	vmul.f32 v11, v2;
	[tilespmem:s8+$0xFFFFFF20] =	vst v6  }
0xfd: {  	s11 =	simm.s32 $0x8;
	s10 =	simm.s32 $0x41F0;
	s12 =	simm.s32 $0x6;
	v11 =	vmul.f32 v13, v2;
	v6 =	vbroadcast v12, $0x0;
	v12 =	vmov s18;
	[tilespmem:s8+$0xFFFFFF30] =	vst v9;
	v9 =	vld [tilespmem:s8+$0xFFFFFFB0]  }
.LBB2_7:
0xfe: {  	p0 =	slt.u32 s11, $0x7C;
	v12 =	vand.u32 $0xFFFFFFFD, v12;
	v13 =	vmov s12;
	[tilespmem:s8+$0xFFFFFF40] =	vst v10;
	v4 =	vmul.f32 v4, v2;
	v10 =	vld [tilespmem:s8+$0xFFFFFFC0]  }
0xff: {  	v12 =	vbroadcast v12, $0x0;
	v13 =	vand.u32 $0xFFFFFFFE, v13;
	[tilespmem:s8+$0xFFFFFF50] =	vst v11;
	v2 =	vmul.f32 v3, v2;
	v3 =	vld [tilespmem:s8+$0xFFFFFFD0]  }
0x100: {  	v11 =	vbroadcast v13, $0x0;
	[tilespmem:s8+$0xFFFFFF60] =	vst v4;
	v4 =	vmul.f32 v8, v1;
	v8 =	vld [tilespmem:s8+$0xFFFFFFE0]  }
0x101: {  	[tilespmem:s8+$0xFFFFFF70] =	vst v2;
	v2 =	vmul.f32 v7, v1;
	v7 =	vld [tilespmem:s8+$0xFFFFFFF0]  }
0x102: {  	[tilespmem:s8+$0xFFFFFF90] =	vst v4;
	v4 =	vmul.f32 v9, v1;
	v9 =	vld [tilespmem:s8+$0x0]  }
0x103: {  	v5 =	vld.idx.msk [tilespmem:v5+s25+$0x0], $0xffff;
	[tilespmem:s8+$0xFFFFFFA0] =	vst v2;
	v2 =	vmul.f32 v10, v1  }
0x104: {  	v6 =	vld.idx.msk [tilespmem:v6+s25+$0x0], $0xffff;
	[tilespmem:s8+$0xFFFFFFB0] =	vst v4;
	v3 =	vmul.f32 v3, v1  }
0x105: {  	v4 =	vld.idx.msk [tilespmem:v12+s25+$0x0], $0xffff;
	[tilespmem:s8+$0xFFFFFFC0] =	vst v2;
	v8 =	vmul.f32 v8, v1  }
0x106: {  	s8 =	sadd.s32 $0x200, s8;
	v2 =	vld.idx.msk [tilespmem:v11+s25+$0x0], $0xffff;
	[tilespmem:s10+$0xFFFFFFD0] =	vst v3;
	v3 =	vmul.f32 v7, v1  }
0x107: {  	v7 =	vld [tilespmem:s8+$0xFFFFFF80];
	[tilespmem:s10+$0xFFFFFFE0] =	vst v8;
	v9 =	vmul.f32 v9, v1  }
0x108: {  	v8 =	vld [tilespmem:s8+$0xFFFFFE10];
	[tilespmem:s10+$0xFFFFFFF0] =	vst v3  }
0x109: {  	v1 =	vmov v5;
	v3 =	vld [tilespmem:s8+$0xFFFFFE20];
	[tilespmem:s10+$0x0] =	vst v9;
	s10 =	smov.u32 s8  }
0x10a: {  	v5 =	vld [tilespmem:s8+$0xFFFFFE30]  }
0x10b: {  	v9 =	vld [tilespmem:s8+$0xFFFFFE40]  }
0x10c: {  	v10 =	vld [tilespmem:s8+$0xFFFFFE50];
	v7 =	vmul.f32 v7, v2  }
0x10d: {  	v8 =	vmul.f32 v8, v6;
	v11 =	vld [tilespmem:s8+$0xFFFFFE60]  }
0x10e: {  	v3 =	vmul.f32 v3, v6;
	v12 =	vld [tilespmem:s8+$0xFFFFFE70];
	[tilespmem:s8+$0xFFFFFF80] =	vst v7  }
0x10f: {  	[tilespmem:s8+$0xFFFFFE10] =	vst v8;
	v5 =	vmul.f32 v5, v6;
	v7 =	vld [tilespmem:s8+$0xFFFFFE80]  }
0x110: {  	[tilespmem:s8+$0xFFFFFE20] =	vst v3;
	v3 =	vmul.f32 v9, v6;
	v8 =	vld [tilespmem:s8+$0xFFFFFE90]  }
0x111: {  	[tilespmem:s8+$0xFFFFFE30] =	vst v5;
	v5 =	vmul.f32 v10, v6;
	v9 =	vld [tilespmem:s8+$0xFFFFFEA0]  }
0x112: {  	[tilespmem:s8+$0xFFFFFE40] =	vst v3;
	v3 =	vmul.f32 v11, v6;
	v10 =	vld [tilespmem:s8+$0xFFFFFEB0]  }
0x113: {  	[tilespmem:s8+$0xFFFFFE50] =	vst v5;
	v5 =	vmul.f32 v12, v6;
	v11 =	vld [tilespmem:s8+$0xFFFFFEC0]  }
0x114: {  	[tilespmem:s8+$0xFFFFFE60] =	vst v3;
	v3 =	vmul.f32 v7, v6;
	v6 =	vld [tilespmem:s8+$0xFFFFFED0]  }
0x115: {  	[tilespmem:s8+$0xFFFFFE70] =	vst v5;
	v5 =	vmul.f32 v8, v4;
	v7 =	vld [tilespmem:s8+$0xFFFFFEE0]  }
0x116: {  	[tilespmem:s8+$0xFFFFFE80] =	vst v3;
	v3 =	vmul.f32 v9, v4;
	v8 =	vld [tilespmem:s8+$0xFFFFFEF0]  }
0x117: {  	[tilespmem:s8+$0xFFFFFE90] =	vst v5;
	v5 =	vmul.f32 v10, v4;
	v9 =	vld [tilespmem:s8+$0xFFFFFF00]  }
0x118: {  	[tilespmem:s8+$0xFFFFFEA0] =	vst v3;
	v3 =	vmul.f32 v11, v4;
	v10 =	vld [tilespmem:s8+$0xFFFFFF10]  }
0x119: {  	[tilespmem:s8+$0xFFFFFEB0] =	vst v5;
	v5 =	vmul.f32 v6, v4;
	v6 =	vld [tilespmem:s8+$0xFFFFFF20]  }
0x11a: {  	[tilespmem:s8+$0xFFFFFEC0] =	vst v3;
	v3 =	vmul.f32 v7, v4;
	v7 =	vld [tilespmem:s8+$0xFFFFFF30]  }
0x11b: {  	[tilespmem:s8+$0xFFFFFED0] =	vst v5;
	v5 =	vmul.f32 v8, v4;
	v11 =	vld [tilespmem:s8+$0xFFFFFF40]  }
0x11c: {  	[tilespmem:s8+$0xFFFFFEE0] =	vst v3;
	v3 =	vmul.f32 v9, v4;
	v9 =	vld [tilespmem:s8+$0xFFFFFF50]  }
.Ltmp2:
0x11d: {  	[tilespmem:s8+$0xFFFFFEF0] =	vst v5;
	v5 =	vmul.f32 v10, v2;
	v4 =	vld [tilespmem:s8+$0xFFFFFF60];
	(pc) =	sbr.rel @p0 .LBB2_7-.Ltmp2, $4  }
0x11e: {  	[tilespmem:s8+$0xFFFFFF00] =	vst v3;
	v6 =	vmul.f32 v6, v2;
	v3 =	vld [tilespmem:s8+$0xFFFFFF70]  }
0x11f: {  	s12 =	sadd.s32 $0x3, s11;
	v10 =	vmov s11;
	[tilespmem:s8+$0xFFFFFF10] =	vst v5;
	v13 =	vmul.f32 v7, v2;
	v8 =	vld [tilespmem:s8+$0xFFFFFF90]  }
0x120: {  	s13 =	sadd.s32 $0x1, s11;
	v12 =	vand.u32 $0xFFFFFFFC, v10;
	v5 =	vmov s12;
	[tilespmem:s8+$0xFFFFFF20] =	vst v6;
	v10 =	vmul.f32 v11, v2;
	v7 =	vld [tilespmem:s8+$0xFFFFFFA0]  }
0x121: {  	s12 =	sadd.s32 $0x2, s11;
	s11 =	sadd.s32 $0x4, s11;
	v6 =	vbroadcast v12, $0x0;
	v12 =	vmov s13;
	[tilespmem:s8+$0xFFFFFF30] =	vst v13;
	v11 =	vmul.f32 v9, v2;
	v9 =	vld [tilespmem:s8+$0xFFFFFFB0]  }
0x122: {  	v13 =	vld [tilespmem:s8+$0xFFFFFFC0]  }
0x123: {  	v15 =	vld [tilespmem:s8+$0xFFFFFFD0]  }
0x124: {  	v16 =	vld [tilespmem:s8+$0xFFFFFFE0]  }
0x125: {  	v17 =	vld [tilespmem:s8+$0xFFFFFFF0]  }
0x126: {  	v29 =	vld [tilespmem:s8+$0x0];
	[tilespmem:s8+$0xFFFFFF40] =	vst v10;
	v4 =	vmul.f32 v4, v2  }
0x127: {  	v5 =	vld.idx.msk [tilespmem:v5+s25+$0x0], $0xffff;
	[tilespmem:s8+$0xFFFFFF50] =	vst v11;
	v2 =	vmul.f32 v3, v2  }
0x128: {  	s11 =	sadd.s32 $0x200, s8;
	v3 =	vld.idx.msk [tilespmem:v6+s25+$0x0], $0xffff;
	v8 =	vmul.f32 v8, v1;
	[tilespmem:s8+$0xFFFFFF60] =	vst v4  }
0x129: {  	v14 =	vmov s12;
	v34 =	vld [tilespmem:s11+$0xFFFFFF80];
	v30 =	vmul.f32 v7, v1;
	[tilespmem:s8+$0xFFFFFF70] =	vst v2  }
0x12a: {  	v14 =	vand.u32 $0xFFFFFFFE, v14;
	v35 =	vld [tilespmem:s11+$0xFFFFFE10];
	[tilespmem:s8+$0xFFFFFF90] =	vst v8;
	v2 =	vmul.f32 v9, v1  }
0x12b: {  	v37 =	vld [tilespmem:s11+$0xFFFFFE20];
	v14 =	vbroadcast v14, $0x0;
	[tilespmem:s8+$0xFFFFFFA0] =	vst v30;
	v33 =	vmul.f32 v13, v1  }
0x12c: {  	v38 =	vld [tilespmem:s11+$0xFFFFFE30];
	[tilespmem:s8+$0xFFFFFFB0] =	vst v2;
	v2 =	vmul.f32 v15, v1  }
0x12d: {  	v12 =	vand.u32 $0xFFFFFFFD, v12;
	v39 =	vld [tilespmem:s11+$0xFFFFFE40];
	v36 =	vmul.f32 v16, v1;
	[tilespmem:s8+$0xFFFFFFC0] =	vst v33  }
0x12e: {  	v12 =	vbroadcast v12, $0x0;
	v41 =	vld [tilespmem:s11+$0xFFFFFE60];
	[tilespmem:s10+$0xFFFFFFD0] =	vst v2;
	v2 =	vmul.f32 v17, v1  }
0x12f: {  	v43 =	vld [tilespmem:s11+$0xFFFFFE70];
	[tilespmem:s10+$0xFFFFFFE0] =	vst v36;
	v1 =	vmul.f32 v29, v1  }
0x130: {  	v42 =	vmul.f32 v37, v3;
	[tilespmem:s10+$0xFFFFFFF0] =	vst v2;
	v2 =	vld [tilespmem:s11+$0xFFFFFE50]  }
0x131: {  	v32 =	vld.idx.msk [tilespmem:v14+s25+$0x0], $0xffff;
	[tilespmem:s10+$0x0] =	vst v1;
	v1 =	vmul.f32 v35, v3  }
0x132: {  	v44 =	vld [tilespmem:s11+$0xFFFFFE80];
	v4 =	vmul.f32 v39, v3;
	[tilespmem:s11+$0xFFFFFE20] =	vst v42  }
0x133: {  	v45 =	vld [tilespmem:s11+$0xFFFFFE90];
	[tilespmem:s11+$0xFFFFFE10] =	vst v1;
	v1 =	vmul.f32 v38, v3  }
0x134: {  	v46 =	vmul.f32 v41, v3;
	v31 =	vld.idx.msk [tilespmem:v12+s25+$0x0], $0xffff;
	[tilespmem:s11+$0xFFFFFE40] =	vst v4  }
0x135: {  	[tilespmem:s11+$0xFFFFFE30] =	vst v1;
	v1 =	vmul.f32 v2, v3;
	v2 =	vld [tilespmem:s11+$0xFFFFFEA0]  }
0x136: {  	v47 =	vld [tilespmem:s11+$0xFFFFFEB0];
	[tilespmem:s11+$0xFFFFFE60] =	vst v46;
	v40 =	vmul.f32 v34, v32  }
0x137: {  	v48 =	vld [tilespmem:s11+$0xFFFFFEC0];
	[tilespmem:s11+$0xFFFFFE50] =	vst v1;
	v1 =	vmul.f32 v43, v3  }
0x138: {  	v49 =	vld [tilespmem:s11+$0xFFFFFED0];
	[tilespmem:s11+$0xFFFFFF80] =	vst v40;
	v3 =	vmul.f32 v44, v3  }
0x139: {  	v50 =	vld [tilespmem:s11+$0xFFFFFEE0];
	[tilespmem:s11+$0xFFFFFE70] =	vst v1;
	v1 =	vmul.f32 v45, v31  }
0x13a: {  	[tilespmem:s11+$0xFFFFFE80] =	vst v3;
	v3 =	vld [tilespmem:s11+$0xFFFFFEF0];
	v2 =	vmul.f32 v2, v31  }
0x13b: {  	v51 =	vld [tilespmem:s11+$0xFFFFFF00];
	[tilespmem:s11+$0xFFFFFE90] =	vst v1;
	v1 =	vmul.f32 v47, v31  }
0x13c: {  	v52 =	vld [tilespmem:s11+$0xFFFFFF10];
	[tilespmem:s11+$0xFFFFFEA0] =	vst v2;
	v2 =	vmul.f32 v48, v31  }
0x13d: {  	v53 =	vld [tilespmem:s11+$0xFFFFFF20];
	[tilespmem:s11+$0xFFFFFEB0] =	vst v1;
	v1 =	vmul.f32 v49, v31  }
0x13e: {  	v54 =	vld [tilespmem:s11+$0xFFFFFF30];
	[tilespmem:s11+$0xFFFFFEC0] =	vst v2;
	v2 =	vmul.f32 v50, v31  }
0x13f: {  	[tilespmem:s11+$0xFFFFFED0] =	vst v1;
	v1 =	vmul.f32 v3, v31;
	v3 =	vld [tilespmem:s11+$0xFFFFFF40]  }
0x140: {  	v55 =	vld [tilespmem:s11+$0xFFFFFF50];
	[tilespmem:s11+$0xFFFFFEE0] =	vst v2;
	v2 =	vmul.f32 v51, v31  }
0x141: {  	v56 =	vld [tilespmem:s11+$0xFFFFFF60];
	[tilespmem:s11+$0xFFFFFEF0] =	vst v1;
	v1 =	vmul.f32 v52, v32  }
0x142: {  	v57 =	vld [tilespmem:s11+$0xFFFFFF70];
	[tilespmem:s11+$0xFFFFFF00] =	vst v2;
	v2 =	vmul.f32 v53, v32  }
0x143: {  	v58 =	vld [tilespmem:s11+$0xFFFFFF90];
	[tilespmem:s11+$0xFFFFFF10] =	vst v1;
	v1 =	vmul.f32 v54, v32  }
0x144: {  	[tilespmem:s11+$0xFFFFFF20] =	vst v2;
	v2 =	vmul.f32 v3, v32;
	v3 =	vld [tilespmem:s11+$0xFFFFFFA0]  }
0x145: {  	v59 =	vld [tilespmem:s11+$0xFFFFFFB0];
	[tilespmem:s11+$0xFFFFFF30] =	vst v1;
	v1 =	vmul.f32 v55, v32  }
0x146: {  	v60 =	vld [tilespmem:s11+$0xFFFFFFC0];
	[tilespmem:s11+$0xFFFFFF40] =	vst v2;
	v2 =	vmul.f32 v56, v32  }
0x147: {  	v61 =	vld [tilespmem:s11+$0xFFFFFFD0];
	[tilespmem:s11+$0xFFFFFF50] =	vst v1;
	v1 =	vmul.f32 v57, v32  }
0x148: {  	v62 =	vld [tilespmem:s11+$0xFFFFFFE0];
	[tilespmem:s11+$0xFFFFFF60] =	vst v2;
	v2 =	vmul.f32 v58, v5  }
0x149: {  	[tilespmem:s11+$0xFFFFFF70] =	vst v1;
	v1 =	vmul.f32 v3, v5;
	v3 =	vld [tilespmem:s11+$0xFFFFFFF0]  }
0x14a: {  	v63 =	vld [tilespmem:s11+$0x0];
	[tilespmem:s11+$0xFFFFFF90] =	vst v2;
	v2 =	vmul.f32 v59, v5  }
0x14b: {  	[tilespmem:s11+$0xFFFFFFA0] =	vst v1;
	v1 =	vmul.f32 v60, v5  }
0x14c: {  	s0 =	sadd.s32 $0x1, s0;
	[tilespmem:s11+$0xFFFFFFB0] =	vst v2;
	v2 =	vmul.f32 v61, v5  }
0x14d: {  	p0 =	sne.s32 s0, $0x28;
	[tilespmem:s11+$0xFFFFFFC0] =	vst v1;
	v1 =	vmul.f32 v62, v5  }
.Ltmp3:
0x14e: {  	[tilespmem:s11+$0xFFFFFFD0] =	vst v2;
	v2 =	vmul.f32 v3, v5;
	(pc) =	sbr.rel @p0 .LBB2_4-.Ltmp3, $4  }
0x14f: {  	[tilespmem:s11+$0xFFFFFFE0] =	vst v1;
	v1 =	vmul.f32 v63, v5  }
0x150: {  	[tilespmem:s11+$0xFFFFFFF0] =	vst v2  }
0x151: {  	[tilespmem:s11+$0x0] =	vst v1  }
0x152: {  	[spmem:s3] =	stream.indirect.scatter.add.f32 [tilespmem:s24], [sflag:$0x4], $0x80, s26, s20, $0xb8;
	[tilespmem:$0x1E600] =	vst v63  }
0x153: {  	_ =	swait.ge [sflag:s30], $0x4000;
	s0 =	stileid.u32  }
0x154: {  	s2 =	sshrl.u32 s9, $0x3;
	s31 =	sadd.s32 $0x1, s31;
	[sflag:s30] =	ssyncset.done $0x0  }
0x155: {  	s0 =	sshll.u32 s0, $0x6;
	p0 =	sne.s32 s31, s17;
	[sflag:s30] =	ssyncadd.s32 $0xFFFFC000  }
.Ltmp4:
0x156: {  	s0 =	sor.u32 $0x1C05, s0;
	[bflag:$0x0] =	sbarrier.arrive $0xFFFF;
	(pc) =	sbr.rel @p0 .LBB2_1-.Ltmp4, $4  }
0x157: {  	[hbm:s16], [sflag:s0] =	dma.local [spmem:s2], $0x2780  }
0x158: {  	_ =	swait.ge [sflag:s19], $0x2780  }
0x159: {  	[sflag:s19] =	ssyncset.done $0x0  }
0x15a: {  	s8 =	simm.s32 $0x8000;
	[sflag:s19] =	ssyncadd.s32 $0xFFFFD880  }
0x15b: {  	_ =	sfence.sel $0x180000  }
0x15c: {  	[bflag:$0x0] =	sbarrier.arrive $0xFFFF  }
0x15d: {  	_ =	strace $0x90000050  }
0x15e: {  	s0 =	stileid.u32;
	[bflag:$0x2] =	sbarrier.arrive $0xFFFF  }
0x15f: {  	p0 =	sne.s32 s0, $0x0;
	s0 =	rddreg [dreg:$0x3]  }
0x160: {  	s0 =	sadd.s32 @!p0 $0x100000, s0  }
0x161: {  	[sflag:s0] =	ssyncadd.tile.s32 @!p0 $0x1;
	_ =	shalt  }
.Lfunc_end2:
_tile_overlayer_lowered:
.L_overlay_start_2:
0x162: {  	(tag) =	ssettag $0x2  }
0x163: {  	s0 =	rddreg [dreg:$0x0];
	s2 =	stileid.u32  }
0x164: {  	s1 =	rddreg [dreg:$0x1];
	p0 =	sne.s32 s2, $0x0  }
0x165: {  	s3 =	rddreg [dreg:$0x2];
	[bflag:$0x3] =	sbarrier.arrive $0xFFFF;
	s2 =	simm.s32 @!p0 $0x1C05  }
0x166: {  	[timem:s3], [sflag:s2] =	dma.local @!p0 [hbm:s0], s1  }
0x167: {  	s0 =	simm.s32 @!p0 $0x5  }
0x168: {  	_ =	swait.ge @!p0 [sflag:s0], s1  }
0x169: {  	s1 =	ssub.s32 @!p0 $0x0, s1;
	[sflag:s0] =	ssyncset.done @!p0 $0x0  }
0x16a: {  	[sflag:s0] =	ssyncadd.s32 @!p0 s1  }
0x16b: {  	[bflag:$0x3] =	sbarrier.arrive $0xFFFF  }
0x16c: {  	_ =	shalt  }

</sc_bundles>
